<compile_context>
chip_gen: v7x
topology: tpu7x:2x2x1
jax: 0.10.2.dev20260603
libtpu: 0.0.44.dev20260713+nightly
codegen_flags: <defaults>
</compile_context>

<pallas_src>
import functools

import jax
import jax.numpy as jnp
from jax import lax
from jax.experimental import pallas as pl
from jax.experimental.pallas import tpu as pltpu
from jax.experimental.pallas import tpu_sc as plsc

L = 16


def _sc_body(seq, n_chunk, rows, embed, batch,
             tokens_hbm, pos_hbm, table_hbm, out_hbm,
             idx_all, pos0, pos1, rb0, rb1, rb2, rb3,
             sem_p0, sem_p1,
             sem_g0, sem_g1, sem_g2, sem_g3,
             sem_w0, sem_w1, sem_w2, sem_w3):
    nc = 2
    wid = lax.axis_index("s") * nc + lax.axis_index("c")
    spw = n_chunk * rows
    s_base = wid * spw
    nsteps = n_chunk * batch

    rbufs = (rb0, rb1, rb2, rb3)
    gsems = (sem_g0, sem_g1, sem_g2, sem_g3)
    wsems = (sem_w0, sem_w1, sem_w2, sem_w3)

    for b in range(batch):
        pltpu.sync_copy(tokens_hbm.at[pl.ds(b * seq + s_base, spw)],
                        idx_all.at[pl.ds(b * spw, spw)])

    def _idx_off(k):
        return lax.rem(k, batch) * spw + (k // batch) * rows

    def _out_off(k):
        return lax.rem(k, batch) * seq + s_base + (k // batch) * rows

    def _gather(k, buf, sem):
        pltpu.async_copy(table_hbm.at[idx_all.at[pl.ds(_idx_off(k), rows)]],
                         buf, sem)

    def _gather_wait(k, buf, sem):
        pltpu.make_async_copy(
            table_hbm.at[idx_all.at[pl.ds(_idx_off(k), rows)]], buf, sem
        ).wait()

    def _wb(k, buf, sem):
        pltpu.async_copy(buf, out_hbm.at[pl.ds(_out_off(k), rows)], sem)

    def _wb_wait(k, buf, sem):
        pltpu.make_async_copy(
            buf, out_hbm.at[pl.ds(_out_off(k), rows)], sem
        ).wait()

    def _pos_load(j, pbuf, sem):
        pltpu.async_copy(pos_hbm.at[pl.ds(s_base + j * rows, rows)],
                         pbuf, sem)

    def _pos_wait(j, pbuf, sem):
        pltpu.make_async_copy(
            pos_hbm.at[pl.ds(s_base + j * rows, rows)], pbuf, sem
        ).wait()

    def _add(pbuf, buf):
        for r in range(rows):
            @plsc.parallel_loop(0, embed // L, unroll=8)
            def _add_c(c):
                sl = pl.ds(c * L, L)
                plsc.addupdate(buf.at[r, sl], pbuf[r, sl])

    def _step(k, u, pbuf):
        _gather_wait(k, rbufs[u], gsems[u])
        _add(pbuf, rbufs[u])
        _wb(k, rbufs[u], wsems[u])

        u2 = (u + 2) % 4

        @pl.when(k >= 2)
        def _():
            _wb_wait(k - 2, rbufs[u2], wsems[u2])

        @pl.when(k + 2 < nsteps)
        def _():
            _gather(k + 2, rbufs[u2], gsems[u2])

    _gather(0, rbufs[0], gsems[0])
    _gather(1, rbufs[1], gsems[1])
    _pos_load(0, pos0, sem_p0)
    _pos_load(1, pos1, sem_p1)

    def iter_body(m, carry):
        k = 8 * m
        jA = 2 * m
        jB = 2 * m + 1

        _pos_wait(jA, pos0, sem_p0)
        _step(k + 0, 0, pos0)
        _step(k + 1, 1, pos0)
        _step(k + 2, 2, pos0)
        _step(k + 3, 3, pos0)

        @pl.when(jA + 2 < n_chunk)
        def _():
            _pos_load(jA + 2, pos0, sem_p0)

        _pos_wait(jB, pos1, sem_p1)
        _step(k + 4, 0, pos1)
        _step(k + 5, 1, pos1)
        _step(k + 6, 2, pos1)
        _step(k + 7, 3, pos1)

        @pl.when(jB + 2 < n_chunk)
        def _():
            _pos_load(jB + 2, pos1, sem_p1)

        return carry

    lax.fori_loop(0, nsteps // 8, iter_body, 0)
    _wb_wait(nsteps - 2, rbufs[2], wsems[2])
    _wb_wait(nsteps - 1, rbufs[3], wsems[3])


def kernel(tokens, token_table, position_encoding):
    batch, seq = tokens.shape
    vocab, embed = token_table.shape
    nw = 32
    s_per_w = seq // nw
    rows = 8
    n_chunk = s_per_w // rows

    tok_flat = tokens.reshape(-1).astype(jnp.int32)
    pos = position_encoding[:seq]

    mesh = plsc.VectorSubcoreMesh(core_axis_name="c", subcore_axis_name="s")
    body = functools.partial(_sc_body, seq, n_chunk, rows, embed, batch)
    vbuf = pltpu.VMEM((rows, embed), jnp.float32)
    out = pl.kernel(
        body,
        mesh=mesh,
        out_type=jax.ShapeDtypeStruct((batch * seq, embed), jnp.float32),
        scratch_types=[
            pltpu.VMEM((batch * s_per_w,), jnp.int32),
            vbuf, vbuf, vbuf, vbuf, vbuf, vbuf,
            pltpu.SemaphoreType.DMA,
            pltpu.SemaphoreType.DMA,
            pltpu.SemaphoreType.DMA,
            pltpu.SemaphoreType.DMA,
            pltpu.SemaphoreType.DMA,
            pltpu.SemaphoreType.DMA,
            pltpu.SemaphoreType.DMA,
            pltpu.SemaphoreType.DMA,
            pltpu.SemaphoreType.DMA,
            pltpu.SemaphoreType.DMA,
        ],
    )(tok_flat, pos, token_table)
    return out.reshape(batch, seq, embed)

# --- scband reference (transcript-rebuilt; emitter-appended) ---
"""Pipeline reference for scband-gptembedding-59098749993109 (READ-ONLY COPY).

The authoritative reference and input builder live on the scoring server;
editing this copy changes nothing except your own understanding.
"""

import jax, jax.numpy as jnp
import numpy as np

VOCAB = 100000
EMBED = 2048
N_MAX_POS = 8192
BATCH = 4
SEQ = 4096


def create_sinusoidal_embeddings(n_positions, dimension):
    # PE(pos, i) = sin(pos / 10000^((i//2)*2/dim)) if i even else cos(...)
    exponants = (np.arange(dimension, dtype=np.float32) // 2) * 2.0 / dimension
    positions = np.arange(n_positions, dtype=np.float32)[:, None]
    angles = positions / np.power(10000.0, exponants)
    pe = np.zeros((n_positions, dimension), dtype=np.float32)
    pe[:, 0::2] = np.sin(angles[:, 0::2])
    pe[:, 1::2] = np.cos(angles[:, 1::2])
    return jnp.asarray(pe)


def setup_inputs(seed: int = 0) -> dict:
    key = jax.random.key(seed)
    k_tok, k_tab = jax.random.split(key)
    tokens = jax.random.randint(k_tok, (BATCH, SEQ), 0, VOCAB, dtype=jnp.int64 if jax.config.jax_enable_x64 else jnp.int32)
    token_table = jax.random.normal(k_tab, (VOCAB, EMBED), dtype=jnp.float32) * 0.02
    position_encoding = create_sinusoidal_embeddings(N_MAX_POS, EMBED)
    return {"tokens": tokens, "token_table": token_table, "position_encoding": position_encoding}


def reference(tokens, token_table, position_encoding):
    # token embedding lookup (gather)
    token_embeddings = jnp.take(token_table, tokens, axis=0)  # [B, S, E]
    # positional encoding slice, broadcast over batch
    position_embeddings = position_encoding[: tokens.shape[1], :][None, :, :]
    return token_embeddings + position_embeddings

if __name__ == "__main__":
    import jax
    _d = setup_inputs()
    print(jax.jit(kernel)(*tuple(_d.values())))

</pallas_src>

<mosaic_0001>
#map = affine_map<(d0, d1) -> (0)>
#map1 = affine_map<(d0, d1) -> (0, 0)>
module attributes {stable_mosaic.version = 14 : i64} {
  func.func @_sc_body(%arg0: i32, %arg1: i32, %arg2: memref<16384xi32, #tpu.memory_space<hbm>>, %arg3: memref<4096x2048xf32, #tpu.memory_space<hbm>>, %arg4: memref<100000x2048xf32, #tpu.memory_space<hbm>>, %arg5: memref<16384x2048xf32, #tpu.memory_space<hbm>>, %arg6: memref<512xi32, #tpu.memory_space<vmem>>, %arg7: memref<8x2048xf32, #tpu.memory_space<vmem>>, %arg8: memref<8x2048xf32, #tpu.memory_space<vmem>>, %arg9: memref<8x2048xf32, #tpu.memory_space<vmem>>, %arg10: memref<8x2048xf32, #tpu.memory_space<vmem>>, %arg11: memref<8x2048xf32, #tpu.memory_space<vmem>>, %arg12: memref<8x2048xf32, #tpu.memory_space<vmem>>, %arg13: memref<!tpu.dma_semaphore, #tpu.memory_space<semaphore_mem>>, %arg14: memref<!tpu.dma_semaphore, #tpu.memory_space<semaphore_mem>>, %arg15: memref<!tpu.dma_semaphore, #tpu.memory_space<semaphore_mem>>, %arg16: memref<!tpu.dma_semaphore, #tpu.memory_space<semaphore_mem>>, %arg17: memref<!tpu.dma_semaphore, #tpu.memory_space<semaphore_mem>>, %arg18: memref<!tpu.dma_semaphore, #tpu.memory_space<semaphore_mem>>, %arg19: memref<!tpu.dma_semaphore, #tpu.memory_space<semaphore_mem>>, %arg20: memref<!tpu.dma_semaphore, #tpu.memory_space<semaphore_mem>>, %arg21: memref<!tpu.dma_semaphore, #tpu.memory_space<semaphore_mem>>, %arg22: memref<!tpu.dma_semaphore, #tpu.memory_space<semaphore_mem>>) attributes {dimension_semantics = [#tpu.dimension_semantics<core_parallel>, #tpu.dimension_semantics<subcore_parallel>], iteration_bounds = array<i64: 2, 16>, scalar_prefetch = 0 : i64, scratch_operands = 17 : i64, tpu.core_type = #tpu.core_type<sc_vector_subcore>, window_params = [{transform_indices = #map}, {transform_indices = #map1}, {transform_indices = #map1}, {transform_indices = #map1}]} {
    %mul3A = arith.constant 2 : i32
    %mul3A_0 = arith.muli %arg1, %mul3A : i32
    %add3A = arith.addi %mul3A_0, %arg0 : i32
    %mul3A_1 = arith.constant 128 : i32
    %mul3A_2 = arith.muli %add3A, %mul3A_1 : i32
    %add3A_3 = arith.constant 0 : i32
    %add3A_4 = arith.addi %add3A_3, %mul3A_2 : i32
    "tpu.region"() ({
      %run_scoped3A = tpu.sem_alloc : memref<!tpu.dma_semaphore, #tpu.memory_space<semaphore_mem>>
      %dma_start3A_71 = arith.constant 0 : i32
      %dma_start3A_72 = tpu.memref_slice %arg6[%dma_start3A_71] : memref<512xi32, #tpu.memory_space<vmem>> -> memref<128xi32, #tpu.memory_space<vmem>>
      %dma_start3A_73 = tpu.memref_slice %arg2[%add3A_4] : memref<16384xi32, #tpu.memory_space<hbm>> -> memref<128xi32, #tpu.memory_space<hbm>>
      %dma_start3A_74 = arith.constant 0 : i32
      %dma_start3A_75 = tpu.memref_slice %arg6[%dma_start3A_74] : memref<512xi32, #tpu.memory_space<vmem>> -> memref<128xi32, #tpu.memory_space<vmem>>
      %dma_start3A_76 = tpu.memref_slice %arg2[%add3A_4] : memref<16384xi32, #tpu.memory_space<hbm>> -> memref<128xi32, #tpu.memory_space<hbm>>
      tpu.enqueue_dma source(%dma_start3A_76 : memref<128xi32, #tpu.memory_space<hbm>>) target(%dma_start3A_75 : memref<128xi32, #tpu.memory_space<vmem>>) target_semaphore(%run_scoped3A : memref<!tpu.dma_semaphore, #tpu.memory_space<semaphore_mem>>)
      %dma_wait3A_77 = arith.constant 0 : i32
      %dma_wait3A_78 = tpu.memref_slice %arg6[%dma_wait3A_77] : memref<512xi32, #tpu.memory_space<vmem>> -> memref<128xi32, #tpu.memory_space<vmem>>
      %dma_wait3A_79 = tpu.memref_slice %arg2[%add3A_4] : memref<16384xi32, #tpu.memory_space<hbm>> -> memref<128xi32, #tpu.memory_space<hbm>>
      %dma_wait3A_80 = arith.constant 0 : i32
      %dma_wait3A_81 = tpu.memref_slice %arg6[%dma_wait3A_80] : memref<512xi32, #tpu.memory_space<vmem>> -> memref<128xi32, #tpu.memory_space<vmem>>
      %dma_wait3A_82 = tpu.memref_slice %arg2[%add3A_4] : memref<16384xi32, #tpu.memory_space<hbm>> -> memref<128xi32, #tpu.memory_space<hbm>>
      tpu.wait_dma2 semaphore(%run_scoped3A : memref<!tpu.dma_semaphore, #tpu.memory_space<semaphore_mem>>) src(%dma_wait3A_82 : memref<128xi32, #tpu.memory_space<hbm>>) dst(%dma_wait3A_81 : memref<128xi32, #tpu.memory_space<vmem>>)
      tpu.yield
    }) : () -> ()
    %add3A_5 = arith.constant 4096 : i32
    %add3A_6 = arith.addi %add3A_5, %mul3A_2 : i32
    "tpu.region"() ({
      %run_scoped3A = tpu.sem_alloc : memref<!tpu.dma_semaphore, #tpu.memory_space<semaphore_mem>>
      %dma_start3A_71 = arith.constant 128 : i32
      %dma_start3A_72 = tpu.memref_slice %arg6[%dma_start3A_71] : memref<512xi32, #tpu.memory_space<vmem>> -> memref<128xi32, #tpu.memory_space<vmem>>
      %dma_start3A_73 = tpu.memref_slice %arg2[%add3A_6] : memref<16384xi32, #tpu.memory_space<hbm>> -> memref<128xi32, #tpu.memory_space<hbm>>
      %dma_start3A_74 = arith.constant 128 : i32
      %dma_start3A_75 = tpu.memref_slice %arg6[%dma_start3A_74] : memref<512xi32, #tpu.memory_space<vmem>> -> memref<128xi32, #tpu.memory_space<vmem>>
      %dma_start3A_76 = tpu.memref_slice %arg2[%add3A_6] : memref<16384xi32, #tpu.memory_space<hbm>> -> memref<128xi32, #tpu.memory_space<hbm>>
      tpu.enqueue_dma source(%dma_start3A_76 : memref<128xi32, #tpu.memory_space<hbm>>) target(%dma_start3A_75 : memref<128xi32, #tpu.memory_space<vmem>>) target_semaphore(%run_scoped3A : memref<!tpu.dma_semaphore, #tpu.memory_space<semaphore_mem>>)
      %dma_wait3A_77 = arith.constant 128 : i32
      %dma_wait3A_78 = tpu.memref_slice %arg6[%dma_wait3A_77] : memref<512xi32, #tpu.memory_space<vmem>> -> memref<128xi32, #tpu.memory_space<vmem>>
      %dma_wait3A_79 = tpu.memref_slice %arg2[%add3A_6] : memref<16384xi32, #tpu.memory_space<hbm>> -> memref<128xi32, #tpu.memory_space<hbm>>
      %dma_wait3A_80 = arith.constant 128 : i32
      %dma_wait3A_81 = tpu.memref_slice %arg6[%dma_wait3A_80] : memref<512xi32, #tpu.memory_space<vmem>> -> memref<128xi32, #tpu.memory_space<vmem>>
      %dma_wait3A_82 = tpu.memref_slice %arg2[%add3A_6] : memref<16384xi32, #tpu.memory_space<hbm>> -> memref<128xi32, #tpu.memory_space<hbm>>
      tpu.wait_dma2 semaphore(%run_scoped3A : memref<!tpu.dma_semaphore, #tpu.memory_space<semaphore_mem>>) src(%dma_wait3A_82 : memref<128xi32, #tpu.memory_space<hbm>>) dst(%dma_wait3A_81 : memref<128xi32, #tpu.memory_space<vmem>>)
      tpu.yield
    }) : () -> ()
    %add3A_7 = arith.constant 8192 : i32
    %add3A_8 = arith.addi %add3A_7, %mul3A_2 : i32
    "tpu.region"() ({
      %run_scoped3A = tpu.sem_alloc : memref<!tpu.dma_semaphore, #tpu.memory_space<semaphore_mem>>
      %dma_start3A_71 = arith.constant 256 : i32
      %dma_start3A_72 = tpu.memref_slice %arg6[%dma_start3A_71] : memref<512xi32, #tpu.memory_space<vmem>> -> memref<128xi32, #tpu.memory_space<vmem>>
      %dma_start3A_73 = tpu.memref_slice %arg2[%add3A_8] : memref<16384xi32, #tpu.memory_space<hbm>> -> memref<128xi32, #tpu.memory_space<hbm>>
      %dma_start3A_74 = arith.constant 256 : i32
      %dma_start3A_75 = tpu.memref_slice %arg6[%dma_start3A_74] : memref<512xi32, #tpu.memory_space<vmem>> -> memref<128xi32, #tpu.memory_space<vmem>>
      %dma_start3A_76 = tpu.memref_slice %arg2[%add3A_8] : memref<16384xi32, #tpu.memory_space<hbm>> -> memref<128xi32, #tpu.memory_space<hbm>>
      tpu.enqueue_dma source(%dma_start3A_76 : memref<128xi32, #tpu.memory_space<hbm>>) target(%dma_start3A_75 : memref<128xi32, #tpu.memory_space<vmem>>) target_semaphore(%run_scoped3A : memref<!tpu.dma_semaphore, #tpu.memory_space<semaphore_mem>>)
      %dma_wait3A_77 = arith.constant 256 : i32
      %dma_wait3A_78 = tpu.memref_slice %arg6[%dma_wait3A_77] : memref<512xi32, #tpu.memory_space<vmem>> -> memref<128xi32, #tpu.memory_space<vmem>>
      %dma_wait3A_79 = tpu.memref_slice %arg2[%add3A_8] : memref<16384xi32, #tpu.memory_space<hbm>> -> memref<128xi32, #tpu.memory_space<hbm>>
      %dma_wait3A_80 = arith.constant 256 : i32
      %dma_wait3A_81 = tpu.memref_slice %arg6[%dma_wait3A_80] : memref<512xi32, #tpu.memory_space<vmem>> -> memref<128xi32, #tpu.memory_space<vmem>>
      %dma_wait3A_82 = tpu.memref_slice %arg2[%add3A_8] : memref<16384xi32, #tpu.memory_space<hbm>> -> memref<128xi32, #tpu.memory_space<hbm>>
      tpu.wait_dma2 semaphore(%run_scoped3A : memref<!tpu.dma_semaphore, #tpu.memory_space<semaphore_mem>>) src(%dma_wait3A_82 : memref<128xi32, #tpu.memory_space<hbm>>) dst(%dma_wait3A_81 : memref<128xi32, #tpu.memory_space<vmem>>)
      tpu.yield
    }) : () -> ()
    %add3A_9 = arith.constant 12288 : i32
    %add3A_10 = arith.addi %add3A_9, %mul3A_2 : i32
    "tpu.region"() ({
      %run_scoped3A = tpu.sem_alloc : memref<!tpu.dma_semaphore, #tpu.memory_space<semaphore_mem>>
      %dma_start3A_71 = arith.constant 384 : i32
      %dma_start3A_72 = tpu.memref_slice %arg6[%dma_start3A_71] : memref<512xi32, #tpu.memory_space<vmem>> -> memref<128xi32, #tpu.memory_space<vmem>>
      %dma_start3A_73 = tpu.memref_slice %arg2[%add3A_10] : memref<16384xi32, #tpu.memory_space<hbm>> -> memref<128xi32, #tpu.memory_space<hbm>>
      %dma_start3A_74 = arith.constant 384 : i32
      %dma_start3A_75 = tpu.memref_slice %arg6[%dma_start3A_74] : memref<512xi32, #tpu.memory_space<vmem>> -> memref<128xi32, #tpu.memory_space<vmem>>
      %dma_start3A_76 = tpu.memref_slice %arg2[%add3A_10] : memref<16384xi32, #tpu.memory_space<hbm>> -> memref<128xi32, #tpu.memory_space<hbm>>
      tpu.enqueue_dma source(%dma_start3A_76 : memref<128xi32, #tpu.memory_space<hbm>>) target(%dma_start3A_75 : memref<128xi32, #tpu.memory_space<vmem>>) target_semaphore(%run_scoped3A : memref<!tpu.dma_semaphore, #tpu.memory_space<semaphore_mem>>)
      %dma_wait3A_77 = arith.constant 384 : i32
      %dma_wait3A_78 = tpu.memref_slice %arg6[%dma_wait3A_77] : memref<512xi32, #tpu.memory_space<vmem>> -> memref<128xi32, #tpu.memory_space<vmem>>
      %dma_wait3A_79 = tpu.memref_slice %arg2[%add3A_10] : memref<16384xi32, #tpu.memory_space<hbm>> -> memref<128xi32, #tpu.memory_space<hbm>>
      %dma_wait3A_80 = arith.constant 384 : i32
      %dma_wait3A_81 = tpu.memref_slice %arg6[%dma_wait3A_80] : memref<512xi32, #tpu.memory_space<vmem>> -> memref<128xi32, #tpu.memory_space<vmem>>
      %dma_wait3A_82 = tpu.memref_slice %arg2[%add3A_10] : memref<16384xi32, #tpu.memory_space<hbm>> -> memref<128xi32, #tpu.memory_space<hbm>>
      tpu.wait_dma2 semaphore(%run_scoped3A : memref<!tpu.dma_semaphore, #tpu.memory_space<semaphore_mem>>) src(%dma_wait3A_82 : memref<128xi32, #tpu.memory_space<hbm>>) dst(%dma_wait3A_81 : memref<128xi32, #tpu.memory_space<vmem>>)
      tpu.yield
    }) : () -> ()
    %rem3A = arith.constant 0 : i32
    %rem3A_11 = arith.constant 4 : i32
    %rem3A_12 = arith.remsi %rem3A, %rem3A_11 : i32
    %mul3A_13 = arith.constant 128 : i32
    %mul3A_14 = arith.muli %rem3A_12, %mul3A_13 : i32
    %add3A_15 = arith.constant 0 : i32
    %add3A_16 = arith.addi %mul3A_14, %add3A_15 : i32
    %dma_start3A = tpu.memref_slice %arg6[%add3A_16] : memref<512xi32, #tpu.memory_space<vmem>> -> memref<8xi32, #tpu.memory_space<vmem>>
    %dma_start3A_17 = arith.constant 0 : i32
    %dma_start3A_18 = arith.constant 0 : i32
    %dma_start3A_19 = tpu.memref_slice %arg4[%dma_start3A_17, %dma_start3A_18] : memref<100000x2048xf32, #tpu.memory_space<hbm>> -> memref<100000x2048xf32, #tpu.memory_space<hbm>>
    tpu.enqueue_indirect_dma source(%dma_start3A_19 : memref<100000x2048xf32, #tpu.memory_space<hbm>>) target(%arg9 : memref<8x2048xf32, #tpu.memory_space<vmem>>) offsets(%dma_start3A : memref<8xi32, #tpu.memory_space<vmem>>) semaphore(%arg15 : memref<!tpu.dma_semaphore, #tpu.memory_space<semaphore_mem>>)
    %rem3A_20 = arith.constant 1 : i32
    %rem3A_21 = arith.constant 4 : i32
    %rem3A_22 = arith.remsi %rem3A_20, %rem3A_21 : i32
    %mul3A_23 = arith.constant 128 : i32
    %mul3A_24 = arith.muli %rem3A_22, %mul3A_23 : i32
    %add3A_25 = arith.constant 0 : i32
    %add3A_26 = arith.addi %mul3A_24, %add3A_25 : i32
    %dma_start3A_27 = tpu.memref_slice %arg6[%add3A_26] : memref<512xi32, #tpu.memory_space<vmem>> -> memref<8xi32, #tpu.memory_space<vmem>>
    %dma_start3A_28 = arith.constant 0 : i32
    %dma_start3A_29 = arith.constant 0 : i32
    %dma_start3A_30 = tpu.memref_slice %arg4[%dma_start3A_28, %dma_start3A_29] : memref<100000x2048xf32, #tpu.memory_space<hbm>> -> memref<100000x2048xf32, #tpu.memory_space<hbm>>
    tpu.enqueue_indirect_dma source(%dma_start3A_30 : memref<100000x2048xf32, #tpu.memory_space<hbm>>) target(%arg10 : memref<8x2048xf32, #tpu.memory_space<vmem>>) offsets(%dma_start3A_27 : memref<8xi32, #tpu.memory_space<vmem>>) semaphore(%arg16 : memref<!tpu.dma_semaphore, #tpu.memory_space<semaphore_mem>>)
    %add3A_31 = arith.constant 0 : i32
    %add3A_32 = arith.addi %mul3A_2, %add3A_31 : i32
    %dma_start3A_33 = arith.constant 0 : i32
    %dma_start3A_34 = tpu.memref_slice %arg3[%add3A_32, %dma_start3A_33] : memref<4096x2048xf32, #tpu.memory_space<hbm>> -> memref<8x2048xf32, #tpu.memory_space<hbm>>
    %dma_start3A_35 = arith.constant 0 : i32
    %dma_start3A_36 = tpu.memref_slice %arg3[%add3A_32, %dma_start3A_35] : memref<4096x2048xf32, #tpu.memory_space<hbm>> -> memref<8x2048xf32, #tpu.memory_space<hbm>>
    tpu.enqueue_dma source(%dma_start3A_36 : memref<8x2048xf32, #tpu.memory_space<hbm>>) target(%arg7 : memref<8x2048xf32, #tpu.memory_space<vmem>>) target_semaphore(%arg13 : memref<!tpu.dma_semaphore, #tpu.memory_space<semaphore_mem>>)
    %add3A_37 = arith.constant 8 : i32
    %add3A_38 = arith.addi %mul3A_2, %add3A_37 : i32
    %dma_start3A_39 = arith.constant 0 : i32
    %dma_start3A_40 = tpu.memref_slice %arg3[%add3A_38, %dma_start3A_39] : memref<4096x2048xf32, #tpu.memory_space<hbm>> -> memref<8x2048xf32, #tpu.memory_space<hbm>>
    %dma_start3A_41 = arith.constant 0 : i32
    %dma_start3A_42 = tpu.memref_slice %arg3[%add3A_38, %dma_start3A_41] : memref<4096x2048xf32, #tpu.memory_space<hbm>> -> memref<8x2048xf32, #tpu.memory_space<hbm>>
    tpu.enqueue_dma source(%dma_start3A_42 : memref<8x2048xf32, #tpu.memory_space<hbm>>) target(%arg8 : memref<8x2048xf32, #tpu.memory_space<vmem>>) target_semaphore(%arg14 : memref<!tpu.dma_semaphore, #tpu.memory_space<semaphore_mem>>)
    %scan3A = arith.constant 0 : i32
    %scan3A_43 = arith.constant 0 : i32
    %scan3A_44 = arith.constant 8 : i32
    %scan3A_45 = arith.addi %scan3A_43, %scan3A_44 : i32
    %scan3A_46 = arith.constant 1 : i32
    scf.for %scan3A_71 = %scan3A_43 to %scan3A_45 step %scan3A_46  : i32 {
      %mul3A_72 = arith.constant 8 : i32
      %mul3A_73 = arith.muli %mul3A_72, %scan3A_71 : i32
      %mul3A_74 = arith.constant 2 : i32
      %mul3A_75 = arith.muli %mul3A_74, %scan3A_71 : i32
      %mul3A_76 = arith.constant 2 : i32
      %mul3A_77 = arith.muli %mul3A_76, %scan3A_71 : i32
      %add3A_78 = arith.constant 1 : i32
      %add3A_79 = arith.addi %mul3A_77, %add3A_78 : i32
      %mul3A_80 = arith.constant 8 : i32
      %mul3A_81 = arith.muli %mul3A_75, %mul3A_80 : i32
      %add3A_82 = arith.addi %mul3A_2, %mul3A_81 : i32
      %dma_wait3A_83 = arith.constant 0 : i32
      %dma_wait3A_84 = tpu.memref_slice %arg3[%add3A_82, %dma_wait3A_83] : memref<4096x2048xf32, #tpu.memory_space<hbm>> -> memref<8x2048xf32, #tpu.memory_space<hbm>>
      %dma_wait3A_85 = arith.constant 0 : i32
      %dma_wait3A_86 = tpu.memref_slice %arg3[%add3A_82, %dma_wait3A_85] : memref<4096x2048xf32, #tpu.memory_space<hbm>> -> memref<8x2048xf32, #tpu.memory_space<hbm>>
      tpu.wait_dma2 semaphore(%arg13 : memref<!tpu.dma_semaphore, #tpu.memory_space<semaphore_mem>>) src(%dma_wait3A_86 : memref<8x2048xf32, #tpu.memory_space<hbm>>) dst(%arg7 : memref<8x2048xf32, #tpu.memory_space<vmem>>)
      %add3A_87 = arith.constant 0 : i32
      %add3A_88 = arith.addi %mul3A_73, %add3A_87 : i32
      %rem3A_89 = arith.constant 4 : i32
      %rem3A_90 = arith.remsi %add3A_88, %rem3A_89 : i32
      %mul3A_91 = arith.constant 128 : i32
      %mul3A_92 = arith.muli %rem3A_90, %mul3A_91 : i32
      %jit3A = arith.constant 4 : i32
      %div3A = arith.divsi %add3A_88, %jit3A : i32
      %sign3A = arith.constant 0 : i32
      %sign3A_93 = arith.cmpi sgt, %add3A_88, %sign3A : i32
      %sign3A_94 = arith.extui %sign3A_93 : i1 to i32
      %sign3A_95 = arith.constant 0 : i32
      %sign3A_96 = arith.cmpi slt, %add3A_88, %sign3A_95 : i32
      %sign3A_97 = arith.extui %sign3A_96 : i1 to i32
      %sign3A_98 = arith.subi %sign3A_94, %sign3A_97 : i32
      %sign3A_99 = arith.constant 0 : i32
      %sign3A_100 = arith.cmpi sgt, %jit3A, %sign3A_99 : i32
      %sign3A_101 = arith.extui %sign3A_100 : i1 to i32
      %sign3A_102 = arith.constant 0 : i32
      %sign3A_103 = arith.cmpi slt, %jit3A, %sign3A_102 : i32
      %sign3A_104 = arith.extui %sign3A_103 : i1 to i32
      %sign3A_105 = arith.subi %sign3A_101, %sign3A_104 : i32
      %ne3A = arith.cmpi ne, %sign3A_98, %sign3A_105 : i32
      %rem3A_106 = arith.remsi %add3A_88, %jit3A : i32
      %ne3A_107 = arith.constant 0 : i32
      %ne3A_108 = arith.cmpi ne, %rem3A_106, %ne3A_107 : i32
      %and3A = arith.andi %ne3A, %ne3A_108 : i1
      %sub3A = arith.constant 1 : i32
      %sub3A_109 = arith.subi %div3A, %sub3A : i32
      %select_n3A = arith.select %and3A, %sub3A_109, %div3A : i32
      %mul3A_110 = arith.constant 8 : i32
      %mul3A_111 = arith.muli %select_n3A, %mul3A_110 : i32
      %add3A_112 = arith.addi %mul3A_92, %mul3A_111 : i32
      %dma_wait3A_113 = tpu.memref_slice %arg6[%add3A_112] : memref<512xi32, #tpu.memory_space<vmem>> -> memref<8xi32, #tpu.memory_space<vmem>>
      %dma_wait3A_114 = arith.constant 0 : i32
      %dma_wait3A_115 = arith.constant 0 : i32
      %dma_wait3A_116 = tpu.memref_slice %arg4[%dma_wait3A_114, %dma_wait3A_115] : memref<100000x2048xf32, #tpu.memory_space<hbm>> -> memref<100000x2048xf32, #tpu.memory_space<hbm>>
      tpu.wait_indirect_dma semaphore(%arg15 : memref<!tpu.dma_semaphore, #tpu.memory_space<semaphore_mem>>) src(%dma_wait3A_116 : memref<100000x2048xf32, #tpu.memory_space<hbm>>) dst(%arg9 : memref<8x2048xf32, #tpu.memory_space<vmem>>)
      %parallel_loop3A = arith.constant 0 : i32
      %parallel_loop3A_117 = arith.constant 128 : i32
      %parallel_loop3A_118 = arith.constant 1 : i32
      scf.for %parallel_loop3A_968 = %parallel_loop3A to %parallel_loop3A_117 step %parallel_loop3A_118  : i32 {
        %parallel_loop3A_969 = arith.constant 16 : i32
        %parallel_loop3A_970 = arith.muli %parallel_loop3A_968, %parallel_loop3A_969 : i32
        %parallel_loop3A_971 = arith.constant 0 : i32
        %parallel_loop3A_972 = arith.index_cast %parallel_loop3A_971 : i32 to index
        %parallel_loop3A_973 = arith.index_cast %parallel_loop3A_970 : i32 to index
        %parallel_loop3A_974 = tpu.vector_load %arg7[%parallel_loop3A_972, %parallel_loop3A_973] {strides = array<i32>} : memref<8x2048xf32, #tpu.memory_space<vmem>>, vector<1x16xf32>,
        %parallel_loop3A_975 = vector.shape_cast %parallel_loop3A_974 : vector<1x16xf32> to vector<16xf32>
        %parallel_loop3A_976 = arith.constant 0 : i32
        %parallel_loop3A_977 = arith.index_cast %parallel_loop3A_976 : i32 to index
        %parallel_loop3A_978 = arith.index_cast %parallel_loop3A_970 : i32 to index
        %parallel_loop3A_979 = tpu.vector_load %arg9[%parallel_loop3A_977, %parallel_loop3A_978] {strides = array<i32>} : memref<8x2048xf32, #tpu.memory_space<vmem>>, vector<1x16xf32>,
        %parallel_loop3A_980 = vector.shape_cast %parallel_loop3A_979 : vector<1x16xf32> to vector<16xf32>
        %parallel_loop3A_981 = vector.shape_cast %parallel_loop3A_975 : vector<16xf32> to vector<1x16xf32>
        tpu.vector_store %arg9[%parallel_loop3A_977, %parallel_loop3A_978], %parallel_loop3A_981 {add = true, strides = array<i32>} : memref<8x2048xf32, #tpu.memory_space<vmem>>, vector<1x16xf32>,
      } {sc.loop_unroll_factor = 8 : i64, sc.parallel_access}
      %parallel_loop3A_119 = arith.constant 0 : i32
      %parallel_loop3A_120 = arith.constant 128 : i32
      %parallel_loop3A_121 = arith.constant 1 : i32
      scf.for %parallel_loop3A_968 = %parallel_loop3A_119 to %parallel_loop3A_120 step %parallel_loop3A_121  : i32 {
        %parallel_loop3A_969 = arith.constant 16 : i32
        %parallel_loop3A_970 = arith.muli %parallel_loop3A_968, %parallel_loop3A_969 : i32
        %parallel_loop3A_971 = arith.constant 1 : i32
        %parallel_loop3A_972 = arith.index_cast %parallel_loop3A_971 : i32 to index
        %parallel_loop3A_973 = arith.index_cast %parallel_loop3A_970 : i32 to index
        %parallel_loop3A_974 = tpu.vector_load %arg7[%parallel_loop3A_972, %parallel_loop3A_973] {strides = array<i32>} : memref<8x2048xf32, #tpu.memory_space<vmem>>, vector<1x16xf32>,
        %parallel_loop3A_975 = vector.shape_cast %parallel_loop3A_974 : vector<1x16xf32> to vector<16xf32>
        %parallel_loop3A_976 = arith.constant 1 : i32
        %parallel_loop3A_977 = arith.index_cast %parallel_loop3A_976 : i32 to index
        %parallel_loop3A_978 = arith.index_cast %parallel_loop3A_970 : i32 to index
        %parallel_loop3A_979 = tpu.vector_load %arg9[%parallel_loop3A_977, %parallel_loop3A_978] {strides = array<i32>} : memref<8x2048xf32, #tpu.memory_space<vmem>>, vector<1x16xf32>,
        %parallel_loop3A_980 = vector.shape_cast %parallel_loop3A_979 : vector<1x16xf32> to vector<16xf32>
        %parallel_loop3A_981 = vector.shape_cast %parallel_loop3A_975 : vector<16xf32> to vector<1x16xf32>
        tpu.vector_store %arg9[%parallel_loop3A_977, %parallel_loop3A_978], %parallel_loop3A_981 {add = true, strides = array<i32>} : memref<8x2048xf32, #tpu.memory_space<vmem>>, vector<1x16xf32>,
      } {sc.loop_unroll_factor = 8 : i64, sc.parallel_access}
      %parallel_loop3A_122 = arith.constant 0 : i32
      %parallel_loop3A_123 = arith.constant 128 : i32
      %parallel_loop3A_124 = arith.constant 1 : i32
      scf.for %parallel_loop3A_968 = %parallel_loop3A_122 to %parallel_loop3A_123 step %parallel_loop3A_124  : i32 {
        %parallel_loop3A_969 = arith.constant 16 : i32
        %parallel_loop3A_970 = arith.muli %parallel_loop3A_968, %parallel_loop3A_969 : i32
        %parallel_loop3A_971 = arith.constant 2 : i32
        %parallel_loop3A_972 = arith.index_cast %parallel_loop3A_971 : i32 to index
        %parallel_loop3A_973 = arith.index_cast %parallel_loop3A_970 : i32 to index
        %parallel_loop3A_974 = tpu.vector_load %arg7[%parallel_loop3A_972, %parallel_loop3A_973] {strides = array<i32>} : memref<8x2048xf32, #tpu.memory_space<vmem>>, vector<1x16xf32>,
        %parallel_loop3A_975 = vector.shape_cast %parallel_loop3A_974 : vector<1x16xf32> to vector<16xf32>
        %parallel_loop3A_976 = arith.constant 2 : i32
        %parallel_loop3A_977 = arith.index_cast %parallel_loop3A_976 : i32 to index
        %parallel_loop3A_978 = arith.index_cast %parallel_loop3A_970 : i32 to index
        %parallel_loop3A_979 = tpu.vector_load %arg9[%parallel_loop3A_977, %parallel_loop3A_978] {strides = array<i32>} : memref<8x2048xf32, #tpu.memory_space<vmem>>, vector<1x16xf32>,
        %parallel_loop3A_980 = vector.shape_cast %parallel_loop3A_979 : vector<1x16xf32> to vector<16xf32>
        %parallel_loop3A_981 = vector.shape_cast %parallel_loop3A_975 : vector<16xf32> to vector<1x16xf32>
        tpu.vector_store %arg9[%parallel_loop3A_977, %parallel_loop3A_978], %parallel_loop3A_981 {add = true, strides = array<i32>} : memref<8x2048xf32, #tpu.memory_space<vmem>>, vector<1x16xf32>,
      } {sc.loop_unroll_factor = 8 : i64, sc.parallel_access}
      %parallel_loop3A_125 = arith.constant 0 : i32
      %parallel_loop3A_126 = arith.constant 128 : i32
      %parallel_loop3A_127 = arith.constant 1 : i32
      scf.for %parallel_loop3A_968 = %parallel_loop3A_125 to %parallel_loop3A_126 step %parallel_loop3A_127  : i32 {
        %parallel_loop3A_969 = arith.constant 16 : i32
        %parallel_loop3A_970 = arith.muli %parallel_loop3A_968, %parallel_loop3A_969 : i32
        %parallel_loop3A_971 = arith.constant 3 : i32
        %parallel_loop3A_972 = arith.index_cast %parallel_loop3A_971 : i32 to index
        %parallel_loop3A_973 = arith.index_cast %parallel_loop3A_970 : i32 to index
        %parallel_loop3A_974 = tpu.vector_load %arg7[%parallel_loop3A_972, %parallel_loop3A_973] {strides = array<i32>} : memref<8x2048xf32, #tpu.memory_space<vmem>>, vector<1x16xf32>,
        %parallel_loop3A_975 = vector.shape_cast %parallel_loop3A_974 : vector<1x16xf32> to vector<16xf32>
        %parallel_loop3A_976 = arith.constant 3 : i32
        %parallel_loop3A_977 = arith.index_cast %parallel_loop3A_976 : i32 to index
        %parallel_loop3A_978 = arith.index_cast %parallel_loop3A_970 : i32 to index
        %parallel_loop3A_979 = tpu.vector_load %arg9[%parallel_loop3A_977, %parallel_loop3A_978] {strides = array<i32>} : memref<8x2048xf32, #tpu.memory_space<vmem>>, vector<1x16xf32>,
        %parallel_loop3A_980 = vector.shape_cast %parallel_loop3A_979 : vector<1x16xf32> to vector<16xf32>
        %parallel_loop3A_981 = vector.shape_cast %parallel_loop3A_975 : vector<16xf32> to vector<1x16xf32>
        tpu.vector_store %arg9[%parallel_loop3A_977, %parallel_loop3A_978], %parallel_loop3A_981 {add = true, strides = array<i32>} : memref<8x2048xf32, #tpu.memory_space<vmem>>, vector<1x16xf32>,
      } {sc.loop_unroll_factor = 8 : i64, sc.parallel_access}
      %parallel_loop3A_128 = arith.constant 0 : i32
      %parallel_loop3A_129 = arith.constant 128 : i32
      %parallel_loop3A_130 = arith.constant 1 : i32
      scf.for %parallel_loop3A_968 = %parallel_loop3A_128 to %parallel_loop3A_129 step %parallel_loop3A_130  : i32 {
        %parallel_loop3A_969 = arith.constant 16 : i32
        %parallel_loop3A_970 = arith.muli %parallel_loop3A_968, %parallel_loop3A_969 : i32
        %parallel_loop3A_971 = arith.constant 4 : i32
        %parallel_loop3A_972 = arith.index_cast %parallel_loop3A_971 : i32 to index
        %parallel_loop3A_973 = arith.index_cast %parallel_loop3A_970 : i32 to index
        %parallel_loop3A_974 = tpu.vector_load %arg7[%parallel_loop3A_972, %parallel_loop3A_973] {strides = array<i32>} : memref<8x2048xf32, #tpu.memory_space<vmem>>, vector<1x16xf32>,
        %parallel_loop3A_975 = vector.shape_cast %parallel_loop3A_974 : vector<1x16xf32> to vector<16xf32>
        %parallel_loop3A_976 = arith.constant 4 : i32
        %parallel_loop3A_977 = arith.index_cast %parallel_loop3A_976 : i32 to index
        %parallel_loop3A_978 = arith.index_cast %parallel_loop3A_970 : i32 to index
        %parallel_loop3A_979 = tpu.vector_load %arg9[%parallel_loop3A_977, %parallel_loop3A_978] {strides = array<i32>} : memref<8x2048xf32, #tpu.memory_space<vmem>>, vector<1x16xf32>,
        %parallel_loop3A_980 = vector.shape_cast %parallel_loop3A_979 : vector<1x16xf32> to vector<16xf32>
        %parallel_loop3A_981 = vector.shape_cast %parallel_loop3A_975 : vector<16xf32> to vector<1x16xf32>
        tpu.vector_store %arg9[%parallel_loop3A_977, %parallel_loop3A_978], %parallel_loop3A_981 {add = true, strides = array<i32>} : memref<8x2048xf32, #tpu.memory_space<vmem>>, vector<1x16xf32>,
      } {sc.loop_unroll_factor = 8 : i64, sc.parallel_access}
      %parallel_loop3A_131 = arith.constant 0 : i32
      %parallel_loop3A_132 = arith.constant 128 : i32
      %parallel_loop3A_133 = arith.constant 1 : i32
      scf.for %parallel_loop3A_968 = %parallel_loop3A_131 to %parallel_loop3A_132 step %parallel_loop3A_133  : i32 {
        %parallel_loop3A_969 = arith.constant 16 : i32
        %parallel_loop3A_970 = arith.muli %parallel_loop3A_968, %parallel_loop3A_969 : i32
        %parallel_loop3A_971 = arith.constant 5 : i32
        %parallel_loop3A_972 = arith.index_cast %parallel_loop3A_971 : i32 to index
        %parallel_loop3A_973 = arith.index_cast %parallel_loop3A_970 : i32 to index
        %parallel_loop3A_974 = tpu.vector_load %arg7[%parallel_loop3A_972, %parallel_loop3A_973] {strides = array<i32>} : memref<8x2048xf32, #tpu.memory_space<vmem>>, vector<1x16xf32>,
        %parallel_loop3A_975 = vector.shape_cast %parallel_loop3A_974 : vector<1x16xf32> to vector<16xf32>
        %parallel_loop3A_976 = arith.constant 5 : i32
        %parallel_loop3A_977 = arith.index_cast %parallel_loop3A_976 : i32 to index
        %parallel_loop3A_978 = arith.index_cast %parallel_loop3A_970 : i32 to index
        %parallel_loop3A_979 = tpu.vector_load %arg9[%parallel_loop3A_977, %parallel_loop3A_978] {strides = array<i32>} : memref<8x2048xf32, #tpu.memory_space<vmem>>, vector<1x16xf32>,
        %parallel_loop3A_980 = vector.shape_cast %parallel_loop3A_979 : vector<1x16xf32> to vector<16xf32>
        %parallel_loop3A_981 = vector.shape_cast %parallel_loop3A_975 : vector<16xf32> to vector<1x16xf32>
        tpu.vector_store %arg9[%parallel_loop3A_977, %parallel_loop3A_978], %parallel_loop3A_981 {add = true, strides = array<i32>} : memref<8x2048xf32, #tpu.memory_space<vmem>>, vector<1x16xf32>,
      } {sc.loop_unroll_factor = 8 : i64, sc.parallel_access}
      %parallel_loop3A_134 = arith.constant 0 : i32
      %parallel_loop3A_135 = arith.constant 128 : i32
      %parallel_loop3A_136 = arith.constant 1 : i32
      scf.for %parallel_loop3A_968 = %parallel_loop3A_134 to %parallel_loop3A_135 step %parallel_loop3A_136  : i32 {
        %parallel_loop3A_969 = arith.constant 16 : i32
        %parallel_loop3A_970 = arith.muli %parallel_loop3A_968, %parallel_loop3A_969 : i32
        %parallel_loop3A_971 = arith.constant 6 : i32
        %parallel_loop3A_972 = arith.index_cast %parallel_loop3A_971 : i32 to index
        %parallel_loop3A_973 = arith.index_cast %parallel_loop3A_970 : i32 to index
        %parallel_loop3A_974 = tpu.vector_load %arg7[%parallel_loop3A_972, %parallel_loop3A_973] {strides = array<i32>} : memref<8x2048xf32, #tpu.memory_space<vmem>>, vector<1x16xf32>,
        %parallel_loop3A_975 = vector.shape_cast %parallel_loop3A_974 : vector<1x16xf32> to vector<16xf32>
        %parallel_loop3A_976 = arith.constant 6 : i32
        %parallel_loop3A_977 = arith.index_cast %parallel_loop3A_976 : i32 to index
        %parallel_loop3A_978 = arith.index_cast %parallel_loop3A_970 : i32 to index
        %parallel_loop3A_979 = tpu.vector_load %arg9[%parallel_loop3A_977, %parallel_loop3A_978] {strides = array<i32>} : memref<8x2048xf32, #tpu.memory_space<vmem>>, vector<1x16xf32>,
        %parallel_loop3A_980 = vector.shape_cast %parallel_loop3A_979 : vector<1x16xf32> to vector<16xf32>
        %parallel_loop3A_981 = vector.shape_cast %parallel_loop3A_975 : vector<16xf32> to vector<1x16xf32>
        tpu.vector_store %arg9[%parallel_loop3A_977, %parallel_loop3A_978], %parallel_loop3A_981 {add = true, strides = array<i32>} : memref<8x2048xf32, #tpu.memory_space<vmem>>, vector<1x16xf32>,
      } {sc.loop_unroll_factor = 8 : i64, sc.parallel_access}
      %parallel_loop3A_137 = arith.constant 0 : i32
      %parallel_loop3A_138 = arith.constant 128 : i32
      %parallel_loop3A_139 = arith.constant 1 : i32
      scf.for %parallel_loop3A_968 = %parallel_loop3A_137 to %parallel_loop3A_138 step %parallel_loop3A_139  : i32 {
        %parallel_loop3A_969 = arith.constant 16 : i32
        %parallel_loop3A_970 = arith.muli %parallel_loop3A_968, %parallel_loop3A_969 : i32
        %parallel_loop3A_971 = arith.constant 7 : i32
        %parallel_loop3A_972 = arith.index_cast %parallel_loop3A_971 : i32 to index
        %parallel_loop3A_973 = arith.index_cast %parallel_loop3A_970 : i32 to index
        %parallel_loop3A_974 = tpu.vector_load %arg7[%parallel_loop3A_972, %parallel_loop3A_973] {strides = array<i32>} : memref<8x2048xf32, #tpu.memory_space<vmem>>, vector<1x16xf32>,
        %parallel_loop3A_975 = vector.shape_cast %parallel_loop3A_974 : vector<1x16xf32> to vector<16xf32>
        %parallel_loop3A_976 = arith.constant 7 : i32
        %parallel_loop3A_977 = arith.index_cast %parallel_loop3A_976 : i32 to index
        %parallel_loop3A_978 = arith.index_cast %parallel_loop3A_970 : i32 to index
        %parallel_loop3A_979 = tpu.vector_load %arg9[%parallel_loop3A_977, %parallel_loop3A_978] {strides = array<i32>} : memref<8x2048xf32, #tpu.memory_space<vmem>>, vector<1x16xf32>,
        %parallel_loop3A_980 = vector.shape_cast %parallel_loop3A_979 : vector<1x16xf32> to vector<16xf32>
        %parallel_loop3A_981 = vector.shape_cast %parallel_loop3A_975 : vector<16xf32> to vector<1x16xf32>
        tpu.vector_store %arg9[%parallel_loop3A_977, %parallel_loop3A_978], %parallel_loop3A_981 {add = true, strides = array<i32>} : memref<8x2048xf32, #tpu.memory_space<vmem>>, vector<1x16xf32>,
      } {sc.loop_unroll_factor = 8 : i64, sc.parallel_access}
      %rem3A_140 = arith.constant 4 : i32
      %rem3A_141 = arith.remsi %add3A_88, %rem3A_140 : i32
      %mul3A_142 = arith.constant 4096 : i32
      %mul3A_143 = arith.muli %rem3A_141, %mul3A_142 : i32
      %add3A_144 = arith.addi %mul3A_143, %mul3A_2 : i32
      %jit3A_145 = arith.constant 4 : i32
      %div3A_146 = arith.divsi %add3A_88, %jit3A_145 : i32
      %sign3A_147 = arith.constant 0 : i32
      %sign3A_148 = arith.cmpi sgt, %add3A_88, %sign3A_147 : i32
      %sign3A_149 = arith.extui %sign3A_148 : i1 to i32
      %sign3A_150 = arith.constant 0 : i32
      %sign3A_151 = arith.cmpi slt, %add3A_88, %sign3A_150 : i32
      %sign3A_152 = arith.extui %sign3A_151 : i1 to i32
      %sign3A_153 = arith.subi %sign3A_149, %sign3A_152 : i32
      %sign3A_154 = arith.constant 0 : i32
      %sign3A_155 = arith.cmpi sgt, %jit3A_145, %sign3A_154 : i32
      %sign3A_156 = arith.extui %sign3A_155 : i1 to i32
      %sign3A_157 = arith.constant 0 : i32
      %sign3A_158 = arith.cmpi slt, %jit3A_145, %sign3A_157 : i32
      %sign3A_159 = arith.extui %sign3A_158 : i1 to i32
      %sign3A_160 = arith.subi %sign3A_156, %sign3A_159 : i32
      %ne3A_161 = arith.cmpi ne, %sign3A_153, %sign3A_160 : i32
      %rem3A_162 = arith.remsi %add3A_88, %jit3A_145 : i32
      %ne3A_163 = arith.constant 0 : i32
      %ne3A_164 = arith.cmpi ne, %rem3A_162, %ne3A_163 : i32
      %and3A_165 = arith.andi %ne3A_161, %ne3A_164 : i1
      %sub3A_166 = arith.constant 1 : i32
      %sub3A_167 = arith.subi %div3A_146, %sub3A_166 : i32
      %select_n3A_168 = arith.select %and3A_165, %sub3A_167, %div3A_146 : i32
      %mul3A_169 = arith.constant 8 : i32
      %mul3A_170 = arith.muli %select_n3A_168, %mul3A_169 : i32
      %add3A_171 = arith.addi %add3A_144, %mul3A_170 : i32
      %dma_start3A_172 = arith.constant 0 : i32
      %dma_start3A_173 = tpu.memref_slice %arg5[%add3A_171, %dma_start3A_172] : memref<16384x2048xf32, #tpu.memory_space<hbm>> -> memref<8x2048xf32, #tpu.memory_space<hbm>>
      %dma_start3A_174 = arith.constant 0 : i32
      %dma_start3A_175 = tpu.memref_slice %arg5[%add3A_171, %dma_start3A_174] : memref<16384x2048xf32, #tpu.memory_space<hbm>> -> memref<8x2048xf32, #tpu.memory_space<hbm>>
      tpu.enqueue_dma source(%arg9 : memref<8x2048xf32, #tpu.memory_space<vmem>>) target(%dma_start3A_175 : memref<8x2048xf32, #tpu.memory_space<hbm>>) target_semaphore(%arg19 : memref<!tpu.dma_semaphore, #tpu.memory_space<semaphore_mem>>)
      %ge3A = arith.constant 2 : i32
      %ge3A_176 = arith.cmpi sge, %add3A_88, %ge3A : i32
      %convert_element_type3A = arith.extui %ge3A_176 : i1 to i32
      %cond3A = arith.constant 0 : i32
      %cond3A_177 = arith.cmpi ne, %convert_element_type3A, %cond3A : i32
      scf.if %cond3A_177 {
        %sub3A_968 = arith.constant 2 : i32
        %sub3A_969 = arith.subi %add3A_88, %sub3A_968 : i32
        %rem3A_970 = arith.constant 4 : i32
        %rem3A_971 = arith.remsi %sub3A_969, %rem3A_970 : i32
        %mul3A_972 = arith.constant 4096 : i32
        %mul3A_973 = arith.muli %rem3A_971, %mul3A_972 : i32
        %add3A_974 = arith.addi %mul3A_973, %mul3A_2 : i32
        %jit3A_975 = arith.constant 4 : i32
        %div3A_976 = arith.divsi %sub3A_969, %jit3A_975 : i32
        %sign3A_977 = arith.constant 0 : i32
        %sign3A_978 = arith.cmpi sgt, %sub3A_969, %sign3A_977 : i32
        %sign3A_979 = arith.extui %sign3A_978 : i1 to i32
        %sign3A_980 = arith.constant 0 : i32
        %sign3A_981 = arith.cmpi slt, %sub3A_969, %sign3A_980 : i32
        %sign3A_982 = arith.extui %sign3A_981 : i1 to i32
        %sign3A_983 = arith.subi %sign3A_979, %sign3A_982 : i32
        %sign3A_984 = arith.constant 0 : i32
        %sign3A_985 = arith.cmpi sgt, %jit3A_975, %sign3A_984 : i32
        %sign3A_986 = arith.extui %sign3A_985 : i1 to i32
        %sign3A_987 = arith.constant 0 : i32
        %sign3A_988 = arith.cmpi slt, %jit3A_975, %sign3A_987 : i32
        %sign3A_989 = arith.extui %sign3A_988 : i1 to i32
        %sign3A_990 = arith.subi %sign3A_986, %sign3A_989 : i32
        %ne3A_991 = arith.cmpi ne, %sign3A_983, %sign3A_990 : i32
        %rem3A_992 = arith.remsi %sub3A_969, %jit3A_975 : i32
        %ne3A_993 = arith.constant 0 : i32
        %ne3A_994 = arith.cmpi ne, %rem3A_992, %ne3A_993 : i32
        %and3A_995 = arith.andi %ne3A_991, %ne3A_994 : i1
        %sub3A_996 = arith.constant 1 : i32
        %sub3A_997 = arith.subi %div3A_976, %sub3A_996 : i32
        %select_n3A_998 = arith.select %and3A_995, %sub3A_997, %div3A_976 : i32
        %mul3A_999 = arith.constant 8 : i32
        %mul3A_1000 = arith.muli %select_n3A_998, %mul3A_999 : i32
        %add3A_1001 = arith.addi %add3A_974, %mul3A_1000 : i32
        %dma_wait3A_1002 = arith.constant 0 : i32
        %dma_wait3A_1003 = tpu.memref_slice %arg5[%add3A_1001, %dma_wait3A_1002] : memref<16384x2048xf32, #tpu.memory_space<hbm>> -> memref<8x2048xf32, #tpu.memory_space<hbm>>
        %dma_wait3A_1004 = arith.constant 0 : i32
        %dma_wait3A_1005 = tpu.memref_slice %arg5[%add3A_1001, %dma_wait3A_1004] : memref<16384x2048xf32, #tpu.memory_space<hbm>> -> memref<8x2048xf32, #tpu.memory_space<hbm>>
        tpu.wait_dma2 semaphore(%arg21 : memref<!tpu.dma_semaphore, #tpu.memory_space<semaphore_mem>>) src(%arg11 : memref<8x2048xf32, #tpu.memory_space<vmem>>) dst(%dma_wait3A_1005 : memref<8x2048xf32, #tpu.memory_space<hbm>>)
      } else {
      }
      %add3A_178 = arith.constant 2 : i32
      %add3A_179 = arith.addi %add3A_88, %add3A_178 : i32
      %lt3A = arith.constant 64 : i32
      %lt3A_180 = arith.cmpi slt, %add3A_179, %lt3A : i32
      %convert_element_type3A_181 = arith.extui %lt3A_180 : i1 to i32
      %cond3A_182 = arith.constant 0 : i32
      %cond3A_183 = arith.cmpi ne, %convert_element_type3A_181, %cond3A_182 : i32
      scf.if %cond3A_183 {
        %add3A_968 = arith.constant 2 : i32
        %add3A_969 = arith.addi %add3A_88, %add3A_968 : i32
        %rem3A_970 = arith.constant 4 : i32
        %rem3A_971 = arith.remsi %add3A_969, %rem3A_970 : i32
        %mul3A_972 = arith.constant 128 : i32
        %mul3A_973 = arith.muli %rem3A_971, %mul3A_972 : i32
        %jit3A_974 = arith.constant 4 : i32
        %div3A_975 = arith.divsi %add3A_969, %jit3A_974 : i32
        %sign3A_976 = arith.constant 0 : i32
        %sign3A_977 = arith.cmpi sgt, %add3A_969, %sign3A_976 : i32
        %sign3A_978 = arith.extui %sign3A_977 : i1 to i32
        %sign3A_979 = arith.constant 0 : i32
        %sign3A_980 = arith.cmpi slt, %add3A_969, %sign3A_979 : i32
        %sign3A_981 = arith.extui %sign3A_980 : i1 to i32
        %sign3A_982 = arith.subi %sign3A_978, %sign3A_981 : i32
        %sign3A_983 = arith.constant 0 : i32
        %sign3A_984 = arith.cmpi sgt, %jit3A_974, %sign3A_983 : i32
        %sign3A_985 = arith.extui %sign3A_984 : i1 to i32
        %sign3A_986 = arith.constant 0 : i32
        %sign3A_987 = arith.cmpi slt, %jit3A_974, %sign3A_986 : i32
        %sign3A_988 = arith.extui %sign3A_987 : i1 to i32
        %sign3A_989 = arith.subi %sign3A_985, %sign3A_988 : i32
        %ne3A_990 = arith.cmpi ne, %sign3A_982, %sign3A_989 : i32
        %rem3A_991 = arith.remsi %add3A_969, %jit3A_974 : i32
        %ne3A_992 = arith.constant 0 : i32
        %ne3A_993 = arith.cmpi ne, %rem3A_991, %ne3A_992 : i32
        %and3A_994 = arith.andi %ne3A_990, %ne3A_993 : i1
        %sub3A_995 = arith.constant 1 : i32
        %sub3A_996 = arith.subi %div3A_975, %sub3A_995 : i32
        %select_n3A_997 = arith.select %and3A_994, %sub3A_996, %div3A_975 : i32
        %mul3A_998 = arith.constant 8 : i32
        %mul3A_999 = arith.muli %select_n3A_997, %mul3A_998 : i32
        %add3A_1000 = arith.addi %mul3A_973, %mul3A_999 : i32
        %dma_start3A_1001 = tpu.memref_slice %arg6[%add3A_1000] : memref<512xi32, #tpu.memory_space<vmem>> -> memref<8xi32, #tpu.memory_space<vmem>>
        %dma_start3A_1002 = arith.constant 0 : i32
        %dma_start3A_1003 = arith.constant 0 : i32
        %dma_start3A_1004 = tpu.memref_slice %arg4[%dma_start3A_1002, %dma_start3A_1003] : memref<100000x2048xf32, #tpu.memory_space<hbm>> -> memref<100000x2048xf32, #tpu.memory_space<hbm>>
        tpu.enqueue_indirect_dma source(%dma_start3A_1004 : memref<100000x2048xf32, #tpu.memory_space<hbm>>) target(%arg11 : memref<8x2048xf32, #tpu.memory_space<vmem>>) offsets(%dma_start3A_1001 : memref<8xi32, #tpu.memory_space<vmem>>) semaphore(%arg17 : memref<!tpu.dma_semaphore, #tpu.memory_space<semaphore_mem>>)
      } else {
      }
      %add3A_184 = arith.constant 1 : i32
      %add3A_185 = arith.addi %mul3A_73, %add3A_184 : i32
      %rem3A_186 = arith.constant 4 : i32
      %rem3A_187 = arith.remsi %add3A_185, %rem3A_186 : i32
      %mul3A_188 = arith.constant 128 : i32
      %mul3A_189 = arith.muli %rem3A_187, %mul3A_188 : i32
      %jit3A_190 = arith.constant 4 : i32
      %div3A_191 = arith.divsi %add3A_185, %jit3A_190 : i32
      %sign3A_192 = arith.constant 0 : i32
      %sign3A_193 = arith.cmpi sgt, %add3A_185, %sign3A_192 : i32
      %sign3A_194 = arith.extui %sign3A_193 : i1 to i32
      %sign3A_195 = arith.constant 0 : i32
      %sign3A_196 = arith.cmpi slt, %add3A_185, %sign3A_195 : i32
      %sign3A_197 = arith.extui %sign3A_196 : i1 to i32
      %sign3A_198 = arith.subi %sign3A_194, %sign3A_197 : i32
      %sign3A_199 = arith.constant 0 : i32
      %sign3A_200 = arith.cmpi sgt, %jit3A_190, %sign3A_199 : i32
      %sign3A_201 = arith.extui %sign3A_200 : i1 to i32
      %sign3A_202 = arith.constant 0 : i32
      %sign3A_203 = arith.cmpi slt, %jit3A_190, %sign3A_202 : i32
      %sign3A_204 = arith.extui %sign3A_203 : i1 to i32
      %sign3A_205 = arith.subi %sign3A_201, %sign3A_204 : i32
      %ne3A_206 = arith.cmpi ne, %sign3A_198, %sign3A_205 : i32
      %rem3A_207 = arith.remsi %add3A_185, %jit3A_190 : i32
      %ne3A_208 = arith.constant 0 : i32
      %ne3A_209 = arith.cmpi ne, %rem3A_207, %ne3A_208 : i32
      %and3A_210 = arith.andi %ne3A_206, %ne3A_209 : i1
      %sub3A_211 = arith.constant 1 : i32
      %sub3A_212 = arith.subi %div3A_191, %sub3A_211 : i32
      %select_n3A_213 = arith.select %and3A_210, %sub3A_212, %div3A_191 : i32
      %mul3A_214 = arith.constant 8 : i32
      %mul3A_215 = arith.muli %select_n3A_213, %mul3A_214 : i32
      %add3A_216 = arith.addi %mul3A_189, %mul3A_215 : i32
      %dma_wait3A_217 = tpu.memref_slice %arg6[%add3A_216] : memref<512xi32, #tpu.memory_space<vmem>> -> memref<8xi32, #tpu.memory_space<vmem>>
      %dma_wait3A_218 = arith.constant 0 : i32
      %dma_wait3A_219 = arith.constant 0 : i32
      %dma_wait3A_220 = tpu.memref_slice %arg4[%dma_wait3A_218, %dma_wait3A_219] : memref<100000x2048xf32, #tpu.memory_space<hbm>> -> memref<100000x2048xf32, #tpu.memory_space<hbm>>
      tpu.wait_indirect_dma semaphore(%arg16 : memref<!tpu.dma_semaphore, #tpu.memory_space<semaphore_mem>>) src(%dma_wait3A_220 : memref<100000x2048xf32, #tpu.memory_space<hbm>>) dst(%arg10 : memref<8x2048xf32, #tpu.memory_space<vmem>>)
      %parallel_loop3A_221 = arith.constant 0 : i32
      %parallel_loop3A_222 = arith.constant 128 : i32
      %parallel_loop3A_223 = arith.constant 1 : i32
      scf.for %parallel_loop3A_968 = %parallel_loop3A_221 to %parallel_loop3A_222 step %parallel_loop3A_223  : i32 {
        %parallel_loop3A_969 = arith.constant 16 : i32
        %parallel_loop3A_970 = arith.muli %parallel_loop3A_968, %parallel_loop3A_969 : i32
        %parallel_loop3A_971 = arith.constant 0 : i32
        %parallel_loop3A_972 = arith.index_cast %parallel_loop3A_971 : i32 to index
        %parallel_loop3A_973 = arith.index_cast %parallel_loop3A_970 : i32 to index
        %parallel_loop3A_974 = tpu.vector_load %arg7[%parallel_loop3A_972, %parallel_loop3A_973] {strides = array<i32>} : memref<8x2048xf32, #tpu.memory_space<vmem>>, vector<1x16xf32>,
        %parallel_loop3A_975 = vector.shape_cast %parallel_loop3A_974 : vector<1x16xf32> to vector<16xf32>
        %parallel_loop3A_976 = arith.constant 0 : i32
        %parallel_loop3A_977 = arith.index_cast %parallel_loop3A_976 : i32 to index
        %parallel_loop3A_978 = arith.index_cast %parallel_loop3A_970 : i32 to index
        %parallel_loop3A_979 = tpu.vector_load %arg10[%parallel_loop3A_977, %parallel_loop3A_978] {strides = array<i32>} : memref<8x2048xf32, #tpu.memory_space<vmem>>, vector<1x16xf32>,
        %parallel_loop3A_980 = vector.shape_cast %parallel_loop3A_979 : vector<1x16xf32> to vector<16xf32>
        %parallel_loop3A_981 = vector.shape_cast %parallel_loop3A_975 : vector<16xf32> to vector<1x16xf32>
        tpu.vector_store %arg10[%parallel_loop3A_977, %parallel_loop3A_978], %parallel_loop3A_981 {add = true, strides = array<i32>} : memref<8x2048xf32, #tpu.memory_space<vmem>>, vector<1x16xf32>,
      } {sc.loop_unroll_factor = 8 : i64, sc.parallel_access}
      %parallel_loop3A_224 = arith.constant 0 : i32
      %parallel_loop3A_225 = arith.constant 128 : i32
      %parallel_loop3A_226 = arith.constant 1 : i32
      scf.for %parallel_loop3A_968 = %parallel_loop3A_224 to %parallel_loop3A_225 step %parallel_loop3A_226  : i32 {
        %parallel_loop3A_969 = arith.constant 16 : i32
        %parallel_loop3A_970 = arith.muli %parallel_loop3A_968, %parallel_loop3A_969 : i32
        %parallel_loop3A_971 = arith.constant 1 : i32
        %parallel_loop3A_972 = arith.index_cast %parallel_loop3A_971 : i32 to index
        %parallel_loop3A_973 = arith.index_cast %parallel_loop3A_970 : i32 to index
        %parallel_loop3A_974 = tpu.vector_load %arg7[%parallel_loop3A_972, %parallel_loop3A_973] {strides = array<i32>} : memref<8x2048xf32, #tpu.memory_space<vmem>>, vector<1x16xf32>,
        %parallel_loop3A_975 = vector.shape_cast %parallel_loop3A_974 : vector<1x16xf32> to vector<16xf32>
        %parallel_loop3A_976 = arith.constant 1 : i32
        %parallel_loop3A_977 = arith.index_cast %parallel_loop3A_976 : i32 to index
        %parallel_loop3A_978 = arith.index_cast %parallel_loop3A_970 : i32 to index
        %parallel_loop3A_979 = tpu.vector_load %arg10[%parallel_loop3A_977, %parallel_loop3A_978] {strides = array<i32>} : memref<8x2048xf32, #tpu.memory_space<vmem>>, vector<1x16xf32>,
        %parallel_loop3A_980 = vector.shape_cast %parallel_loop3A_979 : vector<1x16xf32> to vector<16xf32>
        %parallel_loop3A_981 = vector.shape_cast %parallel_loop3A_975 : vector<16xf32> to vector<1x16xf32>
        tpu.vector_store %arg10[%parallel_loop3A_977, %parallel_loop3A_978], %parallel_loop3A_981 {add = true, strides = array<i32>} : memref<8x2048xf32, #tpu.memory_space<vmem>>, vector<1x16xf32>,
      } {sc.loop_unroll_factor = 8 : i64, sc.parallel_access}
      %parallel_loop3A_227 = arith.constant 0 : i32
      %parallel_loop3A_228 = arith.constant 128 : i32
      %parallel_loop3A_229 = arith.constant 1 : i32
      scf.for %parallel_loop3A_968 = %parallel_loop3A_227 to %parallel_loop3A_228 step %parallel_loop3A_229  : i32 {
        %parallel_loop3A_969 = arith.constant 16 : i32
        %parallel_loop3A_970 = arith.muli %parallel_loop3A_968, %parallel_loop3A_969 : i32
        %parallel_loop3A_971 = arith.constant 2 : i32
        %parallel_loop3A_972 = arith.index_cast %parallel_loop3A_971 : i32 to index
        %parallel_loop3A_973 = arith.index_cast %parallel_loop3A_970 : i32 to index
        %parallel_loop3A_974 = tpu.vector_load %arg7[%parallel_loop3A_972, %parallel_loop3A_973] {strides = array<i32>} : memref<8x2048xf32, #tpu.memory_space<vmem>>, vector<1x16xf32>,
        %parallel_loop3A_975 = vector.shape_cast %parallel_loop3A_974 : vector<1x16xf32> to vector<16xf32>
        %parallel_loop3A_976 = arith.constant 2 : i32
        %parallel_loop3A_977 = arith.index_cast %parallel_loop3A_976 : i32 to index
        %parallel_loop3A_978 = arith.index_cast %parallel_loop3A_970 : i32 to index
        %parallel_loop3A_979 = tpu.vector_load %arg10[%parallel_loop3A_977, %parallel_loop3A_978] {strides = array<i32>} : memref<8x2048xf32, #tpu.memory_space<vmem>>, vector<1x16xf32>,
        %parallel_loop3A_980 = vector.shape_cast %parallel_loop3A_979 : vector<1x16xf32> to vector<16xf32>
        %parallel_loop3A_981 = vector.shape_cast %parallel_loop3A_975 : vector<16xf32> to vector<1x16xf32>
        tpu.vector_store %arg10[%parallel_loop3A_977, %parallel_loop3A_978], %parallel_loop3A_981 {add = true, strides = array<i32>} : memref<8x2048xf32, #tpu.memory_space<vmem>>, vector<1x16xf32>,
      } {sc.loop_unroll_factor = 8 : i64, sc.parallel_access}
      %parallel_loop3A_230 = arith.constant 0 : i32
      %parallel_loop3A_231 = arith.constant 128 : i32
      %parallel_loop3A_232 = arith.constant 1 : i32
      scf.for %parallel_loop3A_968 = %parallel_loop3A_230 to %parallel_loop3A_231 step %parallel_loop3A_232  : i32 {
        %parallel_loop3A_969 = arith.constant 16 : i32
        %parallel_loop3A_970 = arith.muli %parallel_loop3A_968, %parallel_loop3A_969 : i32
        %parallel_loop3A_971 = arith.constant 3 : i32
        %parallel_loop3A_972 = arith.index_cast %parallel_loop3A_971 : i32 to index
        %parallel_loop3A_973 = arith.index_cast %parallel_loop3A_970 : i32 to index
        %parallel_loop3A_974 = tpu.vector_load %arg7[%parallel_loop3A_972, %parallel_loop3A_973] {strides = array<i32>} : memref<8x2048xf32, #tpu.memory_space<vmem>>, vector<1x16xf32>,
        %parallel_loop3A_975 = vector.shape_cast %parallel_loop3A_974 : vector<1x16xf32> to vector<16xf32>
        %parallel_loop3A_976 = arith.constant 3 : i32
        %parallel_loop3A_977 = arith.index_cast %parallel_loop3A_976 : i32 to index
        %parallel_loop3A_978 = arith.index_cast %parallel_loop3A_970 : i32 to index
        %parallel_loop3A_979 = tpu.vector_load %arg10[%parallel_loop3A_977, %parallel_loop3A_978] {strides = array<i32>} : memref<8x2048xf32, #tpu.memory_space<vmem>>, vector<1x16xf32>,
        %parallel_loop3A_980 = vector.shape_cast %parallel_loop3A_979 : vector<1x16xf32> to vector<16xf32>
        %parallel_loop3A_981 = vector.shape_cast %parallel_loop3A_975 : vector<16xf32> to vector<1x16xf32>
        tpu.vector_store %arg10[%parallel_loop3A_977, %parallel_loop3A_978], %parallel_loop3A_981 {add = true, strides = array<i32>} : memref<8x2048xf32, #tpu.memory_space<vmem>>, vector<1x16xf32>,
      } {sc.loop_unroll_factor = 8 : i64, sc.parallel_access}
      %parallel_loop3A_233 = arith.constant 0 : i32
      %parallel_loop3A_234 = arith.constant 128 : i32
      %parallel_loop3A_235 = arith.constant 1 : i32
      scf.for %parallel_loop3A_968 = %parallel_loop3A_233 to %parallel_loop3A_234 step %parallel_loop3A_235  : i32 {
        %parallel_loop3A_969 = arith.constant 16 : i32
        %parallel_loop3A_970 = arith.muli %parallel_loop3A_968, %parallel_loop3A_969 : i32
        %parallel_loop3A_971 = arith.constant 4 : i32
        %parallel_loop3A_972 = arith.index_cast %parallel_loop3A_971 : i32 to index
        %parallel_loop3A_973 = arith.index_cast %parallel_loop3A_970 : i32 to index
        %parallel_loop3A_974 = tpu.vector_load %arg7[%parallel_loop3A_972, %parallel_loop3A_973] {strides = array<i32>} : memref<8x2048xf32, #tpu.memory_space<vmem>>, vector<1x16xf32>,
        %parallel_loop3A_975 = vector.shape_cast %parallel_loop3A_974 : vector<1x16xf32> to vector<16xf32>
        %parallel_loop3A_976 = arith.constant 4 : i32
        %parallel_loop3A_977 = arith.index_cast %parallel_loop3A_976 : i32 to index
        %parallel_loop3A_978 = arith.index_cast %parallel_loop3A_970 : i32 to index
        %parallel_loop3A_979 = tpu.vector_load %arg10[%parallel_loop3A_977, %parallel_loop3A_978] {strides = array<i32>} : memref<8x2048xf32, #tpu.memory_space<vmem>>, vector<1x16xf32>,
        %parallel_loop3A_980 = vector.shape_cast %parallel_loop3A_979 : vector<1x16xf32> to vector<16xf32>
        %parallel_loop3A_981 = vector.shape_cast %parallel_loop3A_975 : vector<16xf32> to vector<1x16xf32>
        tpu.vector_store %arg10[%parallel_loop3A_977, %parallel_loop3A_978], %parallel_loop3A_981 {add = true, strides = array<i32>} : memref<8x2048xf32, #tpu.memory_space<vmem>>, vector<1x16xf32>,
      } {sc.loop_unroll_factor = 8 : i64, sc.parallel_access}
      %parallel_loop3A_236 = arith.constant 0 : i32
      %parallel_loop3A_237 = arith.constant 128 : i32
      %parallel_loop3A_238 = arith.constant 1 : i32
      scf.for %parallel_loop3A_968 = %parallel_loop3A_236 to %parallel_loop3A_237 step %parallel_loop3A_238  : i32 {
        %parallel_loop3A_969 = arith.constant 16 : i32
        %parallel_loop3A_970 = arith.muli %parallel_loop3A_968, %parallel_loop3A_969 : i32
        %parallel_loop3A_971 = arith.constant 5 : i32
        %parallel_loop3A_972 = arith.index_cast %parallel_loop3A_971 : i32 to index
        %parallel_loop3A_973 = arith.index_cast %parallel_loop3A_970 : i32 to index
        %parallel_loop3A_974 = tpu.vector_load %arg7[%parallel_loop3A_972, %parallel_loop3A_973] {strides = array<i32>} : memref<8x2048xf32, #tpu.memory_space<vmem>>, vector<1x16xf32>,
        %parallel_loop3A_975 = vector.shape_cast %parallel_loop3A_974 : vector<1x16xf32> to vector<16xf32>
        %parallel_loop3A_976 = arith.constant 5 : i32
        %parallel_loop3A_977 = arith.index_cast %parallel_loop3A_976 : i32 to index
        %parallel_loop3A_978 = arith.index_cast %parallel_loop3A_970 : i32 to index
        %parallel_loop3A_979 = tpu.vector_load %arg10[%parallel_loop3A_977, %parallel_loop3A_978] {strides = array<i32>} : memref<8x2048xf32, #tpu.memory_space<vmem>>, vector<1x16xf32>,
        %parallel_loop3A_980 = vector.shape_cast %parallel_loop3A_979 : vector<1x16xf32> to vector<16xf32>
        %parallel_loop3A_981 = vector.shape_cast %parallel_loop3A_975 : vector<16xf32> to vector<1x16xf32>
        tpu.vector_store %arg10[%parallel_loop3A_977, %parallel_loop3A_978], %parallel_loop3A_981 {add = true, strides = array<i32>} : memref<8x2048xf32, #tpu.memory_space<vmem>>, vector<1x16xf32>,
      } {sc.loop_unroll_factor = 8 : i64, sc.parallel_access}
      %parallel_loop3A_239 = arith.constant 0 : i32
      %parallel_loop3A_240 = arith.constant 128 : i32
      %parallel_loop3A_241 = arith.constant 1 : i32
      scf.for %parallel_loop3A_968 = %parallel_loop3A_239 to %parallel_loop3A_240 step %parallel_loop3A_241  : i32 {
        %parallel_loop3A_969 = arith.constant 16 : i32
        %parallel_loop3A_970 = arith.muli %parallel_loop3A_968, %parallel_loop3A_969 : i32
        %parallel_loop3A_971 = arith.constant 6 : i32
        %parallel_loop3A_972 = arith.index_cast %parallel_loop3A_971 : i32 to index
        %parallel_loop3A_973 = arith.index_cast %parallel_loop3A_970 : i32 to index
        %parallel_loop3A_974 = tpu.vector_load %arg7[%parallel_loop3A_972, %parallel_loop3A_973] {strides = array<i32>} : memref<8x2048xf32, #tpu.memory_space<vmem>>, vector<1x16xf32>,
        %parallel_loop3A_975 = vector.shape_cast %parallel_loop3A_974 : vector<1x16xf32> to vector<16xf32>
        %parallel_loop3A_976 = arith.constant 6 : i32
        %parallel_loop3A_977 = arith.index_cast %parallel_loop3A_976 : i32 to index
        %parallel_loop3A_978 = arith.index_cast %parallel_loop3A_970 : i32 to index
        %parallel_loop3A_979 = tpu.vector_load %arg10[%parallel_loop3A_977, %parallel_loop3A_978] {strides = array<i32>} : memref<8x2048xf32, #tpu.memory_space<vmem>>, vector<1x16xf32>,
        %parallel_loop3A_980 = vector.shape_cast %parallel_loop3A_979 : vector<1x16xf32> to vector<16xf32>
        %parallel_loop3A_981 = vector.shape_cast %parallel_loop3A_975 : vector<16xf32> to vector<1x16xf32>
        tpu.vector_store %arg10[%parallel_loop3A_977, %parallel_loop3A_978], %parallel_loop3A_981 {add = true, strides = array<i32>} : memref<8x2048xf32, #tpu.memory_space<vmem>>, vector<1x16xf32>,
      } {sc.loop_unroll_factor = 8 : i64, sc.parallel_access}
      %parallel_loop3A_242 = arith.constant 0 : i32
      %parallel_loop3A_243 = arith.constant 128 : i32
      %parallel_loop3A_244 = arith.constant 1 : i32
      scf.for %parallel_loop3A_968 = %parallel_loop3A_242 to %parallel_loop3A_243 step %parallel_loop3A_244  : i32 {
        %parallel_loop3A_969 = arith.constant 16 : i32
        %parallel_loop3A_970 = arith.muli %parallel_loop3A_968, %parallel_loop3A_969 : i32
        %parallel_loop3A_971 = arith.constant 7 : i32
        %parallel_loop3A_972 = arith.index_cast %parallel_loop3A_971 : i32 to index
        %parallel_loop3A_973 = arith.index_cast %parallel_loop3A_970 : i32 to index
        %parallel_loop3A_974 = tpu.vector_load %arg7[%parallel_loop3A_972, %parallel_loop3A_973] {strides = array<i32>} : memref<8x2048xf32, #tpu.memory_space<vmem>>, vector<1x16xf32>,
        %parallel_loop3A_975 = vector.shape_cast %parallel_loop3A_974 : vector<1x16xf32> to vector<16xf32>
        %parallel_loop3A_976 = arith.constant 7 : i32
        %parallel_loop3A_977 = arith.index_cast %parallel_loop3A_976 : i32 to index
        %parallel_loop3A_978 = arith.index_cast %parallel_loop3A_970 : i32 to index
        %parallel_loop3A_979 = tpu.vector_load %arg10[%parallel_loop3A_977, %parallel_loop3A_978] {strides = array<i32>} : memref<8x2048xf32, #tpu.memory_space<vmem>>, vector<1x16xf32>,
        %parallel_loop3A_980 = vector.shape_cast %parallel_loop3A_979 : vector<1x16xf32> to vector<16xf32>
        %parallel_loop3A_981 = vector.shape_cast %parallel_loop3A_975 : vector<16xf32> to vector<1x16xf32>
        tpu.vector_store %arg10[%parallel_loop3A_977, %parallel_loop3A_978], %parallel_loop3A_981 {add = true, strides = array<i32>} : memref<8x2048xf32, #tpu.memory_space<vmem>>, vector<1x16xf32>,
      } {sc.loop_unroll_factor = 8 : i64, sc.parallel_access}
      %rem3A_245 = arith.constant 4 : i32
      %rem3A_246 = arith.remsi %add3A_185, %rem3A_245 : i32
      %mul3A_247 = arith.constant 4096 : i32
      %mul3A_248 = arith.muli %rem3A_246, %mul3A_247 : i32
      %add3A_249 = arith.addi %mul3A_248, %mul3A_2 : i32
      %jit3A_250 = arith.constant 4 : i32
      %div3A_251 = arith.divsi %add3A_185, %jit3A_250 : i32
      %sign3A_252 = arith.constant 0 : i32
      %sign3A_253 = arith.cmpi sgt, %add3A_185, %sign3A_252 : i32
      %sign3A_254 = arith.extui %sign3A_253 : i1 to i32
      %sign3A_255 = arith.constant 0 : i32
      %sign3A_256 = arith.cmpi slt, %add3A_185, %sign3A_255 : i32
      %sign3A_257 = arith.extui %sign3A_256 : i1 to i32
      %sign3A_258 = arith.subi %sign3A_254, %sign3A_257 : i32
      %sign3A_259 = arith.constant 0 : i32
      %sign3A_260 = arith.cmpi sgt, %jit3A_250, %sign3A_259 : i32
      %sign3A_261 = arith.extui %sign3A_260 : i1 to i32
      %sign3A_262 = arith.constant 0 : i32
      %sign3A_263 = arith.cmpi slt, %jit3A_250, %sign3A_262 : i32
      %sign3A_264 = arith.extui %sign3A_263 : i1 to i32
      %sign3A_265 = arith.subi %sign3A_261, %sign3A_264 : i32
      %ne3A_266 = arith.cmpi ne, %sign3A_258, %sign3A_265 : i32
      %rem3A_267 = arith.remsi %add3A_185, %jit3A_250 : i32
      %ne3A_268 = arith.constant 0 : i32
      %ne3A_269 = arith.cmpi ne, %rem3A_267, %ne3A_268 : i32
      %and3A_270 = arith.andi %ne3A_266, %ne3A_269 : i1
      %sub3A_271 = arith.constant 1 : i32
      %sub3A_272 = arith.subi %div3A_251, %sub3A_271 : i32
      %select_n3A_273 = arith.select %and3A_270, %sub3A_272, %div3A_251 : i32
      %mul3A_274 = arith.constant 8 : i32
      %mul3A_275 = arith.muli %select_n3A_273, %mul3A_274 : i32
      %add3A_276 = arith.addi %add3A_249, %mul3A_275 : i32
      %dma_start3A_277 = arith.constant 0 : i32
      %dma_start3A_278 = tpu.memref_slice %arg5[%add3A_276, %dma_start3A_277] : memref<16384x2048xf32, #tpu.memory_space<hbm>> -> memref<8x2048xf32, #tpu.memory_space<hbm>>
      %dma_start3A_279 = arith.constant 0 : i32
      %dma_start3A_280 = tpu.memref_slice %arg5[%add3A_276, %dma_start3A_279] : memref<16384x2048xf32, #tpu.memory_space<hbm>> -> memref<8x2048xf32, #tpu.memory_space<hbm>>
      tpu.enqueue_dma source(%arg10 : memref<8x2048xf32, #tpu.memory_space<vmem>>) target(%dma_start3A_280 : memref<8x2048xf32, #tpu.memory_space<hbm>>) target_semaphore(%arg20 : memref<!tpu.dma_semaphore, #tpu.memory_space<semaphore_mem>>)
      %ge3A_281 = arith.constant 2 : i32
      %ge3A_282 = arith.cmpi sge, %add3A_185, %ge3A_281 : i32
      %convert_element_type3A_283 = arith.extui %ge3A_282 : i1 to i32
      %cond3A_284 = arith.constant 0 : i32
      %cond3A_285 = arith.cmpi ne, %convert_element_type3A_283, %cond3A_284 : i32
      scf.if %cond3A_285 {
        %sub3A_968 = arith.constant 2 : i32
        %sub3A_969 = arith.subi %add3A_185, %sub3A_968 : i32
        %rem3A_970 = arith.constant 4 : i32
        %rem3A_971 = arith.remsi %sub3A_969, %rem3A_970 : i32
        %mul3A_972 = arith.constant 4096 : i32
        %mul3A_973 = arith.muli %rem3A_971, %mul3A_972 : i32
        %add3A_974 = arith.addi %mul3A_973, %mul3A_2 : i32
        %jit3A_975 = arith.constant 4 : i32
        %div3A_976 = arith.divsi %sub3A_969, %jit3A_975 : i32
        %sign3A_977 = arith.constant 0 : i32
        %sign3A_978 = arith.cmpi sgt, %sub3A_969, %sign3A_977 : i32
        %sign3A_979 = arith.extui %sign3A_978 : i1 to i32
        %sign3A_980 = arith.constant 0 : i32
        %sign3A_981 = arith.cmpi slt, %sub3A_969, %sign3A_980 : i32
        %sign3A_982 = arith.extui %sign3A_981 : i1 to i32
        %sign3A_983 = arith.subi %sign3A_979, %sign3A_982 : i32
        %sign3A_984 = arith.constant 0 : i32
        %sign3A_985 = arith.cmpi sgt, %jit3A_975, %sign3A_984 : i32
        %sign3A_986 = arith.extui %sign3A_985 : i1 to i32
        %sign3A_987 = arith.constant 0 : i32
        %sign3A_988 = arith.cmpi slt, %jit3A_975, %sign3A_987 : i32
        %sign3A_989 = arith.extui %sign3A_988 : i1 to i32
        %sign3A_990 = arith.subi %sign3A_986, %sign3A_989 : i32
        %ne3A_991 = arith.cmpi ne, %sign3A_983, %sign3A_990 : i32
        %rem3A_992 = arith.remsi %sub3A_969, %jit3A_975 : i32
        %ne3A_993 = arith.constant 0 : i32
        %ne3A_994 = arith.cmpi ne, %rem3A_992, %ne3A_993 : i32
        %and3A_995 = arith.andi %ne3A_991, %ne3A_994 : i1
        %sub3A_996 = arith.constant 1 : i32
        %sub3A_997 = arith.subi %div3A_976, %sub3A_996 : i32
        %select_n3A_998 = arith.select %and3A_995, %sub3A_997, %div3A_976 : i32
        %mul3A_999 = arith.constant 8 : i32
        %mul3A_1000 = arith.muli %select_n3A_998, %mul3A_999 : i32
        %add3A_1001 = arith.addi %add3A_974, %mul3A_1000 : i32
        %dma_wait3A_1002 = arith.constant 0 : i32
        %dma_wait3A_1003 = tpu.memref_slice %arg5[%add3A_1001, %dma_wait3A_1002] : memref<16384x2048xf32, #tpu.memory_space<hbm>> -> memref<8x2048xf32, #tpu.memory_space<hbm>>
        %dma_wait3A_1004 = arith.constant 0 : i32
        %dma_wait3A_1005 = tpu.memref_slice %arg5[%add3A_1001, %dma_wait3A_1004] : memref<16384x2048xf32, #tpu.memory_space<hbm>> -> memref<8x2048xf32, #tpu.memory_space<hbm>>
        tpu.wait_dma2 semaphore(%arg22 : memref<!tpu.dma_semaphore, #tpu.memory_space<semaphore_mem>>) src(%arg12 : memref<8x2048xf32, #tpu.memory_space<vmem>>) dst(%dma_wait3A_1005 : memref<8x2048xf32, #tpu.memory_space<hbm>>)
      } else {
      }
      %add3A_286 = arith.constant 2 : i32
      %add3A_287 = arith.addi %add3A_185, %add3A_286 : i32
      %lt3A_288 = arith.constant 64 : i32
      %lt3A_289 = arith.cmpi slt, %add3A_287, %lt3A_288 : i32
      %convert_element_type3A_290 = arith.extui %lt3A_289 : i1 to i32
      %cond3A_291 = arith.constant 0 : i32
      %cond3A_292 = arith.cmpi ne, %convert_element_type3A_290, %cond3A_291 : i32
      scf.if %cond3A_292 {
        %add3A_968 = arith.constant 2 : i32
        %add3A_969 = arith.addi %add3A_185, %add3A_968 : i32
        %rem3A_970 = arith.constant 4 : i32
        %rem3A_971 = arith.remsi %add3A_969, %rem3A_970 : i32
        %mul3A_972 = arith.constant 128 : i32
        %mul3A_973 = arith.muli %rem3A_971, %mul3A_972 : i32
        %jit3A_974 = arith.constant 4 : i32
        %div3A_975 = arith.divsi %add3A_969, %jit3A_974 : i32
        %sign3A_976 = arith.constant 0 : i32
        %sign3A_977 = arith.cmpi sgt, %add3A_969, %sign3A_976 : i32
        %sign3A_978 = arith.extui %sign3A_977 : i1 to i32
        %sign3A_979 = arith.constant 0 : i32
        %sign3A_980 = arith.cmpi slt, %add3A_969, %sign3A_979 : i32
        %sign3A_981 = arith.extui %sign3A_980 : i1 to i32
        %sign3A_982 = arith.subi %sign3A_978, %sign3A_981 : i32
        %sign3A_983 = arith.constant 0 : i32
        %sign3A_984 = arith.cmpi sgt, %jit3A_974, %sign3A_983 : i32
        %sign3A_985 = arith.extui %sign3A_984 : i1 to i32
        %sign3A_986 = arith.constant 0 : i32
        %sign3A_987 = arith.cmpi slt, %jit3A_974, %sign3A_986 : i32
        %sign3A_988 = arith.extui %sign3A_987 : i1 to i32
        %sign3A_989 = arith.subi %sign3A_985, %sign3A_988 : i32
        %ne3A_990 = arith.cmpi ne, %sign3A_982, %sign3A_989 : i32
        %rem3A_991 = arith.remsi %add3A_969, %jit3A_974 : i32
        %ne3A_992 = arith.constant 0 : i32
        %ne3A_993 = arith.cmpi ne, %rem3A_991, %ne3A_992 : i32
        %and3A_994 = arith.andi %ne3A_990, %ne3A_993 : i1
        %sub3A_995 = arith.constant 1 : i32
        %sub3A_996 = arith.subi %div3A_975, %sub3A_995 : i32
        %select_n3A_997 = arith.select %and3A_994, %sub3A_996, %div3A_975 : i32
        %mul3A_998 = arith.constant 8 : i32
        %mul3A_999 = arith.muli %select_n3A_997, %mul3A_998 : i32
        %add3A_1000 = arith.addi %mul3A_973, %mul3A_999 : i32
        %dma_start3A_1001 = tpu.memref_slice %arg6[%add3A_1000] : memref<512xi32, #tpu.memory_space<vmem>> -> memref<8xi32, #tpu.memory_space<vmem>>
        %dma_start3A_1002 = arith.constant 0 : i32
        %dma_start3A_1003 = arith.constant 0 : i32
        %dma_start3A_1004 = tpu.memref_slice %arg4[%dma_start3A_1002, %dma_start3A_1003] : memref<100000x2048xf32, #tpu.memory_space<hbm>> -> memref<100000x2048xf32, #tpu.memory_space<hbm>>
        tpu.enqueue_indirect_dma source(%dma_start3A_1004 : memref<100000x2048xf32, #tpu.memory_space<hbm>>) target(%arg12 : memref<8x2048xf32, #tpu.memory_space<vmem>>) offsets(%dma_start3A_1001 : memref<8xi32, #tpu.memory_space<vmem>>) semaphore(%arg18 : memref<!tpu.dma_semaphore, #tpu.memory_space<semaphore_mem>>)
      } else {
      }
      %add3A_293 = arith.constant 2 : i32
      %add3A_294 = arith.addi %mul3A_73, %add3A_293 : i32
      %rem3A_295 = arith.constant 4 : i32
      %rem3A_296 = arith.remsi %add3A_294, %rem3A_295 : i32
      %mul3A_297 = arith.constant 128 : i32
      %mul3A_298 = arith.muli %rem3A_296, %mul3A_297 : i32
      %jit3A_299 = arith.constant 4 : i32
      %div3A_300 = arith.divsi %add3A_294, %jit3A_299 : i32
      %sign3A_301 = arith.constant 0 : i32
      %sign3A_302 = arith.cmpi sgt, %add3A_294, %sign3A_301 : i32
      %sign3A_303 = arith.extui %sign3A_302 : i1 to i32
      %sign3A_304 = arith.constant 0 : i32
      %sign3A_305 = arith.cmpi slt, %add3A_294, %sign3A_304 : i32
      %sign3A_306 = arith.extui %sign3A_305 : i1 to i32
      %sign3A_307 = arith.subi %sign3A_303, %sign3A_306 : i32
      %sign3A_308 = arith.constant 0 : i32
      %sign3A_309 = arith.cmpi sgt, %jit3A_299, %sign3A_308 : i32
      %sign3A_310 = arith.extui %sign3A_309 : i1 to i32
      %sign3A_311 = arith.constant 0 : i32
      %sign3A_312 = arith.cmpi slt, %jit3A_299, %sign3A_311 : i32
      %sign3A_313 = arith.extui %sign3A_312 : i1 to i32
      %sign3A_314 = arith.subi %sign3A_310, %sign3A_313 : i32
      %ne3A_315 = arith.cmpi ne, %sign3A_307, %sign3A_314 : i32
      %rem3A_316 = arith.remsi %add3A_294, %jit3A_299 : i32
      %ne3A_317 = arith.constant 0 : i32
      %ne3A_318 = arith.cmpi ne, %rem3A_316, %ne3A_317 : i32
      %and3A_319 = arith.andi %ne3A_315, %ne3A_318 : i1
      %sub3A_320 = arith.constant 1 : i32
      %sub3A_321 = arith.subi %div3A_300, %sub3A_320 : i32
      %select_n3A_322 = arith.select %and3A_319, %sub3A_321, %div3A_300 : i32
      %mul3A_323 = arith.constant 8 : i32
      %mul3A_324 = arith.muli %select_n3A_322, %mul3A_323 : i32
      %add3A_325 = arith.addi %mul3A_298, %mul3A_324 : i32
      %dma_wait3A_326 = tpu.memref_slice %arg6[%add3A_325] : memref<512xi32, #tpu.memory_space<vmem>> -> memref<8xi32, #tpu.memory_space<vmem>>
      %dma_wait3A_327 = arith.constant 0 : i32
      %dma_wait3A_328 = arith.constant 0 : i32
      %dma_wait3A_329 = tpu.memref_slice %arg4[%dma_wait3A_327, %dma_wait3A_328] : memref<100000x2048xf32, #tpu.memory_space<hbm>> -> memref<100000x2048xf32, #tpu.memory_space<hbm>>
      tpu.wait_indirect_dma semaphore(%arg17 : memref<!tpu.dma_semaphore, #tpu.memory_space<semaphore_mem>>) src(%dma_wait3A_329 : memref<100000x2048xf32, #tpu.memory_space<hbm>>) dst(%arg11 : memref<8x2048xf32, #tpu.memory_space<vmem>>)
      %parallel_loop3A_330 = arith.constant 0 : i32
      %parallel_loop3A_331 = arith.constant 128 : i32
      %parallel_loop3A_332 = arith.constant 1 : i32
      scf.for %parallel_loop3A_968 = %parallel_loop3A_330 to %parallel_loop3A_331 step %parallel_loop3A_332  : i32 {
        %parallel_loop3A_969 = arith.constant 16 : i32
        %parallel_loop3A_970 = arith.muli %parallel_loop3A_968, %parallel_loop3A_969 : i32
        %parallel_loop3A_971 = arith.constant 0 : i32
        %parallel_loop3A_972 = arith.index_cast %parallel_loop3A_971 : i32 to index
        %parallel_loop3A_973 = arith.index_cast %parallel_loop3A_970 : i32 to index
        %parallel_loop3A_974 = tpu.vector_load %arg7[%parallel_loop3A_972, %parallel_loop3A_973] {strides = array<i32>} : memref<8x2048xf32, #tpu.memory_space<vmem>>, vector<1x16xf32>,
        %parallel_loop3A_975 = vector.shape_cast %parallel_loop3A_974 : vector<1x16xf32> to vector<16xf32>
        %parallel_loop3A_976 = arith.constant 0 : i32
        %parallel_loop3A_977 = arith.index_cast %parallel_loop3A_976 : i32 to index
        %parallel_loop3A_978 = arith.index_cast %parallel_loop3A_970 : i32 to index
        %parallel_loop3A_979 = tpu.vector_load %arg11[%parallel_loop3A_977, %parallel_loop3A_978] {strides = array<i32>} : memref<8x2048xf32, #tpu.memory_space<vmem>>, vector<1x16xf32>,
        %parallel_loop3A_980 = vector.shape_cast %parallel_loop3A_979 : vector<1x16xf32> to vector<16xf32>
        %parallel_loop3A_981 = vector.shape_cast %parallel_loop3A_975 : vector<16xf32> to vector<1x16xf32>
        tpu.vector_store %arg11[%parallel_loop3A_977, %parallel_loop3A_978], %parallel_loop3A_981 {add = true, strides = array<i32>} : memref<8x2048xf32, #tpu.memory_space<vmem>>, vector<1x16xf32>,
      } {sc.loop_unroll_factor = 8 : i64, sc.parallel_access}
      %parallel_loop3A_333 = arith.constant 0 : i32
      %parallel_loop3A_334 = arith.constant 128 : i32
      %parallel_loop3A_335 = arith.constant 1 : i32
      scf.for %parallel_loop3A_968 = %parallel_loop3A_333 to %parallel_loop3A_334 step %parallel_loop3A_335  : i32 {
        %parallel_loop3A_969 = arith.constant 16 : i32
        %parallel_loop3A_970 = arith.muli %parallel_loop3A_968, %parallel_loop3A_969 : i32
        %parallel_loop3A_971 = arith.constant 1 : i32
        %parallel_loop3A_972 = arith.index_cast %parallel_loop3A_971 : i32 to index
        %parallel_loop3A_973 = arith.index_cast %parallel_loop3A_970 : i32 to index
        %parallel_loop3A_974 = tpu.vector_load %arg7[%parallel_loop3A_972, %parallel_loop3A_973] {strides = array<i32>} : memref<8x2048xf32, #tpu.memory_space<vmem>>, vector<1x16xf32>,
        %parallel_loop3A_975 = vector.shape_cast %parallel_loop3A_974 : vector<1x16xf32> to vector<16xf32>
        %parallel_loop3A_976 = arith.constant 1 : i32
        %parallel_loop3A_977 = arith.index_cast %parallel_loop3A_976 : i32 to index
        %parallel_loop3A_978 = arith.index_cast %parallel_loop3A_970 : i32 to index
        %parallel_loop3A_979 = tpu.vector_load %arg11[%parallel_loop3A_977, %parallel_loop3A_978] {strides = array<i32>} : memref<8x2048xf32, #tpu.memory_space<vmem>>, vector<1x16xf32>,
        %parallel_loop3A_980 = vector.shape_cast %parallel_loop3A_979 : vector<1x16xf32> to vector<16xf32>
        %parallel_loop3A_981 = vector.shape_cast %parallel_loop3A_975 : vector<16xf32> to vector<1x16xf32>
        tpu.vector_store %arg11[%parallel_loop3A_977, %parallel_loop3A_978], %parallel_loop3A_981 {add = true, strides = array<i32>} : memref<8x2048xf32, #tpu.memory_space<vmem>>, vector<1x16xf32>,
      } {sc.loop_unroll_factor = 8 : i64, sc.parallel_access}
      %parallel_loop3A_336 = arith.constant 0 : i32
      %parallel_loop3A_337 = arith.constant 128 : i32
      %parallel_loop3A_338 = arith.constant 1 : i32
      scf.for %parallel_loop3A_968 = %parallel_loop3A_336 to %parallel_loop3A_337 step %parallel_loop3A_338  : i32 {
        %parallel_loop3A_969 = arith.constant 16 : i32
        %parallel_loop3A_970 = arith.muli %parallel_loop3A_968, %parallel_loop3A_969 : i32
        %parallel_loop3A_971 = arith.constant 2 : i32
        %parallel_loop3A_972 = arith.index_cast %parallel_loop3A_971 : i32 to index
        %parallel_loop3A_973 = arith.index_cast %parallel_loop3A_970 : i32 to index
        %parallel_loop3A_974 = tpu.vector_load %arg7[%parallel_loop3A_972, %parallel_loop3A_973] {strides = array<i32>} : memref<8x2048xf32, #tpu.memory_space<vmem>>, vector<1x16xf32>,
        %parallel_loop3A_975 = vector.shape_cast %parallel_loop3A_974 : vector<1x16xf32> to vector<16xf32>
        %parallel_loop3A_976 = arith.constant 2 : i32
        %parallel_loop3A_977 = arith.index_cast %parallel_loop3A_976 : i32 to index
        %parallel_loop3A_978 = arith.index_cast %parallel_loop3A_970 : i32 to index
        %parallel_loop3A_979 = tpu.vector_load %arg11[%parallel_loop3A_977, %parallel_loop3A_978] {strides = array<i32>} : memref<8x2048xf32, #tpu.memory_space<vmem>>, vector<1x16xf32>,
        %parallel_loop3A_980 = vector.shape_cast %parallel_loop3A_979 : vector<1x16xf32> to vector<16xf32>
        %parallel_loop3A_981 = vector.shape_cast %parallel_loop3A_975 : vector<16xf32> to vector<1x16xf32>
        tpu.vector_store %arg11[%parallel_loop3A_977, %parallel_loop3A_978], %parallel_loop3A_981 {add = true, strides = array<i32>} : memref<8x2048xf32, #tpu.memory_space<vmem>>, vector<1x16xf32>,
      } {sc.loop_unroll_factor = 8 : i64, sc.parallel_access}
      %parallel_loop3A_339 = arith.constant 0 : i32
      %parallel_loop3A_340 = arith.constant 128 : i32
      %parallel_loop3A_341 = arith.constant 1 : i32
      scf.for %parallel_loop3A_968 = %parallel_loop3A_339 to %parallel_loop3A_340 step %parallel_loop3A_341  : i32 {
        %parallel_loop3A_969 = arith.constant 16 : i32
        %parallel_loop3A_970 = arith.muli %parallel_loop3A_968, %parallel_loop3A_969 : i32
        %parallel_loop3A_971 = arith.constant 3 : i32
        %parallel_loop3A_972 = arith.index_cast %parallel_loop3A_971 : i32 to index
        %parallel_loop3A_973 = arith.index_cast %parallel_loop3A_970 : i32 to index
        %parallel_loop3A_974 = tpu.vector_load %arg7[%parallel_loop3A_972, %parallel_loop3A_973] {strides = array<i32>} : memref<8x2048xf32, #tpu.memory_space<vmem>>, vector<1x16xf32>,
        %parallel_loop3A_975 = vector.shape_cast %parallel_loop3A_974 : vector<1x16xf32> to vector<16xf32>
        %parallel_loop3A_976 = arith.constant 3 : i32
        %parallel_loop3A_977 = arith.index_cast %parallel_loop3A_976 : i32 to index
        %parallel_loop3A_978 = arith.index_cast %parallel_loop3A_970 : i32 to index
        %parallel_loop3A_979 = tpu.vector_load %arg11[%parallel_loop3A_977, %parallel_loop3A_978] {strides = array<i32>} : memref<8x2048xf32, #tpu.memory_space<vmem>>, vector<1x16xf32>,
        %parallel_loop3A_980 = vector.shape_cast %parallel_loop3A_979 : vector<1x16xf32> to vector<16xf32>
        %parallel_loop3A_981 = vector.shape_cast %parallel_loop3A_975 : vector<16xf32> to vector<1x16xf32>
        tpu.vector_store %arg11[%parallel_loop3A_977, %parallel_loop3A_978], %parallel_loop3A_981 {add = true, strides = array<i32>} : memref<8x2048xf32, #tpu.memory_space<vmem>>, vector<1x16xf32>,
      } {sc.loop_unroll_factor = 8 : i64, sc.parallel_access}
      %parallel_loop3A_342 = arith.constant 0 : i32
      %parallel_loop3A_343 = arith.constant 128 : i32
      %parallel_loop3A_344 = arith.constant 1 : i32
      scf.for %parallel_loop3A_968 = %parallel_loop3A_342 to %parallel_loop3A_343 step %parallel_loop3A_344  : i32 {
        %parallel_loop3A_969 = arith.constant 16 : i32
        %parallel_loop3A_970 = arith.muli %parallel_loop3A_968, %parallel_loop3A_969 : i32
        %parallel_loop3A_971 = arith.constant 4 : i32
        %parallel_loop3A_972 = arith.index_cast %parallel_loop3A_971 : i32 to index
        %parallel_loop3A_973 = arith.index_cast %parallel_loop3A_970 : i32 to index
        %parallel_loop3A_974 = tpu.vector_load %arg7[%parallel_loop3A_972, %parallel_loop3A_973] {strides = array<i32>} : memref<8x2048xf32, #tpu.memory_space<vmem>>, vector<1x16xf32>,
        %parallel_loop3A_975 = vector.shape_cast %parallel_loop3A_974 : vector<1x16xf32> to vector<16xf32>
        %parallel_loop3A_976 = arith.constant 4 : i32
        %parallel_loop3A_977 = arith.index_cast %parallel_loop3A_976 : i32 to index
        %parallel_loop3A_978 = arith.index_cast %parallel_loop3A_970 : i32 to index
        %parallel_loop3A_979 = tpu.vector_load %arg11[%parallel_loop3A_977, %parallel_loop3A_978] {strides = array<i32>} : memref<8x2048xf32, #tpu.memory_space<vmem>>, vector<1x16xf32>,
        %parallel_loop3A_980 = vector.shape_cast %parallel_loop3A_979 : vector<1x16xf32> to vector<16xf32>
        %parallel_loop3A_981 = vector.shape_cast %parallel_loop3A_975 : vector<16xf32> to vector<1x16xf32>
        tpu.vector_store %arg11[%parallel_loop3A_977, %parallel_loop3A_978], %parallel_loop3A_981 {add = true, strides = array<i32>} : memref<8x2048xf32, #tpu.memory_space<vmem>>, vector<1x16xf32>,
      } {sc.loop_unroll_factor = 8 : i64, sc.parallel_access}
      %parallel_loop3A_345 = arith.constant 0 : i32
      %parallel_loop3A_346 = arith.constant 128 : i32
      %parallel_loop3A_347 = arith.constant 1 : i32
      scf.for %parallel_loop3A_968 = %parallel_loop3A_345 to %parallel_loop3A_346 step %parallel_loop3A_347  : i32 {
        %parallel_loop3A_969 = arith.constant 16 : i32
        %parallel_loop3A_970 = arith.muli %parallel_loop3A_968, %parallel_loop3A_969 : i32
        %parallel_loop3A_971 = arith.constant 5 : i32
        %parallel_loop3A_972 = arith.index_cast %parallel_loop3A_971 : i32 to index
        %parallel_loop3A_973 = arith.index_cast %parallel_loop3A_970 : i32 to index
        %parallel_loop3A_974 = tpu.vector_load %arg7[%parallel_loop3A_972, %parallel_loop3A_973] {strides = array<i32>} : memref<8x2048xf32, #tpu.memory_space<vmem>>, vector<1x16xf32>,
        %parallel_loop3A_975 = vector.shape_cast %parallel_loop3A_974 : vector<1x16xf32> to vector<16xf32>
        %parallel_loop3A_976 = arith.constant 5 : i32
        %parallel_loop3A_977 = arith.index_cast %parallel_loop3A_976 : i32 to index
        %parallel_loop3A_978 = arith.index_cast %parallel_loop3A_970 : i32 to index
        %parallel_loop3A_979 = tpu.vector_load %arg11[%parallel_loop3A_977, %parallel_loop3A_978] {strides = array<i32>} : memref<8x2048xf32, #tpu.memory_space<vmem>>, vector<1x16xf32>,
        %parallel_loop3A_980 = vector.shape_cast %parallel_loop3A_979 : vector<1x16xf32> to vector<16xf32>
        %parallel_loop3A_981 = vector.shape_cast %parallel_loop3A_975 : vector<16xf32> to vector<1x16xf32>
        tpu.vector_store %arg11[%parallel_loop3A_977, %parallel_loop3A_978], %parallel_loop3A_981 {add = true, strides = array<i32>} : memref<8x2048xf32, #tpu.memory_space<vmem>>, vector<1x16xf32>,
      } {sc.loop_unroll_factor = 8 : i64, sc.parallel_access}
      %parallel_loop3A_348 = arith.constant 0 : i32
      %parallel_loop3A_349 = arith.constant 128 : i32
      %parallel_loop3A_350 = arith.constant 1 : i32
      scf.for %parallel_loop3A_968 = %parallel_loop3A_348 to %parallel_loop3A_349 step %parallel_loop3A_350  : i32 {
        %parallel_loop3A_969 = arith.constant 16 : i32
        %parallel_loop3A_970 = arith.muli %parallel_loop3A_968, %parallel_loop3A_969 : i32
        %parallel_loop3A_971 = arith.constant 6 : i32
        %parallel_loop3A_972 = arith.index_cast %parallel_loop3A_971 : i32 to index
        %parallel_loop3A_973 = arith.index_cast %parallel_loop3A_970 : i32 to index
        %parallel_loop3A_974 = tpu.vector_load %arg7[%parallel_loop3A_972, %parallel_loop3A_973] {strides = array<i32>} : memref<8x2048xf32, #tpu.memory_space<vmem>>, vector<1x16xf32>,
        %parallel_loop3A_975 = vector.shape_cast %parallel_loop3A_974 : vector<1x16xf32> to vector<16xf32>
        %parallel_loop3A_976 = arith.constant 6 : i32
        %parallel_loop3A_977 = arith.index_cast %parallel_loop3A_976 : i32 to index
        %parallel_loop3A_978 = arith.index_cast %parallel_loop3A_970 : i32 to index
        %parallel_loop3A_979 = tpu.vector_load %arg11[%parallel_loop3A_977, %parallel_loop3A_978] {strides = array<i32>} : memref<8x2048xf32, #tpu.memory_space<vmem>>, vector<1x16xf32>,
        %parallel_loop3A_980 = vector.shape_cast %parallel_loop3A_979 : vector<1x16xf32> to vector<16xf32>
        %parallel_loop3A_981 = vector.shape_cast %parallel_loop3A_975 : vector<16xf32> to vector<1x16xf32>
        tpu.vector_store %arg11[%parallel_loop3A_977, %parallel_loop3A_978], %parallel_loop3A_981 {add = true, strides = array<i32>} : memref<8x2048xf32, #tpu.memory_space<vmem>>, vector<1x16xf32>,
      } {sc.loop_unroll_factor = 8 : i64, sc.parallel_access}
      %parallel_loop3A_351 = arith.constant 0 : i32
      %parallel_loop3A_352 = arith.constant 128 : i32
      %parallel_loop3A_353 = arith.constant 1 : i32
      scf.for %parallel_loop3A_968 = %parallel_loop3A_351 to %parallel_loop3A_352 step %parallel_loop3A_353  : i32 {
        %parallel_loop3A_969 = arith.constant 16 : i32
        %parallel_loop3A_970 = arith.muli %parallel_loop3A_968, %parallel_loop3A_969 : i32
        %parallel_loop3A_971 = arith.constant 7 : i32
        %parallel_loop3A_972 = arith.index_cast %parallel_loop3A_971 : i32 to index
        %parallel_loop3A_973 = arith.index_cast %parallel_loop3A_970 : i32 to index
        %parallel_loop3A_974 = tpu.vector_load %arg7[%parallel_loop3A_972, %parallel_loop3A_973] {strides = array<i32>} : memref<8x2048xf32, #tpu.memory_space<vmem>>, vector<1x16xf32>,
        %parallel_loop3A_975 = vector.shape_cast %parallel_loop3A_974 : vector<1x16xf32> to vector<16xf32>
        %parallel_loop3A_976 = arith.constant 7 : i32
        %parallel_loop3A_977 = arith.index_cast %parallel_loop3A_976 : i32 to index
        %parallel_loop3A_978 = arith.index_cast %parallel_loop3A_970 : i32 to index
        %parallel_loop3A_979 = tpu.vector_load %arg11[%parallel_loop3A_977, %parallel_loop3A_978] {strides = array<i32>} : memref<8x2048xf32, #tpu.memory_space<vmem>>, vector<1x16xf32>,
        %parallel_loop3A_980 = vector.shape_cast %parallel_loop3A_979 : vector<1x16xf32> to vector<16xf32>
        %parallel_loop3A_981 = vector.shape_cast %parallel_loop3A_975 : vector<16xf32> to vector<1x16xf32>
        tpu.vector_store %arg11[%parallel_loop3A_977, %parallel_loop3A_978], %parallel_loop3A_981 {add = true, strides = array<i32>} : memref<8x2048xf32, #tpu.memory_space<vmem>>, vector<1x16xf32>,
      } {sc.loop_unroll_factor = 8 : i64, sc.parallel_access}
      %rem3A_354 = arith.constant 4 : i32
      %rem3A_355 = arith.remsi %add3A_294, %rem3A_354 : i32
      %mul3A_356 = arith.constant 4096 : i32
      %mul3A_357 = arith.muli %rem3A_355, %mul3A_356 : i32
      %add3A_358 = arith.addi %mul3A_357, %mul3A_2 : i32
      %jit3A_359 = arith.constant 4 : i32
      %div3A_360 = arith.divsi %add3A_294, %jit3A_359 : i32
      %sign3A_361 = arith.constant 0 : i32
      %sign3A_362 = arith.cmpi sgt, %add3A_294, %sign3A_361 : i32
      %sign3A_363 = arith.extui %sign3A_362 : i1 to i32
      %sign3A_364 = arith.constant 0 : i32
      %sign3A_365 = arith.cmpi slt, %add3A_294, %sign3A_364 : i32
      %sign3A_366 = arith.extui %sign3A_365 : i1 to i32
      %sign3A_367 = arith.subi %sign3A_363, %sign3A_366 : i32
      %sign3A_368 = arith.constant 0 : i32
      %sign3A_369 = arith.cmpi sgt, %jit3A_359, %sign3A_368 : i32
      %sign3A_370 = arith.extui %sign3A_369 : i1 to i32
      %sign3A_371 = arith.constant 0 : i32
      %sign3A_372 = arith.cmpi slt, %jit3A_359, %sign3A_371 : i32
      %sign3A_373 = arith.extui %sign3A_372 : i1 to i32
      %sign3A_374 = arith.subi %sign3A_370, %sign3A_373 : i32
      %ne3A_375 = arith.cmpi ne, %sign3A_367, %sign3A_374 : i32
      %rem3A_376 = arith.remsi %add3A_294, %jit3A_359 : i32
      %ne3A_377 = arith.constant 0 : i32
      %ne3A_378 = arith.cmpi ne, %rem3A_376, %ne3A_377 : i32
      %and3A_379 = arith.andi %ne3A_375, %ne3A_378 : i1
      %sub3A_380 = arith.constant 1 : i32
      %sub3A_381 = arith.subi %div3A_360, %sub3A_380 : i32
      %select_n3A_382 = arith.select %and3A_379, %sub3A_381, %div3A_360 : i32
      %mul3A_383 = arith.constant 8 : i32
      %mul3A_384 = arith.muli %select_n3A_382, %mul3A_383 : i32
      %add3A_385 = arith.addi %add3A_358, %mul3A_384 : i32
      %dma_start3A_386 = arith.constant 0 : i32
      %dma_start3A_387 = tpu.memref_slice %arg5[%add3A_385, %dma_start3A_386] : memref<16384x2048xf32, #tpu.memory_space<hbm>> -> memref<8x2048xf32, #tpu.memory_space<hbm>>
      %dma_start3A_388 = arith.constant 0 : i32
      %dma_start3A_389 = tpu.memref_slice %arg5[%add3A_385, %dma_start3A_388] : memref<16384x2048xf32, #tpu.memory_space<hbm>> -> memref<8x2048xf32, #tpu.memory_space<hbm>>
      tpu.enqueue_dma source(%arg11 : memref<8x2048xf32, #tpu.memory_space<vmem>>) target(%dma_start3A_389 : memref<8x2048xf32, #tpu.memory_space<hbm>>) target_semaphore(%arg21 : memref<!tpu.dma_semaphore, #tpu.memory_space<semaphore_mem>>)
      %ge3A_390 = arith.constant 2 : i32
      %ge3A_391 = arith.cmpi sge, %add3A_294, %ge3A_390 : i32
      %convert_element_type3A_392 = arith.extui %ge3A_391 : i1 to i32
      %cond3A_393 = arith.constant 0 : i32
      %cond3A_394 = arith.cmpi ne, %convert_element_type3A_392, %cond3A_393 : i32
      scf.if %cond3A_394 {
        %sub3A_968 = arith.constant 2 : i32
        %sub3A_969 = arith.subi %add3A_294, %sub3A_968 : i32
        %rem3A_970 = arith.constant 4 : i32
        %rem3A_971 = arith.remsi %sub3A_969, %rem3A_970 : i32
        %mul3A_972 = arith.constant 4096 : i32
        %mul3A_973 = arith.muli %rem3A_971, %mul3A_972 : i32
        %add3A_974 = arith.addi %mul3A_973, %mul3A_2 : i32
        %jit3A_975 = arith.constant 4 : i32
        %div3A_976 = arith.divsi %sub3A_969, %jit3A_975 : i32
        %sign3A_977 = arith.constant 0 : i32
        %sign3A_978 = arith.cmpi sgt, %sub3A_969, %sign3A_977 : i32
        %sign3A_979 = arith.extui %sign3A_978 : i1 to i32
        %sign3A_980 = arith.constant 0 : i32
        %sign3A_981 = arith.cmpi slt, %sub3A_969, %sign3A_980 : i32
        %sign3A_982 = arith.extui %sign3A_981 : i1 to i32
        %sign3A_983 = arith.subi %sign3A_979, %sign3A_982 : i32
        %sign3A_984 = arith.constant 0 : i32
        %sign3A_985 = arith.cmpi sgt, %jit3A_975, %sign3A_984 : i32
        %sign3A_986 = arith.extui %sign3A_985 : i1 to i32
        %sign3A_987 = arith.constant 0 : i32
        %sign3A_988 = arith.cmpi slt, %jit3A_975, %sign3A_987 : i32
        %sign3A_989 = arith.extui %sign3A_988 : i1 to i32
        %sign3A_990 = arith.subi %sign3A_986, %sign3A_989 : i32
        %ne3A_991 = arith.cmpi ne, %sign3A_983, %sign3A_990 : i32
        %rem3A_992 = arith.remsi %sub3A_969, %jit3A_975 : i32
        %ne3A_993 = arith.constant 0 : i32
        %ne3A_994 = arith.cmpi ne, %rem3A_992, %ne3A_993 : i32
        %and3A_995 = arith.andi %ne3A_991, %ne3A_994 : i1
        %sub3A_996 = arith.constant 1 : i32
        %sub3A_997 = arith.subi %div3A_976, %sub3A_996 : i32
        %select_n3A_998 = arith.select %and3A_995, %sub3A_997, %div3A_976 : i32
        %mul3A_999 = arith.constant 8 : i32
        %mul3A_1000 = arith.muli %select_n3A_998, %mul3A_999 : i32
        %add3A_1001 = arith.addi %add3A_974, %mul3A_1000 : i32
        %dma_wait3A_1002 = arith.constant 0 : i32
        %dma_wait3A_1003 = tpu.memref_slice %arg5[%add3A_1001, %dma_wait3A_1002] : memref<16384x2048xf32, #tpu.memory_space<hbm>> -> memref<8x2048xf32, #tpu.memory_space<hbm>>
        %dma_wait3A_1004 = arith.constant 0 : i32
        %dma_wait3A_1005 = tpu.memref_slice %arg5[%add3A_1001, %dma_wait3A_1004] : memref<16384x2048xf32, #tpu.memory_space<hbm>> -> memref<8x2048xf32, #tpu.memory_space<hbm>>
        tpu.wait_dma2 semaphore(%arg19 : memref<!tpu.dma_semaphore, #tpu.memory_space<semaphore_mem>>) src(%arg9 : memref<8x2048xf32, #tpu.memory_space<vmem>>) dst(%dma_wait3A_1005 : memref<8x2048xf32, #tpu.memory_space<hbm>>)
      } else {
      }
      %add3A_395 = arith.constant 2 : i32
      %add3A_396 = arith.addi %add3A_294, %add3A_395 : i32
      %lt3A_397 = arith.constant 64 : i32
      %lt3A_398 = arith.cmpi slt, %add3A_396, %lt3A_397 : i32
      %convert_element_type3A_399 = arith.extui %lt3A_398 : i1 to i32
      %cond3A_400 = arith.constant 0 : i32
      %cond3A_401 = arith.cmpi ne, %convert_element_type3A_399, %cond3A_400 : i32
      scf.if %cond3A_401 {
        %add3A_968 = arith.constant 2 : i32
        %add3A_969 = arith.addi %add3A_294, %add3A_968 : i32
        %rem3A_970 = arith.constant 4 : i32
        %rem3A_971 = arith.remsi %add3A_969, %rem3A_970 : i32
        %mul3A_972 = arith.constant 128 : i32
        %mul3A_973 = arith.muli %rem3A_971, %mul3A_972 : i32
        %jit3A_974 = arith.constant 4 : i32
        %div3A_975 = arith.divsi %add3A_969, %jit3A_974 : i32
        %sign3A_976 = arith.constant 0 : i32
        %sign3A_977 = arith.cmpi sgt, %add3A_969, %sign3A_976 : i32
        %sign3A_978 = arith.extui %sign3A_977 : i1 to i32
        %sign3A_979 = arith.constant 0 : i32
        %sign3A_980 = arith.cmpi slt, %add3A_969, %sign3A_979 : i32
        %sign3A_981 = arith.extui %sign3A_980 : i1 to i32
        %sign3A_982 = arith.subi %sign3A_978, %sign3A_981 : i32
        %sign3A_983 = arith.constant 0 : i32
        %sign3A_984 = arith.cmpi sgt, %jit3A_974, %sign3A_983 : i32
        %sign3A_985 = arith.extui %sign3A_984 : i1 to i32
        %sign3A_986 = arith.constant 0 : i32
        %sign3A_987 = arith.cmpi slt, %jit3A_974, %sign3A_986 : i32
        %sign3A_988 = arith.extui %sign3A_987 : i1 to i32
        %sign3A_989 = arith.subi %sign3A_985, %sign3A_988 : i32
        %ne3A_990 = arith.cmpi ne, %sign3A_982, %sign3A_989 : i32
        %rem3A_991 = arith.remsi %add3A_969, %jit3A_974 : i32
        %ne3A_992 = arith.constant 0 : i32
        %ne3A_993 = arith.cmpi ne, %rem3A_991, %ne3A_992 : i32
        %and3A_994 = arith.andi %ne3A_990, %ne3A_993 : i1
        %sub3A_995 = arith.constant 1 : i32
        %sub3A_996 = arith.subi %div3A_975, %sub3A_995 : i32
        %select_n3A_997 = arith.select %and3A_994, %sub3A_996, %div3A_975 : i32
        %mul3A_998 = arith.constant 8 : i32
        %mul3A_999 = arith.muli %select_n3A_997, %mul3A_998 : i32
        %add3A_1000 = arith.addi %mul3A_973, %mul3A_999 : i32
        %dma_start3A_1001 = tpu.memref_slice %arg6[%add3A_1000] : memref<512xi32, #tpu.memory_space<vmem>> -> memref<8xi32, #tpu.memory_space<vmem>>
        %dma_start3A_1002 = arith.constant 0 : i32
        %dma_start3A_1003 = arith.constant 0 : i32
        %dma_start3A_1004 = tpu.memref_slice %arg4[%dma_start3A_1002, %dma_start3A_1003] : memref<100000x2048xf32, #tpu.memory_space<hbm>> -> memref<100000x2048xf32, #tpu.memory_space<hbm>>
        tpu.enqueue_indirect_dma source(%dma_start3A_1004 : memref<100000x2048xf32, #tpu.memory_space<hbm>>) target(%arg9 : memref<8x2048xf32, #tpu.memory_space<vmem>>) offsets(%dma_start3A_1001 : memref<8xi32, #tpu.memory_space<vmem>>) semaphore(%arg15 : memref<!tpu.dma_semaphore, #tpu.memory_space<semaphore_mem>>)
      } else {
      }
      %add3A_402 = arith.constant 3 : i32
      %add3A_403 = arith.addi %mul3A_73, %add3A_402 : i32
      %rem3A_404 = arith.constant 4 : i32
      %rem3A_405 = arith.remsi %add3A_403, %rem3A_404 : i32
      %mul3A_406 = arith.constant 128 : i32
      %mul3A_407 = arith.muli %rem3A_405, %mul3A_406 : i32
      %jit3A_408 = arith.constant 4 : i32
      %div3A_409 = arith.divsi %add3A_403, %jit3A_408 : i32
      %sign3A_410 = arith.constant 0 : i32
      %sign3A_411 = arith.cmpi sgt, %add3A_403, %sign3A_410 : i32
      %sign3A_412 = arith.extui %sign3A_411 : i1 to i32
      %sign3A_413 = arith.constant 0 : i32
      %sign3A_414 = arith.cmpi slt, %add3A_403, %sign3A_413 : i32
      %sign3A_415 = arith.extui %sign3A_414 : i1 to i32
      %sign3A_416 = arith.subi %sign3A_412, %sign3A_415 : i32
      %sign3A_417 = arith.constant 0 : i32
      %sign3A_418 = arith.cmpi sgt, %jit3A_408, %sign3A_417 : i32
      %sign3A_419 = arith.extui %sign3A_418 : i1 to i32
      %sign3A_420 = arith.constant 0 : i32
      %sign3A_421 = arith.cmpi slt, %jit3A_408, %sign3A_420 : i32
      %sign3A_422 = arith.extui %sign3A_421 : i1 to i32
      %sign3A_423 = arith.subi %sign3A_419, %sign3A_422 : i32
      %ne3A_424 = arith.cmpi ne, %sign3A_416, %sign3A_423 : i32
      %rem3A_425 = arith.remsi %add3A_403, %jit3A_408 : i32
      %ne3A_426 = arith.constant 0 : i32
      %ne3A_427 = arith.cmpi ne, %rem3A_425, %ne3A_426 : i32
      %and3A_428 = arith.andi %ne3A_424, %ne3A_427 : i1
      %sub3A_429 = arith.constant 1 : i32
      %sub3A_430 = arith.subi %div3A_409, %sub3A_429 : i32
      %select_n3A_431 = arith.select %and3A_428, %sub3A_430, %div3A_409 : i32
      %mul3A_432 = arith.constant 8 : i32
      %mul3A_433 = arith.muli %select_n3A_431, %mul3A_432 : i32
      %add3A_434 = arith.addi %mul3A_407, %mul3A_433 : i32
      %dma_wait3A_435 = tpu.memref_slice %arg6[%add3A_434] : memref<512xi32, #tpu.memory_space<vmem>> -> memref<8xi32, #tpu.memory_space<vmem>>
      %dma_wait3A_436 = arith.constant 0 : i32
      %dma_wait3A_437 = arith.constant 0 : i32
      %dma_wait3A_438 = tpu.memref_slice %arg4[%dma_wait3A_436, %dma_wait3A_437] : memref<100000x2048xf32, #tpu.memory_space<hbm>> -> memref<100000x2048xf32, #tpu.memory_space<hbm>>
      tpu.wait_indirect_dma semaphore(%arg18 : memref<!tpu.dma_semaphore, #tpu.memory_space<semaphore_mem>>) src(%dma_wait3A_438 : memref<100000x2048xf32, #tpu.memory_space<hbm>>) dst(%arg12 : memref<8x2048xf32, #tpu.memory_space<vmem>>)
      %parallel_loop3A_439 = arith.constant 0 : i32
      %parallel_loop3A_440 = arith.constant 128 : i32
      %parallel_loop3A_441 = arith.constant 1 : i32
      scf.for %parallel_loop3A_968 = %parallel_loop3A_439 to %parallel_loop3A_440 step %parallel_loop3A_441  : i32 {
        %parallel_loop3A_969 = arith.constant 16 : i32
        %parallel_loop3A_970 = arith.muli %parallel_loop3A_968, %parallel_loop3A_969 : i32
        %parallel_loop3A_971 = arith.constant 0 : i32
        %parallel_loop3A_972 = arith.index_cast %parallel_loop3A_971 : i32 to index
        %parallel_loop3A_973 = arith.index_cast %parallel_loop3A_970 : i32 to index
        %parallel_loop3A_974 = tpu.vector_load %arg7[%parallel_loop3A_972, %parallel_loop3A_973] {strides = array<i32>} : memref<8x2048xf32, #tpu.memory_space<vmem>>, vector<1x16xf32>,
        %parallel_loop3A_975 = vector.shape_cast %parallel_loop3A_974 : vector<1x16xf32> to vector<16xf32>
        %parallel_loop3A_976 = arith.constant 0 : i32
        %parallel_loop3A_977 = arith.index_cast %parallel_loop3A_976 : i32 to index
        %parallel_loop3A_978 = arith.index_cast %parallel_loop3A_970 : i32 to index
        %parallel_loop3A_979 = tpu.vector_load %arg12[%parallel_loop3A_977, %parallel_loop3A_978] {strides = array<i32>} : memref<8x2048xf32, #tpu.memory_space<vmem>>, vector<1x16xf32>,
        %parallel_loop3A_980 = vector.shape_cast %parallel_loop3A_979 : vector<1x16xf32> to vector<16xf32>
        %parallel_loop3A_981 = vector.shape_cast %parallel_loop3A_975 : vector<16xf32> to vector<1x16xf32>
        tpu.vector_store %arg12[%parallel_loop3A_977, %parallel_loop3A_978], %parallel_loop3A_981 {add = true, strides = array<i32>} : memref<8x2048xf32, #tpu.memory_space<vmem>>, vector<1x16xf32>,
      } {sc.loop_unroll_factor = 8 : i64, sc.parallel_access}
      %parallel_loop3A_442 = arith.constant 0 : i32
      %parallel_loop3A_443 = arith.constant 128 : i32
      %parallel_loop3A_444 = arith.constant 1 : i32
      scf.for %parallel_loop3A_968 = %parallel_loop3A_442 to %parallel_loop3A_443 step %parallel_loop3A_444  : i32 {
        %parallel_loop3A_969 = arith.constant 16 : i32
        %parallel_loop3A_970 = arith.muli %parallel_loop3A_968, %parallel_loop3A_969 : i32
        %parallel_loop3A_971 = arith.constant 1 : i32
        %parallel_loop3A_972 = arith.index_cast %parallel_loop3A_971 : i32 to index
        %parallel_loop3A_973 = arith.index_cast %parallel_loop3A_970 : i32 to index
        %parallel_loop3A_974 = tpu.vector_load %arg7[%parallel_loop3A_972, %parallel_loop3A_973] {strides = array<i32>} : memref<8x2048xf32, #tpu.memory_space<vmem>>, vector<1x16xf32>,
        %parallel_loop3A_975 = vector.shape_cast %parallel_loop3A_974 : vector<1x16xf32> to vector<16xf32>
        %parallel_loop3A_976 = arith.constant 1 : i32
        %parallel_loop3A_977 = arith.index_cast %parallel_loop3A_976 : i32 to index
        %parallel_loop3A_978 = arith.index_cast %parallel_loop3A_970 : i32 to index
        %parallel_loop3A_979 = tpu.vector_load %arg12[%parallel_loop3A_977, %parallel_loop3A_978] {strides = array<i32>} : memref<8x2048xf32, #tpu.memory_space<vmem>>, vector<1x16xf32>,
        %parallel_loop3A_980 = vector.shape_cast %parallel_loop3A_979 : vector<1x16xf32> to vector<16xf32>
        %parallel_loop3A_981 = vector.shape_cast %parallel_loop3A_975 : vector<16xf32> to vector<1x16xf32>
        tpu.vector_store %arg12[%parallel_loop3A_977, %parallel_loop3A_978], %parallel_loop3A_981 {add = true, strides = array<i32>} : memref<8x2048xf32, #tpu.memory_space<vmem>>, vector<1x16xf32>,
      } {sc.loop_unroll_factor = 8 : i64, sc.parallel_access}
      %parallel_loop3A_445 = arith.constant 0 : i32
      %parallel_loop3A_446 = arith.constant 128 : i32
      %parallel_loop3A_447 = arith.constant 1 : i32
      scf.for %parallel_loop3A_968 = %parallel_loop3A_445 to %parallel_loop3A_446 step %parallel_loop3A_447  : i32 {
        %parallel_loop3A_969 = arith.constant 16 : i32
        %parallel_loop3A_970 = arith.muli %parallel_loop3A_968, %parallel_loop3A_969 : i32
        %parallel_loop3A_971 = arith.constant 2 : i32
        %parallel_loop3A_972 = arith.index_cast %parallel_loop3A_971 : i32 to index
        %parallel_loop3A_973 = arith.index_cast %parallel_loop3A_970 : i32 to index
        %parallel_loop3A_974 = tpu.vector_load %arg7[%parallel_loop3A_972, %parallel_loop3A_973] {strides = array<i32>} : memref<8x2048xf32, #tpu.memory_space<vmem>>, vector<1x16xf32>,
        %parallel_loop3A_975 = vector.shape_cast %parallel_loop3A_974 : vector<1x16xf32> to vector<16xf32>
        %parallel_loop3A_976 = arith.constant 2 : i32
        %parallel_loop3A_977 = arith.index_cast %parallel_loop3A_976 : i32 to index
        %parallel_loop3A_978 = arith.index_cast %parallel_loop3A_970 : i32 to index
        %parallel_loop3A_979 = tpu.vector_load %arg12[%parallel_loop3A_977, %parallel_loop3A_978] {strides = array<i32>} : memref<8x2048xf32, #tpu.memory_space<vmem>>, vector<1x16xf32>,
        %parallel_loop3A_980 = vector.shape_cast %parallel_loop3A_979 : vector<1x16xf32> to vector<16xf32>
        %parallel_loop3A_981 = vector.shape_cast %parallel_loop3A_975 : vector<16xf32> to vector<1x16xf32>
        tpu.vector_store %arg12[%parallel_loop3A_977, %parallel_loop3A_978], %parallel_loop3A_981 {add = true, strides = array<i32>} : memref<8x2048xf32, #tpu.memory_space<vmem>>, vector<1x16xf32>,
      } {sc.loop_unroll_factor = 8 : i64, sc.parallel_access}
      %parallel_loop3A_448 = arith.constant 0 : i32
      %parallel_loop3A_449 = arith.constant 128 : i32
      %parallel_loop3A_450 = arith.constant 1 : i32
      scf.for %parallel_loop3A_968 = %parallel_loop3A_448 to %parallel_loop3A_449 step %parallel_loop3A_450  : i32 {
        %parallel_loop3A_969 = arith.constant 16 : i32
        %parallel_loop3A_970 = arith.muli %parallel_loop3A_968, %parallel_loop3A_969 : i32
        %parallel_loop3A_971 = arith.constant 3 : i32
        %parallel_loop3A_972 = arith.index_cast %parallel_loop3A_971 : i32 to index
        %parallel_loop3A_973 = arith.index_cast %parallel_loop3A_970 : i32 to index
        %parallel_loop3A_974 = tpu.vector_load %arg7[%parallel_loop3A_972, %parallel_loop3A_973] {strides = array<i32>} : memref<8x2048xf32, #tpu.memory_space<vmem>>, vector<1x16xf32>,
        %parallel_loop3A_975 = vector.shape_cast %parallel_loop3A_974 : vector<1x16xf32> to vector<16xf32>
        %parallel_loop3A_976 = arith.constant 3 : i32
        %parallel_loop3A_977 = arith.index_cast %parallel_loop3A_976 : i32 to index
        %parallel_loop3A_978 = arith.index_cast %parallel_loop3A_970 : i32 to index
        %parallel_loop3A_979 = tpu.vector_load %arg12[%parallel_loop3A_977, %parallel_loop3A_978] {strides = array<i32>} : memref<8x2048xf32, #tpu.memory_space<vmem>>, vector<1x16xf32>,
        %parallel_loop3A_980 = vector.shape_cast %parallel_loop3A_979 : vector<1x16xf32> to vector<16xf32>
        %parallel_loop3A_981 = vector.shape_cast %parallel_loop3A_975 : vector<16xf32> to vector<1x16xf32>
        tpu.vector_store %arg12[%parallel_loop3A_977, %parallel_loop3A_978], %parallel_loop3A_981 {add = true, strides = array<i32>} : memref<8x2048xf32, #tpu.memory_space<vmem>>, vector<1x16xf32>,
      } {sc.loop_unroll_factor = 8 : i64, sc.parallel_access}
      %parallel_loop3A_451 = arith.constant 0 : i32
      %parallel_loop3A_452 = arith.constant 128 : i32
      %parallel_loop3A_453 = arith.constant 1 : i32
      scf.for %parallel_loop3A_968 = %parallel_loop3A_451 to %parallel_loop3A_452 step %parallel_loop3A_453  : i32 {
        %parallel_loop3A_969 = arith.constant 16 : i32
        %parallel_loop3A_970 = arith.muli %parallel_loop3A_968, %parallel_loop3A_969 : i32
        %parallel_loop3A_971 = arith.constant 4 : i32
        %parallel_loop3A_972 = arith.index_cast %parallel_loop3A_971 : i32 to index
        %parallel_loop3A_973 = arith.index_cast %parallel_loop3A_970 : i32 to index
        %parallel_loop3A_974 = tpu.vector_load %arg7[%parallel_loop3A_972, %parallel_loop3A_973] {strides = array<i32>} : memref<8x2048xf32, #tpu.memory_space<vmem>>, vector<1x16xf32>,
        %parallel_loop3A_975 = vector.shape_cast %parallel_loop3A_974 : vector<1x16xf32> to vector<16xf32>
        %parallel_loop3A_976 = arith.constant 4 : i32
        %parallel_loop3A_977 = arith.index_cast %parallel_loop3A_976 : i32 to index
        %parallel_loop3A_978 = arith.index_cast %parallel_loop3A_970 : i32 to index
        %parallel_loop3A_979 = tpu.vector_load %arg12[%parallel_loop3A_977, %parallel_loop3A_978] {strides = array<i32>} : memref<8x2048xf32, #tpu.memory_space<vmem>>, vector<1x16xf32>,
        %parallel_loop3A_980 = vector.shape_cast %parallel_loop3A_979 : vector<1x16xf32> to vector<16xf32>
        %parallel_loop3A_981 = vector.shape_cast %parallel_loop3A_975 : vector<16xf32> to vector<1x16xf32>
        tpu.vector_store %arg12[%parallel_loop3A_977, %parallel_loop3A_978], %parallel_loop3A_981 {add = true, strides = array<i32>} : memref<8x2048xf32, #tpu.memory_space<vmem>>, vector<1x16xf32>,
      } {sc.loop_unroll_factor = 8 : i64, sc.parallel_access}
      %parallel_loop3A_454 = arith.constant 0 : i32
      %parallel_loop3A_455 = arith.constant 128 : i32
      %parallel_loop3A_456 = arith.constant 1 : i32
      scf.for %parallel_loop3A_968 = %parallel_loop3A_454 to %parallel_loop3A_455 step %parallel_loop3A_456  : i32 {
        %parallel_loop3A_969 = arith.constant 16 : i32
        %parallel_loop3A_970 = arith.muli %parallel_loop3A_968, %parallel_loop3A_969 : i32
        %parallel_loop3A_971 = arith.constant 5 : i32
        %parallel_loop3A_972 = arith.index_cast %parallel_loop3A_971 : i32 to index
        %parallel_loop3A_973 = arith.index_cast %parallel_loop3A_970 : i32 to index
        %parallel_loop3A_974 = tpu.vector_load %arg7[%parallel_loop3A_972, %parallel_loop3A_973] {strides = array<i32>} : memref<8x2048xf32, #tpu.memory_space<vmem>>, vector<1x16xf32>,
        %parallel_loop3A_975 = vector.shape_cast %parallel_loop3A_974 : vector<1x16xf32> to vector<16xf32>
        %parallel_loop3A_976 = arith.constant 5 : i32
        %parallel_loop3A_977 = arith.index_cast %parallel_loop3A_976 : i32 to index
        %parallel_loop3A_978 = arith.index_cast %parallel_loop3A_970 : i32 to index
        %parallel_loop3A_979 = tpu.vector_load %arg12[%parallel_loop3A_977, %parallel_loop3A_978] {strides = array<i32>} : memref<8x2048xf32, #tpu.memory_space<vmem>>, vector<1x16xf32>,
        %parallel_loop3A_980 = vector.shape_cast %parallel_loop3A_979 : vector<1x16xf32> to vector<16xf32>
        %parallel_loop3A_981 = vector.shape_cast %parallel_loop3A_975 : vector<16xf32> to vector<1x16xf32>
        tpu.vector_store %arg12[%parallel_loop3A_977, %parallel_loop3A_978], %parallel_loop3A_981 {add = true, strides = array<i32>} : memref<8x2048xf32, #tpu.memory_space<vmem>>, vector<1x16xf32>,
      } {sc.loop_unroll_factor = 8 : i64, sc.parallel_access}
      %parallel_loop3A_457 = arith.constant 0 : i32
      %parallel_loop3A_458 = arith.constant 128 : i32
      %parallel_loop3A_459 = arith.constant 1 : i32
      scf.for %parallel_loop3A_968 = %parallel_loop3A_457 to %parallel_loop3A_458 step %parallel_loop3A_459  : i32 {
        %parallel_loop3A_969 = arith.constant 16 : i32
        %parallel_loop3A_970 = arith.muli %parallel_loop3A_968, %parallel_loop3A_969 : i32
        %parallel_loop3A_971 = arith.constant 6 : i32
        %parallel_loop3A_972 = arith.index_cast %parallel_loop3A_971 : i32 to index
        %parallel_loop3A_973 = arith.index_cast %parallel_loop3A_970 : i32 to index
        %parallel_loop3A_974 = tpu.vector_load %arg7[%parallel_loop3A_972, %parallel_loop3A_973] {strides = array<i32>} : memref<8x2048xf32, #tpu.memory_space<vmem>>, vector<1x16xf32>,
        %parallel_loop3A_975 = vector.shape_cast %parallel_loop3A_974 : vector<1x16xf32> to vector<16xf32>
        %parallel_loop3A_976 = arith.constant 6 : i32
        %parallel_loop3A_977 = arith.index_cast %parallel_loop3A_976 : i32 to index
        %parallel_loop3A_978 = arith.index_cast %parallel_loop3A_970 : i32 to index
        %parallel_loop3A_979 = tpu.vector_load %arg12[%parallel_loop3A_977, %parallel_loop3A_978] {strides = array<i32>} : memref<8x2048xf32, #tpu.memory_space<vmem>>, vector<1x16xf32>,
        %parallel_loop3A_980 = vector.shape_cast %parallel_loop3A_979 : vector<1x16xf32> to vector<16xf32>
        %parallel_loop3A_981 = vector.shape_cast %parallel_loop3A_975 : vector<16xf32> to vector<1x16xf32>
        tpu.vector_store %arg12[%parallel_loop3A_977, %parallel_loop3A_978], %parallel_loop3A_981 {add = true, strides = array<i32>} : memref<8x2048xf32, #tpu.memory_space<vmem>>, vector<1x16xf32>,
      } {sc.loop_unroll_factor = 8 : i64, sc.parallel_access}
      %parallel_loop3A_460 = arith.constant 0 : i32
      %parallel_loop3A_461 = arith.constant 128 : i32
      %parallel_loop3A_462 = arith.constant 1 : i32
      scf.for %parallel_loop3A_968 = %parallel_loop3A_460 to %parallel_loop3A_461 step %parallel_loop3A_462  : i32 {
        %parallel_loop3A_969 = arith.constant 16 : i32
        %parallel_loop3A_970 = arith.muli %parallel_loop3A_968, %parallel_loop3A_969 : i32
        %parallel_loop3A_971 = arith.constant 7 : i32
        %parallel_loop3A_972 = arith.index_cast %parallel_loop3A_971 : i32 to index
        %parallel_loop3A_973 = arith.index_cast %parallel_loop3A_970 : i32 to index
        %parallel_loop3A_974 = tpu.vector_load %arg7[%parallel_loop3A_972, %parallel_loop3A_973] {strides = array<i32>} : memref<8x2048xf32, #tpu.memory_space<vmem>>, vector<1x16xf32>,
        %parallel_loop3A_975 = vector.shape_cast %parallel_loop3A_974 : vector<1x16xf32> to vector<16xf32>
        %parallel_loop3A_976 = arith.constant 7 : i32
        %parallel_loop3A_977 = arith.index_cast %parallel_loop3A_976 : i32 to index
        %parallel_loop3A_978 = arith.index_cast %parallel_loop3A_970 : i32 to index
        %parallel_loop3A_979 = tpu.vector_load %arg12[%parallel_loop3A_977, %parallel_loop3A_978] {strides = array<i32>} : memref<8x2048xf32, #tpu.memory_space<vmem>>, vector<1x16xf32>,
        %parallel_loop3A_980 = vector.shape_cast %parallel_loop3A_979 : vector<1x16xf32> to vector<16xf32>
        %parallel_loop3A_981 = vector.shape_cast %parallel_loop3A_975 : vector<16xf32> to vector<1x16xf32>
        tpu.vector_store %arg12[%parallel_loop3A_977, %parallel_loop3A_978], %parallel_loop3A_981 {add = true, strides = array<i32>} : memref<8x2048xf32, #tpu.memory_space<vmem>>, vector<1x16xf32>,
      } {sc.loop_unroll_factor = 8 : i64, sc.parallel_access}
      %rem3A_463 = arith.constant 4 : i32
      %rem3A_464 = arith.remsi %add3A_403, %rem3A_463 : i32
      %mul3A_465 = arith.constant 4096 : i32
      %mul3A_466 = arith.muli %rem3A_464, %mul3A_465 : i32
      %add3A_467 = arith.addi %mul3A_466, %mul3A_2 : i32
      %jit3A_468 = arith.constant 4 : i32
      %div3A_469 = arith.divsi %add3A_403, %jit3A_468 : i32
      %sign3A_470 = arith.constant 0 : i32
      %sign3A_471 = arith.cmpi sgt, %add3A_403, %sign3A_470 : i32
      %sign3A_472 = arith.extui %sign3A_471 : i1 to i32
      %sign3A_473 = arith.constant 0 : i32
      %sign3A_474 = arith.cmpi slt, %add3A_403, %sign3A_473 : i32
      %sign3A_475 = arith.extui %sign3A_474 : i1 to i32
      %sign3A_476 = arith.subi %sign3A_472, %sign3A_475 : i32
      %sign3A_477 = arith.constant 0 : i32
      %sign3A_478 = arith.cmpi sgt, %jit3A_468, %sign3A_477 : i32
      %sign3A_479 = arith.extui %sign3A_478 : i1 to i32
      %sign3A_480 = arith.constant 0 : i32
      %sign3A_481 = arith.cmpi slt, %jit3A_468, %sign3A_480 : i32
      %sign3A_482 = arith.extui %sign3A_481 : i1 to i32
      %sign3A_483 = arith.subi %sign3A_479, %sign3A_482 : i32
      %ne3A_484 = arith.cmpi ne, %sign3A_476, %sign3A_483 : i32
      %rem3A_485 = arith.remsi %add3A_403, %jit3A_468 : i32
      %ne3A_486 = arith.constant 0 : i32
      %ne3A_487 = arith.cmpi ne, %rem3A_485, %ne3A_486 : i32
      %and3A_488 = arith.andi %ne3A_484, %ne3A_487 : i1
      %sub3A_489 = arith.constant 1 : i32
      %sub3A_490 = arith.subi %div3A_469, %sub3A_489 : i32
      %select_n3A_491 = arith.select %and3A_488, %sub3A_490, %div3A_469 : i32
      %mul3A_492 = arith.constant 8 : i32
      %mul3A_493 = arith.muli %select_n3A_491, %mul3A_492 : i32
      %add3A_494 = arith.addi %add3A_467, %mul3A_493 : i32
      %dma_start3A_495 = arith.constant 0 : i32
      %dma_start3A_496 = tpu.memref_slice %arg5[%add3A_494, %dma_start3A_495] : memref<16384x2048xf32, #tpu.memory_space<hbm>> -> memref<8x2048xf32, #tpu.memory_space<hbm>>
      %dma_start3A_497 = arith.constant 0 : i32
      %dma_start3A_498 = tpu.memref_slice %arg5[%add3A_494, %dma_start3A_497] : memref<16384x2048xf32, #tpu.memory_space<hbm>> -> memref<8x2048xf32, #tpu.memory_space<hbm>>
      tpu.enqueue_dma source(%arg12 : memref<8x2048xf32, #tpu.memory_space<vmem>>) target(%dma_start3A_498 : memref<8x2048xf32, #tpu.memory_space<hbm>>) target_semaphore(%arg22 : memref<!tpu.dma_semaphore, #tpu.memory_space<semaphore_mem>>)
      %ge3A_499 = arith.constant 2 : i32
      %ge3A_500 = arith.cmpi sge, %add3A_403, %ge3A_499 : i32
      %convert_element_type3A_501 = arith.extui %ge3A_500 : i1 to i32
      %cond3A_502 = arith.constant 0 : i32
      %cond3A_503 = arith.cmpi ne, %convert_element_type3A_501, %cond3A_502 : i32
      scf.if %cond3A_503 {
        %sub3A_968 = arith.constant 2 : i32
        %sub3A_969 = arith.subi %add3A_403, %sub3A_968 : i32
        %rem3A_970 = arith.constant 4 : i32
        %rem3A_971 = arith.remsi %sub3A_969, %rem3A_970 : i32
        %mul3A_972 = arith.constant 4096 : i32
        %mul3A_973 = arith.muli %rem3A_971, %mul3A_972 : i32
        %add3A_974 = arith.addi %mul3A_973, %mul3A_2 : i32
        %jit3A_975 = arith.constant 4 : i32
        %div3A_976 = arith.divsi %sub3A_969, %jit3A_975 : i32
        %sign3A_977 = arith.constant 0 : i32
        %sign3A_978 = arith.cmpi sgt, %sub3A_969, %sign3A_977 : i32
        %sign3A_979 = arith.extui %sign3A_978 : i1 to i32
        %sign3A_980 = arith.constant 0 : i32
        %sign3A_981 = arith.cmpi slt, %sub3A_969, %sign3A_980 : i32
        %sign3A_982 = arith.extui %sign3A_981 : i1 to i32
        %sign3A_983 = arith.subi %sign3A_979, %sign3A_982 : i32
        %sign3A_984 = arith.constant 0 : i32
        %sign3A_985 = arith.cmpi sgt, %jit3A_975, %sign3A_984 : i32
        %sign3A_986 = arith.extui %sign3A_985 : i1 to i32
        %sign3A_987 = arith.constant 0 : i32
        %sign3A_988 = arith.cmpi slt, %jit3A_975, %sign3A_987 : i32
        %sign3A_989 = arith.extui %sign3A_988 : i1 to i32
        %sign3A_990 = arith.subi %sign3A_986, %sign3A_989 : i32
        %ne3A_991 = arith.cmpi ne, %sign3A_983, %sign3A_990 : i32
        %rem3A_992 = arith.remsi %sub3A_969, %jit3A_975 : i32
        %ne3A_993 = arith.constant 0 : i32
        %ne3A_994 = arith.cmpi ne, %rem3A_992, %ne3A_993 : i32
        %and3A_995 = arith.andi %ne3A_991, %ne3A_994 : i1
        %sub3A_996 = arith.constant 1 : i32
        %sub3A_997 = arith.subi %div3A_976, %sub3A_996 : i32
        %select_n3A_998 = arith.select %and3A_995, %sub3A_997, %div3A_976 : i32
        %mul3A_999 = arith.constant 8 : i32
        %mul3A_1000 = arith.muli %select_n3A_998, %mul3A_999 : i32
        %add3A_1001 = arith.addi %add3A_974, %mul3A_1000 : i32
        %dma_wait3A_1002 = arith.constant 0 : i32
        %dma_wait3A_1003 = tpu.memref_slice %arg5[%add3A_1001, %dma_wait3A_1002] : memref<16384x2048xf32, #tpu.memory_space<hbm>> -> memref<8x2048xf32, #tpu.memory_space<hbm>>
        %dma_wait3A_1004 = arith.constant 0 : i32
        %dma_wait3A_1005 = tpu.memref_slice %arg5[%add3A_1001, %dma_wait3A_1004] : memref<16384x2048xf32, #tpu.memory_space<hbm>> -> memref<8x2048xf32, #tpu.memory_space<hbm>>
        tpu.wait_dma2 semaphore(%arg20 : memref<!tpu.dma_semaphore, #tpu.memory_space<semaphore_mem>>) src(%arg10 : memref<8x2048xf32, #tpu.memory_space<vmem>>) dst(%dma_wait3A_1005 : memref<8x2048xf32, #tpu.memory_space<hbm>>)
      } else {
      }
      %add3A_504 = arith.constant 2 : i32
      %add3A_505 = arith.addi %add3A_403, %add3A_504 : i32
      %lt3A_506 = arith.constant 64 : i32
      %lt3A_507 = arith.cmpi slt, %add3A_505, %lt3A_506 : i32
      %convert_element_type3A_508 = arith.extui %lt3A_507 : i1 to i32
      %cond3A_509 = arith.constant 0 : i32
      %cond3A_510 = arith.cmpi ne, %convert_element_type3A_508, %cond3A_509 : i32
      scf.if %cond3A_510 {
        %add3A_968 = arith.constant 2 : i32
        %add3A_969 = arith.addi %add3A_403, %add3A_968 : i32
        %rem3A_970 = arith.constant 4 : i32
        %rem3A_971 = arith.remsi %add3A_969, %rem3A_970 : i32
        %mul3A_972 = arith.constant 128 : i32
        %mul3A_973 = arith.muli %rem3A_971, %mul3A_972 : i32
        %jit3A_974 = arith.constant 4 : i32
        %div3A_975 = arith.divsi %add3A_969, %jit3A_974 : i32
        %sign3A_976 = arith.constant 0 : i32
        %sign3A_977 = arith.cmpi sgt, %add3A_969, %sign3A_976 : i32
        %sign3A_978 = arith.extui %sign3A_977 : i1 to i32
        %sign3A_979 = arith.constant 0 : i32
        %sign3A_980 = arith.cmpi slt, %add3A_969, %sign3A_979 : i32
        %sign3A_981 = arith.extui %sign3A_980 : i1 to i32
        %sign3A_982 = arith.subi %sign3A_978, %sign3A_981 : i32
        %sign3A_983 = arith.constant 0 : i32
        %sign3A_984 = arith.cmpi sgt, %jit3A_974, %sign3A_983 : i32
        %sign3A_985 = arith.extui %sign3A_984 : i1 to i32
        %sign3A_986 = arith.constant 0 : i32
        %sign3A_987 = arith.cmpi slt, %jit3A_974, %sign3A_986 : i32
        %sign3A_988 = arith.extui %sign3A_987 : i1 to i32
        %sign3A_989 = arith.subi %sign3A_985, %sign3A_988 : i32
        %ne3A_990 = arith.cmpi ne, %sign3A_982, %sign3A_989 : i32
        %rem3A_991 = arith.remsi %add3A_969, %jit3A_974 : i32
        %ne3A_992 = arith.constant 0 : i32
        %ne3A_993 = arith.cmpi ne, %rem3A_991, %ne3A_992 : i32
        %and3A_994 = arith.andi %ne3A_990, %ne3A_993 : i1
        %sub3A_995 = arith.constant 1 : i32
        %sub3A_996 = arith.subi %div3A_975, %sub3A_995 : i32
        %select_n3A_997 = arith.select %and3A_994, %sub3A_996, %div3A_975 : i32
        %mul3A_998 = arith.constant 8 : i32
        %mul3A_999 = arith.muli %select_n3A_997, %mul3A_998 : i32
        %add3A_1000 = arith.addi %mul3A_973, %mul3A_999 : i32
        %dma_start3A_1001 = tpu.memref_slice %arg6[%add3A_1000] : memref<512xi32, #tpu.memory_space<vmem>> -> memref<8xi32, #tpu.memory_space<vmem>>
        %dma_start3A_1002 = arith.constant 0 : i32
        %dma_start3A_1003 = arith.constant 0 : i32
        %dma_start3A_1004 = tpu.memref_slice %arg4[%dma_start3A_1002, %dma_start3A_1003] : memref<100000x2048xf32, #tpu.memory_space<hbm>> -> memref<100000x2048xf32, #tpu.memory_space<hbm>>
        tpu.enqueue_indirect_dma source(%dma_start3A_1004 : memref<100000x2048xf32, #tpu.memory_space<hbm>>) target(%arg10 : memref<8x2048xf32, #tpu.memory_space<vmem>>) offsets(%dma_start3A_1001 : memref<8xi32, #tpu.memory_space<vmem>>) semaphore(%arg16 : memref<!tpu.dma_semaphore, #tpu.memory_space<semaphore_mem>>)
      } else {
      }
      %add3A_511 = arith.constant 2 : i32
      %add3A_512 = arith.addi %mul3A_75, %add3A_511 : i32
      %lt3A_513 = arith.constant 16 : i32
      %lt3A_514 = arith.cmpi slt, %add3A_512, %lt3A_513 : i32
      %convert_element_type3A_515 = arith.extui %lt3A_514 : i1 to i32
      %cond3A_516 = arith.constant 0 : i32
      %cond3A_517 = arith.cmpi ne, %convert_element_type3A_515, %cond3A_516 : i32
      scf.if %cond3A_517 {
        %add3A_968 = arith.constant 2 : i32
        %add3A_969 = arith.addi %mul3A_75, %add3A_968 : i32
        %mul3A_970 = arith.constant 8 : i32
        %mul3A_971 = arith.muli %add3A_969, %mul3A_970 : i32
        %add3A_972 = arith.addi %mul3A_2, %mul3A_971 : i32
        %dma_start3A_973 = arith.constant 0 : i32
        %dma_start3A_974 = tpu.memref_slice %arg3[%add3A_972, %dma_start3A_973] : memref<4096x2048xf32, #tpu.memory_space<hbm>> -> memref<8x2048xf32, #tpu.memory_space<hbm>>
        %dma_start3A_975 = arith.constant 0 : i32
        %dma_start3A_976 = tpu.memref_slice %arg3[%add3A_972, %dma_start3A_975] : memref<4096x2048xf32, #tpu.memory_space<hbm>> -> memref<8x2048xf32, #tpu.memory_space<hbm>>
        tpu.enqueue_dma source(%dma_start3A_976 : memref<8x2048xf32, #tpu.memory_space<hbm>>) target(%arg7 : memref<8x2048xf32, #tpu.memory_space<vmem>>) target_semaphore(%arg13 : memref<!tpu.dma_semaphore, #tpu.memory_space<semaphore_mem>>)
      } else {
      }
      %mul3A_518 = arith.constant 8 : i32
      %mul3A_519 = arith.muli %add3A_79, %mul3A_518 : i32
      %add3A_520 = arith.addi %mul3A_2, %mul3A_519 : i32
      %dma_wait3A_521 = arith.constant 0 : i32
      %dma_wait3A_522 = tpu.memref_slice %arg3[%add3A_520, %dma_wait3A_521] : memref<4096x2048xf32, #tpu.memory_space<hbm>> -> memref<8x2048xf32, #tpu.memory_space<hbm>>
      %dma_wait3A_523 = arith.constant 0 : i32
      %dma_wait3A_524 = tpu.memref_slice %arg3[%add3A_520, %dma_wait3A_523] : memref<4096x2048xf32, #tpu.memory_space<hbm>> -> memref<8x2048xf32, #tpu.memory_space<hbm>>
      tpu.wait_dma2 semaphore(%arg14 : memref<!tpu.dma_semaphore, #tpu.memory_space<semaphore_mem>>) src(%dma_wait3A_524 : memref<8x2048xf32, #tpu.memory_space<hbm>>) dst(%arg8 : memref<8x2048xf32, #tpu.memory_space<vmem>>)
      %add3A_525 = arith.constant 4 : i32
      %add3A_526 = arith.addi %mul3A_73, %add3A_525 : i32
      %rem3A_527 = arith.constant 4 : i32
      %rem3A_528 = arith.remsi %add3A_526, %rem3A_527 : i32
      %mul3A_529 = arith.constant 128 : i32
      %mul3A_530 = arith.muli %rem3A_528, %mul3A_529 : i32
      %jit3A_531 = arith.constant 4 : i32
      %div3A_532 = arith.divsi %add3A_526, %jit3A_531 : i32
      %sign3A_533 = arith.constant 0 : i32
      %sign3A_534 = arith.cmpi sgt, %add3A_526, %sign3A_533 : i32
      %sign3A_535 = arith.extui %sign3A_534 : i1 to i32
      %sign3A_536 = arith.constant 0 : i32
      %sign3A_537 = arith.cmpi slt, %add3A_526, %sign3A_536 : i32
      %sign3A_538 = arith.extui %sign3A_537 : i1 to i32
      %sign3A_539 = arith.subi %sign3A_535, %sign3A_538 : i32
      %sign3A_540 = arith.constant 0 : i32
      %sign3A_541 = arith.cmpi sgt, %jit3A_531, %sign3A_540 : i32
      %sign3A_542 = arith.extui %sign3A_541 : i1 to i32
      %sign3A_543 = arith.constant 0 : i32
      %sign3A_544 = arith.cmpi slt, %jit3A_531, %sign3A_543 : i32
      %sign3A_545 = arith.extui %sign3A_544 : i1 to i32
      %sign3A_546 = arith.subi %sign3A_542, %sign3A_545 : i32
      %ne3A_547 = arith.cmpi ne, %sign3A_539, %sign3A_546 : i32
      %rem3A_548 = arith.remsi %add3A_526, %jit3A_531 : i32
      %ne3A_549 = arith.constant 0 : i32
      %ne3A_550 = arith.cmpi ne, %rem3A_548, %ne3A_549 : i32
      %and3A_551 = arith.andi %ne3A_547, %ne3A_550 : i1
      %sub3A_552 = arith.constant 1 : i32
      %sub3A_553 = arith.subi %div3A_532, %sub3A_552 : i32
      %select_n3A_554 = arith.select %and3A_551, %sub3A_553, %div3A_532 : i32
      %mul3A_555 = arith.constant 8 : i32
      %mul3A_556 = arith.muli %select_n3A_554, %mul3A_555 : i32
      %add3A_557 = arith.addi %mul3A_530, %mul3A_556 : i32
      %dma_wait3A_558 = tpu.memref_slice %arg6[%add3A_557] : memref<512xi32, #tpu.memory_space<vmem>> -> memref<8xi32, #tpu.memory_space<vmem>>
      %dma_wait3A_559 = arith.constant 0 : i32
      %dma_wait3A_560 = arith.constant 0 : i32
      %dma_wait3A_561 = tpu.memref_slice %arg4[%dma_wait3A_559, %dma_wait3A_560] : memref<100000x2048xf32, #tpu.memory_space<hbm>> -> memref<100000x2048xf32, #tpu.memory_space<hbm>>
      tpu.wait_indirect_dma semaphore(%arg15 : memref<!tpu.dma_semaphore, #tpu.memory_space<semaphore_mem>>) src(%dma_wait3A_561 : memref<100000x2048xf32, #tpu.memory_space<hbm>>) dst(%arg9 : memref<8x2048xf32, #tpu.memory_space<vmem>>)
      %parallel_loop3A_562 = arith.constant 0 : i32
      %parallel_loop3A_563 = arith.constant 128 : i32
      %parallel_loop3A_564 = arith.constant 1 : i32
      scf.for %parallel_loop3A_968 = %parallel_loop3A_562 to %parallel_loop3A_563 step %parallel_loop3A_564  : i32 {
        %parallel_loop3A_969 = arith.constant 16 : i32
        %parallel_loop3A_970 = arith.muli %parallel_loop3A_968, %parallel_loop3A_969 : i32
        %parallel_loop3A_971 = arith.constant 0 : i32
        %parallel_loop3A_972 = arith.index_cast %parallel_loop3A_971 : i32 to index
        %parallel_loop3A_973 = arith.index_cast %parallel_loop3A_970 : i32 to index
        %parallel_loop3A_974 = tpu.vector_load %arg8[%parallel_loop3A_972, %parallel_loop3A_973] {strides = array<i32>} : memref<8x2048xf32, #tpu.memory_space<vmem>>, vector<1x16xf32>,
        %parallel_loop3A_975 = vector.shape_cast %parallel_loop3A_974 : vector<1x16xf32> to vector<16xf32>
        %parallel_loop3A_976 = arith.constant 0 : i32
        %parallel_loop3A_977 = arith.index_cast %parallel_loop3A_976 : i32 to index
        %parallel_loop3A_978 = arith.index_cast %parallel_loop3A_970 : i32 to index
        %parallel_loop3A_979 = tpu.vector_load %arg9[%parallel_loop3A_977, %parallel_loop3A_978] {strides = array<i32>} : memref<8x2048xf32, #tpu.memory_space<vmem>>, vector<1x16xf32>,
        %parallel_loop3A_980 = vector.shape_cast %parallel_loop3A_979 : vector<1x16xf32> to vector<16xf32>
        %parallel_loop3A_981 = vector.shape_cast %parallel_loop3A_975 : vector<16xf32> to vector<1x16xf32>
        tpu.vector_store %arg9[%parallel_loop3A_977, %parallel_loop3A_978], %parallel_loop3A_981 {add = true, strides = array<i32>} : memref<8x2048xf32, #tpu.memory_space<vmem>>, vector<1x16xf32>,
      } {sc.loop_unroll_factor = 8 : i64, sc.parallel_access}
      %parallel_loop3A_565 = arith.constant 0 : i32
      %parallel_loop3A_566 = arith.constant 128 : i32
      %parallel_loop3A_567 = arith.constant 1 : i32
      scf.for %parallel_loop3A_968 = %parallel_loop3A_565 to %parallel_loop3A_566 step %parallel_loop3A_567  : i32 {
        %parallel_loop3A_969 = arith.constant 16 : i32
        %parallel_loop3A_970 = arith.muli %parallel_loop3A_968, %parallel_loop3A_969 : i32
        %parallel_loop3A_971 = arith.constant 1 : i32
        %parallel_loop3A_972 = arith.index_cast %parallel_loop3A_971 : i32 to index
        %parallel_loop3A_973 = arith.index_cast %parallel_loop3A_970 : i32 to index
        %parallel_loop3A_974 = tpu.vector_load %arg8[%parallel_loop3A_972, %parallel_loop3A_973] {strides = array<i32>} : memref<8x2048xf32, #tpu.memory_space<vmem>>, vector<1x16xf32>,
        %parallel_loop3A_975 = vector.shape_cast %parallel_loop3A_974 : vector<1x16xf32> to vector<16xf32>
        %parallel_loop3A_976 = arith.constant 1 : i32
        %parallel_loop3A_977 = arith.index_cast %parallel_loop3A_976 : i32 to index
        %parallel_loop3A_978 = arith.index_cast %parallel_loop3A_970 : i32 to index
        %parallel_loop3A_979 = tpu.vector_load %arg9[%parallel_loop3A_977, %parallel_loop3A_978] {strides = array<i32>} : memref<8x2048xf32, #tpu.memory_space<vmem>>, vector<1x16xf32>,
        %parallel_loop3A_980 = vector.shape_cast %parallel_loop3A_979 : vector<1x16xf32> to vector<16xf32>
        %parallel_loop3A_981 = vector.shape_cast %parallel_loop3A_975 : vector<16xf32> to vector<1x16xf32>
        tpu.vector_store %arg9[%parallel_loop3A_977, %parallel_loop3A_978], %parallel_loop3A_981 {add = true, strides = array<i32>} : memref<8x2048xf32, #tpu.memory_space<vmem>>, vector<1x16xf32>,
      } {sc.loop_unroll_factor = 8 : i64, sc.parallel_access}
      %parallel_loop3A_568 = arith.constant 0 : i32
      %parallel_loop3A_569 = arith.constant 128 : i32
      %parallel_loop3A_570 = arith.constant 1 : i32
      scf.for %parallel_loop3A_968 = %parallel_loop3A_568 to %parallel_loop3A_569 step %parallel_loop3A_570  : i32 {
        %parallel_loop3A_969 = arith.constant 16 : i32
        %parallel_loop3A_970 = arith.muli %parallel_loop3A_968, %parallel_loop3A_969 : i32
        %parallel_loop3A_971 = arith.constant 2 : i32
        %parallel_loop3A_972 = arith.index_cast %parallel_loop3A_971 : i32 to index
        %parallel_loop3A_973 = arith.index_cast %parallel_loop3A_970 : i32 to index
        %parallel_loop3A_974 = tpu.vector_load %arg8[%parallel_loop3A_972, %parallel_loop3A_973] {strides = array<i32>} : memref<8x2048xf32, #tpu.memory_space<vmem>>, vector<1x16xf32>,
        %parallel_loop3A_975 = vector.shape_cast %parallel_loop3A_974 : vector<1x16xf32> to vector<16xf32>
        %parallel_loop3A_976 = arith.constant 2 : i32
        %parallel_loop3A_977 = arith.index_cast %parallel_loop3A_976 : i32 to index
        %parallel_loop3A_978 = arith.index_cast %parallel_loop3A_970 : i32 to index
        %parallel_loop3A_979 = tpu.vector_load %arg9[%parallel_loop3A_977, %parallel_loop3A_978] {strides = array<i32>} : memref<8x2048xf32, #tpu.memory_space<vmem>>, vector<1x16xf32>,
        %parallel_loop3A_980 = vector.shape_cast %parallel_loop3A_979 : vector<1x16xf32> to vector<16xf32>
        %parallel_loop3A_981 = vector.shape_cast %parallel_loop3A_975 : vector<16xf32> to vector<1x16xf32>
        tpu.vector_store %arg9[%parallel_loop3A_977, %parallel_loop3A_978], %parallel_loop3A_981 {add = true, strides = array<i32>} : memref<8x2048xf32, #tpu.memory_space<vmem>>, vector<1x16xf32>,
      } {sc.loop_unroll_factor = 8 : i64, sc.parallel_access}
      %parallel_loop3A_571 = arith.constant 0 : i32
      %parallel_loop3A_572 = arith.constant 128 : i32
      %parallel_loop3A_573 = arith.constant 1 : i32
      scf.for %parallel_loop3A_968 = %parallel_loop3A_571 to %parallel_loop3A_572 step %parallel_loop3A_573  : i32 {
        %parallel_loop3A_969 = arith.constant 16 : i32
        %parallel_loop3A_970 = arith.muli %parallel_loop3A_968, %parallel_loop3A_969 : i32
        %parallel_loop3A_971 = arith.constant 3 : i32
        %parallel_loop3A_972 = arith.index_cast %parallel_loop3A_971 : i32 to index
        %parallel_loop3A_973 = arith.index_cast %parallel_loop3A_970 : i32 to index
        %parallel_loop3A_974 = tpu.vector_load %arg8[%parallel_loop3A_972, %parallel_loop3A_973] {strides = array<i32>} : memref<8x2048xf32, #tpu.memory_space<vmem>>, vector<1x16xf32>,
        %parallel_loop3A_975 = vector.shape_cast %parallel_loop3A_974 : vector<1x16xf32> to vector<16xf32>
        %parallel_loop3A_976 = arith.constant 3 : i32
        %parallel_loop3A_977 = arith.index_cast %parallel_loop3A_976 : i32 to index
        %parallel_loop3A_978 = arith.index_cast %parallel_loop3A_970 : i32 to index
        %parallel_loop3A_979 = tpu.vector_load %arg9[%parallel_loop3A_977, %parallel_loop3A_978] {strides = array<i32>} : memref<8x2048xf32, #tpu.memory_space<vmem>>, vector<1x16xf32>,
        %parallel_loop3A_980 = vector.shape_cast %parallel_loop3A_979 : vector<1x16xf32> to vector<16xf32>
        %parallel_loop3A_981 = vector.shape_cast %parallel_loop3A_975 : vector<16xf32> to vector<1x16xf32>
        tpu.vector_store %arg9[%parallel_loop3A_977, %parallel_loop3A_978], %parallel_loop3A_981 {add = true, strides = array<i32>} : memref<8x2048xf32, #tpu.memory_space<vmem>>, vector<1x16xf32>,
      } {sc.loop_unroll_factor = 8 : i64, sc.parallel_access}
      %parallel_loop3A_574 = arith.constant 0 : i32
      %parallel_loop3A_575 = arith.constant 128 : i32
      %parallel_loop3A_576 = arith.constant 1 : i32
      scf.for %parallel_loop3A_968 = %parallel_loop3A_574 to %parallel_loop3A_575 step %parallel_loop3A_576  : i32 {
        %parallel_loop3A_969 = arith.constant 16 : i32
        %parallel_loop3A_970 = arith.muli %parallel_loop3A_968, %parallel_loop3A_969 : i32
        %parallel_loop3A_971 = arith.constant 4 : i32
        %parallel_loop3A_972 = arith.index_cast %parallel_loop3A_971 : i32 to index
        %parallel_loop3A_973 = arith.index_cast %parallel_loop3A_970 : i32 to index
        %parallel_loop3A_974 = tpu.vector_load %arg8[%parallel_loop3A_972, %parallel_loop3A_973] {strides = array<i32>} : memref<8x2048xf32, #tpu.memory_space<vmem>>, vector<1x16xf32>,
        %parallel_loop3A_975 = vector.shape_cast %parallel_loop3A_974 : vector<1x16xf32> to vector<16xf32>
        %parallel_loop3A_976 = arith.constant 4 : i32
        %parallel_loop3A_977 = arith.index_cast %parallel_loop3A_976 : i32 to index
        %parallel_loop3A_978 = arith.index_cast %parallel_loop3A_970 : i32 to index
        %parallel_loop3A_979 = tpu.vector_load %arg9[%parallel_loop3A_977, %parallel_loop3A_978] {strides = array<i32>} : memref<8x2048xf32, #tpu.memory_space<vmem>>, vector<1x16xf32>,
        %parallel_loop3A_980 = vector.shape_cast %parallel_loop3A_979 : vector<1x16xf32> to vector<16xf32>
        %parallel_loop3A_981 = vector.shape_cast %parallel_loop3A_975 : vector<16xf32> to vector<1x16xf32>
        tpu.vector_store %arg9[%parallel_loop3A_977, %parallel_loop3A_978], %parallel_loop3A_981 {add = true, strides = array<i32>} : memref<8x2048xf32, #tpu.memory_space<vmem>>, vector<1x16xf32>,
      } {sc.loop_unroll_factor = 8 : i64, sc.parallel_access}
      %parallel_loop3A_577 = arith.constant 0 : i32
      %parallel_loop3A_578 = arith.constant 128 : i32
      %parallel_loop3A_579 = arith.constant 1 : i32
      scf.for %parallel_loop3A_968 = %parallel_loop3A_577 to %parallel_loop3A_578 step %parallel_loop3A_579  : i32 {
        %parallel_loop3A_969 = arith.constant 16 : i32
        %parallel_loop3A_970 = arith.muli %parallel_loop3A_968, %parallel_loop3A_969 : i32
        %parallel_loop3A_971 = arith.constant 5 : i32
        %parallel_loop3A_972 = arith.index_cast %parallel_loop3A_971 : i32 to index
        %parallel_loop3A_973 = arith.index_cast %parallel_loop3A_970 : i32 to index
        %parallel_loop3A_974 = tpu.vector_load %arg8[%parallel_loop3A_972, %parallel_loop3A_973] {strides = array<i32>} : memref<8x2048xf32, #tpu.memory_space<vmem>>, vector<1x16xf32>,
        %parallel_loop3A_975 = vector.shape_cast %parallel_loop3A_974 : vector<1x16xf32> to vector<16xf32>
        %parallel_loop3A_976 = arith.constant 5 : i32
        %parallel_loop3A_977 = arith.index_cast %parallel_loop3A_976 : i32 to index
        %parallel_loop3A_978 = arith.index_cast %parallel_loop3A_970 : i32 to index
        %parallel_loop3A_979 = tpu.vector_load %arg9[%parallel_loop3A_977, %parallel_loop3A_978] {strides = array<i32>} : memref<8x2048xf32, #tpu.memory_space<vmem>>, vector<1x16xf32>,
        %parallel_loop3A_980 = vector.shape_cast %parallel_loop3A_979 : vector<1x16xf32> to vector<16xf32>
        %parallel_loop3A_981 = vector.shape_cast %parallel_loop3A_975 : vector<16xf32> to vector<1x16xf32>
        tpu.vector_store %arg9[%parallel_loop3A_977, %parallel_loop3A_978], %parallel_loop3A_981 {add = true, strides = array<i32>} : memref<8x2048xf32, #tpu.memory_space<vmem>>, vector<1x16xf32>,
      } {sc.loop_unroll_factor = 8 : i64, sc.parallel_access}
      %parallel_loop3A_580 = arith.constant 0 : i32
      %parallel_loop3A_581 = arith.constant 128 : i32
      %parallel_loop3A_582 = arith.constant 1 : i32
      scf.for %parallel_loop3A_968 = %parallel_loop3A_580 to %parallel_loop3A_581 step %parallel_loop3A_582  : i32 {
        %parallel_loop3A_969 = arith.constant 16 : i32
        %parallel_loop3A_970 = arith.muli %parallel_loop3A_968, %parallel_loop3A_969 : i32
        %parallel_loop3A_971 = arith.constant 6 : i32
        %parallel_loop3A_972 = arith.index_cast %parallel_loop3A_971 : i32 to index
        %parallel_loop3A_973 = arith.index_cast %parallel_loop3A_970 : i32 to index
        %parallel_loop3A_974 = tpu.vector_load %arg8[%parallel_loop3A_972, %parallel_loop3A_973] {strides = array<i32>} : memref<8x2048xf32, #tpu.memory_space<vmem>>, vector<1x16xf32>,
        %parallel_loop3A_975 = vector.shape_cast %parallel_loop3A_974 : vector<1x16xf32> to vector<16xf32>
        %parallel_loop3A_976 = arith.constant 6 : i32
        %parallel_loop3A_977 = arith.index_cast %parallel_loop3A_976 : i32 to index
        %parallel_loop3A_978 = arith.index_cast %parallel_loop3A_970 : i32 to index
        %parallel_loop3A_979 = tpu.vector_load %arg9[%parallel_loop3A_977, %parallel_loop3A_978] {strides = array<i32>} : memref<8x2048xf32, #tpu.memory_space<vmem>>, vector<1x16xf32>,
        %parallel_loop3A_980 = vector.shape_cast %parallel_loop3A_979 : vector<1x16xf32> to vector<16xf32>
        %parallel_loop3A_981 = vector.shape_cast %parallel_loop3A_975 : vector<16xf32> to vector<1x16xf32>
        tpu.vector_store %arg9[%parallel_loop3A_977, %parallel_loop3A_978], %parallel_loop3A_981 {add = true, strides = array<i32>} : memref<8x2048xf32, #tpu.memory_space<vmem>>, vector<1x16xf32>,
      } {sc.loop_unroll_factor = 8 : i64, sc.parallel_access}
      %parallel_loop3A_583 = arith.constant 0 : i32
      %parallel_loop3A_584 = arith.constant 128 : i32
      %parallel_loop3A_585 = arith.constant 1 : i32
      scf.for %parallel_loop3A_968 = %parallel_loop3A_583 to %parallel_loop3A_584 step %parallel_loop3A_585  : i32 {
        %parallel_loop3A_969 = arith.constant 16 : i32
        %parallel_loop3A_970 = arith.muli %parallel_loop3A_968, %parallel_loop3A_969 : i32
        %parallel_loop3A_971 = arith.constant 7 : i32
        %parallel_loop3A_972 = arith.index_cast %parallel_loop3A_971 : i32 to index
        %parallel_loop3A_973 = arith.index_cast %parallel_loop3A_970 : i32 to index
        %parallel_loop3A_974 = tpu.vector_load %arg8[%parallel_loop3A_972, %parallel_loop3A_973] {strides = array<i32>} : memref<8x2048xf32, #tpu.memory_space<vmem>>, vector<1x16xf32>,
        %parallel_loop3A_975 = vector.shape_cast %parallel_loop3A_974 : vector<1x16xf32> to vector<16xf32>
        %parallel_loop3A_976 = arith.constant 7 : i32
        %parallel_loop3A_977 = arith.index_cast %parallel_loop3A_976 : i32 to index
        %parallel_loop3A_978 = arith.index_cast %parallel_loop3A_970 : i32 to index
        %parallel_loop3A_979 = tpu.vector_load %arg9[%parallel_loop3A_977, %parallel_loop3A_978] {strides = array<i32>} : memref<8x2048xf32, #tpu.memory_space<vmem>>, vector<1x16xf32>,
        %parallel_loop3A_980 = vector.shape_cast %parallel_loop3A_979 : vector<1x16xf32> to vector<16xf32>
        %parallel_loop3A_981 = vector.shape_cast %parallel_loop3A_975 : vector<16xf32> to vector<1x16xf32>
        tpu.vector_store %arg9[%parallel_loop3A_977, %parallel_loop3A_978], %parallel_loop3A_981 {add = true, strides = array<i32>} : memref<8x2048xf32, #tpu.memory_space<vmem>>, vector<1x16xf32>,
      } {sc.loop_unroll_factor = 8 : i64, sc.parallel_access}
      %rem3A_586 = arith.constant 4 : i32
      %rem3A_587 = arith.remsi %add3A_526, %rem3A_586 : i32
      %mul3A_588 = arith.constant 4096 : i32
      %mul3A_589 = arith.muli %rem3A_587, %mul3A_588 : i32
      %add3A_590 = arith.addi %mul3A_589, %mul3A_2 : i32
      %jit3A_591 = arith.constant 4 : i32
      %div3A_592 = arith.divsi %add3A_526, %jit3A_591 : i32
      %sign3A_593 = arith.constant 0 : i32
      %sign3A_594 = arith.cmpi sgt, %add3A_526, %sign3A_593 : i32
      %sign3A_595 = arith.extui %sign3A_594 : i1 to i32
      %sign3A_596 = arith.constant 0 : i32
      %sign3A_597 = arith.cmpi slt, %add3A_526, %sign3A_596 : i32
      %sign3A_598 = arith.extui %sign3A_597 : i1 to i32
      %sign3A_599 = arith.subi %sign3A_595, %sign3A_598 : i32
      %sign3A_600 = arith.constant 0 : i32
      %sign3A_601 = arith.cmpi sgt, %jit3A_591, %sign3A_600 : i32
      %sign3A_602 = arith.extui %sign3A_601 : i1 to i32
      %sign3A_603 = arith.constant 0 : i32
      %sign3A_604 = arith.cmpi slt, %jit3A_591, %sign3A_603 : i32
      %sign3A_605 = arith.extui %sign3A_604 : i1 to i32
      %sign3A_606 = arith.subi %sign3A_602, %sign3A_605 : i32
      %ne3A_607 = arith.cmpi ne, %sign3A_599, %sign3A_606 : i32
      %rem3A_608 = arith.remsi %add3A_526, %jit3A_591 : i32
      %ne3A_609 = arith.constant 0 : i32
      %ne3A_610 = arith.cmpi ne, %rem3A_608, %ne3A_609 : i32
      %and3A_611 = arith.andi %ne3A_607, %ne3A_610 : i1
      %sub3A_612 = arith.constant 1 : i32
      %sub3A_613 = arith.subi %div3A_592, %sub3A_612 : i32
      %select_n3A_614 = arith.select %and3A_611, %sub3A_613, %div3A_592 : i32
      %mul3A_615 = arith.constant 8 : i32
      %mul3A_616 = arith.muli %select_n3A_614, %mul3A_615 : i32
      %add3A_617 = arith.addi %add3A_590, %mul3A_616 : i32
      %dma_start3A_618 = arith.constant 0 : i32
      %dma_start3A_619 = tpu.memref_slice %arg5[%add3A_617, %dma_start3A_618] : memref<16384x2048xf32, #tpu.memory_space<hbm>> -> memref<8x2048xf32, #tpu.memory_space<hbm>>
      %dma_start3A_620 = arith.constant 0 : i32
      %dma_start3A_621 = tpu.memref_slice %arg5[%add3A_617, %dma_start3A_620] : memref<16384x2048xf32, #tpu.memory_space<hbm>> -> memref<8x2048xf32, #tpu.memory_space<hbm>>
      tpu.enqueue_dma source(%arg9 : memref<8x2048xf32, #tpu.memory_space<vmem>>) target(%dma_start3A_621 : memref<8x2048xf32, #tpu.memory_space<hbm>>) target_semaphore(%arg19 : memref<!tpu.dma_semaphore, #tpu.memory_space<semaphore_mem>>)
      %ge3A_622 = arith.constant 2 : i32
      %ge3A_623 = arith.cmpi sge, %add3A_526, %ge3A_622 : i32
      %convert_element_type3A_624 = arith.extui %ge3A_623 : i1 to i32
      %cond3A_625 = arith.constant 0 : i32
      %cond3A_626 = arith.cmpi ne, %convert_element_type3A_624, %cond3A_625 : i32
      scf.if %cond3A_626 {
        %sub3A_968 = arith.constant 2 : i32
        %sub3A_969 = arith.subi %add3A_526, %sub3A_968 : i32
        %rem3A_970 = arith.constant 4 : i32
        %rem3A_971 = arith.remsi %sub3A_969, %rem3A_970 : i32
        %mul3A_972 = arith.constant 4096 : i32
        %mul3A_973 = arith.muli %rem3A_971, %mul3A_972 : i32
        %add3A_974 = arith.addi %mul3A_973, %mul3A_2 : i32
        %jit3A_975 = arith.constant 4 : i32
        %div3A_976 = arith.divsi %sub3A_969, %jit3A_975 : i32
        %sign3A_977 = arith.constant 0 : i32
        %sign3A_978 = arith.cmpi sgt, %sub3A_969, %sign3A_977 : i32
        %sign3A_979 = arith.extui %sign3A_978 : i1 to i32
        %sign3A_980 = arith.constant 0 : i32
        %sign3A_981 = arith.cmpi slt, %sub3A_969, %sign3A_980 : i32
        %sign3A_982 = arith.extui %sign3A_981 : i1 to i32
        %sign3A_983 = arith.subi %sign3A_979, %sign3A_982 : i32
        %sign3A_984 = arith.constant 0 : i32
        %sign3A_985 = arith.cmpi sgt, %jit3A_975, %sign3A_984 : i32
        %sign3A_986 = arith.extui %sign3A_985 : i1 to i32
        %sign3A_987 = arith.constant 0 : i32
        %sign3A_988 = arith.cmpi slt, %jit3A_975, %sign3A_987 : i32
        %sign3A_989 = arith.extui %sign3A_988 : i1 to i32
        %sign3A_990 = arith.subi %sign3A_986, %sign3A_989 : i32
        %ne3A_991 = arith.cmpi ne, %sign3A_983, %sign3A_990 : i32
        %rem3A_992 = arith.remsi %sub3A_969, %jit3A_975 : i32
        %ne3A_993 = arith.constant 0 : i32
        %ne3A_994 = arith.cmpi ne, %rem3A_992, %ne3A_993 : i32
        %and3A_995 = arith.andi %ne3A_991, %ne3A_994 : i1
        %sub3A_996 = arith.constant 1 : i32
        %sub3A_997 = arith.subi %div3A_976, %sub3A_996 : i32
        %select_n3A_998 = arith.select %and3A_995, %sub3A_997, %div3A_976 : i32
        %mul3A_999 = arith.constant 8 : i32
        %mul3A_1000 = arith.muli %select_n3A_998, %mul3A_999 : i32
        %add3A_1001 = arith.addi %add3A_974, %mul3A_1000 : i32
        %dma_wait3A_1002 = arith.constant 0 : i32
        %dma_wait3A_1003 = tpu.memref_slice %arg5[%add3A_1001, %dma_wait3A_1002] : memref<16384x2048xf32, #tpu.memory_space<hbm>> -> memref<8x2048xf32, #tpu.memory_space<hbm>>
        %dma_wait3A_1004 = arith.constant 0 : i32
        %dma_wait3A_1005 = tpu.memref_slice %arg5[%add3A_1001, %dma_wait3A_1004] : memref<16384x2048xf32, #tpu.memory_space<hbm>> -> memref<8x2048xf32, #tpu.memory_space<hbm>>
        tpu.wait_dma2 semaphore(%arg21 : memref<!tpu.dma_semaphore, #tpu.memory_space<semaphore_mem>>) src(%arg11 : memref<8x2048xf32, #tpu.memory_space<vmem>>) dst(%dma_wait3A_1005 : memref<8x2048xf32, #tpu.memory_space<hbm>>)
      } else {
      }
      %add3A_627 = arith.constant 2 : i32
      %add3A_628 = arith.addi %add3A_526, %add3A_627 : i32
      %lt3A_629 = arith.constant 64 : i32
      %lt3A_630 = arith.cmpi slt, %add3A_628, %lt3A_629 : i32
      %convert_element_type3A_631 = arith.extui %lt3A_630 : i1 to i32
      %cond3A_632 = arith.constant 0 : i32
      %cond3A_633 = arith.cmpi ne, %convert_element_type3A_631, %cond3A_632 : i32
      scf.if %cond3A_633 {
        %add3A_968 = arith.constant 2 : i32
        %add3A_969 = arith.addi %add3A_526, %add3A_968 : i32
        %rem3A_970 = arith.constant 4 : i32
        %rem3A_971 = arith.remsi %add3A_969, %rem3A_970 : i32
        %mul3A_972 = arith.constant 128 : i32
        %mul3A_973 = arith.muli %rem3A_971, %mul3A_972 : i32
        %jit3A_974 = arith.constant 4 : i32
        %div3A_975 = arith.divsi %add3A_969, %jit3A_974 : i32
        %sign3A_976 = arith.constant 0 : i32
        %sign3A_977 = arith.cmpi sgt, %add3A_969, %sign3A_976 : i32
        %sign3A_978 = arith.extui %sign3A_977 : i1 to i32
        %sign3A_979 = arith.constant 0 : i32
        %sign3A_980 = arith.cmpi slt, %add3A_969, %sign3A_979 : i32
        %sign3A_981 = arith.extui %sign3A_980 : i1 to i32
        %sign3A_982 = arith.subi %sign3A_978, %sign3A_981 : i32
        %sign3A_983 = arith.constant 0 : i32
        %sign3A_984 = arith.cmpi sgt, %jit3A_974, %sign3A_983 : i32
        %sign3A_985 = arith.extui %sign3A_984 : i1 to i32
        %sign3A_986 = arith.constant 0 : i32
        %sign3A_987 = arith.cmpi slt, %jit3A_974, %sign3A_986 : i32
        %sign3A_988 = arith.extui %sign3A_987 : i1 to i32
        %sign3A_989 = arith.subi %sign3A_985, %sign3A_988 : i32
        %ne3A_990 = arith.cmpi ne, %sign3A_982, %sign3A_989 : i32
        %rem3A_991 = arith.remsi %add3A_969, %jit3A_974 : i32
        %ne3A_992 = arith.constant 0 : i32
        %ne3A_993 = arith.cmpi ne, %rem3A_991, %ne3A_992 : i32
        %and3A_994 = arith.andi %ne3A_990, %ne3A_993 : i1
        %sub3A_995 = arith.constant 1 : i32
        %sub3A_996 = arith.subi %div3A_975, %sub3A_995 : i32
        %select_n3A_997 = arith.select %and3A_994, %sub3A_996, %div3A_975 : i32
        %mul3A_998 = arith.constant 8 : i32
        %mul3A_999 = arith.muli %select_n3A_997, %mul3A_998 : i32
        %add3A_1000 = arith.addi %mul3A_973, %mul3A_999 : i32
        %dma_start3A_1001 = tpu.memref_slice %arg6[%add3A_1000] : memref<512xi32, #tpu.memory_space<vmem>> -> memref<8xi32, #tpu.memory_space<vmem>>
        %dma_start3A_1002 = arith.constant 0 : i32
        %dma_start3A_1003 = arith.constant 0 : i32
        %dma_start3A_1004 = tpu.memref_slice %arg4[%dma_start3A_1002, %dma_start3A_1003] : memref<100000x2048xf32, #tpu.memory_space<hbm>> -> memref<100000x2048xf32, #tpu.memory_space<hbm>>
        tpu.enqueue_indirect_dma source(%dma_start3A_1004 : memref<100000x2048xf32, #tpu.memory_space<hbm>>) target(%arg11 : memref<8x2048xf32, #tpu.memory_space<vmem>>) offsets(%dma_start3A_1001 : memref<8xi32, #tpu.memory_space<vmem>>) semaphore(%arg17 : memref<!tpu.dma_semaphore, #tpu.memory_space<semaphore_mem>>)
      } else {
      }
      %add3A_634 = arith.constant 5 : i32
      %add3A_635 = arith.addi %mul3A_73, %add3A_634 : i32
      %rem3A_636 = arith.constant 4 : i32
      %rem3A_637 = arith.remsi %add3A_635, %rem3A_636 : i32
      %mul3A_638 = arith.constant 128 : i32
      %mul3A_639 = arith.muli %rem3A_637, %mul3A_638 : i32
      %jit3A_640 = arith.constant 4 : i32
      %div3A_641 = arith.divsi %add3A_635, %jit3A_640 : i32
      %sign3A_642 = arith.constant 0 : i32
      %sign3A_643 = arith.cmpi sgt, %add3A_635, %sign3A_642 : i32
      %sign3A_644 = arith.extui %sign3A_643 : i1 to i32
      %sign3A_645 = arith.constant 0 : i32
      %sign3A_646 = arith.cmpi slt, %add3A_635, %sign3A_645 : i32
      %sign3A_647 = arith.extui %sign3A_646 : i1 to i32
      %sign3A_648 = arith.subi %sign3A_644, %sign3A_647 : i32
      %sign3A_649 = arith.constant 0 : i32
      %sign3A_650 = arith.cmpi sgt, %jit3A_640, %sign3A_649 : i32
      %sign3A_651 = arith.extui %sign3A_650 : i1 to i32
      %sign3A_652 = arith.constant 0 : i32
      %sign3A_653 = arith.cmpi slt, %jit3A_640, %sign3A_652 : i32
      %sign3A_654 = arith.extui %sign3A_653 : i1 to i32
      %sign3A_655 = arith.subi %sign3A_651, %sign3A_654 : i32
      %ne3A_656 = arith.cmpi ne, %sign3A_648, %sign3A_655 : i32
      %rem3A_657 = arith.remsi %add3A_635, %jit3A_640 : i32
      %ne3A_658 = arith.constant 0 : i32
      %ne3A_659 = arith.cmpi ne, %rem3A_657, %ne3A_658 : i32
      %and3A_660 = arith.andi %ne3A_656, %ne3A_659 : i1
      %sub3A_661 = arith.constant 1 : i32
      %sub3A_662 = arith.subi %div3A_641, %sub3A_661 : i32
      %select_n3A_663 = arith.select %and3A_660, %sub3A_662, %div3A_641 : i32
      %mul3A_664 = arith.constant 8 : i32
      %mul3A_665 = arith.muli %select_n3A_663, %mul3A_664 : i32
      %add3A_666 = arith.addi %mul3A_639, %mul3A_665 : i32
      %dma_wait3A_667 = tpu.memref_slice %arg6[%add3A_666] : memref<512xi32, #tpu.memory_space<vmem>> -> memref<8xi32, #tpu.memory_space<vmem>>
      %dma_wait3A_668 = arith.constant 0 : i32
      %dma_wait3A_669 = arith.constant 0 : i32
      %dma_wait3A_670 = tpu.memref_slice %arg4[%dma_wait3A_668, %dma_wait3A_669] : memref<100000x2048xf32, #tpu.memory_space<hbm>> -> memref<100000x2048xf32, #tpu.memory_space<hbm>>
      tpu.wait_indirect_dma semaphore(%arg16 : memref<!tpu.dma_semaphore, #tpu.memory_space<semaphore_mem>>) src(%dma_wait3A_670 : memref<100000x2048xf32, #tpu.memory_space<hbm>>) dst(%arg10 : memref<8x2048xf32, #tpu.memory_space<vmem>>)
      %parallel_loop3A_671 = arith.constant 0 : i32
      %parallel_loop3A_672 = arith.constant 128 : i32
      %parallel_loop3A_673 = arith.constant 1 : i32
      scf.for %parallel_loop3A_968 = %parallel_loop3A_671 to %parallel_loop3A_672 step %parallel_loop3A_673  : i32 {
        %parallel_loop3A_969 = arith.constant 16 : i32
        %parallel_loop3A_970 = arith.muli %parallel_loop3A_968, %parallel_loop3A_969 : i32
        %parallel_loop3A_971 = arith.constant 0 : i32
        %parallel_loop3A_972 = arith.index_cast %parallel_loop3A_971 : i32 to index
        %parallel_loop3A_973 = arith.index_cast %parallel_loop3A_970 : i32 to index
        %parallel_loop3A_974 = tpu.vector_load %arg8[%parallel_loop3A_972, %parallel_loop3A_973] {strides = array<i32>} : memref<8x2048xf32, #tpu.memory_space<vmem>>, vector<1x16xf32>,
        %parallel_loop3A_975 = vector.shape_cast %parallel_loop3A_974 : vector<1x16xf32> to vector<16xf32>
        %parallel_loop3A_976 = arith.constant 0 : i32
        %parallel_loop3A_977 = arith.index_cast %parallel_loop3A_976 : i32 to index
        %parallel_loop3A_978 = arith.index_cast %parallel_loop3A_970 : i32 to index
        %parallel_loop3A_979 = tpu.vector_load %arg10[%parallel_loop3A_977, %parallel_loop3A_978] {strides = array<i32>} : memref<8x2048xf32, #tpu.memory_space<vmem>>, vector<1x16xf32>,
        %parallel_loop3A_980 = vector.shape_cast %parallel_loop3A_979 : vector<1x16xf32> to vector<16xf32>
        %parallel_loop3A_981 = vector.shape_cast %parallel_loop3A_975 : vector<16xf32> to vector<1x16xf32>
        tpu.vector_store %arg10[%parallel_loop3A_977, %parallel_loop3A_978], %parallel_loop3A_981 {add = true, strides = array<i32>} : memref<8x2048xf32, #tpu.memory_space<vmem>>, vector<1x16xf32>,
      } {sc.loop_unroll_factor = 8 : i64, sc.parallel_access}
      %parallel_loop3A_674 = arith.constant 0 : i32
      %parallel_loop3A_675 = arith.constant 128 : i32
      %parallel_loop3A_676 = arith.constant 1 : i32
      scf.for %parallel_loop3A_968 = %parallel_loop3A_674 to %parallel_loop3A_675 step %parallel_loop3A_676  : i32 {
        %parallel_loop3A_969 = arith.constant 16 : i32
        %parallel_loop3A_970 = arith.muli %parallel_loop3A_968, %parallel_loop3A_969 : i32
        %parallel_loop3A_971 = arith.constant 1 : i32
        %parallel_loop3A_972 = arith.index_cast %parallel_loop3A_971 : i32 to index
        %parallel_loop3A_973 = arith.index_cast %parallel_loop3A_970 : i32 to index
        %parallel_loop3A_974 = tpu.vector_load %arg8[%parallel_loop3A_972, %parallel_loop3A_973] {strides = array<i32>} : memref<8x2048xf32, #tpu.memory_space<vmem>>, vector<1x16xf32>,
        %parallel_loop3A_975 = vector.shape_cast %parallel_loop3A_974 : vector<1x16xf32> to vector<16xf32>
        %parallel_loop3A_976 = arith.constant 1 : i32
        %parallel_loop3A_977 = arith.index_cast %parallel_loop3A_976 : i32 to index
        %parallel_loop3A_978 = arith.index_cast %parallel_loop3A_970 : i32 to index
        %parallel_loop3A_979 = tpu.vector_load %arg10[%parallel_loop3A_977, %parallel_loop3A_978] {strides = array<i32>} : memref<8x2048xf32, #tpu.memory_space<vmem>>, vector<1x16xf32>,
        %parallel_loop3A_980 = vector.shape_cast %parallel_loop3A_979 : vector<1x16xf32> to vector<16xf32>
        %parallel_loop3A_981 = vector.shape_cast %parallel_loop3A_975 : vector<16xf32> to vector<1x16xf32>
        tpu.vector_store %arg10[%parallel_loop3A_977, %parallel_loop3A_978], %parallel_loop3A_981 {add = true, strides = array<i32>} : memref<8x2048xf32, #tpu.memory_space<vmem>>, vector<1x16xf32>,
      } {sc.loop_unroll_factor = 8 : i64, sc.parallel_access}
      %parallel_loop3A_677 = arith.constant 0 : i32
      %parallel_loop3A_678 = arith.constant 128 : i32
      %parallel_loop3A_679 = arith.constant 1 : i32
      scf.for %parallel_loop3A_968 = %parallel_loop3A_677 to %parallel_loop3A_678 step %parallel_loop3A_679  : i32 {
        %parallel_loop3A_969 = arith.constant 16 : i32
        %parallel_loop3A_970 = arith.muli %parallel_loop3A_968, %parallel_loop3A_969 : i32
        %parallel_loop3A_971 = arith.constant 2 : i32
        %parallel_loop3A_972 = arith.index_cast %parallel_loop3A_971 : i32 to index
        %parallel_loop3A_973 = arith.index_cast %parallel_loop3A_970 : i32 to index
        %parallel_loop3A_974 = tpu.vector_load %arg8[%parallel_loop3A_972, %parallel_loop3A_973] {strides = array<i32>} : memref<8x2048xf32, #tpu.memory_space<vmem>>, vector<1x16xf32>,
        %parallel_loop3A_975 = vector.shape_cast %parallel_loop3A_974 : vector<1x16xf32> to vector<16xf32>
        %parallel_loop3A_976 = arith.constant 2 : i32
        %parallel_loop3A_977 = arith.index_cast %parallel_loop3A_976 : i32 to index
        %parallel_loop3A_978 = arith.index_cast %parallel_loop3A_970 : i32 to index
        %parallel_loop3A_979 = tpu.vector_load %arg10[%parallel_loop3A_977, %parallel_loop3A_978] {strides = array<i32>} : memref<8x2048xf32, #tpu.memory_space<vmem>>, vector<1x16xf32>,
        %parallel_loop3A_980 = vector.shape_cast %parallel_loop3A_979 : vector<1x16xf32> to vector<16xf32>
        %parallel_loop3A_981 = vector.shape_cast %parallel_loop3A_975 : vector<16xf32> to vector<1x16xf32>
        tpu.vector_store %arg10[%parallel_loop3A_977, %parallel_loop3A_978], %parallel_loop3A_981 {add = true, strides = array<i32>} : memref<8x2048xf32, #tpu.memory_space<vmem>>, vector<1x16xf32>,
      } {sc.loop_unroll_factor = 8 : i64, sc.parallel_access}
      %parallel_loop3A_680 = arith.constant 0 : i32
      %parallel_loop3A_681 = arith.constant 128 : i32
      %parallel_loop3A_682 = arith.constant 1 : i32
      scf.for %parallel_loop3A_968 = %parallel_loop3A_680 to %parallel_loop3A_681 step %parallel_loop3A_682  : i32 {
        %parallel_loop3A_969 = arith.constant 16 : i32
        %parallel_loop3A_970 = arith.muli %parallel_loop3A_968, %parallel_loop3A_969 : i32
        %parallel_loop3A_971 = arith.constant 3 : i32
        %parallel_loop3A_972 = arith.index_cast %parallel_loop3A_971 : i32 to index
        %parallel_loop3A_973 = arith.index_cast %parallel_loop3A_970 : i32 to index
        %parallel_loop3A_974 = tpu.vector_load %arg8[%parallel_loop3A_972, %parallel_loop3A_973] {strides = array<i32>} : memref<8x2048xf32, #tpu.memory_space<vmem>>, vector<1x16xf32>,
        %parallel_loop3A_975 = vector.shape_cast %parallel_loop3A_974 : vector<1x16xf32> to vector<16xf32>
        %parallel_loop3A_976 = arith.constant 3 : i32
        %parallel_loop3A_977 = arith.index_cast %parallel_loop3A_976 : i32 to index
        %parallel_loop3A_978 = arith.index_cast %parallel_loop3A_970 : i32 to index
        %parallel_loop3A_979 = tpu.vector_load %arg10[%parallel_loop3A_977, %parallel_loop3A_978] {strides = array<i32>} : memref<8x2048xf32, #tpu.memory_space<vmem>>, vector<1x16xf32>,
        %parallel_loop3A_980 = vector.shape_cast %parallel_loop3A_979 : vector<1x16xf32> to vector<16xf32>
        %parallel_loop3A_981 = vector.shape_cast %parallel_loop3A_975 : vector<16xf32> to vector<1x16xf32>
        tpu.vector_store %arg10[%parallel_loop3A_977, %parallel_loop3A_978], %parallel_loop3A_981 {add = true, strides = array<i32>} : memref<8x2048xf32, #tpu.memory_space<vmem>>, vector<1x16xf32>,
      } {sc.loop_unroll_factor = 8 : i64, sc.parallel_access}
      %parallel_loop3A_683 = arith.constant 0 : i32
      %parallel_loop3A_684 = arith.constant 128 : i32
      %parallel_loop3A_685 = arith.constant 1 : i32
      scf.for %parallel_loop3A_968 = %parallel_loop3A_683 to %parallel_loop3A_684 step %parallel_loop3A_685  : i32 {
        %parallel_loop3A_969 = arith.constant 16 : i32
        %parallel_loop3A_970 = arith.muli %parallel_loop3A_968, %parallel_loop3A_969 : i32
        %parallel_loop3A_971 = arith.constant 4 : i32
        %parallel_loop3A_972 = arith.index_cast %parallel_loop3A_971 : i32 to index
        %parallel_loop3A_973 = arith.index_cast %parallel_loop3A_970 : i32 to index
        %parallel_loop3A_974 = tpu.vector_load %arg8[%parallel_loop3A_972, %parallel_loop3A_973] {strides = array<i32>} : memref<8x2048xf32, #tpu.memory_space<vmem>>, vector<1x16xf32>,
        %parallel_loop3A_975 = vector.shape_cast %parallel_loop3A_974 : vector<1x16xf32> to vector<16xf32>
        %parallel_loop3A_976 = arith.constant 4 : i32
        %parallel_loop3A_977 = arith.index_cast %parallel_loop3A_976 : i32 to index
        %parallel_loop3A_978 = arith.index_cast %parallel_loop3A_970 : i32 to index
        %parallel_loop3A_979 = tpu.vector_load %arg10[%parallel_loop3A_977, %parallel_loop3A_978] {strides = array<i32>} : memref<8x2048xf32, #tpu.memory_space<vmem>>, vector<1x16xf32>,
        %parallel_loop3A_980 = vector.shape_cast %parallel_loop3A_979 : vector<1x16xf32> to vector<16xf32>
        %parallel_loop3A_981 = vector.shape_cast %parallel_loop3A_975 : vector<16xf32> to vector<1x16xf32>
        tpu.vector_store %arg10[%parallel_loop3A_977, %parallel_loop3A_978], %parallel_loop3A_981 {add = true, strides = array<i32>} : memref<8x2048xf32, #tpu.memory_space<vmem>>, vector<1x16xf32>,
      } {sc.loop_unroll_factor = 8 : i64, sc.parallel_access}
      %parallel_loop3A_686 = arith.constant 0 : i32
      %parallel_loop3A_687 = arith.constant 128 : i32
      %parallel_loop3A_688 = arith.constant 1 : i32
      scf.for %parallel_loop3A_968 = %parallel_loop3A_686 to %parallel_loop3A_687 step %parallel_loop3A_688  : i32 {
        %parallel_loop3A_969 = arith.constant 16 : i32
        %parallel_loop3A_970 = arith.muli %parallel_loop3A_968, %parallel_loop3A_969 : i32
        %parallel_loop3A_971 = arith.constant 5 : i32
        %parallel_loop3A_972 = arith.index_cast %parallel_loop3A_971 : i32 to index
        %parallel_loop3A_973 = arith.index_cast %parallel_loop3A_970 : i32 to index
        %parallel_loop3A_974 = tpu.vector_load %arg8[%parallel_loop3A_972, %parallel_loop3A_973] {strides = array<i32>} : memref<8x2048xf32, #tpu.memory_space<vmem>>, vector<1x16xf32>,
        %parallel_loop3A_975 = vector.shape_cast %parallel_loop3A_974 : vector<1x16xf32> to vector<16xf32>
        %parallel_loop3A_976 = arith.constant 5 : i32
        %parallel_loop3A_977 = arith.index_cast %parallel_loop3A_976 : i32 to index
        %parallel_loop3A_978 = arith.index_cast %parallel_loop3A_970 : i32 to index
        %parallel_loop3A_979 = tpu.vector_load %arg10[%parallel_loop3A_977, %parallel_loop3A_978] {strides = array<i32>} : memref<8x2048xf32, #tpu.memory_space<vmem>>, vector<1x16xf32>,
        %parallel_loop3A_980 = vector.shape_cast %parallel_loop3A_979 : vector<1x16xf32> to vector<16xf32>
        %parallel_loop3A_981 = vector.shape_cast %parallel_loop3A_975 : vector<16xf32> to vector<1x16xf32>
        tpu.vector_store %arg10[%parallel_loop3A_977, %parallel_loop3A_978], %parallel_loop3A_981 {add = true, strides = array<i32>} : memref<8x2048xf32, #tpu.memory_space<vmem>>, vector<1x16xf32>,
      } {sc.loop_unroll_factor = 8 : i64, sc.parallel_access}
      %parallel_loop3A_689 = arith.constant 0 : i32
      %parallel_loop3A_690 = arith.constant 128 : i32
      %parallel_loop3A_691 = arith.constant 1 : i32
      scf.for %parallel_loop3A_968 = %parallel_loop3A_689 to %parallel_loop3A_690 step %parallel_loop3A_691  : i32 {
        %parallel_loop3A_969 = arith.constant 16 : i32
        %parallel_loop3A_970 = arith.muli %parallel_loop3A_968, %parallel_loop3A_969 : i32
        %parallel_loop3A_971 = arith.constant 6 : i32
        %parallel_loop3A_972 = arith.index_cast %parallel_loop3A_971 : i32 to index
        %parallel_loop3A_973 = arith.index_cast %parallel_loop3A_970 : i32 to index
        %parallel_loop3A_974 = tpu.vector_load %arg8[%parallel_loop3A_972, %parallel_loop3A_973] {strides = array<i32>} : memref<8x2048xf32, #tpu.memory_space<vmem>>, vector<1x16xf32>,
        %parallel_loop3A_975 = vector.shape_cast %parallel_loop3A_974 : vector<1x16xf32> to vector<16xf32>
        %parallel_loop3A_976 = arith.constant 6 : i32
        %parallel_loop3A_977 = arith.index_cast %parallel_loop3A_976 : i32 to index
        %parallel_loop3A_978 = arith.index_cast %parallel_loop3A_970 : i32 to index
        %parallel_loop3A_979 = tpu.vector_load %arg10[%parallel_loop3A_977, %parallel_loop3A_978] {strides = array<i32>} : memref<8x2048xf32, #tpu.memory_space<vmem>>, vector<1x16xf32>,
        %parallel_loop3A_980 = vector.shape_cast %parallel_loop3A_979 : vector<1x16xf32> to vector<16xf32>
        %parallel_loop3A_981 = vector.shape_cast %parallel_loop3A_975 : vector<16xf32> to vector<1x16xf32>
        tpu.vector_store %arg10[%parallel_loop3A_977, %parallel_loop3A_978], %parallel_loop3A_981 {add = true, strides = array<i32>} : memref<8x2048xf32, #tpu.memory_space<vmem>>, vector<1x16xf32>,
      } {sc.loop_unroll_factor = 8 : i64, sc.parallel_access}
      %parallel_loop3A_692 = arith.constant 0 : i32
      %parallel_loop3A_693 = arith.constant 128 : i32
      %parallel_loop3A_694 = arith.constant 1 : i32
      scf.for %parallel_loop3A_968 = %parallel_loop3A_692 to %parallel_loop3A_693 step %parallel_loop3A_694  : i32 {
        %parallel_loop3A_969 = arith.constant 16 : i32
        %parallel_loop3A_970 = arith.muli %parallel_loop3A_968, %parallel_loop3A_969 : i32
        %parallel_loop3A_971 = arith.constant 7 : i32
        %parallel_loop3A_972 = arith.index_cast %parallel_loop3A_971 : i32 to index
        %parallel_loop3A_973 = arith.index_cast %parallel_loop3A_970 : i32 to index
        %parallel_loop3A_974 = tpu.vector_load %arg8[%parallel_loop3A_972, %parallel_loop3A_973] {strides = array<i32>} : memref<8x2048xf32, #tpu.memory_space<vmem>>, vector<1x16xf32>,
        %parallel_loop3A_975 = vector.shape_cast %parallel_loop3A_974 : vector<1x16xf32> to vector<16xf32>
        %parallel_loop3A_976 = arith.constant 7 : i32
        %parallel_loop3A_977 = arith.index_cast %parallel_loop3A_976 : i32 to index
        %parallel_loop3A_978 = arith.index_cast %parallel_loop3A_970 : i32 to index
        %parallel_loop3A_979 = tpu.vector_load %arg10[%parallel_loop3A_977, %parallel_loop3A_978] {strides = array<i32>} : memref<8x2048xf32, #tpu.memory_space<vmem>>, vector<1x16xf32>,
        %parallel_loop3A_980 = vector.shape_cast %parallel_loop3A_979 : vector<1x16xf32> to vector<16xf32>
        %parallel_loop3A_981 = vector.shape_cast %parallel_loop3A_975 : vector<16xf32> to vector<1x16xf32>
        tpu.vector_store %arg10[%parallel_loop3A_977, %parallel_loop3A_978], %parallel_loop3A_981 {add = true, strides = array<i32>} : memref<8x2048xf32, #tpu.memory_space<vmem>>, vector<1x16xf32>,
      } {sc.loop_unroll_factor = 8 : i64, sc.parallel_access}
      %rem3A_695 = arith.constant 4 : i32
      %rem3A_696 = arith.remsi %add3A_635, %rem3A_695 : i32
      %mul3A_697 = arith.constant 4096 : i32
      %mul3A_698 = arith.muli %rem3A_696, %mul3A_697 : i32
      %add3A_699 = arith.addi %mul3A_698, %mul3A_2 : i32
      %jit3A_700 = arith.constant 4 : i32
      %div3A_701 = arith.divsi %add3A_635, %jit3A_700 : i32
      %sign3A_702 = arith.constant 0 : i32
      %sign3A_703 = arith.cmpi sgt, %add3A_635, %sign3A_702 : i32
      %sign3A_704 = arith.extui %sign3A_703 : i1 to i32
      %sign3A_705 = arith.constant 0 : i32
      %sign3A_706 = arith.cmpi slt, %add3A_635, %sign3A_705 : i32
      %sign3A_707 = arith.extui %sign3A_706 : i1 to i32
      %sign3A_708 = arith.subi %sign3A_704, %sign3A_707 : i32
      %sign3A_709 = arith.constant 0 : i32
      %sign3A_710 = arith.cmpi sgt, %jit3A_700, %sign3A_709 : i32
      %sign3A_711 = arith.extui %sign3A_710 : i1 to i32
      %sign3A_712 = arith.constant 0 : i32
      %sign3A_713 = arith.cmpi slt, %jit3A_700, %sign3A_712 : i32
      %sign3A_714 = arith.extui %sign3A_713 : i1 to i32
      %sign3A_715 = arith.subi %sign3A_711, %sign3A_714 : i32
      %ne3A_716 = arith.cmpi ne, %sign3A_708, %sign3A_715 : i32
      %rem3A_717 = arith.remsi %add3A_635, %jit3A_700 : i32
      %ne3A_718 = arith.constant 0 : i32
      %ne3A_719 = arith.cmpi ne, %rem3A_717, %ne3A_718 : i32
      %and3A_720 = arith.andi %ne3A_716, %ne3A_719 : i1
      %sub3A_721 = arith.constant 1 : i32
      %sub3A_722 = arith.subi %div3A_701, %sub3A_721 : i32
      %select_n3A_723 = arith.select %and3A_720, %sub3A_722, %div3A_701 : i32
      %mul3A_724 = arith.constant 8 : i32
      %mul3A_725 = arith.muli %select_n3A_723, %mul3A_724 : i32
      %add3A_726 = arith.addi %add3A_699, %mul3A_725 : i32
      %dma_start3A_727 = arith.constant 0 : i32
      %dma_start3A_728 = tpu.memref_slice %arg5[%add3A_726, %dma_start3A_727] : memref<16384x2048xf32, #tpu.memory_space<hbm>> -> memref<8x2048xf32, #tpu.memory_space<hbm>>
      %dma_start3A_729 = arith.constant 0 : i32
      %dma_start3A_730 = tpu.memref_slice %arg5[%add3A_726, %dma_start3A_729] : memref<16384x2048xf32, #tpu.memory_space<hbm>> -> memref<8x2048xf32, #tpu.memory_space<hbm>>
      tpu.enqueue_dma source(%arg10 : memref<8x2048xf32, #tpu.memory_space<vmem>>) target(%dma_start3A_730 : memref<8x2048xf32, #tpu.memory_space<hbm>>) target_semaphore(%arg20 : memref<!tpu.dma_semaphore, #tpu.memory_space<semaphore_mem>>)
      %ge3A_731 = arith.constant 2 : i32
      %ge3A_732 = arith.cmpi sge, %add3A_635, %ge3A_731 : i32
      %convert_element_type3A_733 = arith.extui %ge3A_732 : i1 to i32
      %cond3A_734 = arith.constant 0 : i32
      %cond3A_735 = arith.cmpi ne, %convert_element_type3A_733, %cond3A_734 : i32
      scf.if %cond3A_735 {
        %sub3A_968 = arith.constant 2 : i32
        %sub3A_969 = arith.subi %add3A_635, %sub3A_968 : i32
        %rem3A_970 = arith.constant 4 : i32
        %rem3A_971 = arith.remsi %sub3A_969, %rem3A_970 : i32
        %mul3A_972 = arith.constant 4096 : i32
        %mul3A_973 = arith.muli %rem3A_971, %mul3A_972 : i32
        %add3A_974 = arith.addi %mul3A_973, %mul3A_2 : i32
        %jit3A_975 = arith.constant 4 : i32
        %div3A_976 = arith.divsi %sub3A_969, %jit3A_975 : i32
        %sign3A_977 = arith.constant 0 : i32
        %sign3A_978 = arith.cmpi sgt, %sub3A_969, %sign3A_977 : i32
        %sign3A_979 = arith.extui %sign3A_978 : i1 to i32
        %sign3A_980 = arith.constant 0 : i32
        %sign3A_981 = arith.cmpi slt, %sub3A_969, %sign3A_980 : i32
        %sign3A_982 = arith.extui %sign3A_981 : i1 to i32
        %sign3A_983 = arith.subi %sign3A_979, %sign3A_982 : i32
        %sign3A_984 = arith.constant 0 : i32
        %sign3A_985 = arith.cmpi sgt, %jit3A_975, %sign3A_984 : i32
        %sign3A_986 = arith.extui %sign3A_985 : i1 to i32
        %sign3A_987 = arith.constant 0 : i32
        %sign3A_988 = arith.cmpi slt, %jit3A_975, %sign3A_987 : i32
        %sign3A_989 = arith.extui %sign3A_988 : i1 to i32
        %sign3A_990 = arith.subi %sign3A_986, %sign3A_989 : i32
        %ne3A_991 = arith.cmpi ne, %sign3A_983, %sign3A_990 : i32
        %rem3A_992 = arith.remsi %sub3A_969, %jit3A_975 : i32
        %ne3A_993 = arith.constant 0 : i32
        %ne3A_994 = arith.cmpi ne, %rem3A_992, %ne3A_993 : i32
        %and3A_995 = arith.andi %ne3A_991, %ne3A_994 : i1
        %sub3A_996 = arith.constant 1 : i32
        %sub3A_997 = arith.subi %div3A_976, %sub3A_996 : i32
        %select_n3A_998 = arith.select %and3A_995, %sub3A_997, %div3A_976 : i32
        %mul3A_999 = arith.constant 8 : i32
        %mul3A_1000 = arith.muli %select_n3A_998, %mul3A_999 : i32
        %add3A_1001 = arith.addi %add3A_974, %mul3A_1000 : i32
        %dma_wait3A_1002 = arith.constant 0 : i32
        %dma_wait3A_1003 = tpu.memref_slice %arg5[%add3A_1001, %dma_wait3A_1002] : memref<16384x2048xf32, #tpu.memory_space<hbm>> -> memref<8x2048xf32, #tpu.memory_space<hbm>>
        %dma_wait3A_1004 = arith.constant 0 : i32
        %dma_wait3A_1005 = tpu.memref_slice %arg5[%add3A_1001, %dma_wait3A_1004] : memref<16384x2048xf32, #tpu.memory_space<hbm>> -> memref<8x2048xf32, #tpu.memory_space<hbm>>
        tpu.wait_dma2 semaphore(%arg22 : memref<!tpu.dma_semaphore, #tpu.memory_space<semaphore_mem>>) src(%arg12 : memref<8x2048xf32, #tpu.memory_space<vmem>>) dst(%dma_wait3A_1005 : memref<8x2048xf32, #tpu.memory_space<hbm>>)
      } else {
      }
      %add3A_736 = arith.constant 2 : i32
      %add3A_737 = arith.addi %add3A_635, %add3A_736 : i32
      %lt3A_738 = arith.constant 64 : i32
      %lt3A_739 = arith.cmpi slt, %add3A_737, %lt3A_738 : i32
      %convert_element_type3A_740 = arith.extui %lt3A_739 : i1 to i32
      %cond3A_741 = arith.constant 0 : i32
      %cond3A_742 = arith.cmpi ne, %convert_element_type3A_740, %cond3A_741 : i32
      scf.if %cond3A_742 {
        %add3A_968 = arith.constant 2 : i32
        %add3A_969 = arith.addi %add3A_635, %add3A_968 : i32
        %rem3A_970 = arith.constant 4 : i32
        %rem3A_971 = arith.remsi %add3A_969, %rem3A_970 : i32
        %mul3A_972 = arith.constant 128 : i32
        %mul3A_973 = arith.muli %rem3A_971, %mul3A_972 : i32
        %jit3A_974 = arith.constant 4 : i32
        %div3A_975 = arith.divsi %add3A_969, %jit3A_974 : i32
        %sign3A_976 = arith.constant 0 : i32
        %sign3A_977 = arith.cmpi sgt, %add3A_969, %sign3A_976 : i32
        %sign3A_978 = arith.extui %sign3A_977 : i1 to i32
        %sign3A_979 = arith.constant 0 : i32
        %sign3A_980 = arith.cmpi slt, %add3A_969, %sign3A_979 : i32
        %sign3A_981 = arith.extui %sign3A_980 : i1 to i32
        %sign3A_982 = arith.subi %sign3A_978, %sign3A_981 : i32
        %sign3A_983 = arith.constant 0 : i32
        %sign3A_984 = arith.cmpi sgt, %jit3A_974, %sign3A_983 : i32
        %sign3A_985 = arith.extui %sign3A_984 : i1 to i32
        %sign3A_986 = arith.constant 0 : i32
        %sign3A_987 = arith.cmpi slt, %jit3A_974, %sign3A_986 : i32
        %sign3A_988 = arith.extui %sign3A_987 : i1 to i32
        %sign3A_989 = arith.subi %sign3A_985, %sign3A_988 : i32
        %ne3A_990 = arith.cmpi ne, %sign3A_982, %sign3A_989 : i32
        %rem3A_991 = arith.remsi %add3A_969, %jit3A_974 : i32
        %ne3A_992 = arith.constant 0 : i32
        %ne3A_993 = arith.cmpi ne, %rem3A_991, %ne3A_992 : i32
        %and3A_994 = arith.andi %ne3A_990, %ne3A_993 : i1
        %sub3A_995 = arith.constant 1 : i32
        %sub3A_996 = arith.subi %div3A_975, %sub3A_995 : i32
        %select_n3A_997 = arith.select %and3A_994, %sub3A_996, %div3A_975 : i32
        %mul3A_998 = arith.constant 8 : i32
        %mul3A_999 = arith.muli %select_n3A_997, %mul3A_998 : i32
        %add3A_1000 = arith.addi %mul3A_973, %mul3A_999 : i32
        %dma_start3A_1001 = tpu.memref_slice %arg6[%add3A_1000] : memref<512xi32, #tpu.memory_space<vmem>> -> memref<8xi32, #tpu.memory_space<vmem>>
        %dma_start3A_1002 = arith.constant 0 : i32
        %dma_start3A_1003 = arith.constant 0 : i32
        %dma_start3A_1004 = tpu.memref_slice %arg4[%dma_start3A_1002, %dma_start3A_1003] : memref<100000x2048xf32, #tpu.memory_space<hbm>> -> memref<100000x2048xf32, #tpu.memory_space<hbm>>
        tpu.enqueue_indirect_dma source(%dma_start3A_1004 : memref<100000x2048xf32, #tpu.memory_space<hbm>>) target(%arg12 : memref<8x2048xf32, #tpu.memory_space<vmem>>) offsets(%dma_start3A_1001 : memref<8xi32, #tpu.memory_space<vmem>>) semaphore(%arg18 : memref<!tpu.dma_semaphore, #tpu.memory_space<semaphore_mem>>)
      } else {
      }
      %add3A_743 = arith.constant 6 : i32
      %add3A_744 = arith.addi %mul3A_73, %add3A_743 : i32
      %rem3A_745 = arith.constant 4 : i32
      %rem3A_746 = arith.remsi %add3A_744, %rem3A_745 : i32
      %mul3A_747 = arith.constant 128 : i32
      %mul3A_748 = arith.muli %rem3A_746, %mul3A_747 : i32
      %jit3A_749 = arith.constant 4 : i32
      %div3A_750 = arith.divsi %add3A_744, %jit3A_749 : i32
      %sign3A_751 = arith.constant 0 : i32
      %sign3A_752 = arith.cmpi sgt, %add3A_744, %sign3A_751 : i32
      %sign3A_753 = arith.extui %sign3A_752 : i1 to i32
      %sign3A_754 = arith.constant 0 : i32
      %sign3A_755 = arith.cmpi slt, %add3A_744, %sign3A_754 : i32
      %sign3A_756 = arith.extui %sign3A_755 : i1 to i32
      %sign3A_757 = arith.subi %sign3A_753, %sign3A_756 : i32
      %sign3A_758 = arith.constant 0 : i32
      %sign3A_759 = arith.cmpi sgt, %jit3A_749, %sign3A_758 : i32
      %sign3A_760 = arith.extui %sign3A_759 : i1 to i32
      %sign3A_761 = arith.constant 0 : i32
      %sign3A_762 = arith.cmpi slt, %jit3A_749, %sign3A_761 : i32
      %sign3A_763 = arith.extui %sign3A_762 : i1 to i32
      %sign3A_764 = arith.subi %sign3A_760, %sign3A_763 : i32
      %ne3A_765 = arith.cmpi ne, %sign3A_757, %sign3A_764 : i32
      %rem3A_766 = arith.remsi %add3A_744, %jit3A_749 : i32
      %ne3A_767 = arith.constant 0 : i32
      %ne3A_768 = arith.cmpi ne, %rem3A_766, %ne3A_767 : i32
      %and3A_769 = arith.andi %ne3A_765, %ne3A_768 : i1
      %sub3A_770 = arith.constant 1 : i32
      %sub3A_771 = arith.subi %div3A_750, %sub3A_770 : i32
      %select_n3A_772 = arith.select %and3A_769, %sub3A_771, %div3A_750 : i32
      %mul3A_773 = arith.constant 8 : i32
      %mul3A_774 = arith.muli %select_n3A_772, %mul3A_773 : i32
      %add3A_775 = arith.addi %mul3A_748, %mul3A_774 : i32
      %dma_wait3A_776 = tpu.memref_slice %arg6[%add3A_775] : memref<512xi32, #tpu.memory_space<vmem>> -> memref<8xi32, #tpu.memory_space<vmem>>
      %dma_wait3A_777 = arith.constant 0 : i32
      %dma_wait3A_778 = arith.constant 0 : i32
      %dma_wait3A_779 = tpu.memref_slice %arg4[%dma_wait3A_777, %dma_wait3A_778] : memref<100000x2048xf32, #tpu.memory_space<hbm>> -> memref<100000x2048xf32, #tpu.memory_space<hbm>>
      tpu.wait_indirect_dma semaphore(%arg17 : memref<!tpu.dma_semaphore, #tpu.memory_space<semaphore_mem>>) src(%dma_wait3A_779 : memref<100000x2048xf32, #tpu.memory_space<hbm>>) dst(%arg11 : memref<8x2048xf32, #tpu.memory_space<vmem>>)
      %parallel_loop3A_780 = arith.constant 0 : i32
      %parallel_loop3A_781 = arith.constant 128 : i32
      %parallel_loop3A_782 = arith.constant 1 : i32
      scf.for %parallel_loop3A_968 = %parallel_loop3A_780 to %parallel_loop3A_781 step %parallel_loop3A_782  : i32 {
        %parallel_loop3A_969 = arith.constant 16 : i32
        %parallel_loop3A_970 = arith.muli %parallel_loop3A_968, %parallel_loop3A_969 : i32
        %parallel_loop3A_971 = arith.constant 0 : i32
        %parallel_loop3A_972 = arith.index_cast %parallel_loop3A_971 : i32 to index
        %parallel_loop3A_973 = arith.index_cast %parallel_loop3A_970 : i32 to index
        %parallel_loop3A_974 = tpu.vector_load %arg8[%parallel_loop3A_972, %parallel_loop3A_973] {strides = array<i32>} : memref<8x2048xf32, #tpu.memory_space<vmem>>, vector<1x16xf32>,
        %parallel_loop3A_975 = vector.shape_cast %parallel_loop3A_974 : vector<1x16xf32> to vector<16xf32>
        %parallel_loop3A_976 = arith.constant 0 : i32
        %parallel_loop3A_977 = arith.index_cast %parallel_loop3A_976 : i32 to index
        %parallel_loop3A_978 = arith.index_cast %parallel_loop3A_970 : i32 to index
        %parallel_loop3A_979 = tpu.vector_load %arg11[%parallel_loop3A_977, %parallel_loop3A_978] {strides = array<i32>} : memref<8x2048xf32, #tpu.memory_space<vmem>>, vector<1x16xf32>,
        %parallel_loop3A_980 = vector.shape_cast %parallel_loop3A_979 : vector<1x16xf32> to vector<16xf32>
        %parallel_loop3A_981 = vector.shape_cast %parallel_loop3A_975 : vector<16xf32> to vector<1x16xf32>
        tpu.vector_store %arg11[%parallel_loop3A_977, %parallel_loop3A_978], %parallel_loop3A_981 {add = true, strides = array<i32>} : memref<8x2048xf32, #tpu.memory_space<vmem>>, vector<1x16xf32>,
      } {sc.loop_unroll_factor = 8 : i64, sc.parallel_access}
      %parallel_loop3A_783 = arith.constant 0 : i32
      %parallel_loop3A_784 = arith.constant 128 : i32
      %parallel_loop3A_785 = arith.constant 1 : i32
      scf.for %parallel_loop3A_968 = %parallel_loop3A_783 to %parallel_loop3A_784 step %parallel_loop3A_785  : i32 {
        %parallel_loop3A_969 = arith.constant 16 : i32
        %parallel_loop3A_970 = arith.muli %parallel_loop3A_968, %parallel_loop3A_969 : i32
        %parallel_loop3A_971 = arith.constant 1 : i32
        %parallel_loop3A_972 = arith.index_cast %parallel_loop3A_971 : i32 to index
        %parallel_loop3A_973 = arith.index_cast %parallel_loop3A_970 : i32 to index
        %parallel_loop3A_974 = tpu.vector_load %arg8[%parallel_loop3A_972, %parallel_loop3A_973] {strides = array<i32>} : memref<8x2048xf32, #tpu.memory_space<vmem>>, vector<1x16xf32>,
        %parallel_loop3A_975 = vector.shape_cast %parallel_loop3A_974 : vector<1x16xf32> to vector<16xf32>
        %parallel_loop3A_976 = arith.constant 1 : i32
        %parallel_loop3A_977 = arith.index_cast %parallel_loop3A_976 : i32 to index
        %parallel_loop3A_978 = arith.index_cast %parallel_loop3A_970 : i32 to index
        %parallel_loop3A_979 = tpu.vector_load %arg11[%parallel_loop3A_977, %parallel_loop3A_978] {strides = array<i32>} : memref<8x2048xf32, #tpu.memory_space<vmem>>, vector<1x16xf32>,
        %parallel_loop3A_980 = vector.shape_cast %parallel_loop3A_979 : vector<1x16xf32> to vector<16xf32>
        %parallel_loop3A_981 = vector.shape_cast %parallel_loop3A_975 : vector<16xf32> to vector<1x16xf32>
        tpu.vector_store %arg11[%parallel_loop3A_977, %parallel_loop3A_978], %parallel_loop3A_981 {add = true, strides = array<i32>} : memref<8x2048xf32, #tpu.memory_space<vmem>>, vector<1x16xf32>,
      } {sc.loop_unroll_factor = 8 : i64, sc.parallel_access}
      %parallel_loop3A_786 = arith.constant 0 : i32
      %parallel_loop3A_787 = arith.constant 128 : i32
      %parallel_loop3A_788 = arith.constant 1 : i32
      scf.for %parallel_loop3A_968 = %parallel_loop3A_786 to %parallel_loop3A_787 step %parallel_loop3A_788  : i32 {
        %parallel_loop3A_969 = arith.constant 16 : i32
        %parallel_loop3A_970 = arith.muli %parallel_loop3A_968, %parallel_loop3A_969 : i32
        %parallel_loop3A_971 = arith.constant 2 : i32
        %parallel_loop3A_972 = arith.index_cast %parallel_loop3A_971 : i32 to index
        %parallel_loop3A_973 = arith.index_cast %parallel_loop3A_970 : i32 to index
        %parallel_loop3A_974 = tpu.vector_load %arg8[%parallel_loop3A_972, %parallel_loop3A_973] {strides = array<i32>} : memref<8x2048xf32, #tpu.memory_space<vmem>>, vector<1x16xf32>,
        %parallel_loop3A_975 = vector.shape_cast %parallel_loop3A_974 : vector<1x16xf32> to vector<16xf32>
        %parallel_loop3A_976 = arith.constant 2 : i32
        %parallel_loop3A_977 = arith.index_cast %parallel_loop3A_976 : i32 to index
        %parallel_loop3A_978 = arith.index_cast %parallel_loop3A_970 : i32 to index
        %parallel_loop3A_979 = tpu.vector_load %arg11[%parallel_loop3A_977, %parallel_loop3A_978] {strides = array<i32>} : memref<8x2048xf32, #tpu.memory_space<vmem>>, vector<1x16xf32>,
        %parallel_loop3A_980 = vector.shape_cast %parallel_loop3A_979 : vector<1x16xf32> to vector<16xf32>
        %parallel_loop3A_981 = vector.shape_cast %parallel_loop3A_975 : vector<16xf32> to vector<1x16xf32>
        tpu.vector_store %arg11[%parallel_loop3A_977, %parallel_loop3A_978], %parallel_loop3A_981 {add = true, strides = array<i32>} : memref<8x2048xf32, #tpu.memory_space<vmem>>, vector<1x16xf32>,
      } {sc.loop_unroll_factor = 8 : i64, sc.parallel_access}
      %parallel_loop3A_789 = arith.constant 0 : i32
      %parallel_loop3A_790 = arith.constant 128 : i32
      %parallel_loop3A_791 = arith.constant 1 : i32
      scf.for %parallel_loop3A_968 = %parallel_loop3A_789 to %parallel_loop3A_790 step %parallel_loop3A_791  : i32 {
        %parallel_loop3A_969 = arith.constant 16 : i32
        %parallel_loop3A_970 = arith.muli %parallel_loop3A_968, %parallel_loop3A_969 : i32
        %parallel_loop3A_971 = arith.constant 3 : i32
        %parallel_loop3A_972 = arith.index_cast %parallel_loop3A_971 : i32 to index
        %parallel_loop3A_973 = arith.index_cast %parallel_loop3A_970 : i32 to index
        %parallel_loop3A_974 = tpu.vector_load %arg8[%parallel_loop3A_972, %parallel_loop3A_973] {strides = array<i32>} : memref<8x2048xf32, #tpu.memory_space<vmem>>, vector<1x16xf32>,
        %parallel_loop3A_975 = vector.shape_cast %parallel_loop3A_974 : vector<1x16xf32> to vector<16xf32>
        %parallel_loop3A_976 = arith.constant 3 : i32
        %parallel_loop3A_977 = arith.index_cast %parallel_loop3A_976 : i32 to index
        %parallel_loop3A_978 = arith.index_cast %parallel_loop3A_970 : i32 to index
        %parallel_loop3A_979 = tpu.vector_load %arg11[%parallel_loop3A_977, %parallel_loop3A_978] {strides = array<i32>} : memref<8x2048xf32, #tpu.memory_space<vmem>>, vector<1x16xf32>,
        %parallel_loop3A_980 = vector.shape_cast %parallel_loop3A_979 : vector<1x16xf32> to vector<16xf32>
        %parallel_loop3A_981 = vector.shape_cast %parallel_loop3A_975 : vector<16xf32> to vector<1x16xf32>
        tpu.vector_store %arg11[%parallel_loop3A_977, %parallel_loop3A_978], %parallel_loop3A_981 {add = true, strides = array<i32>} : memref<8x2048xf32, #tpu.memory_space<vmem>>, vector<1x16xf32>,
      } {sc.loop_unroll_factor = 8 : i64, sc.parallel_access}
      %parallel_loop3A_792 = arith.constant 0 : i32
      %parallel_loop3A_793 = arith.constant 128 : i32
      %parallel_loop3A_794 = arith.constant 1 : i32
      scf.for %parallel_loop3A_968 = %parallel_loop3A_792 to %parallel_loop3A_793 step %parallel_loop3A_794  : i32 {
        %parallel_loop3A_969 = arith.constant 16 : i32
        %parallel_loop3A_970 = arith.muli %parallel_loop3A_968, %parallel_loop3A_969 : i32
        %parallel_loop3A_971 = arith.constant 4 : i32
        %parallel_loop3A_972 = arith.index_cast %parallel_loop3A_971 : i32 to index
        %parallel_loop3A_973 = arith.index_cast %parallel_loop3A_970 : i32 to index
        %parallel_loop3A_974 = tpu.vector_load %arg8[%parallel_loop3A_972, %parallel_loop3A_973] {strides = array<i32>} : memref<8x2048xf32, #tpu.memory_space<vmem>>, vector<1x16xf32>,
        %parallel_loop3A_975 = vector.shape_cast %parallel_loop3A_974 : vector<1x16xf32> to vector<16xf32>
        %parallel_loop3A_976 = arith.constant 4 : i32
        %parallel_loop3A_977 = arith.index_cast %parallel_loop3A_976 : i32 to index
        %parallel_loop3A_978 = arith.index_cast %parallel_loop3A_970 : i32 to index
        %parallel_loop3A_979 = tpu.vector_load %arg11[%parallel_loop3A_977, %parallel_loop3A_978] {strides = array<i32>} : memref<8x2048xf32, #tpu.memory_space<vmem>>, vector<1x16xf32>,
        %parallel_loop3A_980 = vector.shape_cast %parallel_loop3A_979 : vector<1x16xf32> to vector<16xf32>
        %parallel_loop3A_981 = vector.shape_cast %parallel_loop3A_975 : vector<16xf32> to vector<1x16xf32>
        tpu.vector_store %arg11[%parallel_loop3A_977, %parallel_loop3A_978], %parallel_loop3A_981 {add = true, strides = array<i32>} : memref<8x2048xf32, #tpu.memory_space<vmem>>, vector<1x16xf32>,
      } {sc.loop_unroll_factor = 8 : i64, sc.parallel_access}
      %parallel_loop3A_795 = arith.constant 0 : i32
      %parallel_loop3A_796 = arith.constant 128 : i32
      %parallel_loop3A_797 = arith.constant 1 : i32
      scf.for %parallel_loop3A_968 = %parallel_loop3A_795 to %parallel_loop3A_796 step %parallel_loop3A_797  : i32 {
        %parallel_loop3A_969 = arith.constant 16 : i32
        %parallel_loop3A_970 = arith.muli %parallel_loop3A_968, %parallel_loop3A_969 : i32
        %parallel_loop3A_971 = arith.constant 5 : i32
        %parallel_loop3A_972 = arith.index_cast %parallel_loop3A_971 : i32 to index
        %parallel_loop3A_973 = arith.index_cast %parallel_loop3A_970 : i32 to index
        %parallel_loop3A_974 = tpu.vector_load %arg8[%parallel_loop3A_972, %parallel_loop3A_973] {strides = array<i32>} : memref<8x2048xf32, #tpu.memory_space<vmem>>, vector<1x16xf32>,
        %parallel_loop3A_975 = vector.shape_cast %parallel_loop3A_974 : vector<1x16xf32> to vector<16xf32>
        %parallel_loop3A_976 = arith.constant 5 : i32
        %parallel_loop3A_977 = arith.index_cast %parallel_loop3A_976 : i32 to index
        %parallel_loop3A_978 = arith.index_cast %parallel_loop3A_970 : i32 to index
        %parallel_loop3A_979 = tpu.vector_load %arg11[%parallel_loop3A_977, %parallel_loop3A_978] {strides = array<i32>} : memref<8x2048xf32, #tpu.memory_space<vmem>>, vector<1x16xf32>,
        %parallel_loop3A_980 = vector.shape_cast %parallel_loop3A_979 : vector<1x16xf32> to vector<16xf32>
        %parallel_loop3A_981 = vector.shape_cast %parallel_loop3A_975 : vector<16xf32> to vector<1x16xf32>
        tpu.vector_store %arg11[%parallel_loop3A_977, %parallel_loop3A_978], %parallel_loop3A_981 {add = true, strides = array<i32>} : memref<8x2048xf32, #tpu.memory_space<vmem>>, vector<1x16xf32>,
      } {sc.loop_unroll_factor = 8 : i64, sc.parallel_access}
      %parallel_loop3A_798 = arith.constant 0 : i32
      %parallel_loop3A_799 = arith.constant 128 : i32
      %parallel_loop3A_800 = arith.constant 1 : i32
      scf.for %parallel_loop3A_968 = %parallel_loop3A_798 to %parallel_loop3A_799 step %parallel_loop3A_800  : i32 {
        %parallel_loop3A_969 = arith.constant 16 : i32
        %parallel_loop3A_970 = arith.muli %parallel_loop3A_968, %parallel_loop3A_969 : i32
        %parallel_loop3A_971 = arith.constant 6 : i32
        %parallel_loop3A_972 = arith.index_cast %parallel_loop3A_971 : i32 to index
        %parallel_loop3A_973 = arith.index_cast %parallel_loop3A_970 : i32 to index
        %parallel_loop3A_974 = tpu.vector_load %arg8[%parallel_loop3A_972, %parallel_loop3A_973] {strides = array<i32>} : memref<8x2048xf32, #tpu.memory_space<vmem>>, vector<1x16xf32>,
        %parallel_loop3A_975 = vector.shape_cast %parallel_loop3A_974 : vector<1x16xf32> to vector<16xf32>
        %parallel_loop3A_976 = arith.constant 6 : i32
        %parallel_loop3A_977 = arith.index_cast %parallel_loop3A_976 : i32 to index
        %parallel_loop3A_978 = arith.index_cast %parallel_loop3A_970 : i32 to index
        %parallel_loop3A_979 = tpu.vector_load %arg11[%parallel_loop3A_977, %parallel_loop3A_978] {strides = array<i32>} : memref<8x2048xf32, #tpu.memory_space<vmem>>, vector<1x16xf32>,
        %parallel_loop3A_980 = vector.shape_cast %parallel_loop3A_979 : vector<1x16xf32> to vector<16xf32>
        %parallel_loop3A_981 = vector.shape_cast %parallel_loop3A_975 : vector<16xf32> to vector<1x16xf32>
        tpu.vector_store %arg11[%parallel_loop3A_977, %parallel_loop3A_978], %parallel_loop3A_981 {add = true, strides = array<i32>} : memref<8x2048xf32, #tpu.memory_space<vmem>>, vector<1x16xf32>,
      } {sc.loop_unroll_factor = 8 : i64, sc.parallel_access}
      %parallel_loop3A_801 = arith.constant 0 : i32
      %parallel_loop3A_802 = arith.constant 128 : i32
      %parallel_loop3A_803 = arith.constant 1 : i32
      scf.for %parallel_loop3A_968 = %parallel_loop3A_801 to %parallel_loop3A_802 step %parallel_loop3A_803  : i32 {
        %parallel_loop3A_969 = arith.constant 16 : i32
        %parallel_loop3A_970 = arith.muli %parallel_loop3A_968, %parallel_loop3A_969 : i32
        %parallel_loop3A_971 = arith.constant 7 : i32
        %parallel_loop3A_972 = arith.index_cast %parallel_loop3A_971 : i32 to index
        %parallel_loop3A_973 = arith.index_cast %parallel_loop3A_970 : i32 to index
        %parallel_loop3A_974 = tpu.vector_load %arg8[%parallel_loop3A_972, %parallel_loop3A_973] {strides = array<i32>} : memref<8x2048xf32, #tpu.memory_space<vmem>>, vector<1x16xf32>,
        %parallel_loop3A_975 = vector.shape_cast %parallel_loop3A_974 : vector<1x16xf32> to vector<16xf32>
        %parallel_loop3A_976 = arith.constant 7 : i32
        %parallel_loop3A_977 = arith.index_cast %parallel_loop3A_976 : i32 to index
        %parallel_loop3A_978 = arith.index_cast %parallel_loop3A_970 : i32 to index
        %parallel_loop3A_979 = tpu.vector_load %arg11[%parallel_loop3A_977, %parallel_loop3A_978] {strides = array<i32>} : memref<8x2048xf32, #tpu.memory_space<vmem>>, vector<1x16xf32>,
        %parallel_loop3A_980 = vector.shape_cast %parallel_loop3A_979 : vector<1x16xf32> to vector<16xf32>
        %parallel_loop3A_981 = vector.shape_cast %parallel_loop3A_975 : vector<16xf32> to vector<1x16xf32>
        tpu.vector_store %arg11[%parallel_loop3A_977, %parallel_loop3A_978], %parallel_loop3A_981 {add = true, strides = array<i32>} : memref<8x2048xf32, #tpu.memory_space<vmem>>, vector<1x16xf32>,
      } {sc.loop_unroll_factor = 8 : i64, sc.parallel_access}
      %rem3A_804 = arith.constant 4 : i32
      %rem3A_805 = arith.remsi %add3A_744, %rem3A_804 : i32
      %mul3A_806 = arith.constant 4096 : i32
      %mul3A_807 = arith.muli %rem3A_805, %mul3A_806 : i32
      %add3A_808 = arith.addi %mul3A_807, %mul3A_2 : i32
      %jit3A_809 = arith.constant 4 : i32
      %div3A_810 = arith.divsi %add3A_744, %jit3A_809 : i32
      %sign3A_811 = arith.constant 0 : i32
      %sign3A_812 = arith.cmpi sgt, %add3A_744, %sign3A_811 : i32
      %sign3A_813 = arith.extui %sign3A_812 : i1 to i32
      %sign3A_814 = arith.constant 0 : i32
      %sign3A_815 = arith.cmpi slt, %add3A_744, %sign3A_814 : i32
      %sign3A_816 = arith.extui %sign3A_815 : i1 to i32
      %sign3A_817 = arith.subi %sign3A_813, %sign3A_816 : i32
      %sign3A_818 = arith.constant 0 : i32
      %sign3A_819 = arith.cmpi sgt, %jit3A_809, %sign3A_818 : i32
      %sign3A_820 = arith.extui %sign3A_819 : i1 to i32
      %sign3A_821 = arith.constant 0 : i32
      %sign3A_822 = arith.cmpi slt, %jit3A_809, %sign3A_821 : i32
      %sign3A_823 = arith.extui %sign3A_822 : i1 to i32
      %sign3A_824 = arith.subi %sign3A_820, %sign3A_823 : i32
      %ne3A_825 = arith.cmpi ne, %sign3A_817, %sign3A_824 : i32
      %rem3A_826 = arith.remsi %add3A_744, %jit3A_809 : i32
      %ne3A_827 = arith.constant 0 : i32
      %ne3A_828 = arith.cmpi ne, %rem3A_826, %ne3A_827 : i32
      %and3A_829 = arith.andi %ne3A_825, %ne3A_828 : i1
      %sub3A_830 = arith.constant 1 : i32
      %sub3A_831 = arith.subi %div3A_810, %sub3A_830 : i32
      %select_n3A_832 = arith.select %and3A_829, %sub3A_831, %div3A_810 : i32
      %mul3A_833 = arith.constant 8 : i32
      %mul3A_834 = arith.muli %select_n3A_832, %mul3A_833 : i32
      %add3A_835 = arith.addi %add3A_808, %mul3A_834 : i32
      %dma_start3A_836 = arith.constant 0 : i32
      %dma_start3A_837 = tpu.memref_slice %arg5[%add3A_835, %dma_start3A_836] : memref<16384x2048xf32, #tpu.memory_space<hbm>> -> memref<8x2048xf32, #tpu.memory_space<hbm>>
      %dma_start3A_838 = arith.constant 0 : i32
      %dma_start3A_839 = tpu.memref_slice %arg5[%add3A_835, %dma_start3A_838] : memref<16384x2048xf32, #tpu.memory_space<hbm>> -> memref<8x2048xf32, #tpu.memory_space<hbm>>
      tpu.enqueue_dma source(%arg11 : memref<8x2048xf32, #tpu.memory_space<vmem>>) target(%dma_start3A_839 : memref<8x2048xf32, #tpu.memory_space<hbm>>) target_semaphore(%arg21 : memref<!tpu.dma_semaphore, #tpu.memory_space<semaphore_mem>>)
      %ge3A_840 = arith.constant 2 : i32
      %ge3A_841 = arith.cmpi sge, %add3A_744, %ge3A_840 : i32
      %convert_element_type3A_842 = arith.extui %ge3A_841 : i1 to i32
      %cond3A_843 = arith.constant 0 : i32
      %cond3A_844 = arith.cmpi ne, %convert_element_type3A_842, %cond3A_843 : i32
      scf.if %cond3A_844 {
        %sub3A_968 = arith.constant 2 : i32
        %sub3A_969 = arith.subi %add3A_744, %sub3A_968 : i32
        %rem3A_970 = arith.constant 4 : i32
        %rem3A_971 = arith.remsi %sub3A_969, %rem3A_970 : i32
        %mul3A_972 = arith.constant 4096 : i32
        %mul3A_973 = arith.muli %rem3A_971, %mul3A_972 : i32
        %add3A_974 = arith.addi %mul3A_973, %mul3A_2 : i32
        %jit3A_975 = arith.constant 4 : i32
        %div3A_976 = arith.divsi %sub3A_969, %jit3A_975 : i32
        %sign3A_977 = arith.constant 0 : i32
        %sign3A_978 = arith.cmpi sgt, %sub3A_969, %sign3A_977 : i32
        %sign3A_979 = arith.extui %sign3A_978 : i1 to i32
        %sign3A_980 = arith.constant 0 : i32
        %sign3A_981 = arith.cmpi slt, %sub3A_969, %sign3A_980 : i32
        %sign3A_982 = arith.extui %sign3A_981 : i1 to i32
        %sign3A_983 = arith.subi %sign3A_979, %sign3A_982 : i32
        %sign3A_984 = arith.constant 0 : i32
        %sign3A_985 = arith.cmpi sgt, %jit3A_975, %sign3A_984 : i32
        %sign3A_986 = arith.extui %sign3A_985 : i1 to i32
        %sign3A_987 = arith.constant 0 : i32
        %sign3A_988 = arith.cmpi slt, %jit3A_975, %sign3A_987 : i32
        %sign3A_989 = arith.extui %sign3A_988 : i1 to i32
        %sign3A_990 = arith.subi %sign3A_986, %sign3A_989 : i32
        %ne3A_991 = arith.cmpi ne, %sign3A_983, %sign3A_990 : i32
        %rem3A_992 = arith.remsi %sub3A_969, %jit3A_975 : i32
        %ne3A_993 = arith.constant 0 : i32
        %ne3A_994 = arith.cmpi ne, %rem3A_992, %ne3A_993 : i32
        %and3A_995 = arith.andi %ne3A_991, %ne3A_994 : i1
        %sub3A_996 = arith.constant 1 : i32
        %sub3A_997 = arith.subi %div3A_976, %sub3A_996 : i32
        %select_n3A_998 = arith.select %and3A_995, %sub3A_997, %div3A_976 : i32
        %mul3A_999 = arith.constant 8 : i32
        %mul3A_1000 = arith.muli %select_n3A_998, %mul3A_999 : i32
        %add3A_1001 = arith.addi %add3A_974, %mul3A_1000 : i32
        %dma_wait3A_1002 = arith.constant 0 : i32
        %dma_wait3A_1003 = tpu.memref_slice %arg5[%add3A_1001, %dma_wait3A_1002] : memref<16384x2048xf32, #tpu.memory_space<hbm>> -> memref<8x2048xf32, #tpu.memory_space<hbm>>
        %dma_wait3A_1004 = arith.constant 0 : i32
        %dma_wait3A_1005 = tpu.memref_slice %arg5[%add3A_1001, %dma_wait3A_1004] : memref<16384x2048xf32, #tpu.memory_space<hbm>> -> memref<8x2048xf32, #tpu.memory_space<hbm>>
        tpu.wait_dma2 semaphore(%arg19 : memref<!tpu.dma_semaphore, #tpu.memory_space<semaphore_mem>>) src(%arg9 : memref<8x2048xf32, #tpu.memory_space<vmem>>) dst(%dma_wait3A_1005 : memref<8x2048xf32, #tpu.memory_space<hbm>>)
      } else {
      }
      %add3A_845 = arith.constant 2 : i32
      %add3A_846 = arith.addi %add3A_744, %add3A_845 : i32
      %lt3A_847 = arith.constant 64 : i32
      %lt3A_848 = arith.cmpi slt, %add3A_846, %lt3A_847 : i32
      %convert_element_type3A_849 = arith.extui %lt3A_848 : i1 to i32
      %cond3A_850 = arith.constant 0 : i32
      %cond3A_851 = arith.cmpi ne, %convert_element_type3A_849, %cond3A_850 : i32
      scf.if %cond3A_851 {
        %add3A_968 = arith.constant 2 : i32
        %add3A_969 = arith.addi %add3A_744, %add3A_968 : i32
        %rem3A_970 = arith.constant 4 : i32
        %rem3A_971 = arith.remsi %add3A_969, %rem3A_970 : i32
        %mul3A_972 = arith.constant 128 : i32
        %mul3A_973 = arith.muli %rem3A_971, %mul3A_972 : i32
        %jit3A_974 = arith.constant 4 : i32
        %div3A_975 = arith.divsi %add3A_969, %jit3A_974 : i32
        %sign3A_976 = arith.constant 0 : i32
        %sign3A_977 = arith.cmpi sgt, %add3A_969, %sign3A_976 : i32
        %sign3A_978 = arith.extui %sign3A_977 : i1 to i32
        %sign3A_979 = arith.constant 0 : i32
        %sign3A_980 = arith.cmpi slt, %add3A_969, %sign3A_979 : i32
        %sign3A_981 = arith.extui %sign3A_980 : i1 to i32
        %sign3A_982 = arith.subi %sign3A_978, %sign3A_981 : i32
        %sign3A_983 = arith.constant 0 : i32
        %sign3A_984 = arith.cmpi sgt, %jit3A_974, %sign3A_983 : i32
        %sign3A_985 = arith.extui %sign3A_984 : i1 to i32
        %sign3A_986 = arith.constant 0 : i32
        %sign3A_987 = arith.cmpi slt, %jit3A_974, %sign3A_986 : i32
        %sign3A_988 = arith.extui %sign3A_987 : i1 to i32
        %sign3A_989 = arith.subi %sign3A_985, %sign3A_988 : i32
        %ne3A_990 = arith.cmpi ne, %sign3A_982, %sign3A_989 : i32
        %rem3A_991 = arith.remsi %add3A_969, %jit3A_974 : i32
        %ne3A_992 = arith.constant 0 : i32
        %ne3A_993 = arith.cmpi ne, %rem3A_991, %ne3A_992 : i32
        %and3A_994 = arith.andi %ne3A_990, %ne3A_993 : i1
        %sub3A_995 = arith.constant 1 : i32
        %sub3A_996 = arith.subi %div3A_975, %sub3A_995 : i32
        %select_n3A_997 = arith.select %and3A_994, %sub3A_996, %div3A_975 : i32
        %mul3A_998 = arith.constant 8 : i32
        %mul3A_999 = arith.muli %select_n3A_997, %mul3A_998 : i32
        %add3A_1000 = arith.addi %mul3A_973, %mul3A_999 : i32
        %dma_start3A_1001 = tpu.memref_slice %arg6[%add3A_1000] : memref<512xi32, #tpu.memory_space<vmem>> -> memref<8xi32, #tpu.memory_space<vmem>>
        %dma_start3A_1002 = arith.constant 0 : i32
        %dma_start3A_1003 = arith.constant 0 : i32
        %dma_start3A_1004 = tpu.memref_slice %arg4[%dma_start3A_1002, %dma_start3A_1003] : memref<100000x2048xf32, #tpu.memory_space<hbm>> -> memref<100000x2048xf32, #tpu.memory_space<hbm>>
        tpu.enqueue_indirect_dma source(%dma_start3A_1004 : memref<100000x2048xf32, #tpu.memory_space<hbm>>) target(%arg9 : memref<8x2048xf32, #tpu.memory_space<vmem>>) offsets(%dma_start3A_1001 : memref<8xi32, #tpu.memory_space<vmem>>) semaphore(%arg15 : memref<!tpu.dma_semaphore, #tpu.memory_space<semaphore_mem>>)
      } else {
      }
      %add3A_852 = arith.constant 7 : i32
      %add3A_853 = arith.addi %mul3A_73, %add3A_852 : i32
      %rem3A_854 = arith.constant 4 : i32
      %rem3A_855 = arith.remsi %add3A_853, %rem3A_854 : i32
      %mul3A_856 = arith.constant 128 : i32
      %mul3A_857 = arith.muli %rem3A_855, %mul3A_856 : i32
      %jit3A_858 = arith.constant 4 : i32
      %div3A_859 = arith.divsi %add3A_853, %jit3A_858 : i32
      %sign3A_860 = arith.constant 0 : i32
      %sign3A_861 = arith.cmpi sgt, %add3A_853, %sign3A_860 : i32
      %sign3A_862 = arith.extui %sign3A_861 : i1 to i32
      %sign3A_863 = arith.constant 0 : i32
      %sign3A_864 = arith.cmpi slt, %add3A_853, %sign3A_863 : i32
      %sign3A_865 = arith.extui %sign3A_864 : i1 to i32
      %sign3A_866 = arith.subi %sign3A_862, %sign3A_865 : i32
      %sign3A_867 = arith.constant 0 : i32
      %sign3A_868 = arith.cmpi sgt, %jit3A_858, %sign3A_867 : i32
      %sign3A_869 = arith.extui %sign3A_868 : i1 to i32
      %sign3A_870 = arith.constant 0 : i32
      %sign3A_871 = arith.cmpi slt, %jit3A_858, %sign3A_870 : i32
      %sign3A_872 = arith.extui %sign3A_871 : i1 to i32
      %sign3A_873 = arith.subi %sign3A_869, %sign3A_872 : i32
      %ne3A_874 = arith.cmpi ne, %sign3A_866, %sign3A_873 : i32
      %rem3A_875 = arith.remsi %add3A_853, %jit3A_858 : i32
      %ne3A_876 = arith.constant 0 : i32
      %ne3A_877 = arith.cmpi ne, %rem3A_875, %ne3A_876 : i32
      %and3A_878 = arith.andi %ne3A_874, %ne3A_877 : i1
      %sub3A_879 = arith.constant 1 : i32
      %sub3A_880 = arith.subi %div3A_859, %sub3A_879 : i32
      %select_n3A_881 = arith.select %and3A_878, %sub3A_880, %div3A_859 : i32
      %mul3A_882 = arith.constant 8 : i32
      %mul3A_883 = arith.muli %select_n3A_881, %mul3A_882 : i32
      %add3A_884 = arith.addi %mul3A_857, %mul3A_883 : i32
      %dma_wait3A_885 = tpu.memref_slice %arg6[%add3A_884] : memref<512xi32, #tpu.memory_space<vmem>> -> memref<8xi32, #tpu.memory_space<vmem>>
      %dma_wait3A_886 = arith.constant 0 : i32
      %dma_wait3A_887 = arith.constant 0 : i32
      %dma_wait3A_888 = tpu.memref_slice %arg4[%dma_wait3A_886, %dma_wait3A_887] : memref<100000x2048xf32, #tpu.memory_space<hbm>> -> memref<100000x2048xf32, #tpu.memory_space<hbm>>
      tpu.wait_indirect_dma semaphore(%arg18 : memref<!tpu.dma_semaphore, #tpu.memory_space<semaphore_mem>>) src(%dma_wait3A_888 : memref<100000x2048xf32, #tpu.memory_space<hbm>>) dst(%arg12 : memref<8x2048xf32, #tpu.memory_space<vmem>>)
      %parallel_loop3A_889 = arith.constant 0 : i32
      %parallel_loop3A_890 = arith.constant 128 : i32
      %parallel_loop3A_891 = arith.constant 1 : i32
      scf.for %parallel_loop3A_968 = %parallel_loop3A_889 to %parallel_loop3A_890 step %parallel_loop3A_891  : i32 {
        %parallel_loop3A_969 = arith.constant 16 : i32
        %parallel_loop3A_970 = arith.muli %parallel_loop3A_968, %parallel_loop3A_969 : i32
        %parallel_loop3A_971 = arith.constant 0 : i32
        %parallel_loop3A_972 = arith.index_cast %parallel_loop3A_971 : i32 to index
        %parallel_loop3A_973 = arith.index_cast %parallel_loop3A_970 : i32 to index
        %parallel_loop3A_974 = tpu.vector_load %arg8[%parallel_loop3A_972, %parallel_loop3A_973] {strides = array<i32>} : memref<8x2048xf32, #tpu.memory_space<vmem>>, vector<1x16xf32>,
        %parallel_loop3A_975 = vector.shape_cast %parallel_loop3A_974 : vector<1x16xf32> to vector<16xf32>
        %parallel_loop3A_976 = arith.constant 0 : i32
        %parallel_loop3A_977 = arith.index_cast %parallel_loop3A_976 : i32 to index
        %parallel_loop3A_978 = arith.index_cast %parallel_loop3A_970 : i32 to index
        %parallel_loop3A_979 = tpu.vector_load %arg12[%parallel_loop3A_977, %parallel_loop3A_978] {strides = array<i32>} : memref<8x2048xf32, #tpu.memory_space<vmem>>, vector<1x16xf32>,
        %parallel_loop3A_980 = vector.shape_cast %parallel_loop3A_979 : vector<1x16xf32> to vector<16xf32>
        %parallel_loop3A_981 = vector.shape_cast %parallel_loop3A_975 : vector<16xf32> to vector<1x16xf32>
        tpu.vector_store %arg12[%parallel_loop3A_977, %parallel_loop3A_978], %parallel_loop3A_981 {add = true, strides = array<i32>} : memref<8x2048xf32, #tpu.memory_space<vmem>>, vector<1x16xf32>,
      } {sc.loop_unroll_factor = 8 : i64, sc.parallel_access}
      %parallel_loop3A_892 = arith.constant 0 : i32
      %parallel_loop3A_893 = arith.constant 128 : i32
      %parallel_loop3A_894 = arith.constant 1 : i32
      scf.for %parallel_loop3A_968 = %parallel_loop3A_892 to %parallel_loop3A_893 step %parallel_loop3A_894  : i32 {
        %parallel_loop3A_969 = arith.constant 16 : i32
        %parallel_loop3A_970 = arith.muli %parallel_loop3A_968, %parallel_loop3A_969 : i32
        %parallel_loop3A_971 = arith.constant 1 : i32
        %parallel_loop3A_972 = arith.index_cast %parallel_loop3A_971 : i32 to index
        %parallel_loop3A_973 = arith.index_cast %parallel_loop3A_970 : i32 to index
        %parallel_loop3A_974 = tpu.vector_load %arg8[%parallel_loop3A_972, %parallel_loop3A_973] {strides = array<i32>} : memref<8x2048xf32, #tpu.memory_space<vmem>>, vector<1x16xf32>,
        %parallel_loop3A_975 = vector.shape_cast %parallel_loop3A_974 : vector<1x16xf32> to vector<16xf32>
        %parallel_loop3A_976 = arith.constant 1 : i32
        %parallel_loop3A_977 = arith.index_cast %parallel_loop3A_976 : i32 to index
        %parallel_loop3A_978 = arith.index_cast %parallel_loop3A_970 : i32 to index
        %parallel_loop3A_979 = tpu.vector_load %arg12[%parallel_loop3A_977, %parallel_loop3A_978] {strides = array<i32>} : memref<8x2048xf32, #tpu.memory_space<vmem>>, vector<1x16xf32>,
        %parallel_loop3A_980 = vector.shape_cast %parallel_loop3A_979 : vector<1x16xf32> to vector<16xf32>
        %parallel_loop3A_981 = vector.shape_cast %parallel_loop3A_975 : vector<16xf32> to vector<1x16xf32>
        tpu.vector_store %arg12[%parallel_loop3A_977, %parallel_loop3A_978], %parallel_loop3A_981 {add = true, strides = array<i32>} : memref<8x2048xf32, #tpu.memory_space<vmem>>, vector<1x16xf32>,
      } {sc.loop_unroll_factor = 8 : i64, sc.parallel_access}
      %parallel_loop3A_895 = arith.constant 0 : i32
      %parallel_loop3A_896 = arith.constant 128 : i32
      %parallel_loop3A_897 = arith.constant 1 : i32
      scf.for %parallel_loop3A_968 = %parallel_loop3A_895 to %parallel_loop3A_896 step %parallel_loop3A_897  : i32 {
        %parallel_loop3A_969 = arith.constant 16 : i32
        %parallel_loop3A_970 = arith.muli %parallel_loop3A_968, %parallel_loop3A_969 : i32
        %parallel_loop3A_971 = arith.constant 2 : i32
        %parallel_loop3A_972 = arith.index_cast %parallel_loop3A_971 : i32 to index
        %parallel_loop3A_973 = arith.index_cast %parallel_loop3A_970 : i32 to index
        %parallel_loop3A_974 = tpu.vector_load %arg8[%parallel_loop3A_972, %parallel_loop3A_973] {strides = array<i32>} : memref<8x2048xf32, #tpu.memory_space<vmem>>, vector<1x16xf32>,
        %parallel_loop3A_975 = vector.shape_cast %parallel_loop3A_974 : vector<1x16xf32> to vector<16xf32>
        %parallel_loop3A_976 = arith.constant 2 : i32
        %parallel_loop3A_977 = arith.index_cast %parallel_loop3A_976 : i32 to index
        %parallel_loop3A_978 = arith.index_cast %parallel_loop3A_970 : i32 to index
        %parallel_loop3A_979 = tpu.vector_load %arg12[%parallel_loop3A_977, %parallel_loop3A_978] {strides = array<i32>} : memref<8x2048xf32, #tpu.memory_space<vmem>>, vector<1x16xf32>,
        %parallel_loop3A_980 = vector.shape_cast %parallel_loop3A_979 : vector<1x16xf32> to vector<16xf32>
        %parallel_loop3A_981 = vector.shape_cast %parallel_loop3A_975 : vector<16xf32> to vector<1x16xf32>
        tpu.vector_store %arg12[%parallel_loop3A_977, %parallel_loop3A_978], %parallel_loop3A_981 {add = true, strides = array<i32>} : memref<8x2048xf32, #tpu.memory_space<vmem>>, vector<1x16xf32>,
      } {sc.loop_unroll_factor = 8 : i64, sc.parallel_access}
      %parallel_loop3A_898 = arith.constant 0 : i32
      %parallel_loop3A_899 = arith.constant 128 : i32
      %parallel_loop3A_900 = arith.constant 1 : i32
      scf.for %parallel_loop3A_968 = %parallel_loop3A_898 to %parallel_loop3A_899 step %parallel_loop3A_900  : i32 {
        %parallel_loop3A_969 = arith.constant 16 : i32
        %parallel_loop3A_970 = arith.muli %parallel_loop3A_968, %parallel_loop3A_969 : i32
        %parallel_loop3A_971 = arith.constant 3 : i32
        %parallel_loop3A_972 = arith.index_cast %parallel_loop3A_971 : i32 to index
        %parallel_loop3A_973 = arith.index_cast %parallel_loop3A_970 : i32 to index
        %parallel_loop3A_974 = tpu.vector_load %arg8[%parallel_loop3A_972, %parallel_loop3A_973] {strides = array<i32>} : memref<8x2048xf32, #tpu.memory_space<vmem>>, vector<1x16xf32>,
        %parallel_loop3A_975 = vector.shape_cast %parallel_loop3A_974 : vector<1x16xf32> to vector<16xf32>
        %parallel_loop3A_976 = arith.constant 3 : i32
        %parallel_loop3A_977 = arith.index_cast %parallel_loop3A_976 : i32 to index
        %parallel_loop3A_978 = arith.index_cast %parallel_loop3A_970 : i32 to index
        %parallel_loop3A_979 = tpu.vector_load %arg12[%parallel_loop3A_977, %parallel_loop3A_978] {strides = array<i32>} : memref<8x2048xf32, #tpu.memory_space<vmem>>, vector<1x16xf32>,
        %parallel_loop3A_980 = vector.shape_cast %parallel_loop3A_979 : vector<1x16xf32> to vector<16xf32>
        %parallel_loop3A_981 = vector.shape_cast %parallel_loop3A_975 : vector<16xf32> to vector<1x16xf32>
        tpu.vector_store %arg12[%parallel_loop3A_977, %parallel_loop3A_978], %parallel_loop3A_981 {add = true, strides = array<i32>} : memref<8x2048xf32, #tpu.memory_space<vmem>>, vector<1x16xf32>,
      } {sc.loop_unroll_factor = 8 : i64, sc.parallel_access}
      %parallel_loop3A_901 = arith.constant 0 : i32
      %parallel_loop3A_902 = arith.constant 128 : i32
      %parallel_loop3A_903 = arith.constant 1 : i32
      scf.for %parallel_loop3A_968 = %parallel_loop3A_901 to %parallel_loop3A_902 step %parallel_loop3A_903  : i32 {
        %parallel_loop3A_969 = arith.constant 16 : i32
        %parallel_loop3A_970 = arith.muli %parallel_loop3A_968, %parallel_loop3A_969 : i32
        %parallel_loop3A_971 = arith.constant 4 : i32
        %parallel_loop3A_972 = arith.index_cast %parallel_loop3A_971 : i32 to index
        %parallel_loop3A_973 = arith.index_cast %parallel_loop3A_970 : i32 to index
        %parallel_loop3A_974 = tpu.vector_load %arg8[%parallel_loop3A_972, %parallel_loop3A_973] {strides = array<i32>} : memref<8x2048xf32, #tpu.memory_space<vmem>>, vector<1x16xf32>,
        %parallel_loop3A_975 = vector.shape_cast %parallel_loop3A_974 : vector<1x16xf32> to vector<16xf32>
        %parallel_loop3A_976 = arith.constant 4 : i32
        %parallel_loop3A_977 = arith.index_cast %parallel_loop3A_976 : i32 to index
        %parallel_loop3A_978 = arith.index_cast %parallel_loop3A_970 : i32 to index
        %parallel_loop3A_979 = tpu.vector_load %arg12[%parallel_loop3A_977, %parallel_loop3A_978] {strides = array<i32>} : memref<8x2048xf32, #tpu.memory_space<vmem>>, vector<1x16xf32>,
        %parallel_loop3A_980 = vector.shape_cast %parallel_loop3A_979 : vector<1x16xf32> to vector<16xf32>
        %parallel_loop3A_981 = vector.shape_cast %parallel_loop3A_975 : vector<16xf32> to vector<1x16xf32>
        tpu.vector_store %arg12[%parallel_loop3A_977, %parallel_loop3A_978], %parallel_loop3A_981 {add = true, strides = array<i32>} : memref<8x2048xf32, #tpu.memory_space<vmem>>, vector<1x16xf32>,
      } {sc.loop_unroll_factor = 8 : i64, sc.parallel_access}
      %parallel_loop3A_904 = arith.constant 0 : i32
      %parallel_loop3A_905 = arith.constant 128 : i32
      %parallel_loop3A_906 = arith.constant 1 : i32
      scf.for %parallel_loop3A_968 = %parallel_loop3A_904 to %parallel_loop3A_905 step %parallel_loop3A_906  : i32 {
        %parallel_loop3A_969 = arith.constant 16 : i32
        %parallel_loop3A_970 = arith.muli %parallel_loop3A_968, %parallel_loop3A_969 : i32
        %parallel_loop3A_971 = arith.constant 5 : i32
        %parallel_loop3A_972 = arith.index_cast %parallel_loop3A_971 : i32 to index
        %parallel_loop3A_973 = arith.index_cast %parallel_loop3A_970 : i32 to index
        %parallel_loop3A_974 = tpu.vector_load %arg8[%parallel_loop3A_972, %parallel_loop3A_973] {strides = array<i32>} : memref<8x2048xf32, #tpu.memory_space<vmem>>, vector<1x16xf32>,
        %parallel_loop3A_975 = vector.shape_cast %parallel_loop3A_974 : vector<1x16xf32> to vector<16xf32>
        %parallel_loop3A_976 = arith.constant 5 : i32
        %parallel_loop3A_977 = arith.index_cast %parallel_loop3A_976 : i32 to index
        %parallel_loop3A_978 = arith.index_cast %parallel_loop3A_970 : i32 to index
        %parallel_loop3A_979 = tpu.vector_load %arg12[%parallel_loop3A_977, %parallel_loop3A_978] {strides = array<i32>} : memref<8x2048xf32, #tpu.memory_space<vmem>>, vector<1x16xf32>,
        %parallel_loop3A_980 = vector.shape_cast %parallel_loop3A_979 : vector<1x16xf32> to vector<16xf32>
        %parallel_loop3A_981 = vector.shape_cast %parallel_loop3A_975 : vector<16xf32> to vector<1x16xf32>
        tpu.vector_store %arg12[%parallel_loop3A_977, %parallel_loop3A_978], %parallel_loop3A_981 {add = true, strides = array<i32>} : memref<8x2048xf32, #tpu.memory_space<vmem>>, vector<1x16xf32>,
      } {sc.loop_unroll_factor = 8 : i64, sc.parallel_access}
      %parallel_loop3A_907 = arith.constant 0 : i32
      %parallel_loop3A_908 = arith.constant 128 : i32
      %parallel_loop3A_909 = arith.constant 1 : i32
      scf.for %parallel_loop3A_968 = %parallel_loop3A_907 to %parallel_loop3A_908 step %parallel_loop3A_909  : i32 {
        %parallel_loop3A_969 = arith.constant 16 : i32
        %parallel_loop3A_970 = arith.muli %parallel_loop3A_968, %parallel_loop3A_969 : i32
        %parallel_loop3A_971 = arith.constant 6 : i32
        %parallel_loop3A_972 = arith.index_cast %parallel_loop3A_971 : i32 to index
        %parallel_loop3A_973 = arith.index_cast %parallel_loop3A_970 : i32 to index
        %parallel_loop3A_974 = tpu.vector_load %arg8[%parallel_loop3A_972, %parallel_loop3A_973] {strides = array<i32>} : memref<8x2048xf32, #tpu.memory_space<vmem>>, vector<1x16xf32>,
        %parallel_loop3A_975 = vector.shape_cast %parallel_loop3A_974 : vector<1x16xf32> to vector<16xf32>
        %parallel_loop3A_976 = arith.constant 6 : i32
        %parallel_loop3A_977 = arith.index_cast %parallel_loop3A_976 : i32 to index
        %parallel_loop3A_978 = arith.index_cast %parallel_loop3A_970 : i32 to index
        %parallel_loop3A_979 = tpu.vector_load %arg12[%parallel_loop3A_977, %parallel_loop3A_978] {strides = array<i32>} : memref<8x2048xf32, #tpu.memory_space<vmem>>, vector<1x16xf32>,
        %parallel_loop3A_980 = vector.shape_cast %parallel_loop3A_979 : vector<1x16xf32> to vector<16xf32>
        %parallel_loop3A_981 = vector.shape_cast %parallel_loop3A_975 : vector<16xf32> to vector<1x16xf32>
        tpu.vector_store %arg12[%parallel_loop3A_977, %parallel_loop3A_978], %parallel_loop3A_981 {add = true, strides = array<i32>} : memref<8x2048xf32, #tpu.memory_space<vmem>>, vector<1x16xf32>,
      } {sc.loop_unroll_factor = 8 : i64, sc.parallel_access}
      %parallel_loop3A_910 = arith.constant 0 : i32
      %parallel_loop3A_911 = arith.constant 128 : i32
      %parallel_loop3A_912 = arith.constant 1 : i32
      scf.for %parallel_loop3A_968 = %parallel_loop3A_910 to %parallel_loop3A_911 step %parallel_loop3A_912  : i32 {
        %parallel_loop3A_969 = arith.constant 16 : i32
        %parallel_loop3A_970 = arith.muli %parallel_loop3A_968, %parallel_loop3A_969 : i32
        %parallel_loop3A_971 = arith.constant 7 : i32
        %parallel_loop3A_972 = arith.index_cast %parallel_loop3A_971 : i32 to index
        %parallel_loop3A_973 = arith.index_cast %parallel_loop3A_970 : i32 to index
        %parallel_loop3A_974 = tpu.vector_load %arg8[%parallel_loop3A_972, %parallel_loop3A_973] {strides = array<i32>} : memref<8x2048xf32, #tpu.memory_space<vmem>>, vector<1x16xf32>,
        %parallel_loop3A_975 = vector.shape_cast %parallel_loop3A_974 : vector<1x16xf32> to vector<16xf32>
        %parallel_loop3A_976 = arith.constant 7 : i32
        %parallel_loop3A_977 = arith.index_cast %parallel_loop3A_976 : i32 to index
        %parallel_loop3A_978 = arith.index_cast %parallel_loop3A_970 : i32 to index
        %parallel_loop3A_979 = tpu.vector_load %arg12[%parallel_loop3A_977, %parallel_loop3A_978] {strides = array<i32>} : memref<8x2048xf32, #tpu.memory_space<vmem>>, vector<1x16xf32>,
        %parallel_loop3A_980 = vector.shape_cast %parallel_loop3A_979 : vector<1x16xf32> to vector<16xf32>
        %parallel_loop3A_981 = vector.shape_cast %parallel_loop3A_975 : vector<16xf32> to vector<1x16xf32>
        tpu.vector_store %arg12[%parallel_loop3A_977, %parallel_loop3A_978], %parallel_loop3A_981 {add = true, strides = array<i32>} : memref<8x2048xf32, #tpu.memory_space<vmem>>, vector<1x16xf32>,
      } {sc.loop_unroll_factor = 8 : i64, sc.parallel_access}
      %rem3A_913 = arith.constant 4 : i32
      %rem3A_914 = arith.remsi %add3A_853, %rem3A_913 : i32
      %mul3A_915 = arith.constant 4096 : i32
      %mul3A_916 = arith.muli %rem3A_914, %mul3A_915 : i32
      %add3A_917 = arith.addi %mul3A_916, %mul3A_2 : i32
      %jit3A_918 = arith.constant 4 : i32
      %div3A_919 = arith.divsi %add3A_853, %jit3A_918 : i32
      %sign3A_920 = arith.constant 0 : i32
      %sign3A_921 = arith.cmpi sgt, %add3A_853, %sign3A_920 : i32
      %sign3A_922 = arith.extui %sign3A_921 : i1 to i32
      %sign3A_923 = arith.constant 0 : i32
      %sign3A_924 = arith.cmpi slt, %add3A_853, %sign3A_923 : i32
      %sign3A_925 = arith.extui %sign3A_924 : i1 to i32
      %sign3A_926 = arith.subi %sign3A_922, %sign3A_925 : i32
      %sign3A_927 = arith.constant 0 : i32
      %sign3A_928 = arith.cmpi sgt, %jit3A_918, %sign3A_927 : i32
      %sign3A_929 = arith.extui %sign3A_928 : i1 to i32
      %sign3A_930 = arith.constant 0 : i32
      %sign3A_931 = arith.cmpi slt, %jit3A_918, %sign3A_930 : i32
      %sign3A_932 = arith.extui %sign3A_931 : i1 to i32
      %sign3A_933 = arith.subi %sign3A_929, %sign3A_932 : i32
      %ne3A_934 = arith.cmpi ne, %sign3A_926, %sign3A_933 : i32
      %rem3A_935 = arith.remsi %add3A_853, %jit3A_918 : i32
      %ne3A_936 = arith.constant 0 : i32
      %ne3A_937 = arith.cmpi ne, %rem3A_935, %ne3A_936 : i32
      %and3A_938 = arith.andi %ne3A_934, %ne3A_937 : i1
      %sub3A_939 = arith.constant 1 : i32
      %sub3A_940 = arith.subi %div3A_919, %sub3A_939 : i32
      %select_n3A_941 = arith.select %and3A_938, %sub3A_940, %div3A_919 : i32
      %mul3A_942 = arith.constant 8 : i32
      %mul3A_943 = arith.muli %select_n3A_941, %mul3A_942 : i32
      %add3A_944 = arith.addi %add3A_917, %mul3A_943 : i32
      %dma_start3A_945 = arith.constant 0 : i32
      %dma_start3A_946 = tpu.memref_slice %arg5[%add3A_944, %dma_start3A_945] : memref<16384x2048xf32, #tpu.memory_space<hbm>> -> memref<8x2048xf32, #tpu.memory_space<hbm>>
      %dma_start3A_947 = arith.constant 0 : i32
      %dma_start3A_948 = tpu.memref_slice %arg5[%add3A_944, %dma_start3A_947] : memref<16384x2048xf32, #tpu.memory_space<hbm>> -> memref<8x2048xf32, #tpu.memory_space<hbm>>
      tpu.enqueue_dma source(%arg12 : memref<8x2048xf32, #tpu.memory_space<vmem>>) target(%dma_start3A_948 : memref<8x2048xf32, #tpu.memory_space<hbm>>) target_semaphore(%arg22 : memref<!tpu.dma_semaphore, #tpu.memory_space<semaphore_mem>>)
      %ge3A_949 = arith.constant 2 : i32
      %ge3A_950 = arith.cmpi sge, %add3A_853, %ge3A_949 : i32
      %convert_element_type3A_951 = arith.extui %ge3A_950 : i1 to i32
      %cond3A_952 = arith.constant 0 : i32
      %cond3A_953 = arith.cmpi ne, %convert_element_type3A_951, %cond3A_952 : i32
      scf.if %cond3A_953 {
        %sub3A_968 = arith.constant 2 : i32
        %sub3A_969 = arith.subi %add3A_853, %sub3A_968 : i32
        %rem3A_970 = arith.constant 4 : i32
        %rem3A_971 = arith.remsi %sub3A_969, %rem3A_970 : i32
        %mul3A_972 = arith.constant 4096 : i32
        %mul3A_973 = arith.muli %rem3A_971, %mul3A_972 : i32
        %add3A_974 = arith.addi %mul3A_973, %mul3A_2 : i32
        %jit3A_975 = arith.constant 4 : i32
        %div3A_976 = arith.divsi %sub3A_969, %jit3A_975 : i32
        %sign3A_977 = arith.constant 0 : i32
        %sign3A_978 = arith.cmpi sgt, %sub3A_969, %sign3A_977 : i32
        %sign3A_979 = arith.extui %sign3A_978 : i1 to i32
        %sign3A_980 = arith.constant 0 : i32
        %sign3A_981 = arith.cmpi slt, %sub3A_969, %sign3A_980 : i32
        %sign3A_982 = arith.extui %sign3A_981 : i1 to i32
        %sign3A_983 = arith.subi %sign3A_979, %sign3A_982 : i32
        %sign3A_984 = arith.constant 0 : i32
        %sign3A_985 = arith.cmpi sgt, %jit3A_975, %sign3A_984 : i32
        %sign3A_986 = arith.extui %sign3A_985 : i1 to i32
        %sign3A_987 = arith.constant 0 : i32
        %sign3A_988 = arith.cmpi slt, %jit3A_975, %sign3A_987 : i32
        %sign3A_989 = arith.extui %sign3A_988 : i1 to i32
        %sign3A_990 = arith.subi %sign3A_986, %sign3A_989 : i32
        %ne3A_991 = arith.cmpi ne, %sign3A_983, %sign3A_990 : i32
        %rem3A_992 = arith.remsi %sub3A_969, %jit3A_975 : i32
        %ne3A_993 = arith.constant 0 : i32
        %ne3A_994 = arith.cmpi ne, %rem3A_992, %ne3A_993 : i32
        %and3A_995 = arith.andi %ne3A_991, %ne3A_994 : i1
        %sub3A_996 = arith.constant 1 : i32
        %sub3A_997 = arith.subi %div3A_976, %sub3A_996 : i32
        %select_n3A_998 = arith.select %and3A_995, %sub3A_997, %div3A_976 : i32
        %mul3A_999 = arith.constant 8 : i32
        %mul3A_1000 = arith.muli %select_n3A_998, %mul3A_999 : i32
        %add3A_1001 = arith.addi %add3A_974, %mul3A_1000 : i32
        %dma_wait3A_1002 = arith.constant 0 : i32
        %dma_wait3A_1003 = tpu.memref_slice %arg5[%add3A_1001, %dma_wait3A_1002] : memref<16384x2048xf32, #tpu.memory_space<hbm>> -> memref<8x2048xf32, #tpu.memory_space<hbm>>
        %dma_wait3A_1004 = arith.constant 0 : i32
        %dma_wait3A_1005 = tpu.memref_slice %arg5[%add3A_1001, %dma_wait3A_1004] : memref<16384x2048xf32, #tpu.memory_space<hbm>> -> memref<8x2048xf32, #tpu.memory_space<hbm>>
        tpu.wait_dma2 semaphore(%arg20 : memref<!tpu.dma_semaphore, #tpu.memory_space<semaphore_mem>>) src(%arg10 : memref<8x2048xf32, #tpu.memory_space<vmem>>) dst(%dma_wait3A_1005 : memref<8x2048xf32, #tpu.memory_space<hbm>>)
      } else {
      }
      %add3A_954 = arith.constant 2 : i32
      %add3A_955 = arith.addi %add3A_853, %add3A_954 : i32
      %lt3A_956 = arith.constant 64 : i32
      %lt3A_957 = arith.cmpi slt, %add3A_955, %lt3A_956 : i32
      %convert_element_type3A_958 = arith.extui %lt3A_957 : i1 to i32
      %cond3A_959 = arith.constant 0 : i32
      %cond3A_960 = arith.cmpi ne, %convert_element_type3A_958, %cond3A_959 : i32
      scf.if %cond3A_960 {
        %add3A_968 = arith.constant 2 : i32
        %add3A_969 = arith.addi %add3A_853, %add3A_968 : i32
        %rem3A_970 = arith.constant 4 : i32
        %rem3A_971 = arith.remsi %add3A_969, %rem3A_970 : i32
        %mul3A_972 = arith.constant 128 : i32
        %mul3A_973 = arith.muli %rem3A_971, %mul3A_972 : i32
        %jit3A_974 = arith.constant 4 : i32
        %div3A_975 = arith.divsi %add3A_969, %jit3A_974 : i32
        %sign3A_976 = arith.constant 0 : i32
        %sign3A_977 = arith.cmpi sgt, %add3A_969, %sign3A_976 : i32
        %sign3A_978 = arith.extui %sign3A_977 : i1 to i32
        %sign3A_979 = arith.constant 0 : i32
        %sign3A_980 = arith.cmpi slt, %add3A_969, %sign3A_979 : i32
        %sign3A_981 = arith.extui %sign3A_980 : i1 to i32
        %sign3A_982 = arith.subi %sign3A_978, %sign3A_981 : i32
        %sign3A_983 = arith.constant 0 : i32
        %sign3A_984 = arith.cmpi sgt, %jit3A_974, %sign3A_983 : i32
        %sign3A_985 = arith.extui %sign3A_984 : i1 to i32
        %sign3A_986 = arith.constant 0 : i32
        %sign3A_987 = arith.cmpi slt, %jit3A_974, %sign3A_986 : i32
        %sign3A_988 = arith.extui %sign3A_987 : i1 to i32
        %sign3A_989 = arith.subi %sign3A_985, %sign3A_988 : i32
        %ne3A_990 = arith.cmpi ne, %sign3A_982, %sign3A_989 : i32
        %rem3A_991 = arith.remsi %add3A_969, %jit3A_974 : i32
        %ne3A_992 = arith.constant 0 : i32
        %ne3A_993 = arith.cmpi ne, %rem3A_991, %ne3A_992 : i32
        %and3A_994 = arith.andi %ne3A_990, %ne3A_993 : i1
        %sub3A_995 = arith.constant 1 : i32
        %sub3A_996 = arith.subi %div3A_975, %sub3A_995 : i32
        %select_n3A_997 = arith.select %and3A_994, %sub3A_996, %div3A_975 : i32
        %mul3A_998 = arith.constant 8 : i32
        %mul3A_999 = arith.muli %select_n3A_997, %mul3A_998 : i32
        %add3A_1000 = arith.addi %mul3A_973, %mul3A_999 : i32
        %dma_start3A_1001 = tpu.memref_slice %arg6[%add3A_1000] : memref<512xi32, #tpu.memory_space<vmem>> -> memref<8xi32, #tpu.memory_space<vmem>>
        %dma_start3A_1002 = arith.constant 0 : i32
        %dma_start3A_1003 = arith.constant 0 : i32
        %dma_start3A_1004 = tpu.memref_slice %arg4[%dma_start3A_1002, %dma_start3A_1003] : memref<100000x2048xf32, #tpu.memory_space<hbm>> -> memref<100000x2048xf32, #tpu.memory_space<hbm>>
        tpu.enqueue_indirect_dma source(%dma_start3A_1004 : memref<100000x2048xf32, #tpu.memory_space<hbm>>) target(%arg10 : memref<8x2048xf32, #tpu.memory_space<vmem>>) offsets(%dma_start3A_1001 : memref<8xi32, #tpu.memory_space<vmem>>) semaphore(%arg16 : memref<!tpu.dma_semaphore, #tpu.memory_space<semaphore_mem>>)
      } else {
      }
      %add3A_961 = arith.constant 2 : i32
      %add3A_962 = arith.addi %add3A_79, %add3A_961 : i32
      %lt3A_963 = arith.constant 16 : i32
      %lt3A_964 = arith.cmpi slt, %add3A_962, %lt3A_963 : i32
      %convert_element_type3A_965 = arith.extui %lt3A_964 : i1 to i32
      %cond3A_966 = arith.constant 0 : i32
      %cond3A_967 = arith.cmpi ne, %convert_element_type3A_965, %cond3A_966 : i32
      scf.if %cond3A_967 {
        %add3A_968 = arith.constant 2 : i32
        %add3A_969 = arith.addi %add3A_79, %add3A_968 : i32
        %mul3A_970 = arith.constant 8 : i32
        %mul3A_971 = arith.muli %add3A_969, %mul3A_970 : i32
        %add3A_972 = arith.addi %mul3A_2, %mul3A_971 : i32
        %dma_start3A_973 = arith.constant 0 : i32
        %dma_start3A_974 = tpu.memref_slice %arg3[%add3A_972, %dma_start3A_973] : memref<4096x2048xf32, #tpu.memory_space<hbm>> -> memref<8x2048xf32, #tpu.memory_space<hbm>>
        %dma_start3A_975 = arith.constant 0 : i32
        %dma_start3A_976 = tpu.memref_slice %arg3[%add3A_972, %dma_start3A_975] : memref<4096x2048xf32, #tpu.memory_space<hbm>> -> memref<8x2048xf32, #tpu.memory_space<hbm>>
        tpu.enqueue_dma source(%dma_start3A_976 : memref<8x2048xf32, #tpu.memory_space<hbm>>) target(%arg8 : memref<8x2048xf32, #tpu.memory_space<vmem>>) target_semaphore(%arg14 : memref<!tpu.dma_semaphore, #tpu.memory_space<semaphore_mem>>)
      } else {
      }
    }
    %scan3A_47 = arith.constant 8 : i32
    %rem3A_48 = arith.constant 62 : i32
    %rem3A_49 = arith.constant 4 : i32
    %rem3A_50 = arith.remsi %rem3A_48, %rem3A_49 : i32
    %mul3A_51 = arith.constant 4096 : i32
    %mul3A_52 = arith.muli %rem3A_50, %mul3A_51 : i32
    %add3A_53 = arith.addi %mul3A_52, %mul3A_2 : i32
    %add3A_54 = arith.constant 120 : i32
    %add3A_55 = arith.addi %add3A_53, %add3A_54 : i32
    %dma_wait3A = arith.constant 0 : i32
    %dma_wait3A_56 = tpu.memref_slice %arg5[%add3A_55, %dma_wait3A] : memref<16384x2048xf32, #tpu.memory_space<hbm>> -> memref<8x2048xf32, #tpu.memory_space<hbm>>
    %dma_wait3A_57 = arith.constant 0 : i32
    %dma_wait3A_58 = tpu.memref_slice %arg5[%add3A_55, %dma_wait3A_57] : memref<16384x2048xf32, #tpu.memory_space<hbm>> -> memref<8x2048xf32, #tpu.memory_space<hbm>>
    tpu.wait_dma2 semaphore(%arg21 : memref<!tpu.dma_semaphore, #tpu.memory_space<semaphore_mem>>) src(%arg11 : memref<8x2048xf32, #tpu.memory_space<vmem>>) dst(%dma_wait3A_58 : memref<8x2048xf32, #tpu.memory_space<hbm>>)
    %rem3A_59 = arith.constant 63 : i32
    %rem3A_60 = arith.constant 4 : i32
    %rem3A_61 = arith.remsi %rem3A_59, %rem3A_60 : i32
    %mul3A_62 = arith.constant 4096 : i32
    %mul3A_63 = arith.muli %rem3A_61, %mul3A_62 : i32
    %add3A_64 = arith.addi %mul3A_63, %mul3A_2 : i32
    %add3A_65 = arith.constant 120 : i32
    %add3A_66 = arith.addi %add3A_64, %add3A_65 : i32
    %dma_wait3A_67 = arith.constant 0 : i32
    %dma_wait3A_68 = tpu.memref_slice %arg5[%add3A_66, %dma_wait3A_67] : memref<16384x2048xf32, #tpu.memory_space<hbm>> -> memref<8x2048xf32, #tpu.memory_space<hbm>>
    %dma_wait3A_69 = arith.constant 0 : i32
    %dma_wait3A_70 = tpu.memref_slice %arg5[%add3A_66, %dma_wait3A_69] : memref<16384x2048xf32, #tpu.memory_space<hbm>> -> memref<8x2048xf32, #tpu.memory_space<hbm>>
    tpu.wait_dma2 semaphore(%arg22 : memref<!tpu.dma_semaphore, #tpu.memory_space<semaphore_mem>>) src(%arg12 : memref<8x2048xf32, #tpu.memory_space<vmem>>) dst(%dma_wait3A_70 : memref<8x2048xf32, #tpu.memory_space<hbm>>)
    return
  }
}

</mosaic_0001>

<sc_bundles>
// kernel: kernel.3.cloned.1.call-start
scs
__scs_entry_jumppad:
0x0: {  	(pc) =	sbr.rel $0x88, $3  }
0x1: {  	(tag) =	ssettag $0x0;
	lr =	simm.s32 $0x1  }
0x2: {  	[smem:$0x3F9E] =	sst lr;
	_ =	strace $0xD0000000  }
0x3: {  	_ = 	snop  }
0x4: {  	_ = 	snop  }
0x5: {  	_ = 	snop  }
0x6: {  	_ = 	snop  }
0x7: {  	_ = 	snop  }
__scs_overlays_trampoline_lowered:
0x8: {  	[smem:$0x3FAD] =	sst s0  }
0x9: {  	[smem:$0x3FAE] =	sst s1  }
0xa: {  	[smem:$0x3FAF] =	sst s2  }
0xb: {  	[smem:$0x3FB0] =	sst s3  }
0xc: {  	[smem:$0x3FB1] =	sst s4  }
0xd: {  	[smem:$0x3FB2] =	sst s5  }
0xe: {  	[smem:$0x3FB3] =	sst s6  }
0xf: {  	[smem:$0x3FB4] =	sst s7  }
0x10: {  	[smem:$0x3FB5] =	sst s8  }
0x11: {  	[smem:$0x3FB6] =	sst s9;
	s0 =	simm.s32 @!p0 $0x0  }
0x12: {  	s1 =	sld [smem:$0x3F9C];
	s0 =	simm.s32 @p0 $0x1  }
0x13: {  	[smem:$0x3FB7] =	sst s0;
	s0 =	simm.s32 @!p1 $0x0  }
0x14: {  	s2 =	sld [smem:$0x3F9B];
	s0 =	simm.s32 @p1 $0x1  }
0x15: {  	[smem:$0x3FB8] =	sst s0;
	s0 =	simm.s32 @!p2 $0x0  }
0x16: {  	s3 =	sld [smem:$0x3FDB];
	s0 =	simm.s32 @p2 $0x1  }
0x17: {  	s4 =	simm.s32 $0x1BF5;
	[smem:$0x3FBA] =	sst s0  }
0x18: {  	s0 =	sld [smem:$0x3F9D];
	_ =	swait.ge [sflag:s4], $0x0  }
0x19: {  	s7 =	sld [smem:$0x3F9E]  }
0x1a: {  	s8 =	sadd.s32 $0xFFFFE003, lr  }
0x1b: {  	s9 =	sadd.s32 $0xFFFFFEF7, lr;
	s5 =	simm.s32 $0xFFFFFFFF;
	p2 =	slt.u32 s8, $0xFFFFF086  }
0x1c: {  	p1 =	slt.u32 s9, $0xF7A;
	s5 =	simm.s32 @!p2 $0x0  }
0x1d: {  	s5 =	simm.s32 @p1 $0x1;
	p0 =	seq.s32 s7, s2  }
0x1e: {  	s7 =	smul.u32 @!p0 $0xF7A, s2;
	p2 =	seq.s32 @!p0 s5, $0x0  }
0x1f: {  	s9 =	smul.u32 $0xF7A, s1;
	s8 =	simm.s32 @!p0 $0x1BF5;
	p2 =	por !p2, p0  }
0x20: {  	[sflag:s8] =	ssyncset.s32 @!p0 $0xFFFFF086;
	s6 =	sadd.s32 @!p0 s3, s7;
	s7 =	simm.s32 @!p0 $0x108  }
0x21: {  	s3 =	sadd.s32 s3, s9;
	s6 =	sadd.s32 @!p0 $0x88, s6;
	s7 =	simm.s32 @p2 $0x1082  }
0x22: {  	[simem:s7], [sflag:s8] =	dma.local @!p0 [hbm:s6], $0xF7A  }
0x23: {  	s9 =	sor.u32 $0xD0000000, s2;
	s6 =	simm.s32 $0x108;
	_ =	swait.ge @!p0 [sflag:s8], $0x0  }
0x24: {  	s3 =	sadd.s32 $0x88, s3;
	s6 =	simm.s32 @!p1 $0x1082;
	[sflag:s4] =	ssyncset.s32 $0xFFFFF086  }
0x25: {  	[simem:s6], [sflag:s4] =	dma.local [hbm:s3], $0xF7A  }
0x26: {  	[smem:$0x3F9E] =	sst s1;
	(tag) =	ssettag s2;
	_ =	strace s9  }
0x27: {  	s1 =	sld [smem:$0x3FAE]  }
0x28: {  	s2 =	sld [smem:$0x3FAF]  }
0x29: {  	s4 =	sld [smem:$0x3FB1]  }
0x2a: {  	p0 =	seq.s32 s5, $0x0;
	s5 =	sld [smem:$0x3FB2]  }
0x2b: {  	s6 =	sld [smem:$0x3FB3]  }
0x2c: {  	s7 =	sld [smem:$0x3FB4]  }
0x2d: {  	s3 =	simm.s32 $0x108;
	s8 =	sld [smem:$0x3FB5]  }
0x2e: {  	s3 =	simm.s32 @!p0 $0x1082;
	s9 =	sld [smem:$0x3FB6]  }
0x2f: {  	lr =	sadd.s32 s0, s3;
	s0 =	sld [smem:$0x3FAD]  }
0x30: {  	s3 =	sld [smem:$0x3FB0]  }
0x31: {  	[smem:$0x3FB9] =	sst s10  }
0x32: {  	s10 =	sld [smem:$0x3FB7];
	_ =	sdelay $0x3  }
0x33: {  	p0 =	seq.s32 s10, $0x1;
	s10 =	sld [smem:$0x3FB9];
	_ =	sdelay $0x3  }
0x34: {  	[smem:$0x3FB9] =	sst s10  }
0x35: {  	s10 =	sld [smem:$0x3FB8];
	_ =	sdelay $0x3  }
0x36: {  	p1 =	seq.s32 s10, $0x1;
	s10 =	sld [smem:$0x3FB9];
	_ =	sdelay $0x3  }
0x37: {  	[smem:$0x3FB9] =	sst s10  }
0x38: {  	s10 =	sld [smem:$0x3FBA]  }
0x39: {  	_ = 	snop;
	(pc) =	sbr.ind lr, $3  }
0x3a: {  	_ = 	snop  }
0x3b: {  	_ = 	snop  }
0x3c: {  	p2 =	seq.s32 s10, $0x1;
	s10 =	sld [smem:$0x3FB9]  }
0x3d: {  	_ =	shalt  }
0x3e: {  	_ =	shalt  }
0x3f: {  	_ =	shalt  }
0x40: {  	_ =	shalt  }
0x41: {  	_ =	shalt  }
0x42: {  	_ =	shalt  }
0x43: {  	_ =	shalt  }
0x44: {  	_ =	shalt  }
0x45: {  	_ =	shalt  }
0x46: {  	_ =	shalt  }
0x47: {  	_ =	shalt  }
0x48: {  	_ =	shalt  }
0x49: {  	_ =	shalt  }
0x4a: {  	_ =	shalt  }
0x4b: {  	_ =	shalt  }
0x4c: {  	_ =	shalt  }
0x4d: {  	_ =	shalt  }
0x4e: {  	_ =	shalt  }
0x4f: {  	_ =	shalt  }
0x50: {  	_ =	shalt  }
0x51: {  	_ =	shalt  }
0x52: {  	_ =	shalt  }
0x53: {  	_ =	shalt  }
0x54: {  	_ =	shalt  }
0x55: {  	_ =	shalt  }
0x56: {  	_ =	shalt  }
0x57: {  	_ =	shalt  }
0x58: {  	_ =	shalt  }
0x59: {  	_ =	shalt  }
0x5a: {  	_ =	shalt  }
0x5b: {  	_ =	shalt  }
0x5c: {  	_ =	shalt  }
0x5d: {  	_ =	shalt  }
0x5e: {  	_ =	shalt  }
0x5f: {  	_ =	shalt  }
0x60: {  	_ =	shalt  }
0x61: {  	_ =	shalt  }
0x62: {  	_ =	shalt  }
0x63: {  	_ =	shalt  }
0x64: {  	_ =	shalt  }
0x65: {  	_ =	shalt  }
0x66: {  	_ =	shalt  }
0x67: {  	_ =	shalt  }
0x68: {  	_ =	shalt  }
0x69: {  	_ =	shalt  }
0x6a: {  	_ =	shalt  }
0x6b: {  	_ =	shalt  }
0x6c: {  	_ =	shalt  }
0x6d: {  	_ =	shalt  }
0x6e: {  	_ =	shalt  }
0x6f: {  	_ =	shalt  }
0x70: {  	_ =	shalt  }
0x71: {  	_ =	shalt  }
0x72: {  	_ =	shalt  }
0x73: {  	_ =	shalt  }
0x74: {  	_ =	shalt  }
0x75: {  	_ =	shalt  }
0x76: {  	_ =	shalt  }
0x77: {  	_ =	shalt  }
0x78: {  	_ =	shalt  }
0x79: {  	_ =	shalt  }
0x7a: {  	_ =	shalt  }
0x7b: {  	_ =	shalt  }
0x7c: {  	_ =	shalt  }
0x7d: {  	_ =	shalt  }
0x7e: {  	_ =	shalt  }
0x7f: {  	_ =	shalt  }
0x80: {  	_ =	shalt  }
0x81: {  	_ =	shalt  }
0x82: {  	_ =	shalt  }
0x83: {  	_ =	shalt  }
0x84: {  	_ =	shalt  }
0x85: {  	_ =	shalt  }
0x86: {  	_ =	shalt  }
0x87: {  	_ =	shalt  }
.Lfunc_end0:
.L_simem_size_0:
called_computation_lowered:
.L_overlay_start_0:
0x88: {  	s2 =	sld [smem:$0x3FD9]  }
0x89: {  	s3 =	sld [smem:$0x3FFE];
	_ =	sdelay $0x1  }
0x8a: {  	s1 =	srdreg.scid  }
0x8b: {  	s0 =	sand.u32 $0x1, s1  }
0x8c: {  	s17 =	sshll.u32 s0, $0xA;
	s2 =	sadd.s32 s3, s2  }
0x8d: {  	s2 =	sadd.s32 s2, s17  }
0x8e: {  	[smem:$0x3FC5] =	sst s2  }
0x8f: {  	_ = 	snop  }
0x90: {  	s2 =	sld [smem:$0x3FC8]  }
0x91: {  	s18 =	sld [smem:$0x3FD0];
	(tm) =	ssettm $0x1  }
0x92: {  	s4 =	sld [smem:$0x3FFB];
	_ =	sdelay $0x3  }
0x93: {  	_ =	strace s4  }
0x94: {  	s4 =	sld [smem:$0x3FFC];
	_ =	sdelay $0x3  }
0x95: {  	_ =	strace s4  }
0x96: {  	s4 =	sld [smem:$0x3FFD];
	_ =	sdelay $0x3  }
0x97: {  	_ =	strace s4  }
0x98: {  	_ =	strace $0x8FFFFFFF  }
0x99: {  	s19 =	sld [smem:$0x3FDB];
	_ =	sdelay $0x1  }
0x9a: {  	s5 =	simm.s32 $_scs_section_size  }
0x9b: {  	s6 =	simm.s32 $_size__tile_overlayer_lowered;
	s7 =	simm.s32 $_tile_overlayer_lowered  }
0x9c: {  	s22 =	simm.s32 $0x1BFF;
	s21 =	sshll.u32 s7, $0x1;
	s4 =	sadd.s32 s5, s19  }
0x9d: {  	s8 =	simm.s32 $0x0;
	s20 =	sshll.u32 s6, $0x1;
	s6 =	sadd.s32 s21, s4  }
0x9e: {  	[timem:s8], [sflag:s22] =	dma.local [hbm:s6], s20  }
0x9f: {  	_ =	swait.ge [sflag:s22], s20  }
0xa0: {  	s5 =	ssub.s32 $0x0, s20;
	[sflag:s22] =	ssyncset.done $0x0  }
0xa1: {  	[sflag:s22] =	ssyncadd.s32 s5;
	_ =	sdelay $0x1  }
0xa2: {  	s23 =	simm.s32 $0x1B8B  }
0xa3: {  	_ =	swait.ge [sflag:s23], $0x1  }
0xa4: {  	[sflag:s23] =	ssyncset.done $0x0  }
0xa5: {  	s25 =	simm.s32 $0x1B8E;
	s24 =	sld [smem:$0x3FFE];
	[sflag:s23] =	ssyncadd.s32 $0xFFFFFFFF  }
0xa6: {  	s26 =	simm.s32 $execute0_lowered;
	[smem:$0x3FD2] =	sst s25  }
0xa7: {  	s6 =	sshll.u32 s26, $0x1;
	_ =	strace $0x80000046;
	[dreg:$0x1] =	wrdreg $0xFFFFFFFF  }
0xa8: {  	s28 =	simm.s32 $_size_execute0_lowered;
	s4 =	sadd.s32 s4, s6;
	[dreg:$0x0] =	wrdreg $0x0  }
0xa9: {  	s6 =	sshll.u32 s28, $0x1;
	[dreg:$0x2] =	wrdreg s4  }
0xaa: {  	[dreg:$0x3] =	wrdreg s6  }
0xab: {  	[dreg:$0x4] =	wrdreg $0xC0  }
0xac: {  	_ =	task [dreg:s8], $0x5FFFF  }
0xad: {  	[dreg:$0x1] =	wrdreg $0xFFFFFFFF  }
0xae: {  	[dreg:$0x0] =	wrdreg $0x60  }
0xaf: {  	[dreg:$0x2] =	wrdreg s24  }
0xb0: {  	[dreg:$0x3] =	wrdreg s2  }
0xb1: {  	[dreg:$0x4] =	wrdreg s18  }
0xb2: {  	[dreg:$0x5] =	wrdreg $0x9  }
0xb3: {  	_ =	task.clear_ibuf [dreg:s8], $0x6FFFF;
	_ =	strace $0x90000046  }
0xb4: {  	s29 =	simm.s32 $0x9;
	_ =	strace $0x80000048  }
0xb5: {  	_ =	swait.ge [sflag:s29], $0x1  }
0xb6: {  	[sflag:s29] =	ssyncadd.s32 $0xFFFFFFFF  }
0xb7: {  	_ =	strace $0x90000048  }
0xb8: {  	_ =	sfence  }
0xb9: {  	s30 =	sld [smem:$0x0];
	_ =	sdelay $0x2  }
0xba: {  	s31 =	sshll.u32 s1, $0xD;
	s1 =	sshrl.u32 s1, $0x2  }
0xbb: {  	s3 =	sand.u32 $0x4000, s31;
	s1 =	sadd.s32 s1, s30  }
0xbc: {  	s0 =	sor.u32 s3, s0;
	s1 =	sshll.u32 s1, $0x11  }
0xbd: {  	s0 =	sor.u32 s1, s0  }
0xbe: {  	s0 =	sadd.s32 $0x8F2B, s0  }
0xbf: {  	[sflag:s0] =	ssyncadd.remote.s32 $0x1  }
0xc0: {  	_ =	sfence.sel $0xFFFF  }
0xc1: {  	[dreg:$0x0] =	wrdreg $0xFFFFFFFF;
	(pc) =	sbr.abs _section_cstart, $3  }
0xc2: {  	[dreg:$0x1] =	wrdreg $0xFFFFFFFF  }
0xc3: {  	_ =	task.clear_ibuf [dreg:s8], $0x2FFFF;
	_ =	strace $0x9FFFFFFF  }
0xc4: {  	(tm) =	ssettm $0x7FFFFFFF  }
0xc5: {  	_ =	shalt  }
tec
execute0_lowered:
.L_overlay_start_1:
0x0: {  	(tag) =	ssettag $0x1  }
0x1: {  	s0 =	rddreg [dreg:$0x0]  }
0x2: {  	s1 =	srdreg.scid;
	s2 =	rddreg [dreg:$0x1]  }
0x3: {  	s3 =	stileid.u32;
	s8 =	rddreg [dreg:$0x2];
	s4 =	simm.s32 $0x0  }
0x4: {  	s29 =	simm.s32 $0x4;
	s30 =	simm.s32 $0x8;
	s1 =	sand.u32 $0x1, s1  }
0x5: {  	s3 =	sshll.u32 s3, $0x8;
	[smem:$0x7FF] =	sst s4;
	s9 =	sadd.s32 $0xC00, s0  }
0x6: {  	s11 =	sadd.s32 $0x100, s2;
	s12 =	sadd.s32 $0x200, s2;
	s13 =	sadd.s32 $0x300, s2  }
0x7: {  	s14 =	sadd.s32 $0x400, s2;
	s15 =	sadd.s32 $0x500, s2;
	s17 =	sadd.s32 $0x600, s2  }
0x8: {  	s25 =	sadd.s32 $0x100000, s8;
	s5 =	sshll.u32 s1, $0x7;
	s1 =	ssub.s32 $0x2, s1  }
0x9: {  	_ =	strace $0x80000047;
	[dreg:$0x4] =	wrdreg s9;
	s3 =	sor.u32 s5, s3  }
0xa: {  	[dreg:$0xc] =	wrdreg s25;
	s7 =	sshrl.u32 s1, $0x1;
	s24 =	sshll.u32 s3, $0x8  }
0xb: {  	s5 =	sshrl.u32 s3, $0x3;
	s3 =	sadd.s32 s9, s24;
	[dreg:$0x9] =	wrdreg s24  }
0xc: {  	s19 =	ssub.s32 s1, s7;
	s26 =	sor.u32 $0x2, s5;
	[dreg:$0xa] =	wrdreg s3  }
0xd: {  	s6 =	sadd.s32 s5, s0;
	s0 =	smax.u32 s19, $0x1;
	[dreg:$0xd] =	wrdreg s26  }
0xe: {  	s18 =	sadd.s32 $0x700, s2;
	s28 =	sadd.s32 s8, s24;
	[dreg:$0xe] =	wrdreg s0  }
0xf: {  	s25 =	simm.s32 $0x7;
	s31 =	sor.u32 $0x3, s5;
	[dreg:$0xf] =	wrdreg s28  }
0x10: {  	s9 =	simm.s32 $0x10200;
	s20 =	sadd.s32 $0x400, s6;
	[dreg:$0x10] =	wrdreg s31  }
0x11: {  	s19 =	simm.s32 $0x6;
	s21 =	sadd.s32 $0x600, s6;
	[dreg:$0x5] =	wrdreg s20  }
.Ltmp0:
0x12: {  	s22 =	sadd.s32 $0x800, s6;
	[dreg:$0x6] =	wrdreg s21;
	(pc) =	sbr.rel .LBB2_1-.Ltmp0, $4  }
0x13: {  	s23 =	sadd.s32 $0xA00, s6;
	s3 =	sadd.s32 $0x800, s3;
	[dreg:$0x7] =	wrdreg s22  }
0x14: {  	v0 =	vlaneseq.u32;
	s26 =	simm.s32 $0x5;
	s6 =	simm.s32 $0x0;
	[dreg:$0x8] =	wrdreg s23  }
0x15: {  	v1 =	vshrl.u32 v0, $0x3;
	[dreg:$0xb] =	wrdreg s3;
	s22 =	sadd.s32 $0x200000, s8;
	s23 =	sadd.s32 $0x300000, s8  }
0x16: {  	vm0 =	vmmov $0xffff;
	v0 =	vand.u32 $0x7, v0;
	v1 =	vmul.u32 $0x8, v1;
	s20 =	simm.s32 $0xC200;
	s8 =	simm.s32 $0x3;
	s3 =	simm.s32 $0x14200  }
.LBB2_132:
0x17: {  	s0 =	simm.s32 $0x9  }
0x18: {  	_ =	swait.ge [sflag:s0], $0x4000  }
0x19: {  	[sflag:s0] =	ssyncset.done $0x0  }
0x1a: {  	s1 =	simm.s32 $0xA;
	[sflag:s0] =	ssyncadd.s32 $0xFFFFC000  }
0x1b: {  	_ =	swait.ge [sflag:s1], $0x4000  }
0x1c: {  	s6 =	rddreg [dreg:$0x11]  }
0x1d: {  	s31 =	rddreg [dreg:$0xe];
	s6 =	sadd.s32 $0x1, s6  }
0x1e: {  	p0 =	sne.s32 s6, s31  }
.Ltmp1:
0x1f: {  	_ = 	snop;
	(pc) =	sbr.rel @!p0 .LBB2_133-.Ltmp1, $3  }
0x20: {  	_ =	sdelay $0x1  }
0x21: {  	[sflag:s1] =	ssyncset.done $0x0  }
0x22: {  	[sflag:s1] =	ssyncadd.s32 $0xFFFFC000  }
.LBB2_1:
0x23: {  	[dreg:$0x11] =	wrdreg s6  }
0x24: {  	s0 =	rddreg [dreg:$0x5];
	s1 =	simm.s32 $0xB  }
0x25: {  	[tilespmem:s4], [sflag:$0xB] =	stream.linear.gather [hbm4b:s0+s4], $0x80, $0x38;
	[tilespmem:$0x18200] =	vst v63  }
0x26: {  	_ =	swait.ge [sflag:s1], $0x80  }
0x27: {  	[sflag:s1] =	ssyncset.done $0x0  }
0x28: {  	s31 =	simm.s32 $0x80;
	s24 =	rddreg [dreg:$0x6];
	[sflag:s1] =	ssyncadd.s32 $0xFFFFFF80  }
0x29: {  	[tilespmem:s31], [sflag:$0xB] =	stream.linear.gather [hbm4b:s24+s4], $0x80, $0x38;
	[tilespmem:$0x18200] =	vst v63  }
0x2a: {  	_ =	swait.ge [sflag:s1], $0x80  }
0x2b: {  	[sflag:s1] =	ssyncset.done $0x0  }
0x2c: {  	s7 =	simm.s32 $0x100;
	s6 =	rddreg [dreg:$0x7];
	[sflag:s1] =	ssyncadd.s32 $0xFFFFFF80  }
0x2d: {  	[tilespmem:s7], [sflag:$0xB] =	stream.linear.gather [hbm4b:s6+s4], $0x80, $0x38;
	[tilespmem:$0x18200] =	vst v63  }
0x2e: {  	_ =	swait.ge [sflag:s1], $0x80  }
0x2f: {  	[sflag:s1] =	ssyncset.done $0x0  }
0x30: {  	s16 =	simm.s32 $0x180;
	s10 =	rddreg [dreg:$0x8];
	[sflag:s1] =	ssyncadd.s32 $0xFFFFFF80  }
0x31: {  	[tilespmem:s16], [sflag:$0xB] =	stream.linear.gather [hbm4b:s10+s4], $0x80, $0x38;
	[tilespmem:$0x18200] =	vst v63  }
0x32: {  	_ =	swait.ge [sflag:s1], $0x80  }
0x33: {  	[sflag:s1] =	ssyncset.done $0x0  }
0x34: {  	[sflag:s1] =	ssyncadd.s32 $0xFFFFFF80  }
0x35: {  	v2 =	vld.msk [tilespmem:$0x0], $0xff;
	_ =	sdelay $0x4  }
0x36: {  	v3 =	vshll.u32 v2, $0x4  }
0x37: {  	v2 =	vand.u32 $0x7, v2;
	v3 =	vand.u32 $0xFFFFFF80, v3  }
0x38: {  	v2 =	vor.u32 v2, v3  }
0x39: {  	v2 =	vperm.xlane v2, v0;
	_ =	sdelay $0x1  }
0x3a: {  	v2 =	vadd.s32 v1, v2;
	_ =	sdelay $0x3  }
0x3b: {  	s21 =	simm.s32 $0x8200  }
0x3c: {  	[tilespmem:s21], [sflag:$0x3] =	stream.indirect_vreg.gather [hbm4b:s2+s4], $0x80, v2, vm0, $0xb8;
	[tilespmem:$0x18200] =	vst v63  }
0x3d: {  	s24 =	simm.s32 $0x8A00  }
0x3e: {  	[tilespmem:s24], [sflag:$0x3] =	stream.indirect_vreg.gather [hbm4b:s11+s4], $0x80, v2, vm0, $0xb8;
	[tilespmem:$0x18200] =	vst v63  }
0x3f: {  	s31 =	simm.s32 $0x9200  }
0x40: {  	[tilespmem:s31], [sflag:$0x3] =	stream.indirect_vreg.gather [hbm4b:s12+s4], $0x80, v2, vm0, $0xb8;
	[tilespmem:$0x18200] =	vst v63  }
0x41: {  	s1 =	simm.s32 $0x9A00  }
0x42: {  	[tilespmem:s1], [sflag:$0x3] =	stream.indirect_vreg.gather [hbm4b:s13+s4], $0x80, v2, vm0, $0xb8;
	[tilespmem:$0x18200] =	vst v63  }
0x43: {  	s6 =	simm.s32 $0xA200  }
0x44: {  	[tilespmem:s6], [sflag:$0x3] =	stream.indirect_vreg.gather [hbm4b:s14+s4], $0x80, v2, vm0, $0xb8;
	[tilespmem:$0x18200] =	vst v63  }
0x45: {  	s7 =	simm.s32 $0xAA00  }
0x46: {  	[tilespmem:s7], [sflag:$0x3] =	stream.indirect_vreg.gather [hbm4b:s15+s4], $0x80, v2, vm0, $0xb8;
	[tilespmem:$0x18200] =	vst v63  }
0x47: {  	s10 =	simm.s32 $0xB200  }
0x48: {  	[tilespmem:s10], [sflag:$0x3] =	stream.indirect_vreg.gather [hbm4b:s17+s4], $0x80, v2, vm0, $0xb8;
	[tilespmem:$0x18200] =	vst v63  }
0x49: {  	s16 =	simm.s32 $0xBA00  }
0x4a: {  	[tilespmem:s16], [sflag:$0x3] =	stream.indirect_vreg.gather [hbm4b:s18+s4], $0x80, v2, vm0, $0xb8;
	[tilespmem:$0x18200] =	vst v63  }
0x4b: {  	v2 =	vld.msk [tilespmem:$0x80], $0xff;
	_ =	sdelay $0x4  }
0x4c: {  	v3 =	vshll.u32 v2, $0x4  }
0x4d: {  	v2 =	vand.u32 $0x7, v2;
	v3 =	vand.u32 $0xFFFFFF80, v3  }
0x4e: {  	v2 =	vor.u32 v2, v3  }
0x4f: {  	v2 =	vperm.xlane v2, v0;
	_ =	sdelay $0x1  }
0x50: {  	v2 =	vadd.s32 v1, v2;
	_ =	sdelay $0x4  }
0x51: {  	[tilespmem:s20], [sflag:$0x4] =	stream.indirect_vreg.gather [hbm4b:s2+s4], $0x80, v2, vm0, $0xb8;
	[tilespmem:$0x18200] =	vst v63  }
0x52: {  	s21 =	simm.s32 $0xCA00  }
0x53: {  	[tilespmem:s21], [sflag:$0x4] =	stream.indirect_vreg.gather [hbm4b:s11+s4], $0x80, v2, vm0, $0xb8;
	[tilespmem:$0x18200] =	vst v63  }
0x54: {  	s24 =	simm.s32 $0xD200  }
0x55: {  	[tilespmem:s24], [sflag:$0x4] =	stream.indirect_vreg.gather [hbm4b:s12+s4], $0x80, v2, vm0, $0xb8;
	[tilespmem:$0x18200] =	vst v63  }
0x56: {  	s31 =	simm.s32 $0xDA00  }
0x57: {  	[tilespmem:s31], [sflag:$0x4] =	stream.indirect_vreg.gather [hbm4b:s13+s4], $0x80, v2, vm0, $0xb8;
	[tilespmem:$0x18200] =	vst v63  }
0x58: {  	s1 =	simm.s32 $0xE200  }
0x59: {  	[tilespmem:s1], [sflag:$0x4] =	stream.indirect_vreg.gather [hbm4b:s14+s4], $0x80, v2, vm0, $0xb8;
	[tilespmem:$0x18200] =	vst v63  }
0x5a: {  	s6 =	simm.s32 $0xEA00  }
0x5b: {  	[tilespmem:s6], [sflag:$0x4] =	stream.indirect_vreg.gather [hbm4b:s15+s4], $0x80, v2, vm0, $0xb8;
	[tilespmem:$0x18200] =	vst v63  }
0x5c: {  	s7 =	simm.s32 $0xF200  }
0x5d: {  	[tilespmem:s7], [sflag:$0x4] =	stream.indirect_vreg.gather [hbm4b:s17+s4], $0x80, v2, vm0, $0xb8;
	[tilespmem:$0x18200] =	vst v63  }
0x5e: {  	s10 =	simm.s32 $0xFA00  }
0x5f: {  	[tilespmem:s10], [sflag:$0x4] =	stream.indirect_vreg.gather [hbm4b:s18+s4], $0x80, v2, vm0, $0xb8;
	[tilespmem:$0x18200] =	vst v63  }
0x60: {  	s16 =	rddreg [dreg:$0xa];
	s21 =	simm.s32 $0x200  }
0x61: {  	[tilespmem:s21], [sflag:$0x1] =	stream.linear.gather [hbm4b:s16+s4], $0x4000, $0x38;
	[tilespmem:$0x18200] =	vst v63  }
0x62: {  	s28 =	simm.s32 $0x0;
	s24 =	rddreg [dreg:$0xb];
	s31 =	simm.s32 $0x4200  }
0x63: {  	[tilespmem:s31], [sflag:$0x2] =	stream.linear.gather [hbm4b:s24+s4], $0x4000, $0x38;
	[tilespmem:$0x18200] =	vst v63  }
.LBB2_2:
0x64: {  	s0 =	simm.s32 $0x1  }
0x65: {  	_ =	swait.ge [sflag:s0], $0x4000  }
0x66: {  	[sflag:s0] =	ssyncset.done $0x0  }
0x67: {  	[sflag:s0] =	ssyncadd.s32 $0xFFFFC000  }
0x68: {  	_ =	swait.ge [sflag:s8], $0x4000  }
0x69: {  	[sflag:s8] =	ssyncset.done $0x0  }
0x6a: {  	s0 =	simm.s32 $0x0;
	[sflag:s8] =	ssyncadd.s32 $0xFFFFC000  }
0x6b: {  	v2 =	vld [tilespmem:s0+$0x270]  }
0x6c: {  	v3 =	vld [tilespmem:s0+$0x200]  }
0x6d: {  	v4 =	vld [tilespmem:s0+$0x210]  }
0x6e: {  	v5 =	vld [tilespmem:s0+$0x220]  }
0x6f: {  	v6 =	vld [tilespmem:s0+$0x230]  }
0x70: {  	v7 =	vld [tilespmem:s0+$0x240]  }
0x71: {  	v8 =	vld [tilespmem:s0+$0x250]  }
0x72: {  	[tilespmem:s0+$0x8270] =	vst.add.f32.msk $0xffff, v2  }
0x73: {  	v2 =	vld [tilespmem:s0+$0x260]  }
0x74: {  	[tilespmem:s0+$0x8200] =	vst.add.f32.msk $0xffff, v3  }
0x75: {  	[tilespmem:s0+$0x8210] =	vst.add.f32.msk $0xffff, v4  }
0x76: {  	[tilespmem:s0+$0x8220] =	vst.add.f32.msk $0xffff, v5  }
0x77: {  	[tilespmem:s0+$0x8230] =	vst.add.f32.msk $0xffff, v6  }
0x78: {  	[tilespmem:s0+$0x8240] =	vst.add.f32.msk $0xffff, v7  }
0x79: {  	s1 =	simm.s32 $0x0;
	s6 =	simm.s32 $0x1000;
	[tilespmem:s0+$0x8250] =	vst.add.f32.msk $0xffff, v8  }
.LBB2_3:
0x7a: {  	s1 =	sadd.s32 $0x8, s1;
	[tilespmem:s0+$0x8260] =	vst.add.f32.msk $0xffff, v2;
	s0 =	sshra.s32 s6, $0x2  }
0x7b: {  	v2 =	vld [tilespmem:s0+$0x270];
	p0 =	slt.u32 s1, $0x78  }
0x7c: {  	v3 =	vld [tilespmem:s0+$0x200]  }
0x7d: {  	v4 =	vld [tilespmem:s0+$0x210]  }
0x7e: {  	v5 =	vld [tilespmem:s0+$0x220]  }
0x7f: {  	v6 =	vld [tilespmem:s0+$0x230]  }
0x80: {  	[tilespmem:s0+$0x8270] =	vst.add.f32.msk $0xffff, v2  }
0x81: {  	v7 =	vld [tilespmem:s0+$0x240]  }
0x82: {  	v8 =	vld [tilespmem:s0+$0x250]  }
0x83: {  	v2 =	vld [tilespmem:s0+$0x260]  }
0x84: {  	[tilespmem:s0+$0x8200] =	vst.add.f32.msk $0xffff, v3  }
.Ltmp2:
0x85: {  	[tilespmem:s0+$0x8210] =	vst.add.f32.msk $0xffff, v4;
	(pc) =	sbr.rel @p0 .LBB2_3-.Ltmp2, $4  }
0x86: {  	[tilespmem:s0+$0x8220] =	vst.add.f32.msk $0xffff, v5  }
0x87: {  	[tilespmem:s0+$0x8230] =	vst.add.f32.msk $0xffff, v6  }
0x88: {  	[tilespmem:s0+$0x8240] =	vst.add.f32.msk $0xffff, v7  }
0x89: {  	s6 =	sadd.s32 $0x1000, s6;
	[tilespmem:s0+$0x8250] =	vst.add.f32.msk $0xffff, v8  }
0x8a: {  	[tilespmem:s0+$0x8260] =	vst.add.f32.msk $0xffff, v2;
	s0 =	simm.s32 $0x0  }
0x8b: {  	v2 =	vld [tilespmem:s0+$0x2F0]  }
0x8c: {  	v3 =	vld [tilespmem:s0+$0x280]  }
0x8d: {  	v4 =	vld [tilespmem:s0+$0x290]  }
0x8e: {  	v5 =	vld [tilespmem:s0+$0x2A0]  }
0x8f: {  	v6 =	vld [tilespmem:s0+$0x2B0]  }
0x90: {  	v7 =	vld [tilespmem:s0+$0x2C0]  }
0x91: {  	v8 =	vld [tilespmem:s0+$0x2D0]  }
0x92: {  	[tilespmem:s0+$0x82F0] =	vst.add.f32.msk $0xffff, v2  }
0x93: {  	v2 =	vld [tilespmem:s0+$0x2E0]  }
0x94: {  	[tilespmem:s0+$0x8280] =	vst.add.f32.msk $0xffff, v3  }
0x95: {  	[tilespmem:s0+$0x8290] =	vst.add.f32.msk $0xffff, v4  }
0x96: {  	[tilespmem:s0+$0x82A0] =	vst.add.f32.msk $0xffff, v5  }
0x97: {  	[tilespmem:s0+$0x82B0] =	vst.add.f32.msk $0xffff, v6  }
0x98: {  	[tilespmem:s0+$0x82C0] =	vst.add.f32.msk $0xffff, v7  }
0x99: {  	s1 =	simm.s32 $0x0;
	s6 =	simm.s32 $0x1000;
	[tilespmem:s0+$0x82D0] =	vst.add.f32.msk $0xffff, v8  }
.LBB2_5:
0x9a: {  	s1 =	sadd.s32 $0x8, s1;
	[tilespmem:s0+$0x82E0] =	vst.add.f32.msk $0xffff, v2;
	s0 =	sshra.s32 s6, $0x2  }
0x9b: {  	v2 =	vld [tilespmem:s0+$0x2F0];
	p0 =	slt.u32 s1, $0x78  }
0x9c: {  	v3 =	vld [tilespmem:s0+$0x280]  }
0x9d: {  	v4 =	vld [tilespmem:s0+$0x290]  }
0x9e: {  	v5 =	vld [tilespmem:s0+$0x2A0]  }
0x9f: {  	v6 =	vld [tilespmem:s0+$0x2B0]  }
0xa0: {  	[tilespmem:s0+$0x82F0] =	vst.add.f32.msk $0xffff, v2  }
0xa1: {  	v7 =	vld [tilespmem:s0+$0x2C0]  }
0xa2: {  	v8 =	vld [tilespmem:s0+$0x2D0]  }
0xa3: {  	v2 =	vld [tilespmem:s0+$0x2E0]  }
0xa4: {  	[tilespmem:s0+$0x8280] =	vst.add.f32.msk $0xffff, v3  }
.Ltmp3:
0xa5: {  	[tilespmem:s0+$0x8290] =	vst.add.f32.msk $0xffff, v4;
	(pc) =	sbr.rel @p0 .LBB2_5-.Ltmp3, $4  }
0xa6: {  	[tilespmem:s0+$0x82A0] =	vst.add.f32.msk $0xffff, v5  }
0xa7: {  	[tilespmem:s0+$0x82B0] =	vst.add.f32.msk $0xffff, v6  }
0xa8: {  	[tilespmem:s0+$0x82C0] =	vst.add.f32.msk $0xffff, v7  }
0xa9: {  	s6 =	sadd.s32 $0x1000, s6;
	[tilespmem:s0+$0x82D0] =	vst.add.f32.msk $0xffff, v8  }
0xaa: {  	[tilespmem:s0+$0x82E0] =	vst.add.f32.msk $0xffff, v2;
	s0 =	simm.s32 $0x0  }
0xab: {  	v2 =	vld [tilespmem:s0+$0x370]  }
0xac: {  	v3 =	vld [tilespmem:s0+$0x300]  }
0xad: {  	v4 =	vld [tilespmem:s0+$0x310]  }
0xae: {  	v5 =	vld [tilespmem:s0+$0x320]  }
0xaf: {  	v6 =	vld [tilespmem:s0+$0x330]  }
0xb0: {  	v7 =	vld [tilespmem:s0+$0x340]  }
0xb1: {  	v8 =	vld [tilespmem:s0+$0x350]  }
0xb2: {  	[tilespmem:s0+$0x8370] =	vst.add.f32.msk $0xffff, v2  }
0xb3: {  	v2 =	vld [tilespmem:s0+$0x360]  }
0xb4: {  	[tilespmem:s0+$0x8300] =	vst.add.f32.msk $0xffff, v3  }
0xb5: {  	[tilespmem:s0+$0x8310] =	vst.add.f32.msk $0xffff, v4  }
0xb6: {  	[tilespmem:s0+$0x8320] =	vst.add.f32.msk $0xffff, v5  }
0xb7: {  	[tilespmem:s0+$0x8330] =	vst.add.f32.msk $0xffff, v6  }
0xb8: {  	[tilespmem:s0+$0x8340] =	vst.add.f32.msk $0xffff, v7  }
0xb9: {  	s1 =	simm.s32 $0x0;
	s6 =	simm.s32 $0x1000;
	[tilespmem:s0+$0x8350] =	vst.add.f32.msk $0xffff, v8  }
.LBB2_7:
0xba: {  	s1 =	sadd.s32 $0x8, s1;
	[tilespmem:s0+$0x8360] =	vst.add.f32.msk $0xffff, v2;
	s0 =	sshra.s32 s6, $0x2  }
0xbb: {  	v2 =	vld [tilespmem:s0+$0x370];
	p0 =	slt.u32 s1, $0x78  }
0xbc: {  	v3 =	vld [tilespmem:s0+$0x300]  }
0xbd: {  	v4 =	vld [tilespmem:s0+$0x310]  }
0xbe: {  	v5 =	vld [tilespmem:s0+$0x320]  }
0xbf: {  	v6 =	vld [tilespmem:s0+$0x330]  }
0xc0: {  	[tilespmem:s0+$0x8370] =	vst.add.f32.msk $0xffff, v2  }
0xc1: {  	v7 =	vld [tilespmem:s0+$0x340]  }
0xc2: {  	v8 =	vld [tilespmem:s0+$0x350]  }
0xc3: {  	v2 =	vld [tilespmem:s0+$0x360]  }
0xc4: {  	[tilespmem:s0+$0x8300] =	vst.add.f32.msk $0xffff, v3  }
.Ltmp4:
0xc5: {  	[tilespmem:s0+$0x8310] =	vst.add.f32.msk $0xffff, v4;
	(pc) =	sbr.rel @p0 .LBB2_7-.Ltmp4, $4  }
0xc6: {  	[tilespmem:s0+$0x8320] =	vst.add.f32.msk $0xffff, v5  }
0xc7: {  	[tilespmem:s0+$0x8330] =	vst.add.f32.msk $0xffff, v6  }
0xc8: {  	[tilespmem:s0+$0x8340] =	vst.add.f32.msk $0xffff, v7  }
0xc9: {  	s6 =	sadd.s32 $0x1000, s6;
	[tilespmem:s0+$0x8350] =	vst.add.f32.msk $0xffff, v8  }
0xca: {  	[tilespmem:s0+$0x8360] =	vst.add.f32.msk $0xffff, v2;
	s0 =	simm.s32 $0x0  }
0xcb: {  	v2 =	vld [tilespmem:s0+$0x3F0]  }
0xcc: {  	v3 =	vld [tilespmem:s0+$0x380]  }
0xcd: {  	v4 =	vld [tilespmem:s0+$0x390]  }
0xce: {  	v5 =	vld [tilespmem:s0+$0x3A0]  }
0xcf: {  	v6 =	vld [tilespmem:s0+$0x3B0]  }
0xd0: {  	v7 =	vld [tilespmem:s0+$0x3C0]  }
0xd1: {  	v8 =	vld [tilespmem:s0+$0x3D0]  }
0xd2: {  	[tilespmem:s0+$0x83F0] =	vst.add.f32.msk $0xffff, v2  }
0xd3: {  	v2 =	vld [tilespmem:s0+$0x3E0]  }
0xd4: {  	[tilespmem:s0+$0x8380] =	vst.add.f32.msk $0xffff, v3  }
0xd5: {  	[tilespmem:s0+$0x8390] =	vst.add.f32.msk $0xffff, v4  }
0xd6: {  	[tilespmem:s0+$0x83A0] =	vst.add.f32.msk $0xffff, v5  }
0xd7: {  	[tilespmem:s0+$0x83B0] =	vst.add.f32.msk $0xffff, v6  }
0xd8: {  	[tilespmem:s0+$0x83C0] =	vst.add.f32.msk $0xffff, v7  }
0xd9: {  	s1 =	simm.s32 $0x0;
	s6 =	simm.s32 $0x1000;
	[tilespmem:s0+$0x83D0] =	vst.add.f32.msk $0xffff, v8  }
.LBB2_9:
0xda: {  	s1 =	sadd.s32 $0x8, s1;
	[tilespmem:s0+$0x83E0] =	vst.add.f32.msk $0xffff, v2;
	s0 =	sshra.s32 s6, $0x2  }
0xdb: {  	v2 =	vld [tilespmem:s0+$0x3F0];
	p0 =	slt.u32 s1, $0x78  }
0xdc: {  	v3 =	vld [tilespmem:s0+$0x380]  }
0xdd: {  	v4 =	vld [tilespmem:s0+$0x390]  }
0xde: {  	v5 =	vld [tilespmem:s0+$0x3A0]  }
0xdf: {  	v6 =	vld [tilespmem:s0+$0x3B0]  }
0xe0: {  	[tilespmem:s0+$0x83F0] =	vst.add.f32.msk $0xffff, v2  }
0xe1: {  	v7 =	vld [tilespmem:s0+$0x3C0]  }
0xe2: {  	v8 =	vld [tilespmem:s0+$0x3D0]  }
0xe3: {  	v2 =	vld [tilespmem:s0+$0x3E0]  }
0xe4: {  	[tilespmem:s0+$0x8380] =	vst.add.f32.msk $0xffff, v3  }
.Ltmp5:
0xe5: {  	[tilespmem:s0+$0x8390] =	vst.add.f32.msk $0xffff, v4;
	(pc) =	sbr.rel @p0 .LBB2_9-.Ltmp5, $4  }
0xe6: {  	[tilespmem:s0+$0x83A0] =	vst.add.f32.msk $0xffff, v5  }
0xe7: {  	[tilespmem:s0+$0x83B0] =	vst.add.f32.msk $0xffff, v6  }
0xe8: {  	[tilespmem:s0+$0x83C0] =	vst.add.f32.msk $0xffff, v7  }
0xe9: {  	s6 =	sadd.s32 $0x1000, s6;
	[tilespmem:s0+$0x83D0] =	vst.add.f32.msk $0xffff, v8  }
0xea: {  	[tilespmem:s0+$0x83E0] =	vst.add.f32.msk $0xffff, v2;
	s0 =	simm.s32 $0x0  }
0xeb: {  	v2 =	vld [tilespmem:s0+$0x470]  }
0xec: {  	v3 =	vld [tilespmem:s0+$0x400]  }
0xed: {  	v4 =	vld [tilespmem:s0+$0x410]  }
0xee: {  	v5 =	vld [tilespmem:s0+$0x420]  }
0xef: {  	v6 =	vld [tilespmem:s0+$0x430]  }
0xf0: {  	v7 =	vld [tilespmem:s0+$0x440]  }
0xf1: {  	v8 =	vld [tilespmem:s0+$0x450]  }
0xf2: {  	[tilespmem:s0+$0x8470] =	vst.add.f32.msk $0xffff, v2  }
0xf3: {  	v2 =	vld [tilespmem:s0+$0x460]  }
0xf4: {  	[tilespmem:s0+$0x8400] =	vst.add.f32.msk $0xffff, v3  }
0xf5: {  	[tilespmem:s0+$0x8410] =	vst.add.f32.msk $0xffff, v4  }
0xf6: {  	[tilespmem:s0+$0x8420] =	vst.add.f32.msk $0xffff, v5  }
0xf7: {  	[tilespmem:s0+$0x8430] =	vst.add.f32.msk $0xffff, v6  }
0xf8: {  	[tilespmem:s0+$0x8440] =	vst.add.f32.msk $0xffff, v7  }
0xf9: {  	s1 =	simm.s32 $0x0;
	s6 =	simm.s32 $0x1000;
	[tilespmem:s0+$0x8450] =	vst.add.f32.msk $0xffff, v8  }
.LBB2_11:
0xfa: {  	s1 =	sadd.s32 $0x8, s1;
	[tilespmem:s0+$0x8460] =	vst.add.f32.msk $0xffff, v2;
	s0 =	sshra.s32 s6, $0x2  }
0xfb: {  	v2 =	vld [tilespmem:s0+$0x470];
	p0 =	slt.u32 s1, $0x78  }
0xfc: {  	v3 =	vld [tilespmem:s0+$0x400]  }
0xfd: {  	v4 =	vld [tilespmem:s0+$0x410]  }
0xfe: {  	v5 =	vld [tilespmem:s0+$0x420]  }
0xff: {  	v6 =	vld [tilespmem:s0+$0x430]  }
0x100: {  	[tilespmem:s0+$0x8470] =	vst.add.f32.msk $0xffff, v2  }
0x101: {  	v7 =	vld [tilespmem:s0+$0x440]  }
0x102: {  	v8 =	vld [tilespmem:s0+$0x450]  }
0x103: {  	v2 =	vld [tilespmem:s0+$0x460]  }
0x104: {  	[tilespmem:s0+$0x8400] =	vst.add.f32.msk $0xffff, v3  }
.Ltmp6:
0x105: {  	[tilespmem:s0+$0x8410] =	vst.add.f32.msk $0xffff, v4;
	(pc) =	sbr.rel @p0 .LBB2_11-.Ltmp6, $4  }
0x106: {  	[tilespmem:s0+$0x8420] =	vst.add.f32.msk $0xffff, v5  }
0x107: {  	[tilespmem:s0+$0x8430] =	vst.add.f32.msk $0xffff, v6  }
0x108: {  	[tilespmem:s0+$0x8440] =	vst.add.f32.msk $0xffff, v7  }
0x109: {  	s6 =	sadd.s32 $0x1000, s6;
	[tilespmem:s0+$0x8450] =	vst.add.f32.msk $0xffff, v8  }
0x10a: {  	[tilespmem:s0+$0x8460] =	vst.add.f32.msk $0xffff, v2;
	s0 =	simm.s32 $0x0  }
0x10b: {  	v2 =	vld [tilespmem:s0+$0x4F0]  }
0x10c: {  	v3 =	vld [tilespmem:s0+$0x480]  }
0x10d: {  	v4 =	vld [tilespmem:s0+$0x490]  }
0x10e: {  	v5 =	vld [tilespmem:s0+$0x4A0]  }
0x10f: {  	v6 =	vld [tilespmem:s0+$0x4B0]  }
0x110: {  	v7 =	vld [tilespmem:s0+$0x4C0]  }
0x111: {  	v8 =	vld [tilespmem:s0+$0x4D0]  }
0x112: {  	[tilespmem:s0+$0x84F0] =	vst.add.f32.msk $0xffff, v2  }
0x113: {  	v2 =	vld [tilespmem:s0+$0x4E0]  }
0x114: {  	[tilespmem:s0+$0x8480] =	vst.add.f32.msk $0xffff, v3  }
0x115: {  	[tilespmem:s0+$0x8490] =	vst.add.f32.msk $0xffff, v4  }
0x116: {  	[tilespmem:s0+$0x84A0] =	vst.add.f32.msk $0xffff, v5  }
0x117: {  	[tilespmem:s0+$0x84B0] =	vst.add.f32.msk $0xffff, v6  }
0x118: {  	[tilespmem:s0+$0x84C0] =	vst.add.f32.msk $0xffff, v7  }
0x119: {  	s1 =	simm.s32 $0x0;
	s6 =	simm.s32 $0x1000;
	[tilespmem:s0+$0x84D0] =	vst.add.f32.msk $0xffff, v8  }
.LBB2_13:
0x11a: {  	s1 =	sadd.s32 $0x8, s1;
	[tilespmem:s0+$0x84E0] =	vst.add.f32.msk $0xffff, v2;
	s0 =	sshra.s32 s6, $0x2  }
0x11b: {  	v2 =	vld [tilespmem:s0+$0x4F0];
	p0 =	slt.u32 s1, $0x78  }
0x11c: {  	v3 =	vld [tilespmem:s0+$0x480]  }
0x11d: {  	v4 =	vld [tilespmem:s0+$0x490]  }
0x11e: {  	v5 =	vld [tilespmem:s0+$0x4A0]  }
0x11f: {  	v6 =	vld [tilespmem:s0+$0x4B0]  }
0x120: {  	[tilespmem:s0+$0x84F0] =	vst.add.f32.msk $0xffff, v2  }
0x121: {  	v7 =	vld [tilespmem:s0+$0x4C0]  }
0x122: {  	v8 =	vld [tilespmem:s0+$0x4D0]  }
0x123: {  	v2 =	vld [tilespmem:s0+$0x4E0]  }
0x124: {  	[tilespmem:s0+$0x8480] =	vst.add.f32.msk $0xffff, v3  }
.Ltmp7:
0x125: {  	[tilespmem:s0+$0x8490] =	vst.add.f32.msk $0xffff, v4;
	(pc) =	sbr.rel @p0 .LBB2_13-.Ltmp7, $4  }
0x126: {  	[tilespmem:s0+$0x84A0] =	vst.add.f32.msk $0xffff, v5  }
0x127: {  	[tilespmem:s0+$0x84B0] =	vst.add.f32.msk $0xffff, v6  }
0x128: {  	[tilespmem:s0+$0x84C0] =	vst.add.f32.msk $0xffff, v7  }
0x129: {  	s6 =	sadd.s32 $0x1000, s6;
	[tilespmem:s0+$0x84D0] =	vst.add.f32.msk $0xffff, v8  }
0x12a: {  	[tilespmem:s0+$0x84E0] =	vst.add.f32.msk $0xffff, v2;
	s0 =	simm.s32 $0x0  }
0x12b: {  	v2 =	vld [tilespmem:s0+$0x570]  }
0x12c: {  	v3 =	vld [tilespmem:s0+$0x500]  }
0x12d: {  	v4 =	vld [tilespmem:s0+$0x510]  }
0x12e: {  	v5 =	vld [tilespmem:s0+$0x520]  }
0x12f: {  	v6 =	vld [tilespmem:s0+$0x530]  }
0x130: {  	v7 =	vld [tilespmem:s0+$0x540]  }
0x131: {  	v8 =	vld [tilespmem:s0+$0x550]  }
0x132: {  	[tilespmem:s0+$0x8570] =	vst.add.f32.msk $0xffff, v2  }
0x133: {  	v2 =	vld [tilespmem:s0+$0x560]  }
0x134: {  	[tilespmem:s0+$0x8500] =	vst.add.f32.msk $0xffff, v3  }
0x135: {  	[tilespmem:s0+$0x8510] =	vst.add.f32.msk $0xffff, v4  }
0x136: {  	[tilespmem:s0+$0x8520] =	vst.add.f32.msk $0xffff, v5  }
0x137: {  	[tilespmem:s0+$0x8530] =	vst.add.f32.msk $0xffff, v6  }
0x138: {  	[tilespmem:s0+$0x8540] =	vst.add.f32.msk $0xffff, v7  }
0x139: {  	s1 =	simm.s32 $0x0;
	s6 =	simm.s32 $0x1000;
	[tilespmem:s0+$0x8550] =	vst.add.f32.msk $0xffff, v8  }
.LBB2_15:
0x13a: {  	s1 =	sadd.s32 $0x8, s1;
	[tilespmem:s0+$0x8560] =	vst.add.f32.msk $0xffff, v2;
	s0 =	sshra.s32 s6, $0x2  }
0x13b: {  	v2 =	vld [tilespmem:s0+$0x570];
	p0 =	slt.u32 s1, $0x78  }
0x13c: {  	v3 =	vld [tilespmem:s0+$0x500]  }
0x13d: {  	v4 =	vld [tilespmem:s0+$0x510]  }
0x13e: {  	v5 =	vld [tilespmem:s0+$0x520]  }
0x13f: {  	v6 =	vld [tilespmem:s0+$0x530]  }
0x140: {  	[tilespmem:s0+$0x8570] =	vst.add.f32.msk $0xffff, v2  }
0x141: {  	v7 =	vld [tilespmem:s0+$0x540]  }
0x142: {  	v8 =	vld [tilespmem:s0+$0x550]  }
0x143: {  	v2 =	vld [tilespmem:s0+$0x560]  }
0x144: {  	[tilespmem:s0+$0x8500] =	vst.add.f32.msk $0xffff, v3  }
.Ltmp8:
0x145: {  	[tilespmem:s0+$0x8510] =	vst.add.f32.msk $0xffff, v4;
	(pc) =	sbr.rel @p0 .LBB2_15-.Ltmp8, $4  }
0x146: {  	[tilespmem:s0+$0x8520] =	vst.add.f32.msk $0xffff, v5  }
0x147: {  	[tilespmem:s0+$0x8530] =	vst.add.f32.msk $0xffff, v6  }
0x148: {  	[tilespmem:s0+$0x8540] =	vst.add.f32.msk $0xffff, v7  }
0x149: {  	s6 =	sadd.s32 $0x1000, s6;
	[tilespmem:s0+$0x8550] =	vst.add.f32.msk $0xffff, v8  }
0x14a: {  	[tilespmem:s0+$0x8560] =	vst.add.f32.msk $0xffff, v2;
	s1 =	simm.s32 $0x0  }
0x14b: {  	v2 =	vld [tilespmem:s1+$0x5F0]  }
0x14c: {  	v3 =	vld [tilespmem:s1+$0x580]  }
0x14d: {  	v4 =	vld [tilespmem:s1+$0x590]  }
0x14e: {  	v5 =	vld [tilespmem:s1+$0x5A0]  }
0x14f: {  	v6 =	vld [tilespmem:s1+$0x5B0]  }
0x150: {  	v7 =	vld [tilespmem:s1+$0x5C0]  }
0x151: {  	v8 =	vld [tilespmem:s1+$0x5D0]  }
0x152: {  	[tilespmem:s1+$0x85F0] =	vst.add.f32.msk $0xffff, v2  }
0x153: {  	v2 =	vld [tilespmem:s1+$0x5E0]  }
0x154: {  	[tilespmem:s1+$0x8580] =	vst.add.f32.msk $0xffff, v3  }
0x155: {  	[tilespmem:s1+$0x8590] =	vst.add.f32.msk $0xffff, v4  }
0x156: {  	[tilespmem:s1+$0x85A0] =	vst.add.f32.msk $0xffff, v5  }
0x157: {  	[tilespmem:s1+$0x85B0] =	vst.add.f32.msk $0xffff, v6  }
0x158: {  	[tilespmem:s1+$0x85C0] =	vst.add.f32.msk $0xffff, v7  }
0x159: {  	s0 =	simm.s32 $0x0;
	s6 =	simm.s32 $0x1000;
	[tilespmem:s1+$0x85D0] =	vst.add.f32.msk $0xffff, v8  }
.LBB2_17:
0x15a: {  	s0 =	sadd.s32 $0x8, s0;
	[tilespmem:s1+$0x85E0] =	vst.add.f32.msk $0xffff, v2;
	s1 =	sshra.s32 s6, $0x2  }
0x15b: {  	v2 =	vld [tilespmem:s1+$0x5F0];
	p0 =	slt.u32 s0, $0x78  }
0x15c: {  	v3 =	vld [tilespmem:s1+$0x580]  }
0x15d: {  	v4 =	vld [tilespmem:s1+$0x590]  }
0x15e: {  	v5 =	vld [tilespmem:s1+$0x5A0]  }
0x15f: {  	v6 =	vld [tilespmem:s1+$0x5B0]  }
0x160: {  	[tilespmem:s1+$0x85F0] =	vst.add.f32.msk $0xffff, v2  }
0x161: {  	v7 =	vld [tilespmem:s1+$0x5C0]  }
0x162: {  	v8 =	vld [tilespmem:s1+$0x5D0]  }
0x163: {  	v2 =	vld [tilespmem:s1+$0x5E0]  }
0x164: {  	[tilespmem:s1+$0x8580] =	vst.add.f32.msk $0xffff, v3  }
.Ltmp9:
0x165: {  	[tilespmem:s1+$0x8590] =	vst.add.f32.msk $0xffff, v4;
	(pc) =	sbr.rel @p0 .LBB2_17-.Ltmp9, $4  }
0x166: {  	[tilespmem:s1+$0x85A0] =	vst.add.f32.msk $0xffff, v5  }
0x167: {  	[tilespmem:s1+$0x85B0] =	vst.add.f32.msk $0xffff, v6  }
0x168: {  	[tilespmem:s1+$0x85C0] =	vst.add.f32.msk $0xffff, v7  }
0x169: {  	s6 =	sadd.s32 $0x1000, s6;
	[tilespmem:s1+$0x85D0] =	vst.add.f32.msk $0xffff, v8  }
0x16a: {  	s0 =	sshll.u32 s28, $0xC;
	s6 =	rddreg [dreg:$0x9]  }
0x16b: {  	s10 =	rddreg [dreg:$0x2];
	s0 =	sadd.s32 s6, s0  }
0x16c: {  	[tilespmem:s1+$0x85E0] =	vst.add.f32.msk $0xffff, v2;
	s16 =	simm.s32 $0x8200;
	p0 =	seq.s32 s28, $0x0;
	s1 =	sadd.s32 s10, s0  }
0x16d: {  	[hbm4b:s1+s4] =	stream.linear.scatter [tilespmem:s16], [sflag:$0x7], $0x4000, $0x38;
	[tilespmem:$0x18200] =	vst v63  }
0x16e: {  	s1 =	simm.s32 @!p0 $0x9  }
0x16f: {  	_ =	swait.ge @!p0 [sflag:s1], $0x4000  }
0x170: {  	s7 =	sshll.u32 s28, $0x6;
	[sflag:s1] =	ssyncset.done @!p0 $0x0  }
0x171: {  	s24 =	sshrl.u32 s7, $0x2;
	[sflag:s1] =	ssyncadd.s32 @!p0 $0xFFFFC000  }
0x172: {  	v2 =	vld.msk [tilespmem:s24+$0x100], $0xff;
	_ =	sdelay $0x4  }
0x173: {  	v3 =	vshll.u32 v2, $0x4  }
0x174: {  	v2 =	vand.u32 $0x7, v2;
	v3 =	vand.u32 $0xFFFFFF80, v3  }
0x175: {  	v2 =	vor.u32 v2, v3  }
0x176: {  	v2 =	vperm.xlane v2, v0;
	_ =	sdelay $0x1  }
0x177: {  	v2 =	vadd.s32 v1, v2;
	_ =	sdelay $0x3  }
0x178: {  	s1 =	simm.s32 $0x0  }
0x179: {  	[tilespmem:s9], [sflag:$0x5] =	stream.indirect_vreg.gather [hbm4b:s2+s1], $0x80, v2, vm0, $0xb8;
	[tilespmem:$0x18200] =	vst v63  }
0x17a: {  	s21 =	simm.s32 $0x10A00  }
0x17b: {  	[tilespmem:s21], [sflag:$0x5] =	stream.indirect_vreg.gather [hbm4b:s11+s1], $0x80, v2, vm0, $0xb8;
	[tilespmem:$0x18200] =	vst v63  }
0x17c: {  	s10 =	simm.s32 $0x11200  }
0x17d: {  	[tilespmem:s10], [sflag:$0x5] =	stream.indirect_vreg.gather [hbm4b:s12+s1], $0x80, v2, vm0, $0xb8;
	[tilespmem:$0x18200] =	vst v63  }
0x17e: {  	s16 =	simm.s32 $0x11A00  }
0x17f: {  	[tilespmem:s16], [sflag:$0x5] =	stream.indirect_vreg.gather [hbm4b:s13+s1], $0x80, v2, vm0, $0xb8;
	[tilespmem:$0x18200] =	vst v63  }
0x180: {  	s21 =	simm.s32 $0x12200  }
0x181: {  	[tilespmem:s21], [sflag:$0x5] =	stream.indirect_vreg.gather [hbm4b:s14+s1], $0x80, v2, vm0, $0xb8;
	[tilespmem:$0x18200] =	vst v63  }
0x182: {  	s10 =	simm.s32 $0x12A00  }
0x183: {  	[tilespmem:s10], [sflag:$0x5] =	stream.indirect_vreg.gather [hbm4b:s15+s1], $0x80, v2, vm0, $0xb8;
	[tilespmem:$0x18200] =	vst v63  }
0x184: {  	s16 =	simm.s32 $0x13200  }
0x185: {  	[tilespmem:s16], [sflag:$0x5] =	stream.indirect_vreg.gather [hbm4b:s17+s1], $0x80, v2, vm0, $0xb8;
	[tilespmem:$0x18200] =	vst v63  }
0x186: {  	s21 =	simm.s32 $0x13A00  }
0x187: {  	[tilespmem:s21], [sflag:$0x5] =	stream.indirect_vreg.gather [hbm4b:s18+s1], $0x80, v2, vm0, $0xb8;
	[tilespmem:$0x18200] =	vst v63  }
0x188: {  	_ =	swait.ge [sflag:s29], $0x4000  }
0x189: {  	[sflag:s29] =	ssyncset.done $0x0  }
0x18a: {  	s1 =	simm.s32 $0x0;
	[sflag:s29] =	ssyncadd.s32 $0xFFFFC000  }
0x18b: {  	v2 =	vld [tilespmem:s1+$0x270]  }
0x18c: {  	v3 =	vld [tilespmem:s1+$0x200]  }
0x18d: {  	v4 =	vld [tilespmem:s1+$0x210]  }
0x18e: {  	v5 =	vld [tilespmem:s1+$0x220]  }
0x18f: {  	v6 =	vld [tilespmem:s1+$0x230]  }
0x190: {  	v7 =	vld [tilespmem:s1+$0x240]  }
0x191: {  	v8 =	vld [tilespmem:s1+$0x250]  }
0x192: {  	[tilespmem:s1+$0xC270] =	vst.add.f32.msk $0xffff, v2  }
0x193: {  	v2 =	vld [tilespmem:s1+$0x260]  }
0x194: {  	[tilespmem:s1+$0xC200] =	vst.add.f32.msk $0xffff, v3  }
0x195: {  	[tilespmem:s1+$0xC210] =	vst.add.f32.msk $0xffff, v4  }
0x196: {  	[tilespmem:s1+$0xC220] =	vst.add.f32.msk $0xffff, v5  }
0x197: {  	[tilespmem:s1+$0xC230] =	vst.add.f32.msk $0xffff, v6  }
0x198: {  	s31 =	sshll.u32 s28, $0x3;
	[tilespmem:s1+$0xC240] =	vst.add.f32.msk $0xffff, v7  }
0x199: {  	s6 =	simm.s32 $0x1000;
	s10 =	simm.s32 $0x0;
	s16 =	sshll.u32 s28, $0x1;
	[tilespmem:s1+$0xC250] =	vst.add.f32.msk $0xffff, v8  }
.LBB2_19:
0x19a: {  	s10 =	sadd.s32 $0x8, s10;
	[tilespmem:s1+$0xC260] =	vst.add.f32.msk $0xffff, v2;
	s1 =	sshra.s32 s6, $0x2  }
0x19b: {  	v2 =	vld [tilespmem:s1+$0x270];
	p1 =	slt.u32 s10, $0x78  }
0x19c: {  	v3 =	vld [tilespmem:s1+$0x200]  }
0x19d: {  	v4 =	vld [tilespmem:s1+$0x210]  }
0x19e: {  	v5 =	vld [tilespmem:s1+$0x220]  }
0x19f: {  	v6 =	vld [tilespmem:s1+$0x230]  }
0x1a0: {  	[tilespmem:s1+$0xC270] =	vst.add.f32.msk $0xffff, v2  }
0x1a1: {  	v7 =	vld [tilespmem:s1+$0x240]  }
0x1a2: {  	v8 =	vld [tilespmem:s1+$0x250]  }
0x1a3: {  	v2 =	vld [tilespmem:s1+$0x260]  }
0x1a4: {  	[tilespmem:s1+$0xC200] =	vst.add.f32.msk $0xffff, v3  }
.Ltmp10:
0x1a5: {  	[tilespmem:s1+$0xC210] =	vst.add.f32.msk $0xffff, v4;
	(pc) =	sbr.rel @p1 .LBB2_19-.Ltmp10, $4  }
0x1a6: {  	[tilespmem:s1+$0xC220] =	vst.add.f32.msk $0xffff, v5  }
0x1a7: {  	[tilespmem:s1+$0xC230] =	vst.add.f32.msk $0xffff, v6  }
0x1a8: {  	[tilespmem:s1+$0xC240] =	vst.add.f32.msk $0xffff, v7  }
0x1a9: {  	s6 =	sadd.s32 $0x1000, s6;
	[tilespmem:s1+$0xC250] =	vst.add.f32.msk $0xffff, v8  }
0x1aa: {  	[tilespmem:s1+$0xC260] =	vst.add.f32.msk $0xffff, v2;
	s1 =	simm.s32 $0x0  }
0x1ab: {  	v2 =	vld [tilespmem:s1+$0x2F0]  }
0x1ac: {  	v3 =	vld [tilespmem:s1+$0x280]  }
0x1ad: {  	v4 =	vld [tilespmem:s1+$0x290]  }
0x1ae: {  	v5 =	vld [tilespmem:s1+$0x2A0]  }
0x1af: {  	v6 =	vld [tilespmem:s1+$0x2B0]  }
0x1b0: {  	v7 =	vld [tilespmem:s1+$0x2C0]  }
0x1b1: {  	v8 =	vld [tilespmem:s1+$0x2D0]  }
0x1b2: {  	[tilespmem:s1+$0xC2F0] =	vst.add.f32.msk $0xffff, v2  }
0x1b3: {  	v2 =	vld [tilespmem:s1+$0x2E0]  }
0x1b4: {  	[tilespmem:s1+$0xC280] =	vst.add.f32.msk $0xffff, v3  }
0x1b5: {  	[tilespmem:s1+$0xC290] =	vst.add.f32.msk $0xffff, v4  }
0x1b6: {  	[tilespmem:s1+$0xC2A0] =	vst.add.f32.msk $0xffff, v5  }
0x1b7: {  	[tilespmem:s1+$0xC2B0] =	vst.add.f32.msk $0xffff, v6  }
0x1b8: {  	[tilespmem:s1+$0xC2C0] =	vst.add.f32.msk $0xffff, v7  }
0x1b9: {  	s10 =	simm.s32 $0x0;
	s6 =	simm.s32 $0x1000;
	[tilespmem:s1+$0xC2D0] =	vst.add.f32.msk $0xffff, v8  }
.LBB2_21:
0x1ba: {  	s10 =	sadd.s32 $0x8, s10;
	[tilespmem:s1+$0xC2E0] =	vst.add.f32.msk $0xffff, v2;
	s1 =	sshra.s32 s6, $0x2  }
0x1bb: {  	v2 =	vld [tilespmem:s1+$0x2F0];
	p1 =	slt.u32 s10, $0x78  }
0x1bc: {  	v3 =	vld [tilespmem:s1+$0x280]  }
0x1bd: {  	v4 =	vld [tilespmem:s1+$0x290]  }
0x1be: {  	v5 =	vld [tilespmem:s1+$0x2A0]  }
0x1bf: {  	v6 =	vld [tilespmem:s1+$0x2B0]  }
0x1c0: {  	[tilespmem:s1+$0xC2F0] =	vst.add.f32.msk $0xffff, v2  }
0x1c1: {  	v7 =	vld [tilespmem:s1+$0x2C0]  }
0x1c2: {  	v8 =	vld [tilespmem:s1+$0x2D0]  }
0x1c3: {  	v2 =	vld [tilespmem:s1+$0x2E0]  }
0x1c4: {  	[tilespmem:s1+$0xC280] =	vst.add.f32.msk $0xffff, v3  }
.Ltmp11:
0x1c5: {  	[tilespmem:s1+$0xC290] =	vst.add.f32.msk $0xffff, v4;
	(pc) =	sbr.rel @p1 .LBB2_21-.Ltmp11, $4  }
0x1c6: {  	[tilespmem:s1+$0xC2A0] =	vst.add.f32.msk $0xffff, v5  }
0x1c7: {  	[tilespmem:s1+$0xC2B0] =	vst.add.f32.msk $0xffff, v6  }
0x1c8: {  	[tilespmem:s1+$0xC2C0] =	vst.add.f32.msk $0xffff, v7  }
0x1c9: {  	s6 =	sadd.s32 $0x1000, s6;
	[tilespmem:s1+$0xC2D0] =	vst.add.f32.msk $0xffff, v8  }
0x1ca: {  	[tilespmem:s1+$0xC2E0] =	vst.add.f32.msk $0xffff, v2;
	s1 =	simm.s32 $0x0  }
0x1cb: {  	v2 =	vld [tilespmem:s1+$0x370]  }
0x1cc: {  	v3 =	vld [tilespmem:s1+$0x300]  }
0x1cd: {  	v4 =	vld [tilespmem:s1+$0x310]  }
0x1ce: {  	v5 =	vld [tilespmem:s1+$0x320]  }
0x1cf: {  	v6 =	vld [tilespmem:s1+$0x330]  }
0x1d0: {  	v7 =	vld [tilespmem:s1+$0x340]  }
0x1d1: {  	v8 =	vld [tilespmem:s1+$0x350]  }
0x1d2: {  	[tilespmem:s1+$0xC370] =	vst.add.f32.msk $0xffff, v2  }
0x1d3: {  	v2 =	vld [tilespmem:s1+$0x360]  }
0x1d4: {  	[tilespmem:s1+$0xC300] =	vst.add.f32.msk $0xffff, v3  }
0x1d5: {  	[tilespmem:s1+$0xC310] =	vst.add.f32.msk $0xffff, v4  }
0x1d6: {  	[tilespmem:s1+$0xC320] =	vst.add.f32.msk $0xffff, v5  }
0x1d7: {  	[tilespmem:s1+$0xC330] =	vst.add.f32.msk $0xffff, v6  }
0x1d8: {  	[tilespmem:s1+$0xC340] =	vst.add.f32.msk $0xffff, v7  }
0x1d9: {  	s10 =	simm.s32 $0x0;
	s6 =	simm.s32 $0x1000;
	[tilespmem:s1+$0xC350] =	vst.add.f32.msk $0xffff, v8  }
.LBB2_23:
0x1da: {  	s10 =	sadd.s32 $0x8, s10;
	[tilespmem:s1+$0xC360] =	vst.add.f32.msk $0xffff, v2;
	s1 =	sshra.s32 s6, $0x2  }
0x1db: {  	v2 =	vld [tilespmem:s1+$0x370];
	p1 =	slt.u32 s10, $0x78  }
0x1dc: {  	v3 =	vld [tilespmem:s1+$0x300]  }
0x1dd: {  	v4 =	vld [tilespmem:s1+$0x310]  }
0x1de: {  	v5 =	vld [tilespmem:s1+$0x320]  }
0x1df: {  	v6 =	vld [tilespmem:s1+$0x330]  }
0x1e0: {  	[tilespmem:s1+$0xC370] =	vst.add.f32.msk $0xffff, v2  }
0x1e1: {  	v7 =	vld [tilespmem:s1+$0x340]  }
0x1e2: {  	v8 =	vld [tilespmem:s1+$0x350]  }
0x1e3: {  	v2 =	vld [tilespmem:s1+$0x360]  }
0x1e4: {  	[tilespmem:s1+$0xC300] =	vst.add.f32.msk $0xffff, v3  }
.Ltmp12:
0x1e5: {  	[tilespmem:s1+$0xC310] =	vst.add.f32.msk $0xffff, v4;
	(pc) =	sbr.rel @p1 .LBB2_23-.Ltmp12, $4  }
0x1e6: {  	[tilespmem:s1+$0xC320] =	vst.add.f32.msk $0xffff, v5  }
0x1e7: {  	[tilespmem:s1+$0xC330] =	vst.add.f32.msk $0xffff, v6  }
0x1e8: {  	[tilespmem:s1+$0xC340] =	vst.add.f32.msk $0xffff, v7  }
0x1e9: {  	s6 =	sadd.s32 $0x1000, s6;
	[tilespmem:s1+$0xC350] =	vst.add.f32.msk $0xffff, v8  }
0x1ea: {  	[tilespmem:s1+$0xC360] =	vst.add.f32.msk $0xffff, v2;
	s1 =	simm.s32 $0x0  }
0x1eb: {  	v2 =	vld [tilespmem:s1+$0x3F0]  }
0x1ec: {  	v3 =	vld [tilespmem:s1+$0x380]  }
0x1ed: {  	v4 =	vld [tilespmem:s1+$0x390]  }
0x1ee: {  	v5 =	vld [tilespmem:s1+$0x3A0]  }
0x1ef: {  	v6 =	vld [tilespmem:s1+$0x3B0]  }
0x1f0: {  	v7 =	vld [tilespmem:s1+$0x3C0]  }
0x1f1: {  	v8 =	vld [tilespmem:s1+$0x3D0]  }
0x1f2: {  	[tilespmem:s1+$0xC3F0] =	vst.add.f32.msk $0xffff, v2  }
0x1f3: {  	v2 =	vld [tilespmem:s1+$0x3E0]  }
0x1f4: {  	[tilespmem:s1+$0xC380] =	vst.add.f32.msk $0xffff, v3  }
0x1f5: {  	[tilespmem:s1+$0xC390] =	vst.add.f32.msk $0xffff, v4  }
0x1f6: {  	[tilespmem:s1+$0xC3A0] =	vst.add.f32.msk $0xffff, v5  }
0x1f7: {  	[tilespmem:s1+$0xC3B0] =	vst.add.f32.msk $0xffff, v6  }
0x1f8: {  	[tilespmem:s1+$0xC3C0] =	vst.add.f32.msk $0xffff, v7  }
0x1f9: {  	s10 =	simm.s32 $0x0;
	s6 =	simm.s32 $0x1000;
	[tilespmem:s1+$0xC3D0] =	vst.add.f32.msk $0xffff, v8  }
.LBB2_25:
0x1fa: {  	s10 =	sadd.s32 $0x8, s10;
	[tilespmem:s1+$0xC3E0] =	vst.add.f32.msk $0xffff, v2;
	s1 =	sshra.s32 s6, $0x2  }
0x1fb: {  	v2 =	vld [tilespmem:s1+$0x3F0];
	p1 =	slt.u32 s10, $0x78  }
0x1fc: {  	v3 =	vld [tilespmem:s1+$0x380]  }
0x1fd: {  	v4 =	vld [tilespmem:s1+$0x390]  }
0x1fe: {  	v5 =	vld [tilespmem:s1+$0x3A0]  }
0x1ff: {  	v6 =	vld [tilespmem:s1+$0x3B0]  }
0x200: {  	[tilespmem:s1+$0xC3F0] =	vst.add.f32.msk $0xffff, v2  }
0x201: {  	v7 =	vld [tilespmem:s1+$0x3C0]  }
0x202: {  	v8 =	vld [tilespmem:s1+$0x3D0]  }
0x203: {  	v2 =	vld [tilespmem:s1+$0x3E0]  }
0x204: {  	[tilespmem:s1+$0xC380] =	vst.add.f32.msk $0xffff, v3  }
.Ltmp13:
0x205: {  	[tilespmem:s1+$0xC390] =	vst.add.f32.msk $0xffff, v4;
	(pc) =	sbr.rel @p1 .LBB2_25-.Ltmp13, $4  }
0x206: {  	[tilespmem:s1+$0xC3A0] =	vst.add.f32.msk $0xffff, v5  }
0x207: {  	[tilespmem:s1+$0xC3B0] =	vst.add.f32.msk $0xffff, v6  }
0x208: {  	[tilespmem:s1+$0xC3C0] =	vst.add.f32.msk $0xffff, v7  }
0x209: {  	s6 =	sadd.s32 $0x1000, s6;
	[tilespmem:s1+$0xC3D0] =	vst.add.f32.msk $0xffff, v8  }
0x20a: {  	[tilespmem:s1+$0xC3E0] =	vst.add.f32.msk $0xffff, v2;
	s1 =	simm.s32 $0x0  }
0x20b: {  	v2 =	vld [tilespmem:s1+$0x470]  }
0x20c: {  	v3 =	vld [tilespmem:s1+$0x400]  }
0x20d: {  	v4 =	vld [tilespmem:s1+$0x410]  }
0x20e: {  	v5 =	vld [tilespmem:s1+$0x420]  }
0x20f: {  	v6 =	vld [tilespmem:s1+$0x430]  }
0x210: {  	v7 =	vld [tilespmem:s1+$0x440]  }
0x211: {  	v8 =	vld [tilespmem:s1+$0x450]  }
0x212: {  	[tilespmem:s1+$0xC470] =	vst.add.f32.msk $0xffff, v2  }
0x213: {  	v2 =	vld [tilespmem:s1+$0x460]  }
0x214: {  	[tilespmem:s1+$0xC400] =	vst.add.f32.msk $0xffff, v3  }
0x215: {  	[tilespmem:s1+$0xC410] =	vst.add.f32.msk $0xffff, v4  }
0x216: {  	[tilespmem:s1+$0xC420] =	vst.add.f32.msk $0xffff, v5  }
0x217: {  	[tilespmem:s1+$0xC430] =	vst.add.f32.msk $0xffff, v6  }
0x218: {  	[tilespmem:s1+$0xC440] =	vst.add.f32.msk $0xffff, v7  }
0x219: {  	s10 =	simm.s32 $0x0;
	s6 =	simm.s32 $0x1000;
	[tilespmem:s1+$0xC450] =	vst.add.f32.msk $0xffff, v8  }
.LBB2_27:
0x21a: {  	s10 =	sadd.s32 $0x8, s10;
	[tilespmem:s1+$0xC460] =	vst.add.f32.msk $0xffff, v2;
	s1 =	sshra.s32 s6, $0x2  }
0x21b: {  	v2 =	vld [tilespmem:s1+$0x470];
	p1 =	slt.u32 s10, $0x78  }
0x21c: {  	v3 =	vld [tilespmem:s1+$0x400]  }
0x21d: {  	v4 =	vld [tilespmem:s1+$0x410]  }
0x21e: {  	v5 =	vld [tilespmem:s1+$0x420]  }
0x21f: {  	v6 =	vld [tilespmem:s1+$0x430]  }
0x220: {  	[tilespmem:s1+$0xC470] =	vst.add.f32.msk $0xffff, v2  }
0x221: {  	v7 =	vld [tilespmem:s1+$0x440]  }
0x222: {  	v8 =	vld [tilespmem:s1+$0x450]  }
0x223: {  	v2 =	vld [tilespmem:s1+$0x460]  }
0x224: {  	[tilespmem:s1+$0xC400] =	vst.add.f32.msk $0xffff, v3  }
.Ltmp14:
0x225: {  	[tilespmem:s1+$0xC410] =	vst.add.f32.msk $0xffff, v4;
	(pc) =	sbr.rel @p1 .LBB2_27-.Ltmp14, $4  }
0x226: {  	[tilespmem:s1+$0xC420] =	vst.add.f32.msk $0xffff, v5  }
0x227: {  	[tilespmem:s1+$0xC430] =	vst.add.f32.msk $0xffff, v6  }
0x228: {  	[tilespmem:s1+$0xC440] =	vst.add.f32.msk $0xffff, v7  }
0x229: {  	s6 =	sadd.s32 $0x1000, s6;
	[tilespmem:s1+$0xC450] =	vst.add.f32.msk $0xffff, v8  }
0x22a: {  	[tilespmem:s1+$0xC460] =	vst.add.f32.msk $0xffff, v2;
	s1 =	simm.s32 $0x0  }
0x22b: {  	v2 =	vld [tilespmem:s1+$0x4F0]  }
0x22c: {  	v3 =	vld [tilespmem:s1+$0x480]  }
0x22d: {  	v4 =	vld [tilespmem:s1+$0x490]  }
0x22e: {  	v5 =	vld [tilespmem:s1+$0x4A0]  }
0x22f: {  	v6 =	vld [tilespmem:s1+$0x4B0]  }
0x230: {  	v7 =	vld [tilespmem:s1+$0x4C0]  }
0x231: {  	v8 =	vld [tilespmem:s1+$0x4D0]  }
0x232: {  	[tilespmem:s1+$0xC4F0] =	vst.add.f32.msk $0xffff, v2  }
0x233: {  	v2 =	vld [tilespmem:s1+$0x4E0]  }
0x234: {  	[tilespmem:s1+$0xC480] =	vst.add.f32.msk $0xffff, v3  }
0x235: {  	[tilespmem:s1+$0xC490] =	vst.add.f32.msk $0xffff, v4  }
0x236: {  	[tilespmem:s1+$0xC4A0] =	vst.add.f32.msk $0xffff, v5  }
0x237: {  	[tilespmem:s1+$0xC4B0] =	vst.add.f32.msk $0xffff, v6  }
0x238: {  	[tilespmem:s1+$0xC4C0] =	vst.add.f32.msk $0xffff, v7  }
0x239: {  	s10 =	simm.s32 $0x0;
	s6 =	simm.s32 $0x1000;
	[tilespmem:s1+$0xC4D0] =	vst.add.f32.msk $0xffff, v8  }
.LBB2_29:
0x23a: {  	s10 =	sadd.s32 $0x8, s10;
	[tilespmem:s1+$0xC4E0] =	vst.add.f32.msk $0xffff, v2;
	s1 =	sshra.s32 s6, $0x2  }
0x23b: {  	v2 =	vld [tilespmem:s1+$0x4F0];
	p1 =	slt.u32 s10, $0x78  }
0x23c: {  	v3 =	vld [tilespmem:s1+$0x480]  }
0x23d: {  	v4 =	vld [tilespmem:s1+$0x490]  }
0x23e: {  	v5 =	vld [tilespmem:s1+$0x4A0]  }
0x23f: {  	v6 =	vld [tilespmem:s1+$0x4B0]  }
0x240: {  	[tilespmem:s1+$0xC4F0] =	vst.add.f32.msk $0xffff, v2  }
0x241: {  	v7 =	vld [tilespmem:s1+$0x4C0]  }
0x242: {  	v8 =	vld [tilespmem:s1+$0x4D0]  }
0x243: {  	v2 =	vld [tilespmem:s1+$0x4E0]  }
0x244: {  	[tilespmem:s1+$0xC480] =	vst.add.f32.msk $0xffff, v3  }
.Ltmp15:
0x245: {  	[tilespmem:s1+$0xC490] =	vst.add.f32.msk $0xffff, v4;
	(pc) =	sbr.rel @p1 .LBB2_29-.Ltmp15, $4  }
0x246: {  	[tilespmem:s1+$0xC4A0] =	vst.add.f32.msk $0xffff, v5  }
0x247: {  	[tilespmem:s1+$0xC4B0] =	vst.add.f32.msk $0xffff, v6  }
0x248: {  	[tilespmem:s1+$0xC4C0] =	vst.add.f32.msk $0xffff, v7  }
0x249: {  	s6 =	sadd.s32 $0x1000, s6;
	[tilespmem:s1+$0xC4D0] =	vst.add.f32.msk $0xffff, v8  }
0x24a: {  	[tilespmem:s1+$0xC4E0] =	vst.add.f32.msk $0xffff, v2;
	s1 =	simm.s32 $0x0  }
0x24b: {  	v2 =	vld [tilespmem:s1+$0x570]  }
0x24c: {  	v3 =	vld [tilespmem:s1+$0x500]  }
0x24d: {  	v4 =	vld [tilespmem:s1+$0x510]  }
0x24e: {  	v5 =	vld [tilespmem:s1+$0x520]  }
0x24f: {  	v6 =	vld [tilespmem:s1+$0x530]  }
0x250: {  	v7 =	vld [tilespmem:s1+$0x540]  }
0x251: {  	v8 =	vld [tilespmem:s1+$0x550]  }
0x252: {  	[tilespmem:s1+$0xC570] =	vst.add.f32.msk $0xffff, v2  }
0x253: {  	v2 =	vld [tilespmem:s1+$0x560]  }
0x254: {  	[tilespmem:s1+$0xC500] =	vst.add.f32.msk $0xffff, v3  }
0x255: {  	[tilespmem:s1+$0xC510] =	vst.add.f32.msk $0xffff, v4  }
0x256: {  	[tilespmem:s1+$0xC520] =	vst.add.f32.msk $0xffff, v5  }
0x257: {  	[tilespmem:s1+$0xC530] =	vst.add.f32.msk $0xffff, v6  }
0x258: {  	[tilespmem:s1+$0xC540] =	vst.add.f32.msk $0xffff, v7  }
0x259: {  	s10 =	simm.s32 $0x0;
	s6 =	simm.s32 $0x1000;
	[tilespmem:s1+$0xC550] =	vst.add.f32.msk $0xffff, v8  }
.LBB2_31:
0x25a: {  	s10 =	sadd.s32 $0x8, s10;
	[tilespmem:s1+$0xC560] =	vst.add.f32.msk $0xffff, v2;
	s1 =	sshra.s32 s6, $0x2  }
0x25b: {  	v2 =	vld [tilespmem:s1+$0x570];
	p1 =	slt.u32 s10, $0x78  }
0x25c: {  	v3 =	vld [tilespmem:s1+$0x500]  }
0x25d: {  	v4 =	vld [tilespmem:s1+$0x510]  }
0x25e: {  	v5 =	vld [tilespmem:s1+$0x520]  }
0x25f: {  	v6 =	vld [tilespmem:s1+$0x530]  }
0x260: {  	[tilespmem:s1+$0xC570] =	vst.add.f32.msk $0xffff, v2  }
0x261: {  	v7 =	vld [tilespmem:s1+$0x540]  }
0x262: {  	v8 =	vld [tilespmem:s1+$0x550]  }
0x263: {  	v2 =	vld [tilespmem:s1+$0x560]  }
0x264: {  	[tilespmem:s1+$0xC500] =	vst.add.f32.msk $0xffff, v3  }
.Ltmp16:
0x265: {  	[tilespmem:s1+$0xC510] =	vst.add.f32.msk $0xffff, v4;
	(pc) =	sbr.rel @p1 .LBB2_31-.Ltmp16, $4  }
0x266: {  	[tilespmem:s1+$0xC520] =	vst.add.f32.msk $0xffff, v5  }
0x267: {  	[tilespmem:s1+$0xC530] =	vst.add.f32.msk $0xffff, v6  }
0x268: {  	[tilespmem:s1+$0xC540] =	vst.add.f32.msk $0xffff, v7  }
0x269: {  	s6 =	sadd.s32 $0x1000, s6;
	[tilespmem:s1+$0xC550] =	vst.add.f32.msk $0xffff, v8  }
0x26a: {  	[tilespmem:s1+$0xC560] =	vst.add.f32.msk $0xffff, v2;
	s1 =	simm.s32 $0x0  }
0x26b: {  	v2 =	vld [tilespmem:s1+$0x5F0]  }
0x26c: {  	v3 =	vld [tilespmem:s1+$0x580]  }
0x26d: {  	v4 =	vld [tilespmem:s1+$0x590]  }
0x26e: {  	v5 =	vld [tilespmem:s1+$0x5A0]  }
0x26f: {  	v6 =	vld [tilespmem:s1+$0x5B0]  }
0x270: {  	v7 =	vld [tilespmem:s1+$0x5C0]  }
0x271: {  	v8 =	vld [tilespmem:s1+$0x5D0]  }
0x272: {  	[tilespmem:s1+$0xC5F0] =	vst.add.f32.msk $0xffff, v2  }
0x273: {  	v2 =	vld [tilespmem:s1+$0x5E0]  }
0x274: {  	[tilespmem:s1+$0xC580] =	vst.add.f32.msk $0xffff, v3  }
0x275: {  	[tilespmem:s1+$0xC590] =	vst.add.f32.msk $0xffff, v4  }
0x276: {  	[tilespmem:s1+$0xC5A0] =	vst.add.f32.msk $0xffff, v5  }
0x277: {  	[tilespmem:s1+$0xC5B0] =	vst.add.f32.msk $0xffff, v6  }
0x278: {  	[tilespmem:s1+$0xC5C0] =	vst.add.f32.msk $0xffff, v7  }
0x279: {  	s10 =	simm.s32 $0x0;
	s6 =	simm.s32 $0x1000;
	[tilespmem:s1+$0xC5D0] =	vst.add.f32.msk $0xffff, v8  }
.LBB2_33:
0x27a: {  	s10 =	sadd.s32 $0x8, s10;
	[tilespmem:s1+$0xC5E0] =	vst.add.f32.msk $0xffff, v2;
	s1 =	sshra.s32 s6, $0x2  }
0x27b: {  	v2 =	vld [tilespmem:s1+$0x5F0];
	p1 =	slt.u32 s10, $0x78  }
0x27c: {  	v3 =	vld [tilespmem:s1+$0x580]  }
0x27d: {  	v4 =	vld [tilespmem:s1+$0x590]  }
0x27e: {  	v5 =	vld [tilespmem:s1+$0x5A0]  }
0x27f: {  	v6 =	vld [tilespmem:s1+$0x5B0]  }
0x280: {  	[tilespmem:s1+$0xC5F0] =	vst.add.f32.msk $0xffff, v2  }
0x281: {  	v7 =	vld [tilespmem:s1+$0x5C0]  }
0x282: {  	v8 =	vld [tilespmem:s1+$0x5D0]  }
0x283: {  	v2 =	vld [tilespmem:s1+$0x5E0]  }
0x284: {  	[tilespmem:s1+$0xC580] =	vst.add.f32.msk $0xffff, v3  }
.Ltmp17:
0x285: {  	[tilespmem:s1+$0xC590] =	vst.add.f32.msk $0xffff, v4;
	(pc) =	sbr.rel @p1 .LBB2_33-.Ltmp17, $4  }
0x286: {  	[tilespmem:s1+$0xC5A0] =	vst.add.f32.msk $0xffff, v5  }
0x287: {  	[tilespmem:s1+$0xC5B0] =	vst.add.f32.msk $0xffff, v6  }
0x288: {  	[tilespmem:s1+$0xC5C0] =	vst.add.f32.msk $0xffff, v7  }
0x289: {  	s6 =	sadd.s32 $0x1000, s6;
	[tilespmem:s1+$0xC5D0] =	vst.add.f32.msk $0xffff, v8  }
0x28a: {  	[tilespmem:s1+$0xC5E0] =	vst.add.f32.msk $0xffff, v2  }
0x28b: {  	s1 =	rddreg [dreg:$0xc]  }
0x28c: {  	s1 =	sadd.s32 s0, s1  }
0x28d: {  	[hbm4b:s1+s4] =	stream.linear.scatter [tilespmem:s20], [sflag:$0x8], $0x4000, $0x38;
	[tilespmem:$0x18200] =	vst v63  }
0x28e: {  	s1 =	simm.s32 @!p0 $0xA  }
0x28f: {  	_ =	swait.ge @!p0 [sflag:s1], $0x4000  }
0x290: {  	[sflag:s1] =	ssyncset.done @!p0 $0x0  }
0x291: {  	[sflag:s1] =	ssyncadd.s32 @!p0 $0xFFFFC000  }
0x292: {  	v2 =	vld.msk [tilespmem:s24+$0x180], $0xff;
	_ =	sdelay $0x4  }
0x293: {  	v3 =	vshll.u32 v2, $0x4  }
0x294: {  	v2 =	vand.u32 $0x7, v2;
	v3 =	vand.u32 $0xFFFFFF80, v3  }
0x295: {  	v2 =	vor.u32 v2, v3  }
0x296: {  	v2 =	vperm.xlane v2, v0;
	_ =	sdelay $0x1  }
0x297: {  	v2 =	vadd.s32 v1, v2;
	_ =	sdelay $0x3  }
0x298: {  	s1 =	simm.s32 $0x0  }
0x299: {  	[tilespmem:s3], [sflag:$0x6] =	stream.indirect_vreg.gather [hbm4b:s2+s1], $0x80, v2, vm0, $0xb8;
	[tilespmem:$0x18200] =	vst v63  }
0x29a: {  	s6 =	simm.s32 $0x14A00  }
0x29b: {  	[tilespmem:s6], [sflag:$0x6] =	stream.indirect_vreg.gather [hbm4b:s11+s1], $0x80, v2, vm0, $0xb8;
	[tilespmem:$0x18200] =	vst v63  }
0x29c: {  	s10 =	simm.s32 $0x15200  }
0x29d: {  	[tilespmem:s10], [sflag:$0x6] =	stream.indirect_vreg.gather [hbm4b:s12+s1], $0x80, v2, vm0, $0xb8;
	[tilespmem:$0x18200] =	vst v63  }
0x29e: {  	s21 =	simm.s32 $0x15A00  }
0x29f: {  	[tilespmem:s21], [sflag:$0x6] =	stream.indirect_vreg.gather [hbm4b:s13+s1], $0x80, v2, vm0, $0xb8;
	[tilespmem:$0x18200] =	vst v63  }
0x2a0: {  	s10 =	simm.s32 $0x16200  }
0x2a1: {  	[tilespmem:s10], [sflag:$0x6] =	stream.indirect_vreg.gather [hbm4b:s14+s1], $0x80, v2, vm0, $0xb8;
	[tilespmem:$0x18200] =	vst v63  }
0x2a2: {  	s21 =	simm.s32 $0x16A00  }
0x2a3: {  	[tilespmem:s21], [sflag:$0x6] =	stream.indirect_vreg.gather [hbm4b:s15+s1], $0x80, v2, vm0, $0xb8;
	[tilespmem:$0x18200] =	vst v63  }
0x2a4: {  	s10 =	simm.s32 $0x17200  }
0x2a5: {  	[tilespmem:s10], [sflag:$0x6] =	stream.indirect_vreg.gather [hbm4b:s17+s1], $0x80, v2, vm0, $0xb8;
	[tilespmem:$0x18200] =	vst v63  }
0x2a6: {  	s21 =	simm.s32 $0x17A00  }
0x2a7: {  	[tilespmem:s21], [sflag:$0x6] =	stream.indirect_vreg.gather [hbm4b:s18+s1], $0x80, v2, vm0, $0xb8;
	[tilespmem:$0x18200] =	vst v63  }
0x2a8: {  	_ =	swait.ge [sflag:s26], $0x4000  }
0x2a9: {  	[sflag:s26] =	ssyncset.done $0x0  }
0x2aa: {  	s1 =	simm.s32 $0x0;
	[sflag:s26] =	ssyncadd.s32 $0xFFFFC000  }
0x2ab: {  	v2 =	vld [tilespmem:s1+$0x270]  }
0x2ac: {  	v3 =	vld [tilespmem:s1+$0x200]  }
0x2ad: {  	v4 =	vld [tilespmem:s1+$0x210]  }
0x2ae: {  	v5 =	vld [tilespmem:s1+$0x220]  }
0x2af: {  	v6 =	vld [tilespmem:s1+$0x230]  }
0x2b0: {  	v7 =	vld [tilespmem:s1+$0x240]  }
0x2b1: {  	v8 =	vld [tilespmem:s1+$0x250]  }
0x2b2: {  	[tilespmem:s1+$0x10270] =	vst.add.f32.msk $0xffff, v2  }
0x2b3: {  	v2 =	vld [tilespmem:s1+$0x260]  }
0x2b4: {  	[tilespmem:s1+$0x10200] =	vst.add.f32.msk $0xffff, v3  }
0x2b5: {  	[tilespmem:s1+$0x10210] =	vst.add.f32.msk $0xffff, v4  }
0x2b6: {  	[tilespmem:s1+$0x10220] =	vst.add.f32.msk $0xffff, v5  }
0x2b7: {  	[tilespmem:s1+$0x10230] =	vst.add.f32.msk $0xffff, v6  }
0x2b8: {  	[tilespmem:s1+$0x10240] =	vst.add.f32.msk $0xffff, v7  }
0x2b9: {  	s6 =	simm.s32 $0x1000;
	s10 =	simm.s32 $0x0;
	[tilespmem:s1+$0x10250] =	vst.add.f32.msk $0xffff, v8  }
.LBB2_35:
0x2ba: {  	s10 =	sadd.s32 $0x8, s10;
	[tilespmem:s1+$0x10260] =	vst.add.f32.msk $0xffff, v2;
	s1 =	sshra.s32 s6, $0x2  }
0x2bb: {  	v2 =	vld [tilespmem:s1+$0x270];
	p0 =	slt.u32 s10, $0x78  }
0x2bc: {  	v3 =	vld [tilespmem:s1+$0x200]  }
0x2bd: {  	v4 =	vld [tilespmem:s1+$0x210]  }
0x2be: {  	v5 =	vld [tilespmem:s1+$0x220]  }
0x2bf: {  	v6 =	vld [tilespmem:s1+$0x230]  }
0x2c0: {  	[tilespmem:s1+$0x10270] =	vst.add.f32.msk $0xffff, v2  }
0x2c1: {  	v7 =	vld [tilespmem:s1+$0x240]  }
0x2c2: {  	v8 =	vld [tilespmem:s1+$0x250]  }
0x2c3: {  	v2 =	vld [tilespmem:s1+$0x260]  }
0x2c4: {  	[tilespmem:s1+$0x10200] =	vst.add.f32.msk $0xffff, v3  }
.Ltmp18:
0x2c5: {  	[tilespmem:s1+$0x10210] =	vst.add.f32.msk $0xffff, v4;
	(pc) =	sbr.rel @p0 .LBB2_35-.Ltmp18, $4  }
0x2c6: {  	[tilespmem:s1+$0x10220] =	vst.add.f32.msk $0xffff, v5  }
0x2c7: {  	[tilespmem:s1+$0x10230] =	vst.add.f32.msk $0xffff, v6  }
0x2c8: {  	[tilespmem:s1+$0x10240] =	vst.add.f32.msk $0xffff, v7  }
0x2c9: {  	s6 =	sadd.s32 $0x1000, s6;
	[tilespmem:s1+$0x10250] =	vst.add.f32.msk $0xffff, v8  }
0x2ca: {  	[tilespmem:s1+$0x10260] =	vst.add.f32.msk $0xffff, v2;
	s1 =	simm.s32 $0x0  }
0x2cb: {  	v2 =	vld [tilespmem:s1+$0x2F0]  }
0x2cc: {  	v3 =	vld [tilespmem:s1+$0x280]  }
0x2cd: {  	v4 =	vld [tilespmem:s1+$0x290]  }
0x2ce: {  	v5 =	vld [tilespmem:s1+$0x2A0]  }
0x2cf: {  	v6 =	vld [tilespmem:s1+$0x2B0]  }
0x2d0: {  	v7 =	vld [tilespmem:s1+$0x2C0]  }
0x2d1: {  	v8 =	vld [tilespmem:s1+$0x2D0]  }
0x2d2: {  	[tilespmem:s1+$0x102F0] =	vst.add.f32.msk $0xffff, v2  }
0x2d3: {  	v2 =	vld [tilespmem:s1+$0x2E0]  }
0x2d4: {  	[tilespmem:s1+$0x10280] =	vst.add.f32.msk $0xffff, v3  }
0x2d5: {  	[tilespmem:s1+$0x10290] =	vst.add.f32.msk $0xffff, v4  }
0x2d6: {  	[tilespmem:s1+$0x102A0] =	vst.add.f32.msk $0xffff, v5  }
0x2d7: {  	[tilespmem:s1+$0x102B0] =	vst.add.f32.msk $0xffff, v6  }
0x2d8: {  	[tilespmem:s1+$0x102C0] =	vst.add.f32.msk $0xffff, v7  }
0x2d9: {  	s10 =	simm.s32 $0x0;
	s6 =	simm.s32 $0x1000;
	[tilespmem:s1+$0x102D0] =	vst.add.f32.msk $0xffff, v8  }
.LBB2_37:
0x2da: {  	s10 =	sadd.s32 $0x8, s10;
	[tilespmem:s1+$0x102E0] =	vst.add.f32.msk $0xffff, v2;
	s1 =	sshra.s32 s6, $0x2  }
0x2db: {  	v2 =	vld [tilespmem:s1+$0x2F0];
	p0 =	slt.u32 s10, $0x78  }
0x2dc: {  	v3 =	vld [tilespmem:s1+$0x280]  }
0x2dd: {  	v4 =	vld [tilespmem:s1+$0x290]  }
0x2de: {  	v5 =	vld [tilespmem:s1+$0x2A0]  }
0x2df: {  	v6 =	vld [tilespmem:s1+$0x2B0]  }
0x2e0: {  	[tilespmem:s1+$0x102F0] =	vst.add.f32.msk $0xffff, v2  }
0x2e1: {  	v7 =	vld [tilespmem:s1+$0x2C0]  }
0x2e2: {  	v8 =	vld [tilespmem:s1+$0x2D0]  }
0x2e3: {  	v2 =	vld [tilespmem:s1+$0x2E0]  }
0x2e4: {  	[tilespmem:s1+$0x10280] =	vst.add.f32.msk $0xffff, v3  }
.Ltmp19:
0x2e5: {  	[tilespmem:s1+$0x10290] =	vst.add.f32.msk $0xffff, v4;
	(pc) =	sbr.rel @p0 .LBB2_37-.Ltmp19, $4  }
0x2e6: {  	[tilespmem:s1+$0x102A0] =	vst.add.f32.msk $0xffff, v5  }
0x2e7: {  	[tilespmem:s1+$0x102B0] =	vst.add.f32.msk $0xffff, v6  }
0x2e8: {  	[tilespmem:s1+$0x102C0] =	vst.add.f32.msk $0xffff, v7  }
0x2e9: {  	s6 =	sadd.s32 $0x1000, s6;
	[tilespmem:s1+$0x102D0] =	vst.add.f32.msk $0xffff, v8  }
0x2ea: {  	[tilespmem:s1+$0x102E0] =	vst.add.f32.msk $0xffff, v2;
	s1 =	simm.s32 $0x0  }
0x2eb: {  	v2 =	vld [tilespmem:s1+$0x370]  }
0x2ec: {  	v3 =	vld [tilespmem:s1+$0x300]  }
0x2ed: {  	v4 =	vld [tilespmem:s1+$0x310]  }
0x2ee: {  	v5 =	vld [tilespmem:s1+$0x320]  }
0x2ef: {  	v6 =	vld [tilespmem:s1+$0x330]  }
0x2f0: {  	v7 =	vld [tilespmem:s1+$0x340]  }
0x2f1: {  	v8 =	vld [tilespmem:s1+$0x350]  }
0x2f2: {  	[tilespmem:s1+$0x10370] =	vst.add.f32.msk $0xffff, v2  }
0x2f3: {  	v2 =	vld [tilespmem:s1+$0x360]  }
0x2f4: {  	[tilespmem:s1+$0x10300] =	vst.add.f32.msk $0xffff, v3  }
0x2f5: {  	[tilespmem:s1+$0x10310] =	vst.add.f32.msk $0xffff, v4  }
0x2f6: {  	[tilespmem:s1+$0x10320] =	vst.add.f32.msk $0xffff, v5  }
0x2f7: {  	[tilespmem:s1+$0x10330] =	vst.add.f32.msk $0xffff, v6  }
0x2f8: {  	[tilespmem:s1+$0x10340] =	vst.add.f32.msk $0xffff, v7  }
0x2f9: {  	s10 =	simm.s32 $0x0;
	s6 =	simm.s32 $0x1000;
	[tilespmem:s1+$0x10350] =	vst.add.f32.msk $0xffff, v8  }
.LBB2_39:
0x2fa: {  	s10 =	sadd.s32 $0x8, s10;
	[tilespmem:s1+$0x10360] =	vst.add.f32.msk $0xffff, v2;
	s1 =	sshra.s32 s6, $0x2  }
0x2fb: {  	v2 =	vld [tilespmem:s1+$0x370];
	p0 =	slt.u32 s10, $0x78  }
0x2fc: {  	v3 =	vld [tilespmem:s1+$0x300]  }
0x2fd: {  	v4 =	vld [tilespmem:s1+$0x310]  }
0x2fe: {  	v5 =	vld [tilespmem:s1+$0x320]  }
0x2ff: {  	v6 =	vld [tilespmem:s1+$0x330]  }
0x300: {  	[tilespmem:s1+$0x10370] =	vst.add.f32.msk $0xffff, v2  }
0x301: {  	v7 =	vld [tilespmem:s1+$0x340]  }
0x302: {  	v8 =	vld [tilespmem:s1+$0x350]  }
0x303: {  	v2 =	vld [tilespmem:s1+$0x360]  }
0x304: {  	[tilespmem:s1+$0x10300] =	vst.add.f32.msk $0xffff, v3  }
.Ltmp20:
0x305: {  	[tilespmem:s1+$0x10310] =	vst.add.f32.msk $0xffff, v4;
	(pc) =	sbr.rel @p0 .LBB2_39-.Ltmp20, $4  }
0x306: {  	[tilespmem:s1+$0x10320] =	vst.add.f32.msk $0xffff, v5  }
0x307: {  	[tilespmem:s1+$0x10330] =	vst.add.f32.msk $0xffff, v6  }
0x308: {  	[tilespmem:s1+$0x10340] =	vst.add.f32.msk $0xffff, v7  }
0x309: {  	s6 =	sadd.s32 $0x1000, s6;
	[tilespmem:s1+$0x10350] =	vst.add.f32.msk $0xffff, v8  }
0x30a: {  	[tilespmem:s1+$0x10360] =	vst.add.f32.msk $0xffff, v2;
	s1 =	simm.s32 $0x0  }
0x30b: {  	v2 =	vld [tilespmem:s1+$0x3F0]  }
0x30c: {  	v3 =	vld [tilespmem:s1+$0x380]  }
0x30d: {  	v4 =	vld [tilespmem:s1+$0x390]  }
0x30e: {  	v5 =	vld [tilespmem:s1+$0x3A0]  }
0x30f: {  	v6 =	vld [tilespmem:s1+$0x3B0]  }
0x310: {  	v7 =	vld [tilespmem:s1+$0x3C0]  }
0x311: {  	v8 =	vld [tilespmem:s1+$0x3D0]  }
0x312: {  	[tilespmem:s1+$0x103F0] =	vst.add.f32.msk $0xffff, v2  }
0x313: {  	v2 =	vld [tilespmem:s1+$0x3E0]  }
0x314: {  	[tilespmem:s1+$0x10380] =	vst.add.f32.msk $0xffff, v3  }
0x315: {  	[tilespmem:s1+$0x10390] =	vst.add.f32.msk $0xffff, v4  }
0x316: {  	[tilespmem:s1+$0x103A0] =	vst.add.f32.msk $0xffff, v5  }
0x317: {  	[tilespmem:s1+$0x103B0] =	vst.add.f32.msk $0xffff, v6  }
0x318: {  	[tilespmem:s1+$0x103C0] =	vst.add.f32.msk $0xffff, v7  }
0x319: {  	s10 =	simm.s32 $0x0;
	s6 =	simm.s32 $0x1000;
	[tilespmem:s1+$0x103D0] =	vst.add.f32.msk $0xffff, v8  }
.LBB2_41:
0x31a: {  	s10 =	sadd.s32 $0x8, s10;
	[tilespmem:s1+$0x103E0] =	vst.add.f32.msk $0xffff, v2;
	s1 =	sshra.s32 s6, $0x2  }
0x31b: {  	v2 =	vld [tilespmem:s1+$0x3F0];
	p0 =	slt.u32 s10, $0x78  }
0x31c: {  	v3 =	vld [tilespmem:s1+$0x380]  }
0x31d: {  	v4 =	vld [tilespmem:s1+$0x390]  }
0x31e: {  	v5 =	vld [tilespmem:s1+$0x3A0]  }
0x31f: {  	v6 =	vld [tilespmem:s1+$0x3B0]  }
0x320: {  	[tilespmem:s1+$0x103F0] =	vst.add.f32.msk $0xffff, v2  }
0x321: {  	v7 =	vld [tilespmem:s1+$0x3C0]  }
0x322: {  	v8 =	vld [tilespmem:s1+$0x3D0]  }
0x323: {  	v2 =	vld [tilespmem:s1+$0x3E0]  }
0x324: {  	[tilespmem:s1+$0x10380] =	vst.add.f32.msk $0xffff, v3  }
.Ltmp21:
0x325: {  	[tilespmem:s1+$0x10390] =	vst.add.f32.msk $0xffff, v4;
	(pc) =	sbr.rel @p0 .LBB2_41-.Ltmp21, $4  }
0x326: {  	[tilespmem:s1+$0x103A0] =	vst.add.f32.msk $0xffff, v5  }
0x327: {  	[tilespmem:s1+$0x103B0] =	vst.add.f32.msk $0xffff, v6  }
0x328: {  	[tilespmem:s1+$0x103C0] =	vst.add.f32.msk $0xffff, v7  }
0x329: {  	s6 =	sadd.s32 $0x1000, s6;
	[tilespmem:s1+$0x103D0] =	vst.add.f32.msk $0xffff, v8  }
0x32a: {  	[tilespmem:s1+$0x103E0] =	vst.add.f32.msk $0xffff, v2;
	s1 =	simm.s32 $0x0  }
0x32b: {  	v2 =	vld [tilespmem:s1+$0x470]  }
0x32c: {  	v3 =	vld [tilespmem:s1+$0x400]  }
0x32d: {  	v4 =	vld [tilespmem:s1+$0x410]  }
0x32e: {  	v5 =	vld [tilespmem:s1+$0x420]  }
0x32f: {  	v6 =	vld [tilespmem:s1+$0x430]  }
0x330: {  	v7 =	vld [tilespmem:s1+$0x440]  }
0x331: {  	v8 =	vld [tilespmem:s1+$0x450]  }
0x332: {  	[tilespmem:s1+$0x10470] =	vst.add.f32.msk $0xffff, v2  }
0x333: {  	v2 =	vld [tilespmem:s1+$0x460]  }
0x334: {  	[tilespmem:s1+$0x10400] =	vst.add.f32.msk $0xffff, v3  }
0x335: {  	[tilespmem:s1+$0x10410] =	vst.add.f32.msk $0xffff, v4  }
0x336: {  	[tilespmem:s1+$0x10420] =	vst.add.f32.msk $0xffff, v5  }
0x337: {  	[tilespmem:s1+$0x10430] =	vst.add.f32.msk $0xffff, v6  }
0x338: {  	[tilespmem:s1+$0x10440] =	vst.add.f32.msk $0xffff, v7  }
0x339: {  	s10 =	simm.s32 $0x0;
	s6 =	simm.s32 $0x1000;
	[tilespmem:s1+$0x10450] =	vst.add.f32.msk $0xffff, v8  }
.LBB2_43:
0x33a: {  	s10 =	sadd.s32 $0x8, s10;
	[tilespmem:s1+$0x10460] =	vst.add.f32.msk $0xffff, v2;
	s1 =	sshra.s32 s6, $0x2  }
0x33b: {  	v2 =	vld [tilespmem:s1+$0x470];
	p0 =	slt.u32 s10, $0x78  }
0x33c: {  	v3 =	vld [tilespmem:s1+$0x400]  }
0x33d: {  	v4 =	vld [tilespmem:s1+$0x410]  }
0x33e: {  	v5 =	vld [tilespmem:s1+$0x420]  }
0x33f: {  	v6 =	vld [tilespmem:s1+$0x430]  }
0x340: {  	[tilespmem:s1+$0x10470] =	vst.add.f32.msk $0xffff, v2  }
0x341: {  	v7 =	vld [tilespmem:s1+$0x440]  }
0x342: {  	v8 =	vld [tilespmem:s1+$0x450]  }
0x343: {  	v2 =	vld [tilespmem:s1+$0x460]  }
0x344: {  	[tilespmem:s1+$0x10400] =	vst.add.f32.msk $0xffff, v3  }
.Ltmp22:
0x345: {  	[tilespmem:s1+$0x10410] =	vst.add.f32.msk $0xffff, v4;
	(pc) =	sbr.rel @p0 .LBB2_43-.Ltmp22, $4  }
0x346: {  	[tilespmem:s1+$0x10420] =	vst.add.f32.msk $0xffff, v5  }
0x347: {  	[tilespmem:s1+$0x10430] =	vst.add.f32.msk $0xffff, v6  }
0x348: {  	[tilespmem:s1+$0x10440] =	vst.add.f32.msk $0xffff, v7  }
0x349: {  	s6 =	sadd.s32 $0x1000, s6;
	[tilespmem:s1+$0x10450] =	vst.add.f32.msk $0xffff, v8  }
0x34a: {  	[tilespmem:s1+$0x10460] =	vst.add.f32.msk $0xffff, v2;
	s1 =	simm.s32 $0x0  }
0x34b: {  	v2 =	vld [tilespmem:s1+$0x4F0]  }
0x34c: {  	v3 =	vld [tilespmem:s1+$0x480]  }
0x34d: {  	v4 =	vld [tilespmem:s1+$0x490]  }
0x34e: {  	v5 =	vld [tilespmem:s1+$0x4A0]  }
0x34f: {  	v6 =	vld [tilespmem:s1+$0x4B0]  }
0x350: {  	v7 =	vld [tilespmem:s1+$0x4C0]  }
0x351: {  	v8 =	vld [tilespmem:s1+$0x4D0]  }
0x352: {  	[tilespmem:s1+$0x104F0] =	vst.add.f32.msk $0xffff, v2  }
0x353: {  	v2 =	vld [tilespmem:s1+$0x4E0]  }
0x354: {  	[tilespmem:s1+$0x10480] =	vst.add.f32.msk $0xffff, v3  }
0x355: {  	[tilespmem:s1+$0x10490] =	vst.add.f32.msk $0xffff, v4  }
0x356: {  	[tilespmem:s1+$0x104A0] =	vst.add.f32.msk $0xffff, v5  }
0x357: {  	[tilespmem:s1+$0x104B0] =	vst.add.f32.msk $0xffff, v6  }
0x358: {  	[tilespmem:s1+$0x104C0] =	vst.add.f32.msk $0xffff, v7  }
0x359: {  	s10 =	simm.s32 $0x0;
	s6 =	simm.s32 $0x1000;
	[tilespmem:s1+$0x104D0] =	vst.add.f32.msk $0xffff, v8  }
.LBB2_45:
0x35a: {  	s10 =	sadd.s32 $0x8, s10;
	[tilespmem:s1+$0x104E0] =	vst.add.f32.msk $0xffff, v2;
	s1 =	sshra.s32 s6, $0x2  }
0x35b: {  	v2 =	vld [tilespmem:s1+$0x4F0];
	p0 =	slt.u32 s10, $0x78  }
0x35c: {  	v3 =	vld [tilespmem:s1+$0x480]  }
0x35d: {  	v4 =	vld [tilespmem:s1+$0x490]  }
0x35e: {  	v5 =	vld [tilespmem:s1+$0x4A0]  }
0x35f: {  	v6 =	vld [tilespmem:s1+$0x4B0]  }
0x360: {  	[tilespmem:s1+$0x104F0] =	vst.add.f32.msk $0xffff, v2  }
0x361: {  	v7 =	vld [tilespmem:s1+$0x4C0]  }
0x362: {  	v8 =	vld [tilespmem:s1+$0x4D0]  }
0x363: {  	v2 =	vld [tilespmem:s1+$0x4E0]  }
0x364: {  	[tilespmem:s1+$0x10480] =	vst.add.f32.msk $0xffff, v3  }
.Ltmp23:
0x365: {  	[tilespmem:s1+$0x10490] =	vst.add.f32.msk $0xffff, v4;
	(pc) =	sbr.rel @p0 .LBB2_45-.Ltmp23, $4  }
0x366: {  	[tilespmem:s1+$0x104A0] =	vst.add.f32.msk $0xffff, v5  }
0x367: {  	[tilespmem:s1+$0x104B0] =	vst.add.f32.msk $0xffff, v6  }
0x368: {  	[tilespmem:s1+$0x104C0] =	vst.add.f32.msk $0xffff, v7  }
0x369: {  	s6 =	sadd.s32 $0x1000, s6;
	[tilespmem:s1+$0x104D0] =	vst.add.f32.msk $0xffff, v8  }
0x36a: {  	[tilespmem:s1+$0x104E0] =	vst.add.f32.msk $0xffff, v2;
	s1 =	simm.s32 $0x0  }
0x36b: {  	v2 =	vld [tilespmem:s1+$0x570]  }
0x36c: {  	v3 =	vld [tilespmem:s1+$0x500]  }
0x36d: {  	v4 =	vld [tilespmem:s1+$0x510]  }
0x36e: {  	v5 =	vld [tilespmem:s1+$0x520]  }
0x36f: {  	v6 =	vld [tilespmem:s1+$0x530]  }
0x370: {  	v7 =	vld [tilespmem:s1+$0x540]  }
0x371: {  	v8 =	vld [tilespmem:s1+$0x550]  }
0x372: {  	[tilespmem:s1+$0x10570] =	vst.add.f32.msk $0xffff, v2  }
0x373: {  	v2 =	vld [tilespmem:s1+$0x560]  }
0x374: {  	[tilespmem:s1+$0x10500] =	vst.add.f32.msk $0xffff, v3  }
0x375: {  	[tilespmem:s1+$0x10510] =	vst.add.f32.msk $0xffff, v4  }
0x376: {  	[tilespmem:s1+$0x10520] =	vst.add.f32.msk $0xffff, v5  }
0x377: {  	[tilespmem:s1+$0x10530] =	vst.add.f32.msk $0xffff, v6  }
0x378: {  	[tilespmem:s1+$0x10540] =	vst.add.f32.msk $0xffff, v7  }
0x379: {  	s10 =	simm.s32 $0x0;
	s6 =	simm.s32 $0x1000;
	[tilespmem:s1+$0x10550] =	vst.add.f32.msk $0xffff, v8  }
.LBB2_47:
0x37a: {  	s10 =	sadd.s32 $0x8, s10;
	[tilespmem:s1+$0x10560] =	vst.add.f32.msk $0xffff, v2;
	s1 =	sshra.s32 s6, $0x2  }
0x37b: {  	v2 =	vld [tilespmem:s1+$0x570];
	p0 =	slt.u32 s10, $0x78  }
0x37c: {  	v3 =	vld [tilespmem:s1+$0x500]  }
0x37d: {  	v4 =	vld [tilespmem:s1+$0x510]  }
0x37e: {  	v5 =	vld [tilespmem:s1+$0x520]  }
0x37f: {  	v6 =	vld [tilespmem:s1+$0x530]  }
0x380: {  	[tilespmem:s1+$0x10570] =	vst.add.f32.msk $0xffff, v2  }
0x381: {  	v7 =	vld [tilespmem:s1+$0x540]  }
0x382: {  	v8 =	vld [tilespmem:s1+$0x550]  }
0x383: {  	v2 =	vld [tilespmem:s1+$0x560]  }
0x384: {  	[tilespmem:s1+$0x10500] =	vst.add.f32.msk $0xffff, v3  }
.Ltmp24:
0x385: {  	[tilespmem:s1+$0x10510] =	vst.add.f32.msk $0xffff, v4;
	(pc) =	sbr.rel @p0 .LBB2_47-.Ltmp24, $4  }
0x386: {  	[tilespmem:s1+$0x10520] =	vst.add.f32.msk $0xffff, v5  }
0x387: {  	[tilespmem:s1+$0x10530] =	vst.add.f32.msk $0xffff, v6  }
0x388: {  	[tilespmem:s1+$0x10540] =	vst.add.f32.msk $0xffff, v7  }
0x389: {  	s6 =	sadd.s32 $0x1000, s6;
	[tilespmem:s1+$0x10550] =	vst.add.f32.msk $0xffff, v8  }
0x38a: {  	[tilespmem:s1+$0x10560] =	vst.add.f32.msk $0xffff, v2;
	s1 =	simm.s32 $0x0  }
0x38b: {  	v2 =	vld [tilespmem:s1+$0x5F0]  }
0x38c: {  	v3 =	vld [tilespmem:s1+$0x580]  }
0x38d: {  	v4 =	vld [tilespmem:s1+$0x590]  }
0x38e: {  	v5 =	vld [tilespmem:s1+$0x5A0]  }
0x38f: {  	v6 =	vld [tilespmem:s1+$0x5B0]  }
0x390: {  	v7 =	vld [tilespmem:s1+$0x5C0]  }
0x391: {  	v8 =	vld [tilespmem:s1+$0x5D0]  }
0x392: {  	[tilespmem:s1+$0x105F0] =	vst.add.f32.msk $0xffff, v2  }
0x393: {  	v2 =	vld [tilespmem:s1+$0x5E0]  }
0x394: {  	[tilespmem:s1+$0x10580] =	vst.add.f32.msk $0xffff, v3  }
0x395: {  	[tilespmem:s1+$0x10590] =	vst.add.f32.msk $0xffff, v4  }
0x396: {  	[tilespmem:s1+$0x105A0] =	vst.add.f32.msk $0xffff, v5  }
0x397: {  	[tilespmem:s1+$0x105B0] =	vst.add.f32.msk $0xffff, v6  }
0x398: {  	[tilespmem:s1+$0x105C0] =	vst.add.f32.msk $0xffff, v7  }
0x399: {  	s10 =	simm.s32 $0x0;
	s6 =	simm.s32 $0x1000;
	[tilespmem:s1+$0x105D0] =	vst.add.f32.msk $0xffff, v8  }
.LBB2_49:
0x39a: {  	s10 =	sadd.s32 $0x8, s10;
	[tilespmem:s1+$0x105E0] =	vst.add.f32.msk $0xffff, v2;
	s1 =	sshra.s32 s6, $0x2  }
0x39b: {  	v2 =	vld [tilespmem:s1+$0x5F0];
	p0 =	slt.u32 s10, $0x78  }
0x39c: {  	v3 =	vld [tilespmem:s1+$0x580]  }
0x39d: {  	v4 =	vld [tilespmem:s1+$0x590]  }
0x39e: {  	v5 =	vld [tilespmem:s1+$0x5A0]  }
0x39f: {  	v6 =	vld [tilespmem:s1+$0x5B0]  }
0x3a0: {  	[tilespmem:s1+$0x105F0] =	vst.add.f32.msk $0xffff, v2  }
0x3a1: {  	v7 =	vld [tilespmem:s1+$0x5C0]  }
0x3a2: {  	v8 =	vld [tilespmem:s1+$0x5D0]  }
0x3a3: {  	v2 =	vld [tilespmem:s1+$0x5E0]  }
0x3a4: {  	[tilespmem:s1+$0x10580] =	vst.add.f32.msk $0xffff, v3  }
.Ltmp25:
0x3a5: {  	[tilespmem:s1+$0x10590] =	vst.add.f32.msk $0xffff, v4;
	(pc) =	sbr.rel @p0 .LBB2_49-.Ltmp25, $4  }
0x3a6: {  	[tilespmem:s1+$0x105A0] =	vst.add.f32.msk $0xffff, v5  }
0x3a7: {  	[tilespmem:s1+$0x105B0] =	vst.add.f32.msk $0xffff, v6  }
0x3a8: {  	[tilespmem:s1+$0x105C0] =	vst.add.f32.msk $0xffff, v7  }
0x3a9: {  	s6 =	sadd.s32 $0x1000, s6;
	[tilespmem:s1+$0x105D0] =	vst.add.f32.msk $0xffff, v8  }
0x3aa: {  	[tilespmem:s1+$0x105E0] =	vst.add.f32.msk $0xffff, v2;
	s10 =	sadd.s32 s0, s22;
	s6 =	simm.s32 $0x0  }
0x3ab: {  	[hbm4b:s10+s6] =	stream.linear.scatter [tilespmem:s9], [sflag:$0x9], $0x4000, $0x38;
	[tilespmem:$0x18200] =	vst v63  }
0x3ac: {  	s1 =	sor.u32 $0x4, s31;
	_ =	swait.ge [sflag:s25], $0x4000  }
0x3ad: {  	s10 =	sshll.u32 s1, $0x1;
	[sflag:s25] =	ssyncset.done $0x0  }
0x3ae: {  	s10 =	sand.u32 $0x3FFFFFFE, s10;
	[sflag:s25] =	ssyncadd.s32 $0xFFFFC000  }
0x3af: {  	v2 =	vld.msk [tilespmem:s10+$0x0], $0xff;
	_ =	sdelay $0x4  }
0x3b0: {  	v3 =	vshll.u32 v2, $0x4  }
0x3b1: {  	v2 =	vand.u32 $0x7, v2;
	v3 =	vand.u32 $0xFFFFFF80, v3  }
0x3b2: {  	v2 =	vor.u32 v2, v3  }
0x3b3: {  	v2 =	vperm.xlane v2, v0;
	_ =	sdelay $0x1  }
0x3b4: {  	v2 =	vadd.s32 v1, v2;
	_ =	sdelay $0x3  }
0x3b5: {  	s21 =	simm.s32 $0x8200  }
0x3b6: {  	[tilespmem:s21], [sflag:$0x3] =	stream.indirect_vreg.gather [hbm4b:s2+s6], $0x80, v2, vm0, $0xb8;
	[tilespmem:$0x18200] =	vst v63  }
0x3b7: {  	s21 =	simm.s32 $0x8A00  }
0x3b8: {  	[tilespmem:s21], [sflag:$0x3] =	stream.indirect_vreg.gather [hbm4b:s11+s6], $0x80, v2, vm0, $0xb8;
	[tilespmem:$0x18200] =	vst v63  }
0x3b9: {  	s21 =	simm.s32 $0x9200  }
0x3ba: {  	[tilespmem:s21], [sflag:$0x3] =	stream.indirect_vreg.gather [hbm4b:s12+s6], $0x80, v2, vm0, $0xb8;
	[tilespmem:$0x18200] =	vst v63  }
0x3bb: {  	s21 =	simm.s32 $0x9A00  }
0x3bc: {  	[tilespmem:s21], [sflag:$0x3] =	stream.indirect_vreg.gather [hbm4b:s13+s6], $0x80, v2, vm0, $0xb8;
	[tilespmem:$0x18200] =	vst v63  }
0x3bd: {  	s21 =	simm.s32 $0xA200  }
0x3be: {  	[tilespmem:s21], [sflag:$0x3] =	stream.indirect_vreg.gather [hbm4b:s14+s6], $0x80, v2, vm0, $0xb8;
	[tilespmem:$0x18200] =	vst v63  }
0x3bf: {  	s21 =	simm.s32 $0xAA00  }
0x3c0: {  	[tilespmem:s21], [sflag:$0x3] =	stream.indirect_vreg.gather [hbm4b:s15+s6], $0x80, v2, vm0, $0xb8;
	[tilespmem:$0x18200] =	vst v63  }
0x3c1: {  	s21 =	simm.s32 $0xB200  }
0x3c2: {  	[tilespmem:s21], [sflag:$0x3] =	stream.indirect_vreg.gather [hbm4b:s17+s6], $0x80, v2, vm0, $0xb8;
	[tilespmem:$0x18200] =	vst v63  }
0x3c3: {  	s21 =	simm.s32 $0xBA00  }
0x3c4: {  	[tilespmem:s21], [sflag:$0x3] =	stream.indirect_vreg.gather [hbm4b:s18+s6], $0x80, v2, vm0, $0xb8;
	[tilespmem:$0x18200] =	vst v63  }
0x3c5: {  	_ =	swait.ge [sflag:s19], $0x4000  }
0x3c6: {  	[sflag:s19] =	ssyncset.done $0x0  }
0x3c7: {  	s10 =	simm.s32 $0x0;
	[sflag:s19] =	ssyncadd.s32 $0xFFFFC000  }
0x3c8: {  	v2 =	vld [tilespmem:s10+$0x270]  }
0x3c9: {  	v3 =	vld [tilespmem:s10+$0x200]  }
0x3ca: {  	v4 =	vld [tilespmem:s10+$0x210]  }
0x3cb: {  	v5 =	vld [tilespmem:s10+$0x220]  }
0x3cc: {  	v6 =	vld [tilespmem:s10+$0x230]  }
0x3cd: {  	v7 =	vld [tilespmem:s10+$0x240]  }
0x3ce: {  	v8 =	vld [tilespmem:s10+$0x250]  }
0x3cf: {  	[tilespmem:s10+$0x14270] =	vst.add.f32.msk $0xffff, v2  }
0x3d0: {  	v2 =	vld [tilespmem:s10+$0x260]  }
0x3d1: {  	[tilespmem:s10+$0x14200] =	vst.add.f32.msk $0xffff, v3  }
0x3d2: {  	[tilespmem:s10+$0x14210] =	vst.add.f32.msk $0xffff, v4  }
0x3d3: {  	[tilespmem:s10+$0x14220] =	vst.add.f32.msk $0xffff, v5  }
0x3d4: {  	[tilespmem:s10+$0x14230] =	vst.add.f32.msk $0xffff, v6  }
0x3d5: {  	[tilespmem:s10+$0x14240] =	vst.add.f32.msk $0xffff, v7  }
0x3d6: {  	s6 =	simm.s32 $0x0;
	s21 =	simm.s32 $0x1000;
	[tilespmem:s10+$0x14250] =	vst.add.f32.msk $0xffff, v8  }
.LBB2_51:
0x3d7: {  	s6 =	sadd.s32 $0x8, s6;
	[tilespmem:s10+$0x14260] =	vst.add.f32.msk $0xffff, v2;
	s10 =	sshra.s32 s21, $0x2  }
0x3d8: {  	v2 =	vld [tilespmem:s10+$0x270];
	p0 =	slt.u32 s6, $0x78  }
0x3d9: {  	v3 =	vld [tilespmem:s10+$0x200]  }
0x3da: {  	v4 =	vld [tilespmem:s10+$0x210]  }
0x3db: {  	v5 =	vld [tilespmem:s10+$0x220]  }
0x3dc: {  	v6 =	vld [tilespmem:s10+$0x230]  }
0x3dd: {  	[tilespmem:s10+$0x14270] =	vst.add.f32.msk $0xffff, v2  }
0x3de: {  	v7 =	vld [tilespmem:s10+$0x240]  }
0x3df: {  	v8 =	vld [tilespmem:s10+$0x250]  }
0x3e0: {  	v2 =	vld [tilespmem:s10+$0x260]  }
0x3e1: {  	[tilespmem:s10+$0x14200] =	vst.add.f32.msk $0xffff, v3  }
.Ltmp26:
0x3e2: {  	[tilespmem:s10+$0x14210] =	vst.add.f32.msk $0xffff, v4;
	(pc) =	sbr.rel @p0 .LBB2_51-.Ltmp26, $4  }
0x3e3: {  	[tilespmem:s10+$0x14220] =	vst.add.f32.msk $0xffff, v5  }
0x3e4: {  	[tilespmem:s10+$0x14230] =	vst.add.f32.msk $0xffff, v6  }
0x3e5: {  	[tilespmem:s10+$0x14240] =	vst.add.f32.msk $0xffff, v7  }
0x3e6: {  	s21 =	sadd.s32 $0x1000, s21;
	[tilespmem:s10+$0x14250] =	vst.add.f32.msk $0xffff, v8  }
0x3e7: {  	[tilespmem:s10+$0x14260] =	vst.add.f32.msk $0xffff, v2;
	s10 =	simm.s32 $0x0  }
0x3e8: {  	v2 =	vld [tilespmem:s10+$0x2F0]  }
0x3e9: {  	v3 =	vld [tilespmem:s10+$0x280]  }
0x3ea: {  	v4 =	vld [tilespmem:s10+$0x290]  }
0x3eb: {  	v5 =	vld [tilespmem:s10+$0x2A0]  }
0x3ec: {  	v6 =	vld [tilespmem:s10+$0x2B0]  }
0x3ed: {  	v7 =	vld [tilespmem:s10+$0x2C0]  }
0x3ee: {  	v8 =	vld [tilespmem:s10+$0x2D0]  }
0x3ef: {  	[tilespmem:s10+$0x142F0] =	vst.add.f32.msk $0xffff, v2  }
0x3f0: {  	v2 =	vld [tilespmem:s10+$0x2E0]  }
0x3f1: {  	[tilespmem:s10+$0x14280] =	vst.add.f32.msk $0xffff, v3  }
0x3f2: {  	[tilespmem:s10+$0x14290] =	vst.add.f32.msk $0xffff, v4  }
0x3f3: {  	[tilespmem:s10+$0x142A0] =	vst.add.f32.msk $0xffff, v5  }
0x3f4: {  	[tilespmem:s10+$0x142B0] =	vst.add.f32.msk $0xffff, v6  }
0x3f5: {  	[tilespmem:s10+$0x142C0] =	vst.add.f32.msk $0xffff, v7  }
0x3f6: {  	s6 =	simm.s32 $0x0;
	s21 =	simm.s32 $0x1000;
	[tilespmem:s10+$0x142D0] =	vst.add.f32.msk $0xffff, v8  }
.LBB2_53:
0x3f7: {  	s6 =	sadd.s32 $0x8, s6;
	[tilespmem:s10+$0x142E0] =	vst.add.f32.msk $0xffff, v2;
	s10 =	sshra.s32 s21, $0x2  }
0x3f8: {  	v2 =	vld [tilespmem:s10+$0x2F0];
	p0 =	slt.u32 s6, $0x78  }
0x3f9: {  	v3 =	vld [tilespmem:s10+$0x280]  }
0x3fa: {  	v4 =	vld [tilespmem:s10+$0x290]  }
0x3fb: {  	v5 =	vld [tilespmem:s10+$0x2A0]  }
0x3fc: {  	v6 =	vld [tilespmem:s10+$0x2B0]  }
0x3fd: {  	[tilespmem:s10+$0x142F0] =	vst.add.f32.msk $0xffff, v2  }
0x3fe: {  	v7 =	vld [tilespmem:s10+$0x2C0]  }
0x3ff: {  	v8 =	vld [tilespmem:s10+$0x2D0]  }
0x400: {  	v2 =	vld [tilespmem:s10+$0x2E0]  }
0x401: {  	[tilespmem:s10+$0x14280] =	vst.add.f32.msk $0xffff, v3  }
.Ltmp27:
0x402: {  	[tilespmem:s10+$0x14290] =	vst.add.f32.msk $0xffff, v4;
	(pc) =	sbr.rel @p0 .LBB2_53-.Ltmp27, $4  }
0x403: {  	[tilespmem:s10+$0x142A0] =	vst.add.f32.msk $0xffff, v5  }
0x404: {  	[tilespmem:s10+$0x142B0] =	vst.add.f32.msk $0xffff, v6  }
0x405: {  	[tilespmem:s10+$0x142C0] =	vst.add.f32.msk $0xffff, v7  }
0x406: {  	s21 =	sadd.s32 $0x1000, s21;
	[tilespmem:s10+$0x142D0] =	vst.add.f32.msk $0xffff, v8  }
0x407: {  	[tilespmem:s10+$0x142E0] =	vst.add.f32.msk $0xffff, v2;
	s10 =	simm.s32 $0x0  }
0x408: {  	v2 =	vld [tilespmem:s10+$0x370]  }
0x409: {  	v3 =	vld [tilespmem:s10+$0x300]  }
0x40a: {  	v4 =	vld [tilespmem:s10+$0x310]  }
0x40b: {  	v5 =	vld [tilespmem:s10+$0x320]  }
0x40c: {  	v6 =	vld [tilespmem:s10+$0x330]  }
0x40d: {  	v7 =	vld [tilespmem:s10+$0x340]  }
0x40e: {  	v8 =	vld [tilespmem:s10+$0x350]  }
0x40f: {  	[tilespmem:s10+$0x14370] =	vst.add.f32.msk $0xffff, v2  }
0x410: {  	v2 =	vld [tilespmem:s10+$0x360]  }
0x411: {  	[tilespmem:s10+$0x14300] =	vst.add.f32.msk $0xffff, v3  }
0x412: {  	[tilespmem:s10+$0x14310] =	vst.add.f32.msk $0xffff, v4  }
0x413: {  	[tilespmem:s10+$0x14320] =	vst.add.f32.msk $0xffff, v5  }
0x414: {  	[tilespmem:s10+$0x14330] =	vst.add.f32.msk $0xffff, v6  }
0x415: {  	[tilespmem:s10+$0x14340] =	vst.add.f32.msk $0xffff, v7  }
0x416: {  	s6 =	simm.s32 $0x0;
	s21 =	simm.s32 $0x1000;
	[tilespmem:s10+$0x14350] =	vst.add.f32.msk $0xffff, v8  }
.LBB2_55:
0x417: {  	s6 =	sadd.s32 $0x8, s6;
	[tilespmem:s10+$0x14360] =	vst.add.f32.msk $0xffff, v2;
	s10 =	sshra.s32 s21, $0x2  }
0x418: {  	v2 =	vld [tilespmem:s10+$0x370];
	p0 =	slt.u32 s6, $0x78  }
0x419: {  	v3 =	vld [tilespmem:s10+$0x300]  }
0x41a: {  	v4 =	vld [tilespmem:s10+$0x310]  }
0x41b: {  	v5 =	vld [tilespmem:s10+$0x320]  }
0x41c: {  	v6 =	vld [tilespmem:s10+$0x330]  }
0x41d: {  	[tilespmem:s10+$0x14370] =	vst.add.f32.msk $0xffff, v2  }
0x41e: {  	v7 =	vld [tilespmem:s10+$0x340]  }
0x41f: {  	v8 =	vld [tilespmem:s10+$0x350]  }
0x420: {  	v2 =	vld [tilespmem:s10+$0x360]  }
0x421: {  	[tilespmem:s10+$0x14300] =	vst.add.f32.msk $0xffff, v3  }
.Ltmp28:
0x422: {  	[tilespmem:s10+$0x14310] =	vst.add.f32.msk $0xffff, v4;
	(pc) =	sbr.rel @p0 .LBB2_55-.Ltmp28, $4  }
0x423: {  	[tilespmem:s10+$0x14320] =	vst.add.f32.msk $0xffff, v5  }
0x424: {  	[tilespmem:s10+$0x14330] =	vst.add.f32.msk $0xffff, v6  }
0x425: {  	[tilespmem:s10+$0x14340] =	vst.add.f32.msk $0xffff, v7  }
0x426: {  	s21 =	sadd.s32 $0x1000, s21;
	[tilespmem:s10+$0x14350] =	vst.add.f32.msk $0xffff, v8  }
0x427: {  	[tilespmem:s10+$0x14360] =	vst.add.f32.msk $0xffff, v2;
	s10 =	simm.s32 $0x0  }
0x428: {  	v2 =	vld [tilespmem:s10+$0x3F0]  }
0x429: {  	v3 =	vld [tilespmem:s10+$0x380]  }
0x42a: {  	v4 =	vld [tilespmem:s10+$0x390]  }
0x42b: {  	v5 =	vld [tilespmem:s10+$0x3A0]  }
0x42c: {  	v6 =	vld [tilespmem:s10+$0x3B0]  }
0x42d: {  	v7 =	vld [tilespmem:s10+$0x3C0]  }
0x42e: {  	v8 =	vld [tilespmem:s10+$0x3D0]  }
0x42f: {  	[tilespmem:s10+$0x143F0] =	vst.add.f32.msk $0xffff, v2  }
0x430: {  	v2 =	vld [tilespmem:s10+$0x3E0]  }
0x431: {  	[tilespmem:s10+$0x14380] =	vst.add.f32.msk $0xffff, v3  }
0x432: {  	[tilespmem:s10+$0x14390] =	vst.add.f32.msk $0xffff, v4  }
0x433: {  	[tilespmem:s10+$0x143A0] =	vst.add.f32.msk $0xffff, v5  }
0x434: {  	[tilespmem:s10+$0x143B0] =	vst.add.f32.msk $0xffff, v6  }
0x435: {  	[tilespmem:s10+$0x143C0] =	vst.add.f32.msk $0xffff, v7  }
0x436: {  	s6 =	simm.s32 $0x0;
	s21 =	simm.s32 $0x1000;
	[tilespmem:s10+$0x143D0] =	vst.add.f32.msk $0xffff, v8  }
.LBB2_57:
0x437: {  	s6 =	sadd.s32 $0x8, s6;
	[tilespmem:s10+$0x143E0] =	vst.add.f32.msk $0xffff, v2;
	s10 =	sshra.s32 s21, $0x2  }
0x438: {  	v2 =	vld [tilespmem:s10+$0x3F0];
	p0 =	slt.u32 s6, $0x78  }
0x439: {  	v3 =	vld [tilespmem:s10+$0x380]  }
0x43a: {  	v4 =	vld [tilespmem:s10+$0x390]  }
0x43b: {  	v5 =	vld [tilespmem:s10+$0x3A0]  }
0x43c: {  	v6 =	vld [tilespmem:s10+$0x3B0]  }
0x43d: {  	[tilespmem:s10+$0x143F0] =	vst.add.f32.msk $0xffff, v2  }
0x43e: {  	v7 =	vld [tilespmem:s10+$0x3C0]  }
0x43f: {  	v8 =	vld [tilespmem:s10+$0x3D0]  }
0x440: {  	v2 =	vld [tilespmem:s10+$0x3E0]  }
0x441: {  	[tilespmem:s10+$0x14380] =	vst.add.f32.msk $0xffff, v3  }
.Ltmp29:
0x442: {  	[tilespmem:s10+$0x14390] =	vst.add.f32.msk $0xffff, v4;
	(pc) =	sbr.rel @p0 .LBB2_57-.Ltmp29, $4  }
0x443: {  	[tilespmem:s10+$0x143A0] =	vst.add.f32.msk $0xffff, v5  }
0x444: {  	[tilespmem:s10+$0x143B0] =	vst.add.f32.msk $0xffff, v6  }
0x445: {  	[tilespmem:s10+$0x143C0] =	vst.add.f32.msk $0xffff, v7  }
0x446: {  	s21 =	sadd.s32 $0x1000, s21;
	[tilespmem:s10+$0x143D0] =	vst.add.f32.msk $0xffff, v8  }
0x447: {  	[tilespmem:s10+$0x143E0] =	vst.add.f32.msk $0xffff, v2;
	s10 =	simm.s32 $0x0  }
0x448: {  	v2 =	vld [tilespmem:s10+$0x470]  }
0x449: {  	v3 =	vld [tilespmem:s10+$0x400]  }
0x44a: {  	v4 =	vld [tilespmem:s10+$0x410]  }
0x44b: {  	v5 =	vld [tilespmem:s10+$0x420]  }
0x44c: {  	v6 =	vld [tilespmem:s10+$0x430]  }
0x44d: {  	v7 =	vld [tilespmem:s10+$0x440]  }
0x44e: {  	v8 =	vld [tilespmem:s10+$0x450]  }
0x44f: {  	[tilespmem:s10+$0x14470] =	vst.add.f32.msk $0xffff, v2  }
0x450: {  	v2 =	vld [tilespmem:s10+$0x460]  }
0x451: {  	[tilespmem:s10+$0x14400] =	vst.add.f32.msk $0xffff, v3  }
0x452: {  	[tilespmem:s10+$0x14410] =	vst.add.f32.msk $0xffff, v4  }
0x453: {  	[tilespmem:s10+$0x14420] =	vst.add.f32.msk $0xffff, v5  }
0x454: {  	[tilespmem:s10+$0x14430] =	vst.add.f32.msk $0xffff, v6  }
0x455: {  	[tilespmem:s10+$0x14440] =	vst.add.f32.msk $0xffff, v7  }
0x456: {  	s6 =	simm.s32 $0x0;
	s21 =	simm.s32 $0x1000;
	[tilespmem:s10+$0x14450] =	vst.add.f32.msk $0xffff, v8  }
.LBB2_59:
0x457: {  	s6 =	sadd.s32 $0x8, s6;
	[tilespmem:s10+$0x14460] =	vst.add.f32.msk $0xffff, v2;
	s10 =	sshra.s32 s21, $0x2  }
0x458: {  	v2 =	vld [tilespmem:s10+$0x470];
	p0 =	slt.u32 s6, $0x78  }
0x459: {  	v3 =	vld [tilespmem:s10+$0x400]  }
0x45a: {  	v4 =	vld [tilespmem:s10+$0x410]  }
0x45b: {  	v5 =	vld [tilespmem:s10+$0x420]  }
0x45c: {  	v6 =	vld [tilespmem:s10+$0x430]  }
0x45d: {  	[tilespmem:s10+$0x14470] =	vst.add.f32.msk $0xffff, v2  }
0x45e: {  	v7 =	vld [tilespmem:s10+$0x440]  }
0x45f: {  	v8 =	vld [tilespmem:s10+$0x450]  }
0x460: {  	v2 =	vld [tilespmem:s10+$0x460]  }
0x461: {  	[tilespmem:s10+$0x14400] =	vst.add.f32.msk $0xffff, v3  }
.Ltmp30:
0x462: {  	[tilespmem:s10+$0x14410] =	vst.add.f32.msk $0xffff, v4;
	(pc) =	sbr.rel @p0 .LBB2_59-.Ltmp30, $4  }
0x463: {  	[tilespmem:s10+$0x14420] =	vst.add.f32.msk $0xffff, v5  }
0x464: {  	[tilespmem:s10+$0x14430] =	vst.add.f32.msk $0xffff, v6  }
0x465: {  	[tilespmem:s10+$0x14440] =	vst.add.f32.msk $0xffff, v7  }
0x466: {  	s21 =	sadd.s32 $0x1000, s21;
	[tilespmem:s10+$0x14450] =	vst.add.f32.msk $0xffff, v8  }
0x467: {  	[tilespmem:s10+$0x14460] =	vst.add.f32.msk $0xffff, v2;
	s10 =	simm.s32 $0x0  }
0x468: {  	v2 =	vld [tilespmem:s10+$0x4F0]  }
0x469: {  	v3 =	vld [tilespmem:s10+$0x480]  }
0x46a: {  	v4 =	vld [tilespmem:s10+$0x490]  }
0x46b: {  	v5 =	vld [tilespmem:s10+$0x4A0]  }
0x46c: {  	v6 =	vld [tilespmem:s10+$0x4B0]  }
0x46d: {  	v7 =	vld [tilespmem:s10+$0x4C0]  }
0x46e: {  	v8 =	vld [tilespmem:s10+$0x4D0]  }
0x46f: {  	[tilespmem:s10+$0x144F0] =	vst.add.f32.msk $0xffff, v2  }
0x470: {  	v2 =	vld [tilespmem:s10+$0x4E0]  }
0x471: {  	[tilespmem:s10+$0x14480] =	vst.add.f32.msk $0xffff, v3  }
0x472: {  	[tilespmem:s10+$0x14490] =	vst.add.f32.msk $0xffff, v4  }
0x473: {  	[tilespmem:s10+$0x144A0] =	vst.add.f32.msk $0xffff, v5  }
0x474: {  	[tilespmem:s10+$0x144B0] =	vst.add.f32.msk $0xffff, v6  }
0x475: {  	[tilespmem:s10+$0x144C0] =	vst.add.f32.msk $0xffff, v7  }
0x476: {  	s6 =	simm.s32 $0x0;
	s21 =	simm.s32 $0x1000;
	[tilespmem:s10+$0x144D0] =	vst.add.f32.msk $0xffff, v8  }
.LBB2_61:
0x477: {  	s6 =	sadd.s32 $0x8, s6;
	[tilespmem:s10+$0x144E0] =	vst.add.f32.msk $0xffff, v2;
	s10 =	sshra.s32 s21, $0x2  }
0x478: {  	v2 =	vld [tilespmem:s10+$0x4F0];
	p0 =	slt.u32 s6, $0x78  }
0x479: {  	v3 =	vld [tilespmem:s10+$0x480]  }
0x47a: {  	v4 =	vld [tilespmem:s10+$0x490]  }
0x47b: {  	v5 =	vld [tilespmem:s10+$0x4A0]  }
0x47c: {  	v6 =	vld [tilespmem:s10+$0x4B0]  }
0x47d: {  	[tilespmem:s10+$0x144F0] =	vst.add.f32.msk $0xffff, v2  }
0x47e: {  	v7 =	vld [tilespmem:s10+$0x4C0]  }
0x47f: {  	v8 =	vld [tilespmem:s10+$0x4D0]  }
0x480: {  	v2 =	vld [tilespmem:s10+$0x4E0]  }
0x481: {  	[tilespmem:s10+$0x14480] =	vst.add.f32.msk $0xffff, v3  }
.Ltmp31:
0x482: {  	[tilespmem:s10+$0x14490] =	vst.add.f32.msk $0xffff, v4;
	(pc) =	sbr.rel @p0 .LBB2_61-.Ltmp31, $4  }
0x483: {  	[tilespmem:s10+$0x144A0] =	vst.add.f32.msk $0xffff, v5  }
0x484: {  	[tilespmem:s10+$0x144B0] =	vst.add.f32.msk $0xffff, v6  }
0x485: {  	[tilespmem:s10+$0x144C0] =	vst.add.f32.msk $0xffff, v7  }
0x486: {  	s21 =	sadd.s32 $0x1000, s21;
	[tilespmem:s10+$0x144D0] =	vst.add.f32.msk $0xffff, v8  }
0x487: {  	[tilespmem:s10+$0x144E0] =	vst.add.f32.msk $0xffff, v2;
	s10 =	simm.s32 $0x0  }
0x488: {  	v2 =	vld [tilespmem:s10+$0x570]  }
0x489: {  	v3 =	vld [tilespmem:s10+$0x500]  }
0x48a: {  	v4 =	vld [tilespmem:s10+$0x510]  }
0x48b: {  	v5 =	vld [tilespmem:s10+$0x520]  }
0x48c: {  	v6 =	vld [tilespmem:s10+$0x530]  }
0x48d: {  	v7 =	vld [tilespmem:s10+$0x540]  }
0x48e: {  	v8 =	vld [tilespmem:s10+$0x550]  }
0x48f: {  	[tilespmem:s10+$0x14570] =	vst.add.f32.msk $0xffff, v2  }
0x490: {  	v2 =	vld [tilespmem:s10+$0x560]  }
0x491: {  	[tilespmem:s10+$0x14500] =	vst.add.f32.msk $0xffff, v3  }
0x492: {  	[tilespmem:s10+$0x14510] =	vst.add.f32.msk $0xffff, v4  }
0x493: {  	[tilespmem:s10+$0x14520] =	vst.add.f32.msk $0xffff, v5  }
0x494: {  	[tilespmem:s10+$0x14530] =	vst.add.f32.msk $0xffff, v6  }
0x495: {  	[tilespmem:s10+$0x14540] =	vst.add.f32.msk $0xffff, v7  }
0x496: {  	s6 =	simm.s32 $0x0;
	s21 =	simm.s32 $0x1000;
	[tilespmem:s10+$0x14550] =	vst.add.f32.msk $0xffff, v8  }
.LBB2_63:
0x497: {  	s6 =	sadd.s32 $0x8, s6;
	[tilespmem:s10+$0x14560] =	vst.add.f32.msk $0xffff, v2;
	s10 =	sshra.s32 s21, $0x2  }
0x498: {  	v2 =	vld [tilespmem:s10+$0x570];
	p0 =	slt.u32 s6, $0x78  }
0x499: {  	v3 =	vld [tilespmem:s10+$0x500]  }
0x49a: {  	v4 =	vld [tilespmem:s10+$0x510]  }
0x49b: {  	v5 =	vld [tilespmem:s10+$0x520]  }
0x49c: {  	v6 =	vld [tilespmem:s10+$0x530]  }
0x49d: {  	[tilespmem:s10+$0x14570] =	vst.add.f32.msk $0xffff, v2  }
0x49e: {  	v7 =	vld [tilespmem:s10+$0x540]  }
0x49f: {  	v8 =	vld [tilespmem:s10+$0x550]  }
0x4a0: {  	v2 =	vld [tilespmem:s10+$0x560]  }
0x4a1: {  	[tilespmem:s10+$0x14500] =	vst.add.f32.msk $0xffff, v3  }
.Ltmp32:
0x4a2: {  	[tilespmem:s10+$0x14510] =	vst.add.f32.msk $0xffff, v4;
	(pc) =	sbr.rel @p0 .LBB2_63-.Ltmp32, $4  }
0x4a3: {  	[tilespmem:s10+$0x14520] =	vst.add.f32.msk $0xffff, v5  }
0x4a4: {  	[tilespmem:s10+$0x14530] =	vst.add.f32.msk $0xffff, v6  }
0x4a5: {  	[tilespmem:s10+$0x14540] =	vst.add.f32.msk $0xffff, v7  }
0x4a6: {  	s21 =	sadd.s32 $0x1000, s21;
	[tilespmem:s10+$0x14550] =	vst.add.f32.msk $0xffff, v8  }
0x4a7: {  	[tilespmem:s10+$0x14560] =	vst.add.f32.msk $0xffff, v2;
	s10 =	simm.s32 $0x0  }
0x4a8: {  	v2 =	vld [tilespmem:s10+$0x5F0]  }
0x4a9: {  	v3 =	vld [tilespmem:s10+$0x580]  }
0x4aa: {  	v4 =	vld [tilespmem:s10+$0x590]  }
0x4ab: {  	v5 =	vld [tilespmem:s10+$0x5A0]  }
0x4ac: {  	v6 =	vld [tilespmem:s10+$0x5B0]  }
0x4ad: {  	v7 =	vld [tilespmem:s10+$0x5C0]  }
0x4ae: {  	v8 =	vld [tilespmem:s10+$0x5D0]  }
0x4af: {  	[tilespmem:s10+$0x145F0] =	vst.add.f32.msk $0xffff, v2  }
0x4b0: {  	v2 =	vld [tilespmem:s10+$0x5E0]  }
0x4b1: {  	[tilespmem:s10+$0x14580] =	vst.add.f32.msk $0xffff, v3  }
0x4b2: {  	[tilespmem:s10+$0x14590] =	vst.add.f32.msk $0xffff, v4  }
0x4b3: {  	[tilespmem:s10+$0x145A0] =	vst.add.f32.msk $0xffff, v5  }
0x4b4: {  	[tilespmem:s10+$0x145B0] =	vst.add.f32.msk $0xffff, v6  }
0x4b5: {  	[tilespmem:s10+$0x145C0] =	vst.add.f32.msk $0xffff, v7  }
0x4b6: {  	s6 =	simm.s32 $0x0;
	s21 =	simm.s32 $0x1000;
	[tilespmem:s10+$0x145D0] =	vst.add.f32.msk $0xffff, v8  }
.LBB2_65:
0x4b7: {  	s6 =	sadd.s32 $0x8, s6;
	[tilespmem:s10+$0x145E0] =	vst.add.f32.msk $0xffff, v2;
	s10 =	sshra.s32 s21, $0x2  }
0x4b8: {  	v2 =	vld [tilespmem:s10+$0x5F0];
	p0 =	slt.u32 s6, $0x78  }
0x4b9: {  	v3 =	vld [tilespmem:s10+$0x580]  }
0x4ba: {  	v4 =	vld [tilespmem:s10+$0x590]  }
0x4bb: {  	v5 =	vld [tilespmem:s10+$0x5A0]  }
0x4bc: {  	v6 =	vld [tilespmem:s10+$0x5B0]  }
0x4bd: {  	[tilespmem:s10+$0x145F0] =	vst.add.f32.msk $0xffff, v2  }
0x4be: {  	v7 =	vld [tilespmem:s10+$0x5C0]  }
0x4bf: {  	v8 =	vld [tilespmem:s10+$0x5D0]  }
0x4c0: {  	v2 =	vld [tilespmem:s10+$0x5E0]  }
0x4c1: {  	[tilespmem:s10+$0x14580] =	vst.add.f32.msk $0xffff, v3  }
.Ltmp33:
0x4c2: {  	[tilespmem:s10+$0x14590] =	vst.add.f32.msk $0xffff, v4;
	(pc) =	sbr.rel @p0 .LBB2_65-.Ltmp33, $4  }
0x4c3: {  	[tilespmem:s10+$0x145A0] =	vst.add.f32.msk $0xffff, v5  }
0x4c4: {  	[tilespmem:s10+$0x145B0] =	vst.add.f32.msk $0xffff, v6  }
0x4c5: {  	[tilespmem:s10+$0x145C0] =	vst.add.f32.msk $0xffff, v7  }
0x4c6: {  	s21 =	sadd.s32 $0x1000, s21;
	[tilespmem:s10+$0x145D0] =	vst.add.f32.msk $0xffff, v8  }
0x4c7: {  	[tilespmem:s10+$0x145E0] =	vst.add.f32.msk $0xffff, v2;
	s0 =	sadd.s32 s0, s23  }
0x4c8: {  	[hbm4b:s0+s4] =	stream.linear.scatter [tilespmem:s3], [sflag:$0xA], $0x4000, $0x38;
	[tilespmem:$0x18200] =	vst v63  }
0x4c9: {  	s0 =	sor.u32 $0x5, s31  }
0x4ca: {  	_ =	swait.ge [sflag:s30], $0x4000;
	s6 =	sshll.u32 s0, $0x1  }
0x4cb: {  	[sflag:s30] =	ssyncset.done $0x0;
	s6 =	sand.u32 $0x78, s6  }
0x4cc: {  	[sflag:s30] =	ssyncadd.s32 $0xFFFFC000;
	s6 =	sor.u32 $0x80, s6  }
0x4cd: {  	v2 =	vld.msk [tilespmem:s6+$0x0], $0xff;
	_ =	sdelay $0x4  }
0x4ce: {  	v3 =	vshll.u32 v2, $0x4  }
0x4cf: {  	v2 =	vand.u32 $0x7, v2;
	v3 =	vand.u32 $0xFFFFFF80, v3  }
0x4d0: {  	v2 =	vor.u32 v2, v3  }
0x4d1: {  	v2 =	vperm.xlane v2, v0;
	_ =	sdelay $0x1  }
0x4d2: {  	v2 =	vadd.s32 v1, v2;
	_ =	sdelay $0x4  }
0x4d3: {  	[tilespmem:s20], [sflag:$0x4] =	stream.indirect_vreg.gather [hbm4b:s2+s4], $0x80, v2, vm0, $0xb8;
	[tilespmem:$0x18200] =	vst v63  }
0x4d4: {  	s10 =	simm.s32 $0xCA00  }
0x4d5: {  	[tilespmem:s10], [sflag:$0x4] =	stream.indirect_vreg.gather [hbm4b:s11+s4], $0x80, v2, vm0, $0xb8;
	[tilespmem:$0x18200] =	vst v63  }
0x4d6: {  	s21 =	simm.s32 $0xD200  }
0x4d7: {  	[tilespmem:s21], [sflag:$0x4] =	stream.indirect_vreg.gather [hbm4b:s12+s4], $0x80, v2, vm0, $0xb8;
	[tilespmem:$0x18200] =	vst v63  }
0x4d8: {  	s10 =	simm.s32 $0xDA00  }
0x4d9: {  	[tilespmem:s10], [sflag:$0x4] =	stream.indirect_vreg.gather [hbm4b:s13+s4], $0x80, v2, vm0, $0xb8;
	[tilespmem:$0x18200] =	vst v63  }
0x4da: {  	s21 =	simm.s32 $0xE200  }
0x4db: {  	[tilespmem:s21], [sflag:$0x4] =	stream.indirect_vreg.gather [hbm4b:s14+s4], $0x80, v2, vm0, $0xb8;
	[tilespmem:$0x18200] =	vst v63  }
0x4dc: {  	p0 =	seq.s32 s28, $0x7;
	s6 =	rddreg [dreg:$0xd];
	s10 =	simm.s32 $0xEA00  }
0x4dd: {  	[tilespmem:s10], [sflag:$0x4] =	stream.indirect_vreg.gather [hbm4b:s15+s4], $0x80, v2, vm0, $0xb8;
	[tilespmem:$0x18200] =	vst v63  }
0x4de: {  	s6 =	sadd.s32 @!p0 s16, s6;
	s21 =	simm.s32 $0xF200  }
0x4df: {  	[tilespmem:s21], [sflag:$0x4] =	stream.indirect_vreg.gather [hbm4b:s17+s4], $0x80, v2, vm0, $0xb8;
	[tilespmem:$0x18200] =	vst v63  }
0x4e0: {  	s6 =	sshll.u32 @!p0 s6, $0xB;
	s10 =	simm.s32 $0xFA00  }
0x4e1: {  	[tilespmem:s10], [sflag:$0x4] =	stream.indirect_vreg.gather [hbm4b:s18+s4], $0x80, v2, vm0, $0xb8;
	[tilespmem:$0x18200] =	vst v63  }
0x4e2: {  	s6 =	sand.u32 @!p0 $0x1FFFF000, s6;
	s10 =	rddreg [dreg:$0x4]  }
0x4e3: {  	s21 =	simm.s32 @!p0 $0x200;
	s6 =	sadd.s32 @!p0 s10, s6;
	s10 =	simm.s32 @!p0 $0x0  }
0x4e4: {  	[tilespmem:s21], [sflag:$0x1] =	stream.linear.gather @!p0 [hbm4b:s6+s10], $0x4000, $0x38;
	[tilespmem:$0x18200] =	vst v63  }
0x4e5: {  	s21 =	simm.s32 $0x2  }
0x4e6: {  	_ =	swait.ge [sflag:s21], $0x4000  }
0x4e7: {  	[sflag:s21] =	ssyncset.done $0x0  }
0x4e8: {  	[sflag:s21] =	ssyncadd.s32 $0xFFFFC000  }
0x4e9: {  	_ =	swait.ge [sflag:s8], $0x4000  }
0x4ea: {  	[sflag:s8] =	ssyncset.done $0x0  }
0x4eb: {  	s10 =	simm.s32 $0x0;
	[sflag:s8] =	ssyncadd.s32 $0xFFFFC000  }
0x4ec: {  	v2 =	vld [tilespmem:s10+$0x4270]  }
0x4ed: {  	v3 =	vld [tilespmem:s10+$0x4200]  }
0x4ee: {  	v4 =	vld [tilespmem:s10+$0x4210]  }
0x4ef: {  	v5 =	vld [tilespmem:s10+$0x4220]  }
0x4f0: {  	v6 =	vld [tilespmem:s10+$0x4230]  }
0x4f1: {  	v7 =	vld [tilespmem:s10+$0x4240]  }
0x4f2: {  	v8 =	vld [tilespmem:s10+$0x4250]  }
0x4f3: {  	[tilespmem:s10+$0x8270] =	vst.add.f32.msk $0xffff, v2  }
0x4f4: {  	v2 =	vld [tilespmem:s10+$0x4260]  }
0x4f5: {  	[tilespmem:s10+$0x8200] =	vst.add.f32.msk $0xffff, v3  }
0x4f6: {  	[tilespmem:s10+$0x8210] =	vst.add.f32.msk $0xffff, v4  }
0x4f7: {  	[tilespmem:s10+$0x8220] =	vst.add.f32.msk $0xffff, v5  }
0x4f8: {  	[tilespmem:s10+$0x8230] =	vst.add.f32.msk $0xffff, v6  }
0x4f9: {  	[tilespmem:s10+$0x8240] =	vst.add.f32.msk $0xffff, v7  }
0x4fa: {  	s6 =	simm.s32 $0x0;
	s21 =	simm.s32 $0x1000;
	[tilespmem:s10+$0x8250] =	vst.add.f32.msk $0xffff, v8  }
.LBB2_67:
0x4fb: {  	s6 =	sadd.s32 $0x8, s6;
	[tilespmem:s10+$0x8260] =	vst.add.f32.msk $0xffff, v2;
	s10 =	sshra.s32 s21, $0x2  }
0x4fc: {  	v2 =	vld [tilespmem:s10+$0x4270];
	p1 =	slt.u32 s6, $0x78  }
0x4fd: {  	v3 =	vld [tilespmem:s10+$0x4200]  }
0x4fe: {  	v4 =	vld [tilespmem:s10+$0x4210]  }
0x4ff: {  	v5 =	vld [tilespmem:s10+$0x4220]  }
0x500: {  	v6 =	vld [tilespmem:s10+$0x4230]  }
0x501: {  	[tilespmem:s10+$0x8270] =	vst.add.f32.msk $0xffff, v2  }
0x502: {  	v7 =	vld [tilespmem:s10+$0x4240]  }
0x503: {  	v8 =	vld [tilespmem:s10+$0x4250]  }
0x504: {  	v2 =	vld [tilespmem:s10+$0x4260]  }
0x505: {  	[tilespmem:s10+$0x8200] =	vst.add.f32.msk $0xffff, v3  }
.Ltmp34:
0x506: {  	[tilespmem:s10+$0x8210] =	vst.add.f32.msk $0xffff, v4;
	(pc) =	sbr.rel @p1 .LBB2_67-.Ltmp34, $4  }
0x507: {  	[tilespmem:s10+$0x8220] =	vst.add.f32.msk $0xffff, v5  }
0x508: {  	[tilespmem:s10+$0x8230] =	vst.add.f32.msk $0xffff, v6  }
0x509: {  	[tilespmem:s10+$0x8240] =	vst.add.f32.msk $0xffff, v7  }
0x50a: {  	s21 =	sadd.s32 $0x1000, s21;
	[tilespmem:s10+$0x8250] =	vst.add.f32.msk $0xffff, v8  }
0x50b: {  	[tilespmem:s10+$0x8260] =	vst.add.f32.msk $0xffff, v2;
	s10 =	simm.s32 $0x0  }
0x50c: {  	v2 =	vld [tilespmem:s10+$0x42F0]  }
0x50d: {  	v3 =	vld [tilespmem:s10+$0x4280]  }
0x50e: {  	v4 =	vld [tilespmem:s10+$0x4290]  }
0x50f: {  	v5 =	vld [tilespmem:s10+$0x42A0]  }
0x510: {  	v6 =	vld [tilespmem:s10+$0x42B0]  }
0x511: {  	v7 =	vld [tilespmem:s10+$0x42C0]  }
0x512: {  	v8 =	vld [tilespmem:s10+$0x42D0]  }
0x513: {  	[tilespmem:s10+$0x82F0] =	vst.add.f32.msk $0xffff, v2  }
0x514: {  	v2 =	vld [tilespmem:s10+$0x42E0]  }
0x515: {  	[tilespmem:s10+$0x8280] =	vst.add.f32.msk $0xffff, v3  }
0x516: {  	[tilespmem:s10+$0x8290] =	vst.add.f32.msk $0xffff, v4  }
0x517: {  	[tilespmem:s10+$0x82A0] =	vst.add.f32.msk $0xffff, v5  }
0x518: {  	[tilespmem:s10+$0x82B0] =	vst.add.f32.msk $0xffff, v6  }
0x519: {  	[tilespmem:s10+$0x82C0] =	vst.add.f32.msk $0xffff, v7  }
0x51a: {  	s6 =	simm.s32 $0x0;
	s21 =	simm.s32 $0x1000;
	[tilespmem:s10+$0x82D0] =	vst.add.f32.msk $0xffff, v8  }
.LBB2_69:
0x51b: {  	s6 =	sadd.s32 $0x8, s6;
	[tilespmem:s10+$0x82E0] =	vst.add.f32.msk $0xffff, v2;
	s10 =	sshra.s32 s21, $0x2  }
0x51c: {  	v2 =	vld [tilespmem:s10+$0x42F0];
	p1 =	slt.u32 s6, $0x78  }
0x51d: {  	v3 =	vld [tilespmem:s10+$0x4280]  }
0x51e: {  	v4 =	vld [tilespmem:s10+$0x4290]  }
0x51f: {  	v5 =	vld [tilespmem:s10+$0x42A0]  }
0x520: {  	v6 =	vld [tilespmem:s10+$0x42B0]  }
0x521: {  	[tilespmem:s10+$0x82F0] =	vst.add.f32.msk $0xffff, v2  }
0x522: {  	v7 =	vld [tilespmem:s10+$0x42C0]  }
0x523: {  	v8 =	vld [tilespmem:s10+$0x42D0]  }
0x524: {  	v2 =	vld [tilespmem:s10+$0x42E0]  }
0x525: {  	[tilespmem:s10+$0x8280] =	vst.add.f32.msk $0xffff, v3  }
.Ltmp35:
0x526: {  	[tilespmem:s10+$0x8290] =	vst.add.f32.msk $0xffff, v4;
	(pc) =	sbr.rel @p1 .LBB2_69-.Ltmp35, $4  }
0x527: {  	[tilespmem:s10+$0x82A0] =	vst.add.f32.msk $0xffff, v5  }
0x528: {  	[tilespmem:s10+$0x82B0] =	vst.add.f32.msk $0xffff, v6  }
0x529: {  	[tilespmem:s10+$0x82C0] =	vst.add.f32.msk $0xffff, v7  }
0x52a: {  	s21 =	sadd.s32 $0x1000, s21;
	[tilespmem:s10+$0x82D0] =	vst.add.f32.msk $0xffff, v8  }
0x52b: {  	[tilespmem:s10+$0x82E0] =	vst.add.f32.msk $0xffff, v2;
	s10 =	simm.s32 $0x0  }
0x52c: {  	v2 =	vld [tilespmem:s10+$0x4370]  }
0x52d: {  	v3 =	vld [tilespmem:s10+$0x4300]  }
0x52e: {  	v4 =	vld [tilespmem:s10+$0x4310]  }
0x52f: {  	v5 =	vld [tilespmem:s10+$0x4320]  }
0x530: {  	v6 =	vld [tilespmem:s10+$0x4330]  }
0x531: {  	v7 =	vld [tilespmem:s10+$0x4340]  }
0x532: {  	v8 =	vld [tilespmem:s10+$0x4350]  }
0x533: {  	[tilespmem:s10+$0x8370] =	vst.add.f32.msk $0xffff, v2  }
0x534: {  	v2 =	vld [tilespmem:s10+$0x4360]  }
0x535: {  	[tilespmem:s10+$0x8300] =	vst.add.f32.msk $0xffff, v3  }
0x536: {  	[tilespmem:s10+$0x8310] =	vst.add.f32.msk $0xffff, v4  }
0x537: {  	[tilespmem:s10+$0x8320] =	vst.add.f32.msk $0xffff, v5  }
0x538: {  	[tilespmem:s10+$0x8330] =	vst.add.f32.msk $0xffff, v6  }
0x539: {  	[tilespmem:s10+$0x8340] =	vst.add.f32.msk $0xffff, v7  }
0x53a: {  	s6 =	simm.s32 $0x0;
	s21 =	simm.s32 $0x1000;
	[tilespmem:s10+$0x8350] =	vst.add.f32.msk $0xffff, v8  }
.LBB2_71:
0x53b: {  	s6 =	sadd.s32 $0x8, s6;
	[tilespmem:s10+$0x8360] =	vst.add.f32.msk $0xffff, v2;
	s10 =	sshra.s32 s21, $0x2  }
0x53c: {  	v2 =	vld [tilespmem:s10+$0x4370];
	p1 =	slt.u32 s6, $0x78  }
0x53d: {  	v3 =	vld [tilespmem:s10+$0x4300]  }
0x53e: {  	v4 =	vld [tilespmem:s10+$0x4310]  }
0x53f: {  	v5 =	vld [tilespmem:s10+$0x4320]  }
0x540: {  	v6 =	vld [tilespmem:s10+$0x4330]  }
0x541: {  	[tilespmem:s10+$0x8370] =	vst.add.f32.msk $0xffff, v2  }
0x542: {  	v7 =	vld [tilespmem:s10+$0x4340]  }
0x543: {  	v8 =	vld [tilespmem:s10+$0x4350]  }
0x544: {  	v2 =	vld [tilespmem:s10+$0x4360]  }
0x545: {  	[tilespmem:s10+$0x8300] =	vst.add.f32.msk $0xffff, v3  }
.Ltmp36:
0x546: {  	[tilespmem:s10+$0x8310] =	vst.add.f32.msk $0xffff, v4;
	(pc) =	sbr.rel @p1 .LBB2_71-.Ltmp36, $4  }
0x547: {  	[tilespmem:s10+$0x8320] =	vst.add.f32.msk $0xffff, v5  }
0x548: {  	[tilespmem:s10+$0x8330] =	vst.add.f32.msk $0xffff, v6  }
0x549: {  	[tilespmem:s10+$0x8340] =	vst.add.f32.msk $0xffff, v7  }
0x54a: {  	s21 =	sadd.s32 $0x1000, s21;
	[tilespmem:s10+$0x8350] =	vst.add.f32.msk $0xffff, v8  }
0x54b: {  	[tilespmem:s10+$0x8360] =	vst.add.f32.msk $0xffff, v2;
	s10 =	simm.s32 $0x0  }
0x54c: {  	v2 =	vld [tilespmem:s10+$0x43F0]  }
0x54d: {  	v3 =	vld [tilespmem:s10+$0x4380]  }
0x54e: {  	v4 =	vld [tilespmem:s10+$0x4390]  }
0x54f: {  	v5 =	vld [tilespmem:s10+$0x43A0]  }
0x550: {  	v6 =	vld [tilespmem:s10+$0x43B0]  }
0x551: {  	v7 =	vld [tilespmem:s10+$0x43C0]  }
0x552: {  	v8 =	vld [tilespmem:s10+$0x43D0]  }
0x553: {  	[tilespmem:s10+$0x83F0] =	vst.add.f32.msk $0xffff, v2  }
0x554: {  	v2 =	vld [tilespmem:s10+$0x43E0]  }
0x555: {  	[tilespmem:s10+$0x8380] =	vst.add.f32.msk $0xffff, v3  }
0x556: {  	[tilespmem:s10+$0x8390] =	vst.add.f32.msk $0xffff, v4  }
0x557: {  	[tilespmem:s10+$0x83A0] =	vst.add.f32.msk $0xffff, v5  }
0x558: {  	[tilespmem:s10+$0x83B0] =	vst.add.f32.msk $0xffff, v6  }
0x559: {  	[tilespmem:s10+$0x83C0] =	vst.add.f32.msk $0xffff, v7  }
0x55a: {  	s6 =	simm.s32 $0x0;
	s21 =	simm.s32 $0x1000;
	[tilespmem:s10+$0x83D0] =	vst.add.f32.msk $0xffff, v8  }
.LBB2_73:
0x55b: {  	s6 =	sadd.s32 $0x8, s6;
	[tilespmem:s10+$0x83E0] =	vst.add.f32.msk $0xffff, v2;
	s10 =	sshra.s32 s21, $0x2  }
0x55c: {  	v2 =	vld [tilespmem:s10+$0x43F0];
	p1 =	slt.u32 s6, $0x78  }
0x55d: {  	v3 =	vld [tilespmem:s10+$0x4380]  }
0x55e: {  	v4 =	vld [tilespmem:s10+$0x4390]  }
0x55f: {  	v5 =	vld [tilespmem:s10+$0x43A0]  }
0x560: {  	v6 =	vld [tilespmem:s10+$0x43B0]  }
0x561: {  	[tilespmem:s10+$0x83F0] =	vst.add.f32.msk $0xffff, v2  }
0x562: {  	v7 =	vld [tilespmem:s10+$0x43C0]  }
0x563: {  	v8 =	vld [tilespmem:s10+$0x43D0]  }
0x564: {  	v2 =	vld [tilespmem:s10+$0x43E0]  }
0x565: {  	[tilespmem:s10+$0x8380] =	vst.add.f32.msk $0xffff, v3  }
.Ltmp37:
0x566: {  	[tilespmem:s10+$0x8390] =	vst.add.f32.msk $0xffff, v4;
	(pc) =	sbr.rel @p1 .LBB2_73-.Ltmp37, $4  }
0x567: {  	[tilespmem:s10+$0x83A0] =	vst.add.f32.msk $0xffff, v5  }
0x568: {  	[tilespmem:s10+$0x83B0] =	vst.add.f32.msk $0xffff, v6  }
0x569: {  	[tilespmem:s10+$0x83C0] =	vst.add.f32.msk $0xffff, v7  }
0x56a: {  	s21 =	sadd.s32 $0x1000, s21;
	[tilespmem:s10+$0x83D0] =	vst.add.f32.msk $0xffff, v8  }
0x56b: {  	[tilespmem:s10+$0x83E0] =	vst.add.f32.msk $0xffff, v2;
	s10 =	simm.s32 $0x0  }
0x56c: {  	v2 =	vld [tilespmem:s10+$0x4470]  }
0x56d: {  	v3 =	vld [tilespmem:s10+$0x4400]  }
0x56e: {  	v4 =	vld [tilespmem:s10+$0x4410]  }
0x56f: {  	v5 =	vld [tilespmem:s10+$0x4420]  }
0x570: {  	v6 =	vld [tilespmem:s10+$0x4430]  }
0x571: {  	v7 =	vld [tilespmem:s10+$0x4440]  }
0x572: {  	v8 =	vld [tilespmem:s10+$0x4450]  }
0x573: {  	[tilespmem:s10+$0x8470] =	vst.add.f32.msk $0xffff, v2  }
0x574: {  	v2 =	vld [tilespmem:s10+$0x4460]  }
0x575: {  	[tilespmem:s10+$0x8400] =	vst.add.f32.msk $0xffff, v3  }
0x576: {  	[tilespmem:s10+$0x8410] =	vst.add.f32.msk $0xffff, v4  }
0x577: {  	[tilespmem:s10+$0x8420] =	vst.add.f32.msk $0xffff, v5  }
0x578: {  	[tilespmem:s10+$0x8430] =	vst.add.f32.msk $0xffff, v6  }
0x579: {  	[tilespmem:s10+$0x8440] =	vst.add.f32.msk $0xffff, v7  }
0x57a: {  	s6 =	simm.s32 $0x0;
	s21 =	simm.s32 $0x1000;
	[tilespmem:s10+$0x8450] =	vst.add.f32.msk $0xffff, v8  }
.LBB2_75:
0x57b: {  	s6 =	sadd.s32 $0x8, s6;
	[tilespmem:s10+$0x8460] =	vst.add.f32.msk $0xffff, v2;
	s10 =	sshra.s32 s21, $0x2  }
0x57c: {  	v2 =	vld [tilespmem:s10+$0x4470];
	p1 =	slt.u32 s6, $0x78  }
0x57d: {  	v3 =	vld [tilespmem:s10+$0x4400]  }
0x57e: {  	v4 =	vld [tilespmem:s10+$0x4410]  }
0x57f: {  	v5 =	vld [tilespmem:s10+$0x4420]  }
0x580: {  	v6 =	vld [tilespmem:s10+$0x4430]  }
0x581: {  	[tilespmem:s10+$0x8470] =	vst.add.f32.msk $0xffff, v2  }
0x582: {  	v7 =	vld [tilespmem:s10+$0x4440]  }
0x583: {  	v8 =	vld [tilespmem:s10+$0x4450]  }
0x584: {  	v2 =	vld [tilespmem:s10+$0x4460]  }
0x585: {  	[tilespmem:s10+$0x8400] =	vst.add.f32.msk $0xffff, v3  }
.Ltmp38:
0x586: {  	[tilespmem:s10+$0x8410] =	vst.add.f32.msk $0xffff, v4;
	(pc) =	sbr.rel @p1 .LBB2_75-.Ltmp38, $4  }
0x587: {  	[tilespmem:s10+$0x8420] =	vst.add.f32.msk $0xffff, v5  }
0x588: {  	[tilespmem:s10+$0x8430] =	vst.add.f32.msk $0xffff, v6  }
0x589: {  	[tilespmem:s10+$0x8440] =	vst.add.f32.msk $0xffff, v7  }
0x58a: {  	s21 =	sadd.s32 $0x1000, s21;
	[tilespmem:s10+$0x8450] =	vst.add.f32.msk $0xffff, v8  }
0x58b: {  	[tilespmem:s10+$0x8460] =	vst.add.f32.msk $0xffff, v2;
	s10 =	simm.s32 $0x0  }
0x58c: {  	v2 =	vld [tilespmem:s10+$0x44F0]  }
0x58d: {  	v3 =	vld [tilespmem:s10+$0x4480]  }
0x58e: {  	v4 =	vld [tilespmem:s10+$0x4490]  }
0x58f: {  	v5 =	vld [tilespmem:s10+$0x44A0]  }
0x590: {  	v6 =	vld [tilespmem:s10+$0x44B0]  }
0x591: {  	v7 =	vld [tilespmem:s10+$0x44C0]  }
0x592: {  	v8 =	vld [tilespmem:s10+$0x44D0]  }
0x593: {  	[tilespmem:s10+$0x84F0] =	vst.add.f32.msk $0xffff, v2  }
0x594: {  	v2 =	vld [tilespmem:s10+$0x44E0]  }
0x595: {  	[tilespmem:s10+$0x8480] =	vst.add.f32.msk $0xffff, v3  }
0x596: {  	[tilespmem:s10+$0x8490] =	vst.add.f32.msk $0xffff, v4  }
0x597: {  	[tilespmem:s10+$0x84A0] =	vst.add.f32.msk $0xffff, v5  }
0x598: {  	[tilespmem:s10+$0x84B0] =	vst.add.f32.msk $0xffff, v6  }
0x599: {  	[tilespmem:s10+$0x84C0] =	vst.add.f32.msk $0xffff, v7  }
0x59a: {  	s6 =	simm.s32 $0x0;
	s21 =	simm.s32 $0x1000;
	[tilespmem:s10+$0x84D0] =	vst.add.f32.msk $0xffff, v8  }
.LBB2_77:
0x59b: {  	s6 =	sadd.s32 $0x8, s6;
	[tilespmem:s10+$0x84E0] =	vst.add.f32.msk $0xffff, v2;
	s10 =	sshra.s32 s21, $0x2  }
0x59c: {  	v2 =	vld [tilespmem:s10+$0x44F0];
	p1 =	slt.u32 s6, $0x78  }
0x59d: {  	v3 =	vld [tilespmem:s10+$0x4480]  }
0x59e: {  	v4 =	vld [tilespmem:s10+$0x4490]  }
0x59f: {  	v5 =	vld [tilespmem:s10+$0x44A0]  }
0x5a0: {  	v6 =	vld [tilespmem:s10+$0x44B0]  }
0x5a1: {  	[tilespmem:s10+$0x84F0] =	vst.add.f32.msk $0xffff, v2  }
0x5a2: {  	v7 =	vld [tilespmem:s10+$0x44C0]  }
0x5a3: {  	v8 =	vld [tilespmem:s10+$0x44D0]  }
0x5a4: {  	v2 =	vld [tilespmem:s10+$0x44E0]  }
0x5a5: {  	[tilespmem:s10+$0x8480] =	vst.add.f32.msk $0xffff, v3  }
.Ltmp39:
0x5a6: {  	[tilespmem:s10+$0x8490] =	vst.add.f32.msk $0xffff, v4;
	(pc) =	sbr.rel @p1 .LBB2_77-.Ltmp39, $4  }
0x5a7: {  	[tilespmem:s10+$0x84A0] =	vst.add.f32.msk $0xffff, v5  }
0x5a8: {  	[tilespmem:s10+$0x84B0] =	vst.add.f32.msk $0xffff, v6  }
0x5a9: {  	[tilespmem:s10+$0x84C0] =	vst.add.f32.msk $0xffff, v7  }
0x5aa: {  	s21 =	sadd.s32 $0x1000, s21;
	[tilespmem:s10+$0x84D0] =	vst.add.f32.msk $0xffff, v8  }
0x5ab: {  	[tilespmem:s10+$0x84E0] =	vst.add.f32.msk $0xffff, v2;
	s10 =	simm.s32 $0x0  }
0x5ac: {  	v2 =	vld [tilespmem:s10+$0x4570]  }
0x5ad: {  	v3 =	vld [tilespmem:s10+$0x4500]  }
0x5ae: {  	v4 =	vld [tilespmem:s10+$0x4510]  }
0x5af: {  	v5 =	vld [tilespmem:s10+$0x4520]  }
0x5b0: {  	v6 =	vld [tilespmem:s10+$0x4530]  }
0x5b1: {  	v7 =	vld [tilespmem:s10+$0x4540]  }
0x5b2: {  	v8 =	vld [tilespmem:s10+$0x4550]  }
0x5b3: {  	[tilespmem:s10+$0x8570] =	vst.add.f32.msk $0xffff, v2  }
0x5b4: {  	v2 =	vld [tilespmem:s10+$0x4560]  }
0x5b5: {  	[tilespmem:s10+$0x8500] =	vst.add.f32.msk $0xffff, v3  }
0x5b6: {  	[tilespmem:s10+$0x8510] =	vst.add.f32.msk $0xffff, v4  }
0x5b7: {  	[tilespmem:s10+$0x8520] =	vst.add.f32.msk $0xffff, v5  }
0x5b8: {  	[tilespmem:s10+$0x8530] =	vst.add.f32.msk $0xffff, v6  }
0x5b9: {  	[tilespmem:s10+$0x8540] =	vst.add.f32.msk $0xffff, v7  }
0x5ba: {  	s6 =	simm.s32 $0x0;
	s21 =	simm.s32 $0x1000;
	[tilespmem:s10+$0x8550] =	vst.add.f32.msk $0xffff, v8  }
.LBB2_79:
0x5bb: {  	s6 =	sadd.s32 $0x8, s6;
	[tilespmem:s10+$0x8560] =	vst.add.f32.msk $0xffff, v2;
	s10 =	sshra.s32 s21, $0x2  }
0x5bc: {  	v2 =	vld [tilespmem:s10+$0x4570];
	p1 =	slt.u32 s6, $0x78  }
0x5bd: {  	v3 =	vld [tilespmem:s10+$0x4500]  }
0x5be: {  	v4 =	vld [tilespmem:s10+$0x4510]  }
0x5bf: {  	v5 =	vld [tilespmem:s10+$0x4520]  }
0x5c0: {  	v6 =	vld [tilespmem:s10+$0x4530]  }
0x5c1: {  	[tilespmem:s10+$0x8570] =	vst.add.f32.msk $0xffff, v2  }
0x5c2: {  	v7 =	vld [tilespmem:s10+$0x4540]  }
0x5c3: {  	v8 =	vld [tilespmem:s10+$0x4550]  }
0x5c4: {  	v2 =	vld [tilespmem:s10+$0x4560]  }
0x5c5: {  	[tilespmem:s10+$0x8500] =	vst.add.f32.msk $0xffff, v3  }
.Ltmp40:
0x5c6: {  	[tilespmem:s10+$0x8510] =	vst.add.f32.msk $0xffff, v4;
	(pc) =	sbr.rel @p1 .LBB2_79-.Ltmp40, $4  }
0x5c7: {  	[tilespmem:s10+$0x8520] =	vst.add.f32.msk $0xffff, v5  }
0x5c8: {  	[tilespmem:s10+$0x8530] =	vst.add.f32.msk $0xffff, v6  }
0x5c9: {  	[tilespmem:s10+$0x8540] =	vst.add.f32.msk $0xffff, v7  }
0x5ca: {  	s21 =	sadd.s32 $0x1000, s21;
	[tilespmem:s10+$0x8550] =	vst.add.f32.msk $0xffff, v8  }
0x5cb: {  	[tilespmem:s10+$0x8560] =	vst.add.f32.msk $0xffff, v2;
	s10 =	simm.s32 $0x0  }
0x5cc: {  	v2 =	vld [tilespmem:s10+$0x45F0]  }
0x5cd: {  	v3 =	vld [tilespmem:s10+$0x4580]  }
0x5ce: {  	v4 =	vld [tilespmem:s10+$0x4590]  }
0x5cf: {  	v5 =	vld [tilespmem:s10+$0x45A0]  }
0x5d0: {  	v6 =	vld [tilespmem:s10+$0x45B0]  }
0x5d1: {  	v7 =	vld [tilespmem:s10+$0x45C0]  }
0x5d2: {  	v8 =	vld [tilespmem:s10+$0x45D0]  }
0x5d3: {  	[tilespmem:s10+$0x85F0] =	vst.add.f32.msk $0xffff, v2  }
0x5d4: {  	v2 =	vld [tilespmem:s10+$0x45E0]  }
0x5d5: {  	[tilespmem:s10+$0x8580] =	vst.add.f32.msk $0xffff, v3  }
0x5d6: {  	[tilespmem:s10+$0x8590] =	vst.add.f32.msk $0xffff, v4  }
0x5d7: {  	[tilespmem:s10+$0x85A0] =	vst.add.f32.msk $0xffff, v5  }
0x5d8: {  	[tilespmem:s10+$0x85B0] =	vst.add.f32.msk $0xffff, v6  }
0x5d9: {  	[tilespmem:s10+$0x85C0] =	vst.add.f32.msk $0xffff, v7  }
0x5da: {  	s6 =	simm.s32 $0x0;
	s21 =	simm.s32 $0x1000;
	[tilespmem:s10+$0x85D0] =	vst.add.f32.msk $0xffff, v8  }
.LBB2_81:
0x5db: {  	s6 =	sadd.s32 $0x8, s6;
	[tilespmem:s10+$0x85E0] =	vst.add.f32.msk $0xffff, v2;
	s10 =	sshra.s32 s21, $0x2  }
0x5dc: {  	v2 =	vld [tilespmem:s10+$0x45F0];
	p1 =	slt.u32 s6, $0x78  }
0x5dd: {  	v3 =	vld [tilespmem:s10+$0x4580]  }
0x5de: {  	v4 =	vld [tilespmem:s10+$0x4590]  }
0x5df: {  	v5 =	vld [tilespmem:s10+$0x45A0]  }
0x5e0: {  	v6 =	vld [tilespmem:s10+$0x45B0]  }
0x5e1: {  	[tilespmem:s10+$0x85F0] =	vst.add.f32.msk $0xffff, v2  }
0x5e2: {  	v7 =	vld [tilespmem:s10+$0x45C0]  }
0x5e3: {  	v8 =	vld [tilespmem:s10+$0x45D0]  }
0x5e4: {  	v2 =	vld [tilespmem:s10+$0x45E0]  }
0x5e5: {  	[tilespmem:s10+$0x8580] =	vst.add.f32.msk $0xffff, v3  }
.Ltmp41:
0x5e6: {  	[tilespmem:s10+$0x8590] =	vst.add.f32.msk $0xffff, v4;
	(pc) =	sbr.rel @p1 .LBB2_81-.Ltmp41, $4  }
0x5e7: {  	[tilespmem:s10+$0x85A0] =	vst.add.f32.msk $0xffff, v5  }
0x5e8: {  	[tilespmem:s10+$0x85B0] =	vst.add.f32.msk $0xffff, v6  }
0x5e9: {  	[tilespmem:s10+$0x85C0] =	vst.add.f32.msk $0xffff, v7  }
0x5ea: {  	s21 =	sadd.s32 $0x1000, s21;
	[tilespmem:s10+$0x85D0] =	vst.add.f32.msk $0xffff, v8  }
0x5eb: {  	[tilespmem:s10+$0x85E0] =	vst.add.f32.msk $0xffff, v2  }
0x5ec: {  	s1 =	sshll.u32 s1, $0x9;
	s6 =	rddreg [dreg:$0xf]  }
0x5ed: {  	s21 =	simm.s32 $0x8200;
	s1 =	sadd.s32 s1, s6;
	s6 =	simm.s32 $0x0  }
0x5ee: {  	[hbm4b:s1+s6] =	stream.linear.scatter [tilespmem:s21], [sflag:$0x7], $0x4000, $0x38;
	[tilespmem:$0x18200] =	vst v63  }
0x5ef: {  	s1 =	sor.u32 $0x6, s31;
	s21 =	simm.s32 $0x9  }
0x5f0: {  	_ =	swait.ge [sflag:s21], $0x4000;
	s10 =	sshll.u32 s1, $0x1  }
0x5f1: {  	[sflag:s21] =	ssyncset.done $0x0;
	s10 =	sand.u32 $0x78, s10  }
0x5f2: {  	[sflag:s21] =	ssyncadd.s32 $0xFFFFC000;
	s10 =	sor.u32 $0x100, s10  }
0x5f3: {  	v2 =	vld.msk [tilespmem:s10+$0x0], $0xff;
	_ =	sdelay $0x4  }
0x5f4: {  	v3 =	vshll.u32 v2, $0x4  }
0x5f5: {  	v2 =	vand.u32 $0x7, v2;
	v3 =	vand.u32 $0xFFFFFF80, v3  }
0x5f6: {  	v2 =	vor.u32 v2, v3  }
0x5f7: {  	v2 =	vperm.xlane v2, v0;
	_ =	sdelay $0x1  }
0x5f8: {  	v2 =	vadd.s32 v1, v2;
	_ =	sdelay $0x4  }
0x5f9: {  	[tilespmem:s9], [sflag:$0x5] =	stream.indirect_vreg.gather [hbm4b:s2+s6], $0x80, v2, vm0, $0xb8;
	[tilespmem:$0x18200] =	vst v63  }
0x5fa: {  	s21 =	simm.s32 $0x10A00  }
0x5fb: {  	[tilespmem:s21], [sflag:$0x5] =	stream.indirect_vreg.gather [hbm4b:s11+s6], $0x80, v2, vm0, $0xb8;
	[tilespmem:$0x18200] =	vst v63  }
0x5fc: {  	s21 =	simm.s32 $0x11200  }
0x5fd: {  	[tilespmem:s21], [sflag:$0x5] =	stream.indirect_vreg.gather [hbm4b:s12+s6], $0x80, v2, vm0, $0xb8;
	[tilespmem:$0x18200] =	vst v63  }
0x5fe: {  	s21 =	simm.s32 $0x11A00  }
0x5ff: {  	[tilespmem:s21], [sflag:$0x5] =	stream.indirect_vreg.gather [hbm4b:s13+s6], $0x80, v2, vm0, $0xb8;
	[tilespmem:$0x18200] =	vst v63  }
0x600: {  	s21 =	simm.s32 $0x12200  }
0x601: {  	[tilespmem:s21], [sflag:$0x5] =	stream.indirect_vreg.gather [hbm4b:s14+s6], $0x80, v2, vm0, $0xb8;
	[tilespmem:$0x18200] =	vst v63  }
0x602: {  	s21 =	simm.s32 $0x12A00  }
0x603: {  	[tilespmem:s21], [sflag:$0x5] =	stream.indirect_vreg.gather [hbm4b:s15+s6], $0x80, v2, vm0, $0xb8;
	[tilespmem:$0x18200] =	vst v63  }
0x604: {  	s21 =	simm.s32 $0x13200  }
0x605: {  	[tilespmem:s21], [sflag:$0x5] =	stream.indirect_vreg.gather [hbm4b:s17+s6], $0x80, v2, vm0, $0xb8;
	[tilespmem:$0x18200] =	vst v63  }
0x606: {  	s21 =	simm.s32 $0x13A00  }
0x607: {  	[tilespmem:s21], [sflag:$0x5] =	stream.indirect_vreg.gather [hbm4b:s18+s6], $0x80, v2, vm0, $0xb8;
	[tilespmem:$0x18200] =	vst v63  }
0x608: {  	_ =	swait.ge [sflag:s29], $0x4000  }
0x609: {  	[sflag:s29] =	ssyncset.done $0x0  }
0x60a: {  	s10 =	simm.s32 $0x0;
	[sflag:s29] =	ssyncadd.s32 $0xFFFFC000  }
0x60b: {  	v2 =	vld [tilespmem:s10+$0x4270]  }
0x60c: {  	v3 =	vld [tilespmem:s10+$0x4200]  }
0x60d: {  	v4 =	vld [tilespmem:s10+$0x4210]  }
0x60e: {  	v5 =	vld [tilespmem:s10+$0x4220]  }
0x60f: {  	v6 =	vld [tilespmem:s10+$0x4230]  }
0x610: {  	v7 =	vld [tilespmem:s10+$0x4240]  }
0x611: {  	v8 =	vld [tilespmem:s10+$0x4250]  }
0x612: {  	[tilespmem:s10+$0xC270] =	vst.add.f32.msk $0xffff, v2  }
0x613: {  	v2 =	vld [tilespmem:s10+$0x4260]  }
0x614: {  	[tilespmem:s10+$0xC200] =	vst.add.f32.msk $0xffff, v3  }
0x615: {  	[tilespmem:s10+$0xC210] =	vst.add.f32.msk $0xffff, v4  }
0x616: {  	[tilespmem:s10+$0xC220] =	vst.add.f32.msk $0xffff, v5  }
0x617: {  	[tilespmem:s10+$0xC230] =	vst.add.f32.msk $0xffff, v6  }
0x618: {  	[tilespmem:s10+$0xC240] =	vst.add.f32.msk $0xffff, v7  }
0x619: {  	s6 =	simm.s32 $0x0;
	s21 =	simm.s32 $0x1000;
	[tilespmem:s10+$0xC250] =	vst.add.f32.msk $0xffff, v8  }
.LBB2_83:
0x61a: {  	s6 =	sadd.s32 $0x8, s6;
	[tilespmem:s10+$0xC260] =	vst.add.f32.msk $0xffff, v2;
	s10 =	sshra.s32 s21, $0x2  }
0x61b: {  	v2 =	vld [tilespmem:s10+$0x4270];
	p1 =	slt.u32 s6, $0x78  }
0x61c: {  	v3 =	vld [tilespmem:s10+$0x4200]  }
0x61d: {  	v4 =	vld [tilespmem:s10+$0x4210]  }
0x61e: {  	v5 =	vld [tilespmem:s10+$0x4220]  }
0x61f: {  	v6 =	vld [tilespmem:s10+$0x4230]  }
0x620: {  	[tilespmem:s10+$0xC270] =	vst.add.f32.msk $0xffff, v2  }
0x621: {  	v7 =	vld [tilespmem:s10+$0x4240]  }
0x622: {  	v8 =	vld [tilespmem:s10+$0x4250]  }
0x623: {  	v2 =	vld [tilespmem:s10+$0x4260]  }
0x624: {  	[tilespmem:s10+$0xC200] =	vst.add.f32.msk $0xffff, v3  }
.Ltmp42:
0x625: {  	[tilespmem:s10+$0xC210] =	vst.add.f32.msk $0xffff, v4;
	(pc) =	sbr.rel @p1 .LBB2_83-.Ltmp42, $4  }
0x626: {  	[tilespmem:s10+$0xC220] =	vst.add.f32.msk $0xffff, v5  }
0x627: {  	[tilespmem:s10+$0xC230] =	vst.add.f32.msk $0xffff, v6  }
0x628: {  	[tilespmem:s10+$0xC240] =	vst.add.f32.msk $0xffff, v7  }
0x629: {  	s21 =	sadd.s32 $0x1000, s21;
	[tilespmem:s10+$0xC250] =	vst.add.f32.msk $0xffff, v8  }
0x62a: {  	[tilespmem:s10+$0xC260] =	vst.add.f32.msk $0xffff, v2;
	s10 =	simm.s32 $0x0  }
0x62b: {  	v2 =	vld [tilespmem:s10+$0x42F0]  }
0x62c: {  	v3 =	vld [tilespmem:s10+$0x4280]  }
0x62d: {  	v4 =	vld [tilespmem:s10+$0x4290]  }
0x62e: {  	v5 =	vld [tilespmem:s10+$0x42A0]  }
0x62f: {  	v6 =	vld [tilespmem:s10+$0x42B0]  }
0x630: {  	v7 =	vld [tilespmem:s10+$0x42C0]  }
0x631: {  	v8 =	vld [tilespmem:s10+$0x42D0]  }
0x632: {  	[tilespmem:s10+$0xC2F0] =	vst.add.f32.msk $0xffff, v2  }
0x633: {  	v2 =	vld [tilespmem:s10+$0x42E0]  }
0x634: {  	[tilespmem:s10+$0xC280] =	vst.add.f32.msk $0xffff, v3  }
0x635: {  	[tilespmem:s10+$0xC290] =	vst.add.f32.msk $0xffff, v4  }
0x636: {  	[tilespmem:s10+$0xC2A0] =	vst.add.f32.msk $0xffff, v5  }
0x637: {  	[tilespmem:s10+$0xC2B0] =	vst.add.f32.msk $0xffff, v6  }
0x638: {  	[tilespmem:s10+$0xC2C0] =	vst.add.f32.msk $0xffff, v7  }
0x639: {  	s6 =	simm.s32 $0x0;
	s21 =	simm.s32 $0x1000;
	[tilespmem:s10+$0xC2D0] =	vst.add.f32.msk $0xffff, v8  }
.LBB2_85:
0x63a: {  	s6 =	sadd.s32 $0x8, s6;
	[tilespmem:s10+$0xC2E0] =	vst.add.f32.msk $0xffff, v2;
	s10 =	sshra.s32 s21, $0x2  }
0x63b: {  	v2 =	vld [tilespmem:s10+$0x42F0];
	p1 =	slt.u32 s6, $0x78  }
0x63c: {  	v3 =	vld [tilespmem:s10+$0x4280]  }
0x63d: {  	v4 =	vld [tilespmem:s10+$0x4290]  }
0x63e: {  	v5 =	vld [tilespmem:s10+$0x42A0]  }
0x63f: {  	v6 =	vld [tilespmem:s10+$0x42B0]  }
0x640: {  	[tilespmem:s10+$0xC2F0] =	vst.add.f32.msk $0xffff, v2  }
0x641: {  	v7 =	vld [tilespmem:s10+$0x42C0]  }
0x642: {  	v8 =	vld [tilespmem:s10+$0x42D0]  }
0x643: {  	v2 =	vld [tilespmem:s10+$0x42E0]  }
0x644: {  	[tilespmem:s10+$0xC280] =	vst.add.f32.msk $0xffff, v3  }
.Ltmp43:
0x645: {  	[tilespmem:s10+$0xC290] =	vst.add.f32.msk $0xffff, v4;
	(pc) =	sbr.rel @p1 .LBB2_85-.Ltmp43, $4  }
0x646: {  	[tilespmem:s10+$0xC2A0] =	vst.add.f32.msk $0xffff, v5  }
0x647: {  	[tilespmem:s10+$0xC2B0] =	vst.add.f32.msk $0xffff, v6  }
0x648: {  	[tilespmem:s10+$0xC2C0] =	vst.add.f32.msk $0xffff, v7  }
0x649: {  	s21 =	sadd.s32 $0x1000, s21;
	[tilespmem:s10+$0xC2D0] =	vst.add.f32.msk $0xffff, v8  }
0x64a: {  	[tilespmem:s10+$0xC2E0] =	vst.add.f32.msk $0xffff, v2;
	s10 =	simm.s32 $0x0  }
0x64b: {  	v2 =	vld [tilespmem:s10+$0x4370]  }
0x64c: {  	v3 =	vld [tilespmem:s10+$0x4300]  }
0x64d: {  	v4 =	vld [tilespmem:s10+$0x4310]  }
0x64e: {  	v5 =	vld [tilespmem:s10+$0x4320]  }
0x64f: {  	v6 =	vld [tilespmem:s10+$0x4330]  }
0x650: {  	v7 =	vld [tilespmem:s10+$0x4340]  }
0x651: {  	v8 =	vld [tilespmem:s10+$0x4350]  }
0x652: {  	[tilespmem:s10+$0xC370] =	vst.add.f32.msk $0xffff, v2  }
0x653: {  	v2 =	vld [tilespmem:s10+$0x4360]  }
0x654: {  	[tilespmem:s10+$0xC300] =	vst.add.f32.msk $0xffff, v3  }
0x655: {  	[tilespmem:s10+$0xC310] =	vst.add.f32.msk $0xffff, v4  }
0x656: {  	[tilespmem:s10+$0xC320] =	vst.add.f32.msk $0xffff, v5  }
0x657: {  	[tilespmem:s10+$0xC330] =	vst.add.f32.msk $0xffff, v6  }
0x658: {  	[tilespmem:s10+$0xC340] =	vst.add.f32.msk $0xffff, v7  }
0x659: {  	s6 =	simm.s32 $0x0;
	s21 =	simm.s32 $0x1000;
	[tilespmem:s10+$0xC350] =	vst.add.f32.msk $0xffff, v8  }
.LBB2_87:
0x65a: {  	s6 =	sadd.s32 $0x8, s6;
	[tilespmem:s10+$0xC360] =	vst.add.f32.msk $0xffff, v2;
	s10 =	sshra.s32 s21, $0x2  }
0x65b: {  	v2 =	vld [tilespmem:s10+$0x4370];
	p1 =	slt.u32 s6, $0x78  }
0x65c: {  	v3 =	vld [tilespmem:s10+$0x4300]  }
0x65d: {  	v4 =	vld [tilespmem:s10+$0x4310]  }
0x65e: {  	v5 =	vld [tilespmem:s10+$0x4320]  }
0x65f: {  	v6 =	vld [tilespmem:s10+$0x4330]  }
0x660: {  	[tilespmem:s10+$0xC370] =	vst.add.f32.msk $0xffff, v2  }
0x661: {  	v7 =	vld [tilespmem:s10+$0x4340]  }
0x662: {  	v8 =	vld [tilespmem:s10+$0x4350]  }
0x663: {  	v2 =	vld [tilespmem:s10+$0x4360]  }
0x664: {  	[tilespmem:s10+$0xC300] =	vst.add.f32.msk $0xffff, v3  }
.Ltmp44:
0x665: {  	[tilespmem:s10+$0xC310] =	vst.add.f32.msk $0xffff, v4;
	(pc) =	sbr.rel @p1 .LBB2_87-.Ltmp44, $4  }
0x666: {  	[tilespmem:s10+$0xC320] =	vst.add.f32.msk $0xffff, v5  }
0x667: {  	[tilespmem:s10+$0xC330] =	vst.add.f32.msk $0xffff, v6  }
0x668: {  	[tilespmem:s10+$0xC340] =	vst.add.f32.msk $0xffff, v7  }
0x669: {  	s21 =	sadd.s32 $0x1000, s21;
	[tilespmem:s10+$0xC350] =	vst.add.f32.msk $0xffff, v8  }
0x66a: {  	[tilespmem:s10+$0xC360] =	vst.add.f32.msk $0xffff, v2;
	s10 =	simm.s32 $0x0  }
0x66b: {  	v2 =	vld [tilespmem:s10+$0x43F0]  }
0x66c: {  	v3 =	vld [tilespmem:s10+$0x4380]  }
0x66d: {  	v4 =	vld [tilespmem:s10+$0x4390]  }
0x66e: {  	v5 =	vld [tilespmem:s10+$0x43A0]  }
0x66f: {  	v6 =	vld [tilespmem:s10+$0x43B0]  }
0x670: {  	v7 =	vld [tilespmem:s10+$0x43C0]  }
0x671: {  	v8 =	vld [tilespmem:s10+$0x43D0]  }
0x672: {  	[tilespmem:s10+$0xC3F0] =	vst.add.f32.msk $0xffff, v2  }
0x673: {  	v2 =	vld [tilespmem:s10+$0x43E0]  }
0x674: {  	[tilespmem:s10+$0xC380] =	vst.add.f32.msk $0xffff, v3  }
0x675: {  	[tilespmem:s10+$0xC390] =	vst.add.f32.msk $0xffff, v4  }
0x676: {  	[tilespmem:s10+$0xC3A0] =	vst.add.f32.msk $0xffff, v5  }
0x677: {  	[tilespmem:s10+$0xC3B0] =	vst.add.f32.msk $0xffff, v6  }
0x678: {  	[tilespmem:s10+$0xC3C0] =	vst.add.f32.msk $0xffff, v7  }
0x679: {  	s6 =	simm.s32 $0x0;
	s21 =	simm.s32 $0x1000;
	[tilespmem:s10+$0xC3D0] =	vst.add.f32.msk $0xffff, v8  }
.LBB2_89:
0x67a: {  	s6 =	sadd.s32 $0x8, s6;
	[tilespmem:s10+$0xC3E0] =	vst.add.f32.msk $0xffff, v2;
	s10 =	sshra.s32 s21, $0x2  }
0x67b: {  	v2 =	vld [tilespmem:s10+$0x43F0];
	p1 =	slt.u32 s6, $0x78  }
0x67c: {  	v3 =	vld [tilespmem:s10+$0x4380]  }
0x67d: {  	v4 =	vld [tilespmem:s10+$0x4390]  }
0x67e: {  	v5 =	vld [tilespmem:s10+$0x43A0]  }
0x67f: {  	v6 =	vld [tilespmem:s10+$0x43B0]  }
0x680: {  	[tilespmem:s10+$0xC3F0] =	vst.add.f32.msk $0xffff, v2  }
0x681: {  	v7 =	vld [tilespmem:s10+$0x43C0]  }
0x682: {  	v8 =	vld [tilespmem:s10+$0x43D0]  }
0x683: {  	v2 =	vld [tilespmem:s10+$0x43E0]  }
0x684: {  	[tilespmem:s10+$0xC380] =	vst.add.f32.msk $0xffff, v3  }
.Ltmp45:
0x685: {  	[tilespmem:s10+$0xC390] =	vst.add.f32.msk $0xffff, v4;
	(pc) =	sbr.rel @p1 .LBB2_89-.Ltmp45, $4  }
0x686: {  	[tilespmem:s10+$0xC3A0] =	vst.add.f32.msk $0xffff, v5  }
0x687: {  	[tilespmem:s10+$0xC3B0] =	vst.add.f32.msk $0xffff, v6  }
0x688: {  	[tilespmem:s10+$0xC3C0] =	vst.add.f32.msk $0xffff, v7  }
0x689: {  	s21 =	sadd.s32 $0x1000, s21;
	[tilespmem:s10+$0xC3D0] =	vst.add.f32.msk $0xffff, v8  }
0x68a: {  	[tilespmem:s10+$0xC3E0] =	vst.add.f32.msk $0xffff, v2;
	s10 =	simm.s32 $0x0  }
0x68b: {  	v2 =	vld [tilespmem:s10+$0x4470]  }
0x68c: {  	v3 =	vld [tilespmem:s10+$0x4400]  }
0x68d: {  	v4 =	vld [tilespmem:s10+$0x4410]  }
0x68e: {  	v5 =	vld [tilespmem:s10+$0x4420]  }
0x68f: {  	v6 =	vld [tilespmem:s10+$0x4430]  }
0x690: {  	v7 =	vld [tilespmem:s10+$0x4440]  }
0x691: {  	v8 =	vld [tilespmem:s10+$0x4450]  }
0x692: {  	[tilespmem:s10+$0xC470] =	vst.add.f32.msk $0xffff, v2  }
0x693: {  	v2 =	vld [tilespmem:s10+$0x4460]  }
0x694: {  	[tilespmem:s10+$0xC400] =	vst.add.f32.msk $0xffff, v3  }
0x695: {  	[tilespmem:s10+$0xC410] =	vst.add.f32.msk $0xffff, v4  }
0x696: {  	[tilespmem:s10+$0xC420] =	vst.add.f32.msk $0xffff, v5  }
0x697: {  	[tilespmem:s10+$0xC430] =	vst.add.f32.msk $0xffff, v6  }
0x698: {  	[tilespmem:s10+$0xC440] =	vst.add.f32.msk $0xffff, v7  }
0x699: {  	s6 =	simm.s32 $0x0;
	s21 =	simm.s32 $0x1000;
	[tilespmem:s10+$0xC450] =	vst.add.f32.msk $0xffff, v8  }
.LBB2_91:
0x69a: {  	s6 =	sadd.s32 $0x8, s6;
	[tilespmem:s10+$0xC460] =	vst.add.f32.msk $0xffff, v2;
	s10 =	sshra.s32 s21, $0x2  }
0x69b: {  	v2 =	vld [tilespmem:s10+$0x4470];
	p1 =	slt.u32 s6, $0x78  }
0x69c: {  	v3 =	vld [tilespmem:s10+$0x4400]  }
0x69d: {  	v4 =	vld [tilespmem:s10+$0x4410]  }
0x69e: {  	v5 =	vld [tilespmem:s10+$0x4420]  }
0x69f: {  	v6 =	vld [tilespmem:s10+$0x4430]  }
0x6a0: {  	[tilespmem:s10+$0xC470] =	vst.add.f32.msk $0xffff, v2  }
0x6a1: {  	v7 =	vld [tilespmem:s10+$0x4440]  }
0x6a2: {  	v8 =	vld [tilespmem:s10+$0x4450]  }
0x6a3: {  	v2 =	vld [tilespmem:s10+$0x4460]  }
0x6a4: {  	[tilespmem:s10+$0xC400] =	vst.add.f32.msk $0xffff, v3  }
.Ltmp46:
0x6a5: {  	[tilespmem:s10+$0xC410] =	vst.add.f32.msk $0xffff, v4;
	(pc) =	sbr.rel @p1 .LBB2_91-.Ltmp46, $4  }
0x6a6: {  	[tilespmem:s10+$0xC420] =	vst.add.f32.msk $0xffff, v5  }
0x6a7: {  	[tilespmem:s10+$0xC430] =	vst.add.f32.msk $0xffff, v6  }
0x6a8: {  	[tilespmem:s10+$0xC440] =	vst.add.f32.msk $0xffff, v7  }
0x6a9: {  	s21 =	sadd.s32 $0x1000, s21;
	[tilespmem:s10+$0xC450] =	vst.add.f32.msk $0xffff, v8  }
0x6aa: {  	[tilespmem:s10+$0xC460] =	vst.add.f32.msk $0xffff, v2;
	s10 =	simm.s32 $0x0  }
0x6ab: {  	v2 =	vld [tilespmem:s10+$0x44F0]  }
0x6ac: {  	v3 =	vld [tilespmem:s10+$0x4480]  }
0x6ad: {  	v4 =	vld [tilespmem:s10+$0x4490]  }
0x6ae: {  	v5 =	vld [tilespmem:s10+$0x44A0]  }
0x6af: {  	v6 =	vld [tilespmem:s10+$0x44B0]  }
0x6b0: {  	v7 =	vld [tilespmem:s10+$0x44C0]  }
0x6b1: {  	v8 =	vld [tilespmem:s10+$0x44D0]  }
0x6b2: {  	[tilespmem:s10+$0xC4F0] =	vst.add.f32.msk $0xffff, v2  }
0x6b3: {  	v2 =	vld [tilespmem:s10+$0x44E0]  }
0x6b4: {  	[tilespmem:s10+$0xC480] =	vst.add.f32.msk $0xffff, v3  }
0x6b5: {  	[tilespmem:s10+$0xC490] =	vst.add.f32.msk $0xffff, v4  }
0x6b6: {  	[tilespmem:s10+$0xC4A0] =	vst.add.f32.msk $0xffff, v5  }
0x6b7: {  	[tilespmem:s10+$0xC4B0] =	vst.add.f32.msk $0xffff, v6  }
0x6b8: {  	[tilespmem:s10+$0xC4C0] =	vst.add.f32.msk $0xffff, v7  }
0x6b9: {  	s6 =	simm.s32 $0x0;
	s21 =	simm.s32 $0x1000;
	[tilespmem:s10+$0xC4D0] =	vst.add.f32.msk $0xffff, v8  }
.LBB2_93:
0x6ba: {  	s6 =	sadd.s32 $0x8, s6;
	[tilespmem:s10+$0xC4E0] =	vst.add.f32.msk $0xffff, v2;
	s10 =	sshra.s32 s21, $0x2  }
0x6bb: {  	v2 =	vld [tilespmem:s10+$0x44F0];
	p1 =	slt.u32 s6, $0x78  }
0x6bc: {  	v3 =	vld [tilespmem:s10+$0x4480]  }
0x6bd: {  	v4 =	vld [tilespmem:s10+$0x4490]  }
0x6be: {  	v5 =	vld [tilespmem:s10+$0x44A0]  }
0x6bf: {  	v6 =	vld [tilespmem:s10+$0x44B0]  }
0x6c0: {  	[tilespmem:s10+$0xC4F0] =	vst.add.f32.msk $0xffff, v2  }
0x6c1: {  	v7 =	vld [tilespmem:s10+$0x44C0]  }
0x6c2: {  	v8 =	vld [tilespmem:s10+$0x44D0]  }
0x6c3: {  	v2 =	vld [tilespmem:s10+$0x44E0]  }
0x6c4: {  	[tilespmem:s10+$0xC480] =	vst.add.f32.msk $0xffff, v3  }
.Ltmp47:
0x6c5: {  	[tilespmem:s10+$0xC490] =	vst.add.f32.msk $0xffff, v4;
	(pc) =	sbr.rel @p1 .LBB2_93-.Ltmp47, $4  }
0x6c6: {  	[tilespmem:s10+$0xC4A0] =	vst.add.f32.msk $0xffff, v5  }
0x6c7: {  	[tilespmem:s10+$0xC4B0] =	vst.add.f32.msk $0xffff, v6  }
0x6c8: {  	[tilespmem:s10+$0xC4C0] =	vst.add.f32.msk $0xffff, v7  }
0x6c9: {  	s21 =	sadd.s32 $0x1000, s21;
	[tilespmem:s10+$0xC4D0] =	vst.add.f32.msk $0xffff, v8  }
0x6ca: {  	[tilespmem:s10+$0xC4E0] =	vst.add.f32.msk $0xffff, v2;
	s10 =	simm.s32 $0x0  }
0x6cb: {  	v2 =	vld [tilespmem:s10+$0x4570]  }
0x6cc: {  	v3 =	vld [tilespmem:s10+$0x4500]  }
0x6cd: {  	v4 =	vld [tilespmem:s10+$0x4510]  }
0x6ce: {  	v5 =	vld [tilespmem:s10+$0x4520]  }
0x6cf: {  	v6 =	vld [tilespmem:s10+$0x4530]  }
0x6d0: {  	v7 =	vld [tilespmem:s10+$0x4540]  }
0x6d1: {  	v8 =	vld [tilespmem:s10+$0x4550]  }
0x6d2: {  	[tilespmem:s10+$0xC570] =	vst.add.f32.msk $0xffff, v2  }
0x6d3: {  	v2 =	vld [tilespmem:s10+$0x4560]  }
0x6d4: {  	[tilespmem:s10+$0xC500] =	vst.add.f32.msk $0xffff, v3  }
0x6d5: {  	[tilespmem:s10+$0xC510] =	vst.add.f32.msk $0xffff, v4  }
0x6d6: {  	[tilespmem:s10+$0xC520] =	vst.add.f32.msk $0xffff, v5  }
0x6d7: {  	[tilespmem:s10+$0xC530] =	vst.add.f32.msk $0xffff, v6  }
0x6d8: {  	[tilespmem:s10+$0xC540] =	vst.add.f32.msk $0xffff, v7  }
0x6d9: {  	s6 =	simm.s32 $0x0;
	s21 =	simm.s32 $0x1000;
	[tilespmem:s10+$0xC550] =	vst.add.f32.msk $0xffff, v8  }
.LBB2_95:
0x6da: {  	s6 =	sadd.s32 $0x8, s6;
	[tilespmem:s10+$0xC560] =	vst.add.f32.msk $0xffff, v2;
	s10 =	sshra.s32 s21, $0x2  }
0x6db: {  	v2 =	vld [tilespmem:s10+$0x4570];
	p1 =	slt.u32 s6, $0x78  }
0x6dc: {  	v3 =	vld [tilespmem:s10+$0x4500]  }
0x6dd: {  	v4 =	vld [tilespmem:s10+$0x4510]  }
0x6de: {  	v5 =	vld [tilespmem:s10+$0x4520]  }
0x6df: {  	v6 =	vld [tilespmem:s10+$0x4530]  }
0x6e0: {  	[tilespmem:s10+$0xC570] =	vst.add.f32.msk $0xffff, v2  }
0x6e1: {  	v7 =	vld [tilespmem:s10+$0x4540]  }
0x6e2: {  	v8 =	vld [tilespmem:s10+$0x4550]  }
0x6e3: {  	v2 =	vld [tilespmem:s10+$0x4560]  }
0x6e4: {  	[tilespmem:s10+$0xC500] =	vst.add.f32.msk $0xffff, v3  }
.Ltmp48:
0x6e5: {  	[tilespmem:s10+$0xC510] =	vst.add.f32.msk $0xffff, v4;
	(pc) =	sbr.rel @p1 .LBB2_95-.Ltmp48, $4  }
0x6e6: {  	[tilespmem:s10+$0xC520] =	vst.add.f32.msk $0xffff, v5  }
0x6e7: {  	[tilespmem:s10+$0xC530] =	vst.add.f32.msk $0xffff, v6  }
0x6e8: {  	[tilespmem:s10+$0xC540] =	vst.add.f32.msk $0xffff, v7  }
0x6e9: {  	s21 =	sadd.s32 $0x1000, s21;
	[tilespmem:s10+$0xC550] =	vst.add.f32.msk $0xffff, v8  }
0x6ea: {  	[tilespmem:s10+$0xC560] =	vst.add.f32.msk $0xffff, v2;
	s10 =	simm.s32 $0x0  }
0x6eb: {  	v2 =	vld [tilespmem:s10+$0x45F0]  }
0x6ec: {  	v3 =	vld [tilespmem:s10+$0x4580]  }
0x6ed: {  	v4 =	vld [tilespmem:s10+$0x4590]  }
0x6ee: {  	v5 =	vld [tilespmem:s10+$0x45A0]  }
0x6ef: {  	v6 =	vld [tilespmem:s10+$0x45B0]  }
0x6f0: {  	v7 =	vld [tilespmem:s10+$0x45C0]  }
0x6f1: {  	v8 =	vld [tilespmem:s10+$0x45D0]  }
0x6f2: {  	[tilespmem:s10+$0xC5F0] =	vst.add.f32.msk $0xffff, v2  }
0x6f3: {  	v2 =	vld [tilespmem:s10+$0x45E0]  }
0x6f4: {  	[tilespmem:s10+$0xC580] =	vst.add.f32.msk $0xffff, v3  }
0x6f5: {  	[tilespmem:s10+$0xC590] =	vst.add.f32.msk $0xffff, v4  }
0x6f6: {  	[tilespmem:s10+$0xC5A0] =	vst.add.f32.msk $0xffff, v5  }
0x6f7: {  	[tilespmem:s10+$0xC5B0] =	vst.add.f32.msk $0xffff, v6  }
0x6f8: {  	[tilespmem:s10+$0xC5C0] =	vst.add.f32.msk $0xffff, v7  }
0x6f9: {  	s6 =	simm.s32 $0x0;
	s21 =	simm.s32 $0x1000;
	[tilespmem:s10+$0xC5D0] =	vst.add.f32.msk $0xffff, v8  }
.LBB2_97:
0x6fa: {  	s6 =	sadd.s32 $0x8, s6;
	[tilespmem:s10+$0xC5E0] =	vst.add.f32.msk $0xffff, v2;
	s10 =	sshra.s32 s21, $0x2  }
0x6fb: {  	v2 =	vld [tilespmem:s10+$0x45F0];
	p1 =	slt.u32 s6, $0x78  }
0x6fc: {  	v3 =	vld [tilespmem:s10+$0x4580]  }
0x6fd: {  	v4 =	vld [tilespmem:s10+$0x4590]  }
0x6fe: {  	v5 =	vld [tilespmem:s10+$0x45A0]  }
0x6ff: {  	v6 =	vld [tilespmem:s10+$0x45B0]  }
0x700: {  	[tilespmem:s10+$0xC5F0] =	vst.add.f32.msk $0xffff, v2  }
0x701: {  	v7 =	vld [tilespmem:s10+$0x45C0]  }
0x702: {  	v8 =	vld [tilespmem:s10+$0x45D0]  }
0x703: {  	v2 =	vld [tilespmem:s10+$0x45E0]  }
0x704: {  	[tilespmem:s10+$0xC580] =	vst.add.f32.msk $0xffff, v3  }
.Ltmp49:
0x705: {  	[tilespmem:s10+$0xC590] =	vst.add.f32.msk $0xffff, v4;
	(pc) =	sbr.rel @p1 .LBB2_97-.Ltmp49, $4  }
0x706: {  	[tilespmem:s10+$0xC5A0] =	vst.add.f32.msk $0xffff, v5  }
0x707: {  	[tilespmem:s10+$0xC5B0] =	vst.add.f32.msk $0xffff, v6  }
0x708: {  	[tilespmem:s10+$0xC5C0] =	vst.add.f32.msk $0xffff, v7  }
0x709: {  	s21 =	sadd.s32 $0x1000, s21;
	[tilespmem:s10+$0xC5D0] =	vst.add.f32.msk $0xffff, v8  }
0x70a: {  	s0 =	sshrl.u32 s0, $0x2  }
0x70b: {  	s0 =	sadd.s32 s5, s0  }
0x70c: {  	[tilespmem:s10+$0xC5E0] =	vst.add.f32.msk $0xffff, v2;
	s0 =	sshll.u32 s0, $0xB  }
0x70d: {  	s6 =	rddreg [dreg:$0xc];
	s0 =	sand.u32 $0x1FEFF800, s0  }
0x70e: {  	s0 =	sadd.s32 s0, s6;
	s6 =	simm.s32 $0x0  }
0x70f: {  	[hbm4b:s0+s6] =	stream.linear.scatter [tilespmem:s20], [sflag:$0x8], $0x4000, $0x38;
	[tilespmem:$0x18200] =	vst v63  }
0x710: {  	s21 =	simm.s32 $0xA;
	s0 =	sor.u32 $0x7, s31  }
0x711: {  	_ =	swait.ge [sflag:s21], $0x4000;
	s31 =	sshll.u32 s0, $0x1  }
0x712: {  	[sflag:s21] =	ssyncset.done $0x0;
	s10 =	sand.u32 $0x78, s31  }
0x713: {  	[sflag:s21] =	ssyncadd.s32 $0xFFFFC000;
	s10 =	sor.u32 $0x180, s10  }
0x714: {  	v2 =	vld.msk [tilespmem:s10+$0x0], $0xff;
	_ =	sdelay $0x4  }
0x715: {  	v3 =	vshll.u32 v2, $0x4  }
0x716: {  	v2 =	vand.u32 $0x7, v2;
	v3 =	vand.u32 $0xFFFFFF80, v3  }
0x717: {  	v2 =	vor.u32 v2, v3  }
0x718: {  	v2 =	vperm.xlane v2, v0;
	_ =	sdelay $0x1  }
0x719: {  	v2 =	vadd.s32 v1, v2;
	_ =	sdelay $0x4  }
0x71a: {  	[tilespmem:s3], [sflag:$0x6] =	stream.indirect_vreg.gather [hbm4b:s2+s6], $0x80, v2, vm0, $0xb8;
	[tilespmem:$0x18200] =	vst v63  }
0x71b: {  	s31 =	simm.s32 $0x14A00  }
0x71c: {  	[tilespmem:s31], [sflag:$0x6] =	stream.indirect_vreg.gather [hbm4b:s11+s6], $0x80, v2, vm0, $0xb8;
	[tilespmem:$0x18200] =	vst v63  }
0x71d: {  	s21 =	simm.s32 $0x15200  }
0x71e: {  	[tilespmem:s21], [sflag:$0x6] =	stream.indirect_vreg.gather [hbm4b:s12+s6], $0x80, v2, vm0, $0xb8;
	[tilespmem:$0x18200] =	vst v63  }
0x71f: {  	s31 =	simm.s32 $0x15A00  }
0x720: {  	[tilespmem:s31], [sflag:$0x6] =	stream.indirect_vreg.gather [hbm4b:s13+s6], $0x80, v2, vm0, $0xb8;
	[tilespmem:$0x18200] =	vst v63  }
0x721: {  	s21 =	simm.s32 $0x16200  }
0x722: {  	[tilespmem:s21], [sflag:$0x6] =	stream.indirect_vreg.gather [hbm4b:s14+s6], $0x80, v2, vm0, $0xb8;
	[tilespmem:$0x18200] =	vst v63  }
0x723: {  	s31 =	simm.s32 $0x16A00  }
0x724: {  	[tilespmem:s31], [sflag:$0x6] =	stream.indirect_vreg.gather [hbm4b:s15+s6], $0x80, v2, vm0, $0xb8;
	[tilespmem:$0x18200] =	vst v63  }
0x725: {  	s21 =	simm.s32 $0x17200  }
0x726: {  	[tilespmem:s21], [sflag:$0x6] =	stream.indirect_vreg.gather [hbm4b:s17+s6], $0x80, v2, vm0, $0xb8;
	[tilespmem:$0x18200] =	vst v63  }
0x727: {  	s31 =	simm.s32 $0x17A00  }
0x728: {  	[tilespmem:s31], [sflag:$0x6] =	stream.indirect_vreg.gather [hbm4b:s18+s6], $0x80, v2, vm0, $0xb8;
	[tilespmem:$0x18200] =	vst v63  }
0x729: {  	_ =	swait.ge [sflag:s26], $0x4000  }
0x72a: {  	[sflag:s26] =	ssyncset.done $0x0  }
0x72b: {  	s10 =	simm.s32 $0x0;
	[sflag:s26] =	ssyncadd.s32 $0xFFFFC000  }
0x72c: {  	v2 =	vld [tilespmem:s10+$0x4270]  }
0x72d: {  	v3 =	vld [tilespmem:s10+$0x4200]  }
0x72e: {  	v4 =	vld [tilespmem:s10+$0x4210]  }
0x72f: {  	v5 =	vld [tilespmem:s10+$0x4220]  }
0x730: {  	v6 =	vld [tilespmem:s10+$0x4230]  }
0x731: {  	v7 =	vld [tilespmem:s10+$0x4240]  }
0x732: {  	v8 =	vld [tilespmem:s10+$0x4250]  }
0x733: {  	[tilespmem:s10+$0x10270] =	vst.add.f32.msk $0xffff, v2  }
0x734: {  	v2 =	vld [tilespmem:s10+$0x4260]  }
0x735: {  	[tilespmem:s10+$0x10200] =	vst.add.f32.msk $0xffff, v3  }
0x736: {  	[tilespmem:s10+$0x10210] =	vst.add.f32.msk $0xffff, v4  }
0x737: {  	[tilespmem:s10+$0x10220] =	vst.add.f32.msk $0xffff, v5  }
0x738: {  	[tilespmem:s10+$0x10230] =	vst.add.f32.msk $0xffff, v6  }
0x739: {  	[tilespmem:s10+$0x10240] =	vst.add.f32.msk $0xffff, v7  }
0x73a: {  	s21 =	simm.s32 $0x1000;
	s6 =	simm.s32 $0x0;
	[tilespmem:s10+$0x10250] =	vst.add.f32.msk $0xffff, v8  }
.LBB2_99:
0x73b: {  	s6 =	sadd.s32 $0x8, s6;
	[tilespmem:s10+$0x10260] =	vst.add.f32.msk $0xffff, v2;
	s10 =	sshra.s32 s21, $0x2  }
0x73c: {  	v2 =	vld [tilespmem:s10+$0x4270];
	p1 =	slt.u32 s6, $0x78  }
0x73d: {  	v3 =	vld [tilespmem:s10+$0x4200]  }
0x73e: {  	v4 =	vld [tilespmem:s10+$0x4210]  }
0x73f: {  	v5 =	vld [tilespmem:s10+$0x4220]  }
0x740: {  	v6 =	vld [tilespmem:s10+$0x4230]  }
0x741: {  	[tilespmem:s10+$0x10270] =	vst.add.f32.msk $0xffff, v2  }
0x742: {  	v7 =	vld [tilespmem:s10+$0x4240]  }
0x743: {  	v8 =	vld [tilespmem:s10+$0x4250]  }
0x744: {  	v2 =	vld [tilespmem:s10+$0x4260]  }
0x745: {  	[tilespmem:s10+$0x10200] =	vst.add.f32.msk $0xffff, v3  }
.Ltmp50:
0x746: {  	[tilespmem:s10+$0x10210] =	vst.add.f32.msk $0xffff, v4;
	(pc) =	sbr.rel @p1 .LBB2_99-.Ltmp50, $4  }
0x747: {  	[tilespmem:s10+$0x10220] =	vst.add.f32.msk $0xffff, v5  }
0x748: {  	[tilespmem:s10+$0x10230] =	vst.add.f32.msk $0xffff, v6  }
0x749: {  	[tilespmem:s10+$0x10240] =	vst.add.f32.msk $0xffff, v7  }
0x74a: {  	s21 =	sadd.s32 $0x1000, s21;
	[tilespmem:s10+$0x10250] =	vst.add.f32.msk $0xffff, v8  }
0x74b: {  	[tilespmem:s10+$0x10260] =	vst.add.f32.msk $0xffff, v2;
	s10 =	simm.s32 $0x0  }
0x74c: {  	v2 =	vld [tilespmem:s10+$0x42F0]  }
0x74d: {  	v3 =	vld [tilespmem:s10+$0x4280]  }
0x74e: {  	v4 =	vld [tilespmem:s10+$0x4290]  }
0x74f: {  	v5 =	vld [tilespmem:s10+$0x42A0]  }
0x750: {  	v6 =	vld [tilespmem:s10+$0x42B0]  }
0x751: {  	v7 =	vld [tilespmem:s10+$0x42C0]  }
0x752: {  	v8 =	vld [tilespmem:s10+$0x42D0]  }
0x753: {  	[tilespmem:s10+$0x102F0] =	vst.add.f32.msk $0xffff, v2  }
0x754: {  	v2 =	vld [tilespmem:s10+$0x42E0]  }
0x755: {  	[tilespmem:s10+$0x10280] =	vst.add.f32.msk $0xffff, v3  }
0x756: {  	[tilespmem:s10+$0x10290] =	vst.add.f32.msk $0xffff, v4  }
0x757: {  	[tilespmem:s10+$0x102A0] =	vst.add.f32.msk $0xffff, v5  }
0x758: {  	[tilespmem:s10+$0x102B0] =	vst.add.f32.msk $0xffff, v6  }
0x759: {  	[tilespmem:s10+$0x102C0] =	vst.add.f32.msk $0xffff, v7  }
0x75a: {  	s6 =	simm.s32 $0x0;
	s21 =	simm.s32 $0x1000;
	[tilespmem:s10+$0x102D0] =	vst.add.f32.msk $0xffff, v8  }
.LBB2_101:
0x75b: {  	s6 =	sadd.s32 $0x8, s6;
	[tilespmem:s10+$0x102E0] =	vst.add.f32.msk $0xffff, v2;
	s10 =	sshra.s32 s21, $0x2  }
0x75c: {  	v2 =	vld [tilespmem:s10+$0x42F0];
	p1 =	slt.u32 s6, $0x78  }
0x75d: {  	v3 =	vld [tilespmem:s10+$0x4280]  }
0x75e: {  	v4 =	vld [tilespmem:s10+$0x4290]  }
0x75f: {  	v5 =	vld [tilespmem:s10+$0x42A0]  }
0x760: {  	v6 =	vld [tilespmem:s10+$0x42B0]  }
0x761: {  	[tilespmem:s10+$0x102F0] =	vst.add.f32.msk $0xffff, v2  }
0x762: {  	v7 =	vld [tilespmem:s10+$0x42C0]  }
0x763: {  	v8 =	vld [tilespmem:s10+$0x42D0]  }
0x764: {  	v2 =	vld [tilespmem:s10+$0x42E0]  }
0x765: {  	[tilespmem:s10+$0x10280] =	vst.add.f32.msk $0xffff, v3  }
.Ltmp51:
0x766: {  	[tilespmem:s10+$0x10290] =	vst.add.f32.msk $0xffff, v4;
	(pc) =	sbr.rel @p1 .LBB2_101-.Ltmp51, $4  }
0x767: {  	[tilespmem:s10+$0x102A0] =	vst.add.f32.msk $0xffff, v5  }
0x768: {  	[tilespmem:s10+$0x102B0] =	vst.add.f32.msk $0xffff, v6  }
0x769: {  	[tilespmem:s10+$0x102C0] =	vst.add.f32.msk $0xffff, v7  }
0x76a: {  	s21 =	sadd.s32 $0x1000, s21;
	[tilespmem:s10+$0x102D0] =	vst.add.f32.msk $0xffff, v8  }
0x76b: {  	[tilespmem:s10+$0x102E0] =	vst.add.f32.msk $0xffff, v2;
	s10 =	simm.s32 $0x0  }
0x76c: {  	v2 =	vld [tilespmem:s10+$0x4370]  }
0x76d: {  	v3 =	vld [tilespmem:s10+$0x4300]  }
0x76e: {  	v4 =	vld [tilespmem:s10+$0x4310]  }
0x76f: {  	v5 =	vld [tilespmem:s10+$0x4320]  }
0x770: {  	v6 =	vld [tilespmem:s10+$0x4330]  }
0x771: {  	v7 =	vld [tilespmem:s10+$0x4340]  }
0x772: {  	v8 =	vld [tilespmem:s10+$0x4350]  }
0x773: {  	[tilespmem:s10+$0x10370] =	vst.add.f32.msk $0xffff, v2  }
0x774: {  	v2 =	vld [tilespmem:s10+$0x4360]  }
0x775: {  	[tilespmem:s10+$0x10300] =	vst.add.f32.msk $0xffff, v3  }
0x776: {  	[tilespmem:s10+$0x10310] =	vst.add.f32.msk $0xffff, v4  }
0x777: {  	[tilespmem:s10+$0x10320] =	vst.add.f32.msk $0xffff, v5  }
0x778: {  	[tilespmem:s10+$0x10330] =	vst.add.f32.msk $0xffff, v6  }
0x779: {  	[tilespmem:s10+$0x10340] =	vst.add.f32.msk $0xffff, v7  }
0x77a: {  	s6 =	simm.s32 $0x0;
	s21 =	simm.s32 $0x1000;
	[tilespmem:s10+$0x10350] =	vst.add.f32.msk $0xffff, v8  }
.LBB2_103:
0x77b: {  	s6 =	sadd.s32 $0x8, s6;
	[tilespmem:s10+$0x10360] =	vst.add.f32.msk $0xffff, v2;
	s10 =	sshra.s32 s21, $0x2  }
0x77c: {  	v2 =	vld [tilespmem:s10+$0x4370];
	p1 =	slt.u32 s6, $0x78  }
0x77d: {  	v3 =	vld [tilespmem:s10+$0x4300]  }
0x77e: {  	v4 =	vld [tilespmem:s10+$0x4310]  }
0x77f: {  	v5 =	vld [tilespmem:s10+$0x4320]  }
0x780: {  	v6 =	vld [tilespmem:s10+$0x4330]  }
0x781: {  	[tilespmem:s10+$0x10370] =	vst.add.f32.msk $0xffff, v2  }
0x782: {  	v7 =	vld [tilespmem:s10+$0x4340]  }
0x783: {  	v8 =	vld [tilespmem:s10+$0x4350]  }
0x784: {  	v2 =	vld [tilespmem:s10+$0x4360]  }
0x785: {  	[tilespmem:s10+$0x10300] =	vst.add.f32.msk $0xffff, v3  }
.Ltmp52:
0x786: {  	[tilespmem:s10+$0x10310] =	vst.add.f32.msk $0xffff, v4;
	(pc) =	sbr.rel @p1 .LBB2_103-.Ltmp52, $4  }
0x787: {  	[tilespmem:s10+$0x10320] =	vst.add.f32.msk $0xffff, v5  }
0x788: {  	[tilespmem:s10+$0x10330] =	vst.add.f32.msk $0xffff, v6  }
0x789: {  	[tilespmem:s10+$0x10340] =	vst.add.f32.msk $0xffff, v7  }
0x78a: {  	s21 =	sadd.s32 $0x1000, s21;
	[tilespmem:s10+$0x10350] =	vst.add.f32.msk $0xffff, v8  }
0x78b: {  	[tilespmem:s10+$0x10360] =	vst.add.f32.msk $0xffff, v2;
	s10 =	simm.s32 $0x0  }
0x78c: {  	v2 =	vld [tilespmem:s10+$0x43F0]  }
0x78d: {  	v3 =	vld [tilespmem:s10+$0x4380]  }
0x78e: {  	v4 =	vld [tilespmem:s10+$0x4390]  }
0x78f: {  	v5 =	vld [tilespmem:s10+$0x43A0]  }
0x790: {  	v6 =	vld [tilespmem:s10+$0x43B0]  }
0x791: {  	v7 =	vld [tilespmem:s10+$0x43C0]  }
0x792: {  	v8 =	vld [tilespmem:s10+$0x43D0]  }
0x793: {  	[tilespmem:s10+$0x103F0] =	vst.add.f32.msk $0xffff, v2  }
0x794: {  	v2 =	vld [tilespmem:s10+$0x43E0]  }
0x795: {  	[tilespmem:s10+$0x10380] =	vst.add.f32.msk $0xffff, v3  }
0x796: {  	[tilespmem:s10+$0x10390] =	vst.add.f32.msk $0xffff, v4  }
0x797: {  	[tilespmem:s10+$0x103A0] =	vst.add.f32.msk $0xffff, v5  }
0x798: {  	[tilespmem:s10+$0x103B0] =	vst.add.f32.msk $0xffff, v6  }
0x799: {  	[tilespmem:s10+$0x103C0] =	vst.add.f32.msk $0xffff, v7  }
0x79a: {  	s6 =	simm.s32 $0x0;
	s21 =	simm.s32 $0x1000;
	[tilespmem:s10+$0x103D0] =	vst.add.f32.msk $0xffff, v8  }
.LBB2_105:
0x79b: {  	s6 =	sadd.s32 $0x8, s6;
	[tilespmem:s10+$0x103E0] =	vst.add.f32.msk $0xffff, v2;
	s10 =	sshra.s32 s21, $0x2  }
0x79c: {  	v2 =	vld [tilespmem:s10+$0x43F0];
	p1 =	slt.u32 s6, $0x78  }
0x79d: {  	v3 =	vld [tilespmem:s10+$0x4380]  }
0x79e: {  	v4 =	vld [tilespmem:s10+$0x4390]  }
0x79f: {  	v5 =	vld [tilespmem:s10+$0x43A0]  }
0x7a0: {  	v6 =	vld [tilespmem:s10+$0x43B0]  }
0x7a1: {  	[tilespmem:s10+$0x103F0] =	vst.add.f32.msk $0xffff, v2  }
0x7a2: {  	v7 =	vld [tilespmem:s10+$0x43C0]  }
0x7a3: {  	v8 =	vld [tilespmem:s10+$0x43D0]  }
0x7a4: {  	v2 =	vld [tilespmem:s10+$0x43E0]  }
0x7a5: {  	[tilespmem:s10+$0x10380] =	vst.add.f32.msk $0xffff, v3  }
.Ltmp53:
0x7a6: {  	[tilespmem:s10+$0x10390] =	vst.add.f32.msk $0xffff, v4;
	(pc) =	sbr.rel @p1 .LBB2_105-.Ltmp53, $4  }
0x7a7: {  	[tilespmem:s10+$0x103A0] =	vst.add.f32.msk $0xffff, v5  }
0x7a8: {  	[tilespmem:s10+$0x103B0] =	vst.add.f32.msk $0xffff, v6  }
0x7a9: {  	[tilespmem:s10+$0x103C0] =	vst.add.f32.msk $0xffff, v7  }
0x7aa: {  	s21 =	sadd.s32 $0x1000, s21;
	[tilespmem:s10+$0x103D0] =	vst.add.f32.msk $0xffff, v8  }
0x7ab: {  	[tilespmem:s10+$0x103E0] =	vst.add.f32.msk $0xffff, v2;
	s10 =	simm.s32 $0x0  }
0x7ac: {  	v2 =	vld [tilespmem:s10+$0x4470]  }
0x7ad: {  	v3 =	vld [tilespmem:s10+$0x4400]  }
0x7ae: {  	v4 =	vld [tilespmem:s10+$0x4410]  }
0x7af: {  	v5 =	vld [tilespmem:s10+$0x4420]  }
0x7b0: {  	v6 =	vld [tilespmem:s10+$0x4430]  }
0x7b1: {  	v7 =	vld [tilespmem:s10+$0x4440]  }
0x7b2: {  	v8 =	vld [tilespmem:s10+$0x4450]  }
0x7b3: {  	[tilespmem:s10+$0x10470] =	vst.add.f32.msk $0xffff, v2  }
0x7b4: {  	v2 =	vld [tilespmem:s10+$0x4460]  }
0x7b5: {  	[tilespmem:s10+$0x10400] =	vst.add.f32.msk $0xffff, v3  }
0x7b6: {  	[tilespmem:s10+$0x10410] =	vst.add.f32.msk $0xffff, v4  }
0x7b7: {  	[tilespmem:s10+$0x10420] =	vst.add.f32.msk $0xffff, v5  }
0x7b8: {  	[tilespmem:s10+$0x10430] =	vst.add.f32.msk $0xffff, v6  }
0x7b9: {  	[tilespmem:s10+$0x10440] =	vst.add.f32.msk $0xffff, v7  }
0x7ba: {  	s6 =	simm.s32 $0x0;
	s21 =	simm.s32 $0x1000;
	[tilespmem:s10+$0x10450] =	vst.add.f32.msk $0xffff, v8  }
.LBB2_107:
0x7bb: {  	s6 =	sadd.s32 $0x8, s6;
	[tilespmem:s10+$0x10460] =	vst.add.f32.msk $0xffff, v2;
	s10 =	sshra.s32 s21, $0x2  }
0x7bc: {  	v2 =	vld [tilespmem:s10+$0x4470];
	p1 =	slt.u32 s6, $0x78  }
0x7bd: {  	v3 =	vld [tilespmem:s10+$0x4400]  }
0x7be: {  	v4 =	vld [tilespmem:s10+$0x4410]  }
0x7bf: {  	v5 =	vld [tilespmem:s10+$0x4420]  }
0x7c0: {  	v6 =	vld [tilespmem:s10+$0x4430]  }
0x7c1: {  	[tilespmem:s10+$0x10470] =	vst.add.f32.msk $0xffff, v2  }
0x7c2: {  	v7 =	vld [tilespmem:s10+$0x4440]  }
0x7c3: {  	v8 =	vld [tilespmem:s10+$0x4450]  }
0x7c4: {  	v2 =	vld [tilespmem:s10+$0x4460]  }
0x7c5: {  	[tilespmem:s10+$0x10400] =	vst.add.f32.msk $0xffff, v3  }
.Ltmp54:
0x7c6: {  	[tilespmem:s10+$0x10410] =	vst.add.f32.msk $0xffff, v4;
	(pc) =	sbr.rel @p1 .LBB2_107-.Ltmp54, $4  }
0x7c7: {  	[tilespmem:s10+$0x10420] =	vst.add.f32.msk $0xffff, v5  }
0x7c8: {  	[tilespmem:s10+$0x10430] =	vst.add.f32.msk $0xffff, v6  }
0x7c9: {  	[tilespmem:s10+$0x10440] =	vst.add.f32.msk $0xffff, v7  }
0x7ca: {  	s21 =	sadd.s32 $0x1000, s21;
	[tilespmem:s10+$0x10450] =	vst.add.f32.msk $0xffff, v8  }
0x7cb: {  	[tilespmem:s10+$0x10460] =	vst.add.f32.msk $0xffff, v2;
	s10 =	simm.s32 $0x0  }
0x7cc: {  	v2 =	vld [tilespmem:s10+$0x44F0]  }
0x7cd: {  	v3 =	vld [tilespmem:s10+$0x4480]  }
0x7ce: {  	v4 =	vld [tilespmem:s10+$0x4490]  }
0x7cf: {  	v5 =	vld [tilespmem:s10+$0x44A0]  }
0x7d0: {  	v6 =	vld [tilespmem:s10+$0x44B0]  }
0x7d1: {  	v7 =	vld [tilespmem:s10+$0x44C0]  }
0x7d2: {  	v8 =	vld [tilespmem:s10+$0x44D0]  }
0x7d3: {  	[tilespmem:s10+$0x104F0] =	vst.add.f32.msk $0xffff, v2  }
0x7d4: {  	v2 =	vld [tilespmem:s10+$0x44E0]  }
0x7d5: {  	[tilespmem:s10+$0x10480] =	vst.add.f32.msk $0xffff, v3  }
0x7d6: {  	[tilespmem:s10+$0x10490] =	vst.add.f32.msk $0xffff, v4  }
0x7d7: {  	[tilespmem:s10+$0x104A0] =	vst.add.f32.msk $0xffff, v5  }
0x7d8: {  	[tilespmem:s10+$0x104B0] =	vst.add.f32.msk $0xffff, v6  }
0x7d9: {  	[tilespmem:s10+$0x104C0] =	vst.add.f32.msk $0xffff, v7  }
0x7da: {  	s6 =	simm.s32 $0x0;
	s21 =	simm.s32 $0x1000;
	[tilespmem:s10+$0x104D0] =	vst.add.f32.msk $0xffff, v8  }
.LBB2_109:
0x7db: {  	s6 =	sadd.s32 $0x8, s6;
	[tilespmem:s10+$0x104E0] =	vst.add.f32.msk $0xffff, v2;
	s10 =	sshra.s32 s21, $0x2  }
0x7dc: {  	v2 =	vld [tilespmem:s10+$0x44F0];
	p1 =	slt.u32 s6, $0x78  }
0x7dd: {  	v3 =	vld [tilespmem:s10+$0x4480]  }
0x7de: {  	v4 =	vld [tilespmem:s10+$0x4490]  }
0x7df: {  	v5 =	vld [tilespmem:s10+$0x44A0]  }
0x7e0: {  	v6 =	vld [tilespmem:s10+$0x44B0]  }
0x7e1: {  	[tilespmem:s10+$0x104F0] =	vst.add.f32.msk $0xffff, v2  }
0x7e2: {  	v7 =	vld [tilespmem:s10+$0x44C0]  }
0x7e3: {  	v8 =	vld [tilespmem:s10+$0x44D0]  }
0x7e4: {  	v2 =	vld [tilespmem:s10+$0x44E0]  }
0x7e5: {  	[tilespmem:s10+$0x10480] =	vst.add.f32.msk $0xffff, v3  }
.Ltmp55:
0x7e6: {  	[tilespmem:s10+$0x10490] =	vst.add.f32.msk $0xffff, v4;
	(pc) =	sbr.rel @p1 .LBB2_109-.Ltmp55, $4  }
0x7e7: {  	[tilespmem:s10+$0x104A0] =	vst.add.f32.msk $0xffff, v5  }
0x7e8: {  	[tilespmem:s10+$0x104B0] =	vst.add.f32.msk $0xffff, v6  }
0x7e9: {  	[tilespmem:s10+$0x104C0] =	vst.add.f32.msk $0xffff, v7  }
0x7ea: {  	s21 =	sadd.s32 $0x1000, s21;
	[tilespmem:s10+$0x104D0] =	vst.add.f32.msk $0xffff, v8  }
0x7eb: {  	[tilespmem:s10+$0x104E0] =	vst.add.f32.msk $0xffff, v2;
	s10 =	simm.s32 $0x0  }
0x7ec: {  	v2 =	vld [tilespmem:s10+$0x4570]  }
0x7ed: {  	v3 =	vld [tilespmem:s10+$0x4500]  }
0x7ee: {  	v4 =	vld [tilespmem:s10+$0x4510]  }
0x7ef: {  	v5 =	vld [tilespmem:s10+$0x4520]  }
0x7f0: {  	v6 =	vld [tilespmem:s10+$0x4530]  }
0x7f1: {  	v7 =	vld [tilespmem:s10+$0x4540]  }
0x7f2: {  	v8 =	vld [tilespmem:s10+$0x4550]  }
0x7f3: {  	[tilespmem:s10+$0x10570] =	vst.add.f32.msk $0xffff, v2  }
0x7f4: {  	v2 =	vld [tilespmem:s10+$0x4560]  }
0x7f5: {  	[tilespmem:s10+$0x10500] =	vst.add.f32.msk $0xffff, v3  }
0x7f6: {  	[tilespmem:s10+$0x10510] =	vst.add.f32.msk $0xffff, v4  }
0x7f7: {  	[tilespmem:s10+$0x10520] =	vst.add.f32.msk $0xffff, v5  }
0x7f8: {  	[tilespmem:s10+$0x10530] =	vst.add.f32.msk $0xffff, v6  }
0x7f9: {  	[tilespmem:s10+$0x10540] =	vst.add.f32.msk $0xffff, v7  }
0x7fa: {  	s6 =	simm.s32 $0x0;
	s21 =	simm.s32 $0x1000;
	[tilespmem:s10+$0x10550] =	vst.add.f32.msk $0xffff, v8  }
.LBB2_111:
0x7fb: {  	s6 =	sadd.s32 $0x8, s6;
	[tilespmem:s10+$0x10560] =	vst.add.f32.msk $0xffff, v2;
	s10 =	sshra.s32 s21, $0x2  }
0x7fc: {  	v2 =	vld [tilespmem:s10+$0x4570];
	p1 =	slt.u32 s6, $0x78  }
0x7fd: {  	v3 =	vld [tilespmem:s10+$0x4500]  }
0x7fe: {  	v4 =	vld [tilespmem:s10+$0x4510]  }
0x7ff: {  	v5 =	vld [tilespmem:s10+$0x4520]  }
0x800: {  	v6 =	vld [tilespmem:s10+$0x4530]  }
0x801: {  	[tilespmem:s10+$0x10570] =	vst.add.f32.msk $0xffff, v2  }
0x802: {  	v7 =	vld [tilespmem:s10+$0x4540]  }
0x803: {  	v8 =	vld [tilespmem:s10+$0x4550]  }
0x804: {  	v2 =	vld [tilespmem:s10+$0x4560]  }
0x805: {  	[tilespmem:s10+$0x10500] =	vst.add.f32.msk $0xffff, v3  }
.Ltmp56:
0x806: {  	[tilespmem:s10+$0x10510] =	vst.add.f32.msk $0xffff, v4;
	(pc) =	sbr.rel @p1 .LBB2_111-.Ltmp56, $4  }
0x807: {  	[tilespmem:s10+$0x10520] =	vst.add.f32.msk $0xffff, v5  }
0x808: {  	[tilespmem:s10+$0x10530] =	vst.add.f32.msk $0xffff, v6  }
0x809: {  	[tilespmem:s10+$0x10540] =	vst.add.f32.msk $0xffff, v7  }
0x80a: {  	s21 =	sadd.s32 $0x1000, s21;
	[tilespmem:s10+$0x10550] =	vst.add.f32.msk $0xffff, v8  }
0x80b: {  	[tilespmem:s10+$0x10560] =	vst.add.f32.msk $0xffff, v2;
	s10 =	simm.s32 $0x0  }
0x80c: {  	v2 =	vld [tilespmem:s10+$0x45F0]  }
0x80d: {  	v3 =	vld [tilespmem:s10+$0x4580]  }
0x80e: {  	v4 =	vld [tilespmem:s10+$0x4590]  }
0x80f: {  	v5 =	vld [tilespmem:s10+$0x45A0]  }
0x810: {  	v6 =	vld [tilespmem:s10+$0x45B0]  }
0x811: {  	v7 =	vld [tilespmem:s10+$0x45C0]  }
0x812: {  	v8 =	vld [tilespmem:s10+$0x45D0]  }
0x813: {  	[tilespmem:s10+$0x105F0] =	vst.add.f32.msk $0xffff, v2  }
0x814: {  	v2 =	vld [tilespmem:s10+$0x45E0]  }
0x815: {  	[tilespmem:s10+$0x10580] =	vst.add.f32.msk $0xffff, v3  }
0x816: {  	[tilespmem:s10+$0x10590] =	vst.add.f32.msk $0xffff, v4  }
0x817: {  	[tilespmem:s10+$0x105A0] =	vst.add.f32.msk $0xffff, v5  }
0x818: {  	[tilespmem:s10+$0x105B0] =	vst.add.f32.msk $0xffff, v6  }
0x819: {  	[tilespmem:s10+$0x105C0] =	vst.add.f32.msk $0xffff, v7  }
0x81a: {  	s6 =	simm.s32 $0x0;
	s21 =	simm.s32 $0x1000;
	[tilespmem:s10+$0x105D0] =	vst.add.f32.msk $0xffff, v8  }
.LBB2_113:
0x81b: {  	s6 =	sadd.s32 $0x8, s6;
	[tilespmem:s10+$0x105E0] =	vst.add.f32.msk $0xffff, v2;
	s10 =	sshra.s32 s21, $0x2  }
0x81c: {  	v2 =	vld [tilespmem:s10+$0x45F0];
	p1 =	slt.u32 s6, $0x78  }
0x81d: {  	v3 =	vld [tilespmem:s10+$0x4580]  }
0x81e: {  	v4 =	vld [tilespmem:s10+$0x4590]  }
0x81f: {  	v5 =	vld [tilespmem:s10+$0x45A0]  }
0x820: {  	v6 =	vld [tilespmem:s10+$0x45B0]  }
0x821: {  	[tilespmem:s10+$0x105F0] =	vst.add.f32.msk $0xffff, v2  }
0x822: {  	v7 =	vld [tilespmem:s10+$0x45C0]  }
0x823: {  	v8 =	vld [tilespmem:s10+$0x45D0]  }
0x824: {  	v2 =	vld [tilespmem:s10+$0x45E0]  }
0x825: {  	[tilespmem:s10+$0x10580] =	vst.add.f32.msk $0xffff, v3  }
.Ltmp57:
0x826: {  	[tilespmem:s10+$0x10590] =	vst.add.f32.msk $0xffff, v4;
	(pc) =	sbr.rel @p1 .LBB2_113-.Ltmp57, $4  }
0x827: {  	[tilespmem:s10+$0x105A0] =	vst.add.f32.msk $0xffff, v5  }
0x828: {  	[tilespmem:s10+$0x105B0] =	vst.add.f32.msk $0xffff, v6  }
0x829: {  	[tilespmem:s10+$0x105C0] =	vst.add.f32.msk $0xffff, v7  }
0x82a: {  	s21 =	sadd.s32 $0x1000, s21;
	[tilespmem:s10+$0x105D0] =	vst.add.f32.msk $0xffff, v8  }
0x82b: {  	s1 =	sshrl.u32 s1, $0x2  }
0x82c: {  	s1 =	sadd.s32 s5, s1  }
0x82d: {  	s1 =	sshll.u32 s1, $0xB  }
0x82e: {  	s1 =	sand.u32 $0x1FDFF800, s1  }
0x82f: {  	[tilespmem:s10+$0x105E0] =	vst.add.f32.msk $0xffff, v2;
	s1 =	sadd.s32 s1, s22  }
0x830: {  	[hbm4b:s1+s4] =	stream.linear.scatter [tilespmem:s9], [sflag:$0x9], $0x4000, $0x38;
	[tilespmem:$0x18200] =	vst v63  }
0x831: {  	_ =	swait.ge [sflag:s25], $0x4000  }
0x832: {  	[sflag:s25] =	ssyncset.done $0x0  }
0x833: {  	s1 =	sshrl.u32 @!p0 s7, $0x2;
	[sflag:s25] =	ssyncadd.s32 $0xFFFFC000  }
0x834: {  	v2 =	vld.msk @!p0 [tilespmem:s1+$0x10], $0xff;
	_ =	sdelay $0x4  }
0x835: {  	v3 =	vshll.u32 @!p0 v2, $0x4  }
0x836: {  	v4 =	vlaneseq.u32 @!p0;
	v2 =	vand.u32 @!p0 $0x7, v2;
	v3 =	vand.u32 @!p0 $0xFFFFFF80, v3  }
0x837: {  	v2 =	vor.u32 @!p0 v2, v3;
	v3 =	vand.u32 @!p0 $0x7, v4;
	v4 =	vshrl.u32 @!p0 v4, $0x3  }
0x838: {  	v2 =	vperm.xlane @!p0 v2, v3;
	v3 =	vmul.u32 @!p0 $0x8, v4;
	_ =	sdelay $0x1  }
0x839: {  	v2 =	vadd.s32 @!p0 v3, v2;
	_ =	sdelay $0x3  }
0x83a: {  	vm1 =	vmmov @!p0 $0xffff;
	s6 =	simm.s32 @!p0 $0x8200;
	s1 =	simm.s32 @!p0 $0x0  }
0x83b: {  	[tilespmem:s6], [sflag:$0x3] =	stream.indirect_vreg.gather @!p0 [hbm4b:s2+s1], $0x80, v2, vm1, $0xb8;
	[tilespmem:$0x18200] =	vst v63  }
0x83c: {  	s6 =	simm.s32 @!p0 $0x8A00  }
0x83d: {  	[tilespmem:s6], [sflag:$0x3] =	stream.indirect_vreg.gather @!p0 [hbm4b:s11+s1], $0x80, v2, vm1, $0xb8;
	[tilespmem:$0x18200] =	vst v63  }
0x83e: {  	s6 =	simm.s32 @!p0 $0x9200  }
0x83f: {  	[tilespmem:s6], [sflag:$0x3] =	stream.indirect_vreg.gather @!p0 [hbm4b:s12+s1], $0x80, v2, vm1, $0xb8;
	[tilespmem:$0x18200] =	vst v63  }
0x840: {  	s6 =	simm.s32 @!p0 $0x9A00  }
0x841: {  	[tilespmem:s6], [sflag:$0x3] =	stream.indirect_vreg.gather @!p0 [hbm4b:s13+s1], $0x80, v2, vm1, $0xb8;
	[tilespmem:$0x18200] =	vst v63  }
0x842: {  	s6 =	simm.s32 @!p0 $0xA200  }
0x843: {  	[tilespmem:s6], [sflag:$0x3] =	stream.indirect_vreg.gather @!p0 [hbm4b:s14+s1], $0x80, v2, vm1, $0xb8;
	[tilespmem:$0x18200] =	vst v63  }
0x844: {  	s6 =	simm.s32 @!p0 $0xAA00  }
0x845: {  	[tilespmem:s6], [sflag:$0x3] =	stream.indirect_vreg.gather @!p0 [hbm4b:s15+s1], $0x80, v2, vm1, $0xb8;
	[tilespmem:$0x18200] =	vst v63  }
0x846: {  	s6 =	simm.s32 @!p0 $0xB200  }
0x847: {  	[tilespmem:s6], [sflag:$0x3] =	stream.indirect_vreg.gather @!p0 [hbm4b:s17+s1], $0x80, v2, vm1, $0xb8;
	[tilespmem:$0x18200] =	vst v63  }
0x848: {  	s6 =	simm.s32 @!p0 $0xBA00  }
0x849: {  	[tilespmem:s6], [sflag:$0x3] =	stream.indirect_vreg.gather @!p0 [hbm4b:s18+s1], $0x80, v2, vm1, $0xb8;
	[tilespmem:$0x18200] =	vst v63  }
0x84a: {  	_ =	swait.ge [sflag:s19], $0x4000  }
0x84b: {  	[sflag:s19] =	ssyncset.done $0x0  }
0x84c: {  	s1 =	simm.s32 $0x0;
	[sflag:s19] =	ssyncadd.s32 $0xFFFFC000  }
0x84d: {  	v2 =	vld [tilespmem:s1+$0x4270]  }
0x84e: {  	v3 =	vld [tilespmem:s1+$0x4200]  }
0x84f: {  	v63 =	vld [tilespmem:s1+$0x4210]  }
0x850: {  	v5 =	vld [tilespmem:s1+$0x4220]  }
0x851: {  	v6 =	vld [tilespmem:s1+$0x4230]  }
0x852: {  	v7 =	vld [tilespmem:s1+$0x4240]  }
0x853: {  	v8 =	vld [tilespmem:s1+$0x4250]  }
0x854: {  	[tilespmem:s1+$0x14270] =	vst.add.f32.msk $0xffff, v2  }
0x855: {  	v2 =	vld [tilespmem:s1+$0x4260]  }
0x856: {  	[tilespmem:s1+$0x14200] =	vst.add.f32.msk $0xffff, v3  }
0x857: {  	[tilespmem:s1+$0x14210] =	vst.add.f32.msk $0xffff, v63  }
0x858: {  	[tilespmem:s1+$0x14220] =	vst.add.f32.msk $0xffff, v5  }
0x859: {  	[tilespmem:s1+$0x14230] =	vst.add.f32.msk $0xffff, v6  }
0x85a: {  	[tilespmem:s1+$0x14240] =	vst.add.f32.msk $0xffff, v7  }
0x85b: {  	s7 =	simm.s32 $0x1000;
	s6 =	simm.s32 $0x0;
	[tilespmem:s1+$0x14250] =	vst.add.f32.msk $0xffff, v8  }
.LBB2_115:
0x85c: {  	s6 =	sadd.s32 $0x8, s6;
	[tilespmem:s1+$0x14260] =	vst.add.f32.msk $0xffff, v2;
	s1 =	sshra.s32 s7, $0x2  }
0x85d: {  	v2 =	vld [tilespmem:s1+$0x4270];
	p1 =	slt.u32 s6, $0x78  }
0x85e: {  	v3 =	vld [tilespmem:s1+$0x4200]  }
0x85f: {  	v4 =	vld [tilespmem:s1+$0x4210]  }
0x860: {  	v5 =	vld [tilespmem:s1+$0x4220]  }
0x861: {  	v6 =	vld [tilespmem:s1+$0x4230]  }
0x862: {  	[tilespmem:s1+$0x14270] =	vst.add.f32.msk $0xffff, v2  }
0x863: {  	v7 =	vld [tilespmem:s1+$0x4240]  }
0x864: {  	v8 =	vld [tilespmem:s1+$0x4250]  }
0x865: {  	v2 =	vld [tilespmem:s1+$0x4260]  }
0x866: {  	[tilespmem:s1+$0x14200] =	vst.add.f32.msk $0xffff, v3  }
.Ltmp58:
0x867: {  	[tilespmem:s1+$0x14210] =	vst.add.f32.msk $0xffff, v4;
	(pc) =	sbr.rel @p1 .LBB2_115-.Ltmp58, $4  }
0x868: {  	[tilespmem:s1+$0x14220] =	vst.add.f32.msk $0xffff, v5  }
0x869: {  	[tilespmem:s1+$0x14230] =	vst.add.f32.msk $0xffff, v6  }
0x86a: {  	[tilespmem:s1+$0x14240] =	vst.add.f32.msk $0xffff, v7  }
0x86b: {  	s7 =	sadd.s32 $0x1000, s7;
	[tilespmem:s1+$0x14250] =	vst.add.f32.msk $0xffff, v8  }
0x86c: {  	[tilespmem:s1+$0x14260] =	vst.add.f32.msk $0xffff, v2;
	s1 =	simm.s32 $0x0  }
0x86d: {  	v2 =	vld [tilespmem:s1+$0x42F0]  }
0x86e: {  	v3 =	vld [tilespmem:s1+$0x4280]  }
0x86f: {  	v4 =	vld [tilespmem:s1+$0x4290]  }
0x870: {  	v5 =	vld [tilespmem:s1+$0x42A0]  }
0x871: {  	v6 =	vld [tilespmem:s1+$0x42B0]  }
0x872: {  	v7 =	vld [tilespmem:s1+$0x42C0]  }
0x873: {  	v8 =	vld [tilespmem:s1+$0x42D0]  }
0x874: {  	[tilespmem:s1+$0x142F0] =	vst.add.f32.msk $0xffff, v2  }
0x875: {  	v2 =	vld [tilespmem:s1+$0x42E0]  }
0x876: {  	[tilespmem:s1+$0x14280] =	vst.add.f32.msk $0xffff, v3  }
0x877: {  	[tilespmem:s1+$0x14290] =	vst.add.f32.msk $0xffff, v4  }
0x878: {  	[tilespmem:s1+$0x142A0] =	vst.add.f32.msk $0xffff, v5  }
0x879: {  	[tilespmem:s1+$0x142B0] =	vst.add.f32.msk $0xffff, v6  }
0x87a: {  	[tilespmem:s1+$0x142C0] =	vst.add.f32.msk $0xffff, v7  }
0x87b: {  	s6 =	simm.s32 $0x0;
	s7 =	simm.s32 $0x1000;
	[tilespmem:s1+$0x142D0] =	vst.add.f32.msk $0xffff, v8  }
.LBB2_117:
0x87c: {  	s6 =	sadd.s32 $0x8, s6;
	[tilespmem:s1+$0x142E0] =	vst.add.f32.msk $0xffff, v2;
	s1 =	sshra.s32 s7, $0x2  }
0x87d: {  	v2 =	vld [tilespmem:s1+$0x42F0];
	p1 =	slt.u32 s6, $0x78  }
0x87e: {  	v3 =	vld [tilespmem:s1+$0x4280]  }
0x87f: {  	v4 =	vld [tilespmem:s1+$0x4290]  }
0x880: {  	v5 =	vld [tilespmem:s1+$0x42A0]  }
0x881: {  	v6 =	vld [tilespmem:s1+$0x42B0]  }
0x882: {  	[tilespmem:s1+$0x142F0] =	vst.add.f32.msk $0xffff, v2  }
0x883: {  	v7 =	vld [tilespmem:s1+$0x42C0]  }
0x884: {  	v8 =	vld [tilespmem:s1+$0x42D0]  }
0x885: {  	v2 =	vld [tilespmem:s1+$0x42E0]  }
0x886: {  	[tilespmem:s1+$0x14280] =	vst.add.f32.msk $0xffff, v3  }
.Ltmp59:
0x887: {  	[tilespmem:s1+$0x14290] =	vst.add.f32.msk $0xffff, v4;
	(pc) =	sbr.rel @p1 .LBB2_117-.Ltmp59, $4  }
0x888: {  	[tilespmem:s1+$0x142A0] =	vst.add.f32.msk $0xffff, v5  }
0x889: {  	[tilespmem:s1+$0x142B0] =	vst.add.f32.msk $0xffff, v6  }
0x88a: {  	[tilespmem:s1+$0x142C0] =	vst.add.f32.msk $0xffff, v7  }
0x88b: {  	s7 =	sadd.s32 $0x1000, s7;
	[tilespmem:s1+$0x142D0] =	vst.add.f32.msk $0xffff, v8  }
0x88c: {  	[tilespmem:s1+$0x142E0] =	vst.add.f32.msk $0xffff, v2;
	s1 =	simm.s32 $0x0  }
0x88d: {  	v2 =	vld [tilespmem:s1+$0x4370]  }
0x88e: {  	v3 =	vld [tilespmem:s1+$0x4300]  }
0x88f: {  	v4 =	vld [tilespmem:s1+$0x4310]  }
0x890: {  	v5 =	vld [tilespmem:s1+$0x4320]  }
0x891: {  	v6 =	vld [tilespmem:s1+$0x4330]  }
0x892: {  	v7 =	vld [tilespmem:s1+$0x4340]  }
0x893: {  	v8 =	vld [tilespmem:s1+$0x4350]  }
0x894: {  	[tilespmem:s1+$0x14370] =	vst.add.f32.msk $0xffff, v2  }
0x895: {  	v2 =	vld [tilespmem:s1+$0x4360]  }
0x896: {  	[tilespmem:s1+$0x14300] =	vst.add.f32.msk $0xffff, v3  }
0x897: {  	[tilespmem:s1+$0x14310] =	vst.add.f32.msk $0xffff, v4  }
0x898: {  	[tilespmem:s1+$0x14320] =	vst.add.f32.msk $0xffff, v5  }
0x899: {  	[tilespmem:s1+$0x14330] =	vst.add.f32.msk $0xffff, v6  }
0x89a: {  	[tilespmem:s1+$0x14340] =	vst.add.f32.msk $0xffff, v7  }
0x89b: {  	s6 =	simm.s32 $0x0;
	s7 =	simm.s32 $0x1000;
	[tilespmem:s1+$0x14350] =	vst.add.f32.msk $0xffff, v8  }
.LBB2_119:
0x89c: {  	s6 =	sadd.s32 $0x8, s6;
	[tilespmem:s1+$0x14360] =	vst.add.f32.msk $0xffff, v2;
	s1 =	sshra.s32 s7, $0x2  }
0x89d: {  	v2 =	vld [tilespmem:s1+$0x4370];
	p1 =	slt.u32 s6, $0x78  }
0x89e: {  	v3 =	vld [tilespmem:s1+$0x4300]  }
0x89f: {  	v4 =	vld [tilespmem:s1+$0x4310]  }
0x8a0: {  	v5 =	vld [tilespmem:s1+$0x4320]  }
0x8a1: {  	v6 =	vld [tilespmem:s1+$0x4330]  }
0x8a2: {  	[tilespmem:s1+$0x14370] =	vst.add.f32.msk $0xffff, v2  }
0x8a3: {  	v7 =	vld [tilespmem:s1+$0x4340]  }
0x8a4: {  	v8 =	vld [tilespmem:s1+$0x4350]  }
0x8a5: {  	v2 =	vld [tilespmem:s1+$0x4360]  }
0x8a6: {  	[tilespmem:s1+$0x14300] =	vst.add.f32.msk $0xffff, v3  }
.Ltmp60:
0x8a7: {  	[tilespmem:s1+$0x14310] =	vst.add.f32.msk $0xffff, v4;
	(pc) =	sbr.rel @p1 .LBB2_119-.Ltmp60, $4  }
0x8a8: {  	[tilespmem:s1+$0x14320] =	vst.add.f32.msk $0xffff, v5  }
0x8a9: {  	[tilespmem:s1+$0x14330] =	vst.add.f32.msk $0xffff, v6  }
0x8aa: {  	[tilespmem:s1+$0x14340] =	vst.add.f32.msk $0xffff, v7  }
0x8ab: {  	s7 =	sadd.s32 $0x1000, s7;
	[tilespmem:s1+$0x14350] =	vst.add.f32.msk $0xffff, v8  }
0x8ac: {  	[tilespmem:s1+$0x14360] =	vst.add.f32.msk $0xffff, v2;
	s1 =	simm.s32 $0x0  }
0x8ad: {  	v2 =	vld [tilespmem:s1+$0x43F0]  }
0x8ae: {  	v3 =	vld [tilespmem:s1+$0x4380]  }
0x8af: {  	v4 =	vld [tilespmem:s1+$0x4390]  }
0x8b0: {  	v5 =	vld [tilespmem:s1+$0x43A0]  }
0x8b1: {  	v6 =	vld [tilespmem:s1+$0x43B0]  }
0x8b2: {  	v7 =	vld [tilespmem:s1+$0x43C0]  }
0x8b3: {  	v8 =	vld [tilespmem:s1+$0x43D0]  }
0x8b4: {  	[tilespmem:s1+$0x143F0] =	vst.add.f32.msk $0xffff, v2  }
0x8b5: {  	v2 =	vld [tilespmem:s1+$0x43E0]  }
0x8b6: {  	[tilespmem:s1+$0x14380] =	vst.add.f32.msk $0xffff, v3  }
0x8b7: {  	[tilespmem:s1+$0x14390] =	vst.add.f32.msk $0xffff, v4  }
0x8b8: {  	[tilespmem:s1+$0x143A0] =	vst.add.f32.msk $0xffff, v5  }
0x8b9: {  	[tilespmem:s1+$0x143B0] =	vst.add.f32.msk $0xffff, v6  }
0x8ba: {  	[tilespmem:s1+$0x143C0] =	vst.add.f32.msk $0xffff, v7  }
0x8bb: {  	s6 =	simm.s32 $0x0;
	s7 =	simm.s32 $0x1000;
	[tilespmem:s1+$0x143D0] =	vst.add.f32.msk $0xffff, v8  }
.LBB2_121:
0x8bc: {  	s6 =	sadd.s32 $0x8, s6;
	[tilespmem:s1+$0x143E0] =	vst.add.f32.msk $0xffff, v2;
	s1 =	sshra.s32 s7, $0x2  }
0x8bd: {  	v2 =	vld [tilespmem:s1+$0x43F0];
	p1 =	slt.u32 s6, $0x78  }
0x8be: {  	v3 =	vld [tilespmem:s1+$0x4380]  }
0x8bf: {  	v4 =	vld [tilespmem:s1+$0x4390]  }
0x8c0: {  	v5 =	vld [tilespmem:s1+$0x43A0]  }
0x8c1: {  	v6 =	vld [tilespmem:s1+$0x43B0]  }
0x8c2: {  	[tilespmem:s1+$0x143F0] =	vst.add.f32.msk $0xffff, v2  }
0x8c3: {  	v7 =	vld [tilespmem:s1+$0x43C0]  }
0x8c4: {  	v8 =	vld [tilespmem:s1+$0x43D0]  }
0x8c5: {  	v2 =	vld [tilespmem:s1+$0x43E0]  }
0x8c6: {  	[tilespmem:s1+$0x14380] =	vst.add.f32.msk $0xffff, v3  }
.Ltmp61:
0x8c7: {  	[tilespmem:s1+$0x14390] =	vst.add.f32.msk $0xffff, v4;
	(pc) =	sbr.rel @p1 .LBB2_121-.Ltmp61, $4  }
0x8c8: {  	[tilespmem:s1+$0x143A0] =	vst.add.f32.msk $0xffff, v5  }
0x8c9: {  	[tilespmem:s1+$0x143B0] =	vst.add.f32.msk $0xffff, v6  }
0x8ca: {  	[tilespmem:s1+$0x143C0] =	vst.add.f32.msk $0xffff, v7  }
0x8cb: {  	s7 =	sadd.s32 $0x1000, s7;
	[tilespmem:s1+$0x143D0] =	vst.add.f32.msk $0xffff, v8  }
0x8cc: {  	[tilespmem:s1+$0x143E0] =	vst.add.f32.msk $0xffff, v2;
	s1 =	simm.s32 $0x0  }
0x8cd: {  	v2 =	vld [tilespmem:s1+$0x4470]  }
0x8ce: {  	v3 =	vld [tilespmem:s1+$0x4400]  }
0x8cf: {  	v4 =	vld [tilespmem:s1+$0x4410]  }
0x8d0: {  	v5 =	vld [tilespmem:s1+$0x4420]  }
0x8d1: {  	v6 =	vld [tilespmem:s1+$0x4430]  }
0x8d2: {  	v7 =	vld [tilespmem:s1+$0x4440]  }
0x8d3: {  	v8 =	vld [tilespmem:s1+$0x4450]  }
0x8d4: {  	[tilespmem:s1+$0x14470] =	vst.add.f32.msk $0xffff, v2  }
0x8d5: {  	v2 =	vld [tilespmem:s1+$0x4460]  }
0x8d6: {  	[tilespmem:s1+$0x14400] =	vst.add.f32.msk $0xffff, v3  }
0x8d7: {  	[tilespmem:s1+$0x14410] =	vst.add.f32.msk $0xffff, v4  }
0x8d8: {  	[tilespmem:s1+$0x14420] =	vst.add.f32.msk $0xffff, v5  }
0x8d9: {  	[tilespmem:s1+$0x14430] =	vst.add.f32.msk $0xffff, v6  }
0x8da: {  	[tilespmem:s1+$0x14440] =	vst.add.f32.msk $0xffff, v7  }
0x8db: {  	s6 =	simm.s32 $0x0;
	s7 =	simm.s32 $0x1000;
	[tilespmem:s1+$0x14450] =	vst.add.f32.msk $0xffff, v8  }
.LBB2_123:
0x8dc: {  	s6 =	sadd.s32 $0x8, s6;
	[tilespmem:s1+$0x14460] =	vst.add.f32.msk $0xffff, v2;
	s1 =	sshra.s32 s7, $0x2  }
0x8dd: {  	v2 =	vld [tilespmem:s1+$0x4470];
	p1 =	slt.u32 s6, $0x78  }
0x8de: {  	v3 =	vld [tilespmem:s1+$0x4400]  }
0x8df: {  	v4 =	vld [tilespmem:s1+$0x4410]  }
0x8e0: {  	v5 =	vld [tilespmem:s1+$0x4420]  }
0x8e1: {  	v6 =	vld [tilespmem:s1+$0x4430]  }
0x8e2: {  	[tilespmem:s1+$0x14470] =	vst.add.f32.msk $0xffff, v2  }
0x8e3: {  	v7 =	vld [tilespmem:s1+$0x4440]  }
0x8e4: {  	v8 =	vld [tilespmem:s1+$0x4450]  }
0x8e5: {  	v2 =	vld [tilespmem:s1+$0x4460]  }
0x8e6: {  	[tilespmem:s1+$0x14400] =	vst.add.f32.msk $0xffff, v3  }
.Ltmp62:
0x8e7: {  	[tilespmem:s1+$0x14410] =	vst.add.f32.msk $0xffff, v4;
	(pc) =	sbr.rel @p1 .LBB2_123-.Ltmp62, $4  }
0x8e8: {  	[tilespmem:s1+$0x14420] =	vst.add.f32.msk $0xffff, v5  }
0x8e9: {  	[tilespmem:s1+$0x14430] =	vst.add.f32.msk $0xffff, v6  }
0x8ea: {  	[tilespmem:s1+$0x14440] =	vst.add.f32.msk $0xffff, v7  }
0x8eb: {  	s7 =	sadd.s32 $0x1000, s7;
	[tilespmem:s1+$0x14450] =	vst.add.f32.msk $0xffff, v8  }
0x8ec: {  	[tilespmem:s1+$0x14460] =	vst.add.f32.msk $0xffff, v2;
	s1 =	simm.s32 $0x0  }
0x8ed: {  	v2 =	vld [tilespmem:s1+$0x44F0]  }
0x8ee: {  	v3 =	vld [tilespmem:s1+$0x4480]  }
0x8ef: {  	v4 =	vld [tilespmem:s1+$0x4490]  }
0x8f0: {  	v5 =	vld [tilespmem:s1+$0x44A0]  }
0x8f1: {  	v6 =	vld [tilespmem:s1+$0x44B0]  }
0x8f2: {  	v7 =	vld [tilespmem:s1+$0x44C0]  }
0x8f3: {  	v8 =	vld [tilespmem:s1+$0x44D0]  }
0x8f4: {  	[tilespmem:s1+$0x144F0] =	vst.add.f32.msk $0xffff, v2  }
0x8f5: {  	v2 =	vld [tilespmem:s1+$0x44E0]  }
0x8f6: {  	[tilespmem:s1+$0x14480] =	vst.add.f32.msk $0xffff, v3  }
0x8f7: {  	[tilespmem:s1+$0x14490] =	vst.add.f32.msk $0xffff, v4  }
0x8f8: {  	[tilespmem:s1+$0x144A0] =	vst.add.f32.msk $0xffff, v5  }
0x8f9: {  	[tilespmem:s1+$0x144B0] =	vst.add.f32.msk $0xffff, v6  }
0x8fa: {  	[tilespmem:s1+$0x144C0] =	vst.add.f32.msk $0xffff, v7  }
0x8fb: {  	s6 =	simm.s32 $0x0;
	s7 =	simm.s32 $0x1000;
	[tilespmem:s1+$0x144D0] =	vst.add.f32.msk $0xffff, v8  }
.LBB2_125:
0x8fc: {  	s6 =	sadd.s32 $0x8, s6;
	[tilespmem:s1+$0x144E0] =	vst.add.f32.msk $0xffff, v2;
	s1 =	sshra.s32 s7, $0x2  }
0x8fd: {  	v2 =	vld [tilespmem:s1+$0x44F0];
	p1 =	slt.u32 s6, $0x78  }
0x8fe: {  	v3 =	vld [tilespmem:s1+$0x4480]  }
0x8ff: {  	v4 =	vld [tilespmem:s1+$0x4490]  }
0x900: {  	v5 =	vld [tilespmem:s1+$0x44A0]  }
0x901: {  	v6 =	vld [tilespmem:s1+$0x44B0]  }
0x902: {  	[tilespmem:s1+$0x144F0] =	vst.add.f32.msk $0xffff, v2  }
0x903: {  	v7 =	vld [tilespmem:s1+$0x44C0]  }
0x904: {  	v8 =	vld [tilespmem:s1+$0x44D0]  }
0x905: {  	v2 =	vld [tilespmem:s1+$0x44E0]  }
0x906: {  	[tilespmem:s1+$0x14480] =	vst.add.f32.msk $0xffff, v3  }
.Ltmp63:
0x907: {  	[tilespmem:s1+$0x14490] =	vst.add.f32.msk $0xffff, v4;
	(pc) =	sbr.rel @p1 .LBB2_125-.Ltmp63, $4  }
0x908: {  	[tilespmem:s1+$0x144A0] =	vst.add.f32.msk $0xffff, v5  }
0x909: {  	[tilespmem:s1+$0x144B0] =	vst.add.f32.msk $0xffff, v6  }
0x90a: {  	[tilespmem:s1+$0x144C0] =	vst.add.f32.msk $0xffff, v7  }
0x90b: {  	s7 =	sadd.s32 $0x1000, s7;
	[tilespmem:s1+$0x144D0] =	vst.add.f32.msk $0xffff, v8  }
0x90c: {  	[tilespmem:s1+$0x144E0] =	vst.add.f32.msk $0xffff, v2;
	s1 =	simm.s32 $0x0  }
0x90d: {  	v2 =	vld [tilespmem:s1+$0x4570]  }
0x90e: {  	v3 =	vld [tilespmem:s1+$0x4500]  }
0x90f: {  	v4 =	vld [tilespmem:s1+$0x4510]  }
0x910: {  	v5 =	vld [tilespmem:s1+$0x4520]  }
0x911: {  	v6 =	vld [tilespmem:s1+$0x4530]  }
0x912: {  	v7 =	vld [tilespmem:s1+$0x4540]  }
0x913: {  	v8 =	vld [tilespmem:s1+$0x4550]  }
0x914: {  	[tilespmem:s1+$0x14570] =	vst.add.f32.msk $0xffff, v2  }
0x915: {  	v2 =	vld [tilespmem:s1+$0x4560]  }
0x916: {  	[tilespmem:s1+$0x14500] =	vst.add.f32.msk $0xffff, v3  }
0x917: {  	[tilespmem:s1+$0x14510] =	vst.add.f32.msk $0xffff, v4  }
0x918: {  	[tilespmem:s1+$0x14520] =	vst.add.f32.msk $0xffff, v5  }
0x919: {  	[tilespmem:s1+$0x14530] =	vst.add.f32.msk $0xffff, v6  }
0x91a: {  	[tilespmem:s1+$0x14540] =	vst.add.f32.msk $0xffff, v7  }
0x91b: {  	s6 =	simm.s32 $0x0;
	s7 =	simm.s32 $0x1000;
	[tilespmem:s1+$0x14550] =	vst.add.f32.msk $0xffff, v8  }
.LBB2_127:
0x91c: {  	s6 =	sadd.s32 $0x8, s6;
	[tilespmem:s1+$0x14560] =	vst.add.f32.msk $0xffff, v2;
	s1 =	sshra.s32 s7, $0x2  }
0x91d: {  	v2 =	vld [tilespmem:s1+$0x4570];
	p1 =	slt.u32 s6, $0x78  }
0x91e: {  	v3 =	vld [tilespmem:s1+$0x4500]  }
0x91f: {  	v4 =	vld [tilespmem:s1+$0x4510]  }
0x920: {  	v5 =	vld [tilespmem:s1+$0x4520]  }
0x921: {  	v6 =	vld [tilespmem:s1+$0x4530]  }
0x922: {  	[tilespmem:s1+$0x14570] =	vst.add.f32.msk $0xffff, v2  }
0x923: {  	v7 =	vld [tilespmem:s1+$0x4540]  }
0x924: {  	v8 =	vld [tilespmem:s1+$0x4550]  }
0x925: {  	v2 =	vld [tilespmem:s1+$0x4560]  }
0x926: {  	[tilespmem:s1+$0x14500] =	vst.add.f32.msk $0xffff, v3  }
.Ltmp64:
0x927: {  	[tilespmem:s1+$0x14510] =	vst.add.f32.msk $0xffff, v4;
	(pc) =	sbr.rel @p1 .LBB2_127-.Ltmp64, $4  }
0x928: {  	[tilespmem:s1+$0x14520] =	vst.add.f32.msk $0xffff, v5  }
0x929: {  	[tilespmem:s1+$0x14530] =	vst.add.f32.msk $0xffff, v6  }
0x92a: {  	[tilespmem:s1+$0x14540] =	vst.add.f32.msk $0xffff, v7  }
0x92b: {  	s7 =	sadd.s32 $0x1000, s7;
	[tilespmem:s1+$0x14550] =	vst.add.f32.msk $0xffff, v8  }
0x92c: {  	[tilespmem:s1+$0x14560] =	vst.add.f32.msk $0xffff, v2;
	s1 =	simm.s32 $0x0  }
0x92d: {  	v2 =	vld [tilespmem:s1+$0x45F0]  }
0x92e: {  	v3 =	vld [tilespmem:s1+$0x4580]  }
0x92f: {  	v4 =	vld [tilespmem:s1+$0x4590]  }
0x930: {  	v5 =	vld [tilespmem:s1+$0x45A0]  }
0x931: {  	v6 =	vld [tilespmem:s1+$0x45B0]  }
0x932: {  	v7 =	vld [tilespmem:s1+$0x45C0]  }
0x933: {  	v8 =	vld [tilespmem:s1+$0x45D0]  }
0x934: {  	[tilespmem:s1+$0x145F0] =	vst.add.f32.msk $0xffff, v2  }
0x935: {  	v2 =	vld [tilespmem:s1+$0x45E0]  }
0x936: {  	[tilespmem:s1+$0x14580] =	vst.add.f32.msk $0xffff, v3  }
0x937: {  	[tilespmem:s1+$0x14590] =	vst.add.f32.msk $0xffff, v4  }
0x938: {  	[tilespmem:s1+$0x145A0] =	vst.add.f32.msk $0xffff, v5  }
0x939: {  	[tilespmem:s1+$0x145B0] =	vst.add.f32.msk $0xffff, v6  }
0x93a: {  	[tilespmem:s1+$0x145C0] =	vst.add.f32.msk $0xffff, v7  }
0x93b: {  	s6 =	simm.s32 $0x0;
	s7 =	simm.s32 $0x1000;
	[tilespmem:s1+$0x145D0] =	vst.add.f32.msk $0xffff, v8  }
.LBB2_129:
0x93c: {  	s6 =	sadd.s32 $0x8, s6;
	[tilespmem:s1+$0x145E0] =	vst.add.f32.msk $0xffff, v2;
	s1 =	sshra.s32 s7, $0x2  }
0x93d: {  	v2 =	vld [tilespmem:s1+$0x45F0];
	p1 =	slt.u32 s6, $0x78  }
0x93e: {  	v3 =	vld [tilespmem:s1+$0x4580]  }
0x93f: {  	v4 =	vld [tilespmem:s1+$0x4590]  }
0x940: {  	v5 =	vld [tilespmem:s1+$0x45A0]  }
0x941: {  	v6 =	vld [tilespmem:s1+$0x45B0]  }
0x942: {  	[tilespmem:s1+$0x145F0] =	vst.add.f32.msk $0xffff, v2  }
0x943: {  	v7 =	vld [tilespmem:s1+$0x45C0]  }
0x944: {  	v8 =	vld [tilespmem:s1+$0x45D0]  }
0x945: {  	v2 =	vld [tilespmem:s1+$0x45E0]  }
0x946: {  	[tilespmem:s1+$0x14580] =	vst.add.f32.msk $0xffff, v3  }
.Ltmp65:
0x947: {  	[tilespmem:s1+$0x14590] =	vst.add.f32.msk $0xffff, v4;
	(pc) =	sbr.rel @p1 .LBB2_129-.Ltmp65, $4  }
0x948: {  	[tilespmem:s1+$0x145A0] =	vst.add.f32.msk $0xffff, v5  }
0x949: {  	[tilespmem:s1+$0x145B0] =	vst.add.f32.msk $0xffff, v6  }
0x94a: {  	[tilespmem:s1+$0x145C0] =	vst.add.f32.msk $0xffff, v7  }
0x94b: {  	s7 =	sadd.s32 $0x1000, s7;
	[tilespmem:s1+$0x145D0] =	vst.add.f32.msk $0xffff, v8  }
0x94c: {  	s0 =	sshrl.u32 s0, $0x2  }
0x94d: {  	s0 =	sadd.s32 s5, s0  }
0x94e: {  	s0 =	sshll.u32 s0, $0xB  }
0x94f: {  	s0 =	sand.u32 $0x1FCFF800, s0  }
.Ltmp66:
0x950: {  	[tilespmem:s1+$0x145E0] =	vst.add.f32.msk $0xffff, v2;
	s0 =	sadd.s32 s0, s23;
	(pc) =	sbr.rel @p0 .LBB2_132-.Ltmp66, $4  }
0x951: {  	[hbm4b:s0+s4] =	stream.linear.scatter [tilespmem:s3], [sflag:$0xA], $0x4000, $0x38;
	[tilespmem:$0x18200] =	vst v63  }
0x952: {  	_ =	swait.ge [sflag:s30], $0x4000  }
0x953: {  	[sflag:s30] =	ssyncset.done $0x0  }
0x954: {  	[sflag:s30] =	ssyncadd.s32 $0xFFFFC000  }
0x955: {  	v2 =	vld.msk [tilespmem:s24+$0x90], $0xff;
	_ =	sdelay $0x4  }
0x956: {  	v3 =	vshll.u32 v2, $0x4  }
0x957: {  	v2 =	vand.u32 $0x7, v2;
	v3 =	vand.u32 $0xFFFFFF80, v3  }
0x958: {  	v2 =	vor.u32 v2, v3  }
0x959: {  	v2 =	vperm.xlane v2, v0;
	_ =	sdelay $0x1  }
0x95a: {  	v2 =	vadd.s32 v1, v2;
	_ =	sdelay $0x4  }
0x95b: {  	[tilespmem:s20], [sflag:$0x4] =	stream.indirect_vreg.gather [hbm4b:s2+s4], $0x80, v2, vm0, $0xb8;
	[tilespmem:$0x18200] =	vst v63  }
0x95c: {  	s0 =	simm.s32 $0xCA00  }
0x95d: {  	[tilespmem:s0], [sflag:$0x4] =	stream.indirect_vreg.gather [hbm4b:s11+s4], $0x80, v2, vm0, $0xb8;
	[tilespmem:$0x18200] =	vst v63  }
0x95e: {  	s31 =	simm.s32 $0xD200  }
0x95f: {  	[tilespmem:s31], [sflag:$0x4] =	stream.indirect_vreg.gather [hbm4b:s12+s4], $0x80, v2, vm0, $0xb8;
	[tilespmem:$0x18200] =	vst v63  }
0x960: {  	s1 =	simm.s32 $0xDA00  }
0x961: {  	[tilespmem:s1], [sflag:$0x4] =	stream.indirect_vreg.gather [hbm4b:s13+s4], $0x80, v2, vm0, $0xb8;
	[tilespmem:$0x18200] =	vst v63  }
0x962: {  	s6 =	simm.s32 $0xE200  }
0x963: {  	[tilespmem:s6], [sflag:$0x4] =	stream.indirect_vreg.gather [hbm4b:s14+s4], $0x80, v2, vm0, $0xb8;
	[tilespmem:$0x18200] =	vst v63  }
0x964: {  	s7 =	simm.s32 $0xEA00  }
0x965: {  	[tilespmem:s7], [sflag:$0x4] =	stream.indirect_vreg.gather [hbm4b:s15+s4], $0x80, v2, vm0, $0xb8;
	[tilespmem:$0x18200] =	vst v63  }
0x966: {  	s10 =	simm.s32 $0xF200;
	s24 =	rddreg [dreg:$0x10]  }
0x967: {  	[tilespmem:s10], [sflag:$0x4] =	stream.indirect_vreg.gather [hbm4b:s17+s4], $0x80, v2, vm0, $0xb8;
	[tilespmem:$0x18200] =	vst v63  }
.Ltmp67:
0x968: {  	s0 =	sadd.s32 s16, s24;
	(pc) =	sbr.rel .LBB2_2-.Ltmp67, $4  }
0x969: {  	s21 =	simm.s32 $0xFA00;
	s0 =	sshll.u32 s0, $0xB;
	s1 =	rddreg [dreg:$0x4]  }
0x96a: {  	[tilespmem:s21], [sflag:$0x4] =	stream.indirect_vreg.gather [hbm4b:s18+s4], $0x80, v2, vm0, $0xb8;
	[tilespmem:$0x18200] =	vst v63  }
0x96b: {  	s28 =	sadd.s32 $0x1, s28;
	s31 =	simm.s32 $0x4200;
	s0 =	sadd.s32 s1, s0  }
0x96c: {  	[tilespmem:s31], [sflag:$0x2] =	stream.linear.gather [hbm4b:s0+s4], $0x4000, $0x38;
	[tilespmem:$0x18200] =	vst v63  }
.LBB2_133:
0x96d: {  	_ =	sfence.sel $0x180000  }
0x96e: {  	[bflag:$0x0] =	sbarrier.arrive $0xFFFF  }
0x96f: {  	_ =	strace $0x90000047  }
0x970: {  	s0 =	stileid.u32;
	[bflag:$0x2] =	sbarrier.arrive $0xFFFF  }
0x971: {  	p0 =	sne.s32 s0, $0x0;
	s0 =	rddreg [dreg:$0x3]  }
0x972: {  	s0 =	sadd.s32 @!p0 $0x100000, s0  }
0x973: {  	[sflag:s0] =	ssyncadd.tile.s32 @!p0 $0x1;
	_ =	shalt  }
.Lfunc_end2:
_tile_overlayer_lowered:
.L_overlay_start_2:
0x974: {  	(tag) =	ssettag $0x2  }
0x975: {  	s0 =	rddreg [dreg:$0x0];
	s2 =	stileid.u32  }
0x976: {  	s1 =	rddreg [dreg:$0x1];
	p0 =	sne.s32 s2, $0x0  }
0x977: {  	s3 =	rddreg [dreg:$0x2];
	[bflag:$0x3] =	sbarrier.arrive $0xFFFF;
	s2 =	simm.s32 @!p0 $0x1C0B  }
0x978: {  	[timem:s3], [sflag:s2] =	dma.local @!p0 [hbm:s0], s1  }
0x979: {  	s0 =	simm.s32 @!p0 $0xB  }
0x97a: {  	_ =	swait.ge @!p0 [sflag:s0], s1  }
0x97b: {  	s1 =	ssub.s32 @!p0 $0x0, s1;
	[sflag:s0] =	ssyncset.done @!p0 $0x0  }
0x97c: {  	[sflag:s0] =	ssyncadd.s32 @!p0 s1  }
0x97d: {  	[bflag:$0x3] =	sbarrier.arrive $0xFFFF  }
0x97e: {  	_ =	shalt  }

</sc_bundles>
